<compile_context>
chip_gen: v7x
topology: tpu7x:2x2x1
jax: 0.10.2.dev20260603
libtpu: 0.0.44.dev20260713+nightly
codegen_flags: <defaults>
</compile_context>

<pallas_src>
import functools

import jax
import jax.numpy as jnp
from jax import lax
from jax.experimental import pallas as pl
from jax.experimental.pallas import tpu as pltpu
from jax.experimental.pallas import tpu_sc as plsc

_N = 10000
_E = 320000
_NC = 2
_NS = 16
_NW = _NC * _NS
_NP = 10240
_RPT = _NP // _NS


_B = 128
_EPAD = 2560 * _B
_NBT = _EPAD // _B // _NW


def _make_edge_pass(D, DW, multi_head):
  mesh = plsc.VectorSubcoreMesh(core_axis_name="c", subcore_axis_name="s")
  sshape = (_B, 16) if multi_head else (_B,)
  tshape = (_NP, 16) if multi_head else (_NP,)

  @functools.partial(
      pl.kernel,
      out_type=(jax.ShapeDtypeStruct((_NC, _NP, DW), jnp.float32),
                jax.ShapeDtypeStruct((_NC, _NP), jnp.float32)),
      mesh=mesh,
      compiler_params=pltpu.CompilerParams(use_tc_tiling_on_sc=False),
      scratch_types=(
          pltpu.VMEM_SHARED((_NP, DW), jnp.float32),
          pltpu.VMEM_SHARED((_NP,), jnp.float32),
          [pltpu.VMEM((_B,), jnp.int32)] * 2,
          [pltpu.VMEM((_B,), jnp.int32)] * 2,
          [pltpu.VMEM((_B, D), jnp.float32)] * 2,
          [pltpu.VMEM(sshape, jnp.float32)] * 2,
          [pltpu.VMEM(sshape, jnp.float32)] * 2,
          [pltpu.VMEM((_B,), jnp.float32)] * 2,
          [pltpu.VMEM((_B, DW), jnp.float32)] * 2,
          [pltpu.SemaphoreType.DMA] * 2,
          [pltpu.SemaphoreType.DMA] * 2,
          [pltpu.SemaphoreType.DMA] * 2,
          [pltpu.SemaphoreType.DMA] * 2,
          [pltpu.SemaphoreType.DMA] * 2,
      ),
  )
  def kern(th, tssrc, tsdst, src, dst, zacc, zden, accp, denp,
           acc, den, isrc, idst, hr, ss, sd, w, orr,
           gh, gs, gd, qs, qd):
    cid = lax.axis_index("c")
    sid = lax.axis_index("s")
    wid = sid * _NC + cid
    iota = lax.iota(jnp.int32, 16)
    pat8 = iota >> 3

    r0 = sid * _RPT
    pltpu.sync_copy(zacc.at[pl.ds(r0, _RPT)], acc.at[pl.ds(r0, _RPT)])
    pltpu.sync_copy(zden.at[pl.ds(r0, _RPT)], den.at[pl.ds(r0, _RPT)])
    plsc.subcore_barrier()

    def issue(i, b):
      e0 = (wid + i * _NW) * _B
      pltpu.async_copy(src.at[pl.ds(e0, _B)], isrc[b], qs[b])
      pltpu.async_copy(dst.at[pl.ds(e0, _B)], idst[b], qd[b])
      pltpu.make_async_copy(src.at[pl.ds(0, _B)], isrc[b], qs[b]).wait()
      pltpu.make_async_copy(dst.at[pl.ds(0, _B)], idst[b], qd[b]).wait()
      pltpu.async_copy(th.at[isrc[b]], hr[b], gh[b])
      pltpu.async_copy(tssrc.at[isrc[b]], ss[b], gs[b])
      pltpu.async_copy(tsdst.at[idst[b]], sd[b], gd[b])

    def wait_gathers(b):
      pltpu.make_async_copy(th.at[pl.ds(0, _B)], hr[b], gh[b]).wait()
      pltpu.make_async_copy(tssrc.at[pl.ds(0, _B)], ss[b], gs[b]).wait()
      pltpu.make_async_copy(tsdst.at[pl.ds(0, _B)], sd[b], gd[b]).wait()

    def compute_mh(b):
      cols = [2 * c + pat8 for c in range(D // 16)]

      def edge_body(eo, c2):
        for u in range(4):
          e = eo * 4 + u
          xv = ss[b][e] + sd[b][e]
          wv = jnp.exp(jnp.maximum(xv, 0.2 * xv))
          orr[b][e, pl.ds(0, 16)] = wv
          for c in range(D // 16):
            wb = wv.at[cols[c]].get(mode="promise_in_bounds")
            orr[b][e, pl.ds(8 + c * 16, 16)] = wb * hr[b][e, pl.ds(c * 16, 16)]
        return c2

      lax.fori_loop(0, _B // 4, edge_body, 0)

    def compute_sh(b):
      for v in range(_B // 16):
        o = v * 16
        xv = ss[b][pl.ds(o, 16)] + sd[b][pl.ds(o, 16)]
        w[b][pl.ds(o, 16)] = jnp.exp(jnp.maximum(xv, 0.2 * xv))
      splats = [jnp.full((16,), j, jnp.int32) for j in range(16)]

      def m_body(q, c2):
        wchunk = w[b][pl.ds(q * 16, 16)]
        for j in range(16):
          e = q * 16 + j
          wb = wchunk.at[splats[j]].get(mode="promise_in_bounds")
          orr[b][e, pl.ds(0, 16)] = wb * hr[b][e, pl.ds(0, 16)]
        return c2

      lax.fori_loop(0, _B // 16, m_body, 0)

    for b in (0, 1):
      issue(b, b)

    @pl.loop(0, _NBT, step=2)
    def _pipeline(k0):
      for b in (0, 1):
        i = k0 + b
        wait_gathers(b)
        if multi_head:
          compute_mh(b)
        else:
          compute_sh(b)
        pltpu.sync_copy(orr[b], acc.at[idst[b]], add=True)
        if not multi_head:
          pltpu.sync_copy(w[b], den.at[idst[b]], add=True)

        @pl.when(i + 2 < _NBT)
        def _():
          issue(i + 2, b)

    plsc.subcore_barrier()
    pltpu.sync_copy(acc.at[pl.ds(r0, _RPT)], accp.at[cid, pl.ds(r0, _RPT)])
    pltpu.sync_copy(den.at[pl.ds(r0, _RPT)], denp.at[cid, pl.ds(r0, _RPT)])

  return kern


_edge1 = _make_edge_pass(64, 72, True)
_edge2 = _make_edge_pass(16, 16, False)

_R = 1000
_RP = 1024


def _tc_a(x, w1cat, asrc, adst):
  def body(x_ref, w_ref, as_ref, ad_ref, h_ref, ss_ref, sd_ref):
    h = jnp.dot(x_ref[...], w_ref[...], preferred_element_type=jnp.float32)
    h_ref[...] = h
    ss_ref[...] = jnp.dot(h, as_ref[...], preferred_element_type=jnp.float32)
    sd_ref[...] = jnp.dot(h, ad_ref[...], preferred_element_type=jnp.float32)

  return pl.pallas_call(
      body,
      grid=(_NP // _RP,),
      in_specs=[
          pl.BlockSpec((_RP, 128), lambda i: (i, 0)),
          pl.BlockSpec((128, 64), lambda i: (0, 0)),
          pl.BlockSpec((64, 16), lambda i: (0, 0)),
          pl.BlockSpec((64, 16), lambda i: (0, 0)),
      ],
      out_specs=[
          pl.BlockSpec((_RP, 64), lambda i: (i, 0)),
          pl.BlockSpec((_RP, 16), lambda i: (i, 0)),
          pl.BlockSpec((_RP, 16), lambda i: (i, 0)),
      ],
      out_shape=[
          jax.ShapeDtypeStruct((_NP, 64), jnp.float32),
          jax.ShapeDtypeStruct((_NP, 16), jnp.float32),
          jax.ShapeDtypeStruct((_NP, 16), jnp.float32),
      ],
  )(x, w1cat, asrc, adst)


def _elu(x):
  return jnp.where(x > 0, x, jnp.exp(jnp.minimum(x, 0.0)) - 1.0)


def _tc_c(accp, pden, psel, w2, a2t):
  def body(a_ref, pd_ref, ps_ref, w2_ref, a2_ref, th2_ref, s2s_ref, s2d_ref):
    afull = a_ref[0] + a_ref[1]
    denw = jnp.dot(afull, pd_ref[...],
                   preferred_element_type=jnp.float32) + 1e-16
    acc = jnp.dot(afull, ps_ref[...], preferred_element_type=jnp.float32)
    h1 = _elu(acc / denw)
    h2h = jnp.dot(h1, w2_ref[...], preferred_element_type=jnp.float32)
    s2 = jnp.dot(h2h, a2_ref[...], preferred_element_type=jnp.float32)
    th2_ref[...] = h2h
    s2s_ref[...] = s2[:, 0:1]
    s2d_ref[...] = s2[:, 1:2]

  return pl.pallas_call(
      body,
      grid=(_NP // _RP,),
      in_specs=[
          pl.BlockSpec((_NC, _RP, 72), lambda i: (0, i, 0)),
          pl.BlockSpec((72, 64), lambda i: (0, 0)),
          pl.BlockSpec((72, 64), lambda i: (0, 0)),
          pl.BlockSpec((64, 16), lambda i: (0, 0)),
          pl.BlockSpec((16, 2), lambda i: (0, 0)),
      ],
      out_specs=[
          pl.BlockSpec((_RP, 16), lambda i: (i, 0)),
          pl.BlockSpec((_RP, 1), lambda i: (i, 0)),
          pl.BlockSpec((_RP, 1), lambda i: (i, 0)),
      ],
      out_shape=[
          jax.ShapeDtypeStruct((_NP, 16), jnp.float32),
          jax.ShapeDtypeStruct((_NP, 1), jnp.float32),
          jax.ShapeDtypeStruct((_NP, 1), jnp.float32),
      ],
  )(accp, pden, psel, w2, a2t)


def _tc_e(accp, denp):
  def body(a_ref, d_ref, o_ref):
    acc = a_ref[0] + a_ref[1]
    den = d_ref[0] + d_ref[1]
    h2 = _elu(acc / (den + 1e-16))
    m = jnp.max(h2, axis=1, keepdims=True)
    p = jnp.exp(h2 - m)
    o_ref[...] = p / jnp.sum(p, axis=1, keepdims=True)

  return pl.pallas_call(
      body,
      grid=(_NP // _RP,),
      in_specs=[
          pl.BlockSpec((_NC, _RP, 16), lambda i: (0, i, 0)),
          pl.BlockSpec((_NC, _RP, 1), lambda i: (0, i, 0)),
      ],
      out_specs=pl.BlockSpec((_RP, 16), lambda i: (i, 0)),
      out_shape=jax.ShapeDtypeStruct((_NP, 16), jnp.float32),
  )(accp, denp)


@jax.jit
def kernel(x, edge_index, W1, a1, W2, a2):
  pad = jnp.full((_EPAD - _E,), _NP - 1, jnp.int32)
  src = jnp.concatenate([edge_index[0].astype(jnp.int32), pad])
  dst = jnp.concatenate([edge_index[1].astype(jnp.int32), pad])
  x = jnp.concatenate([x, jnp.zeros((_NP - _N, 128), jnp.float32)], axis=0)
  w1cat = jnp.transpose(W1, (1, 0, 2)).reshape(128, 64)
  eye = jnp.eye(8, dtype=jnp.float32)
  asrc = jnp.pad(
      jnp.einsum("kj,kl->kjl", a1[:, 0], eye).reshape(64, 8), ((0, 0), (0, 8)))
  adst = jnp.pad(
      jnp.einsum("kj,kl->kjl", a1[:, 1], eye).reshape(64, 8), ((0, 0), (0, 8)))
  brep = jnp.repeat(eye, 8, axis=1)
  pden = jnp.pad(brep, ((0, 64), (0, 0)))
  psel = jnp.pad(jnp.eye(64, dtype=jnp.float32), ((8, 0), (0, 0)))


  h, ssrc, sdst = _tc_a(x, w1cat, asrc, adst)
  z72 = jnp.zeros((_NP, 72), jnp.float32)
  z16 = jnp.zeros((_NP, 16), jnp.float32)
  z1 = jnp.zeros((_NP,), jnp.float32)
  accp, _ = _edge1(h, ssrc, sdst, src, dst, z72, z1)
  th2, s2s, s2d = _tc_c(accp, pden, psel, W2, a2.T)
  accp2, denp2 = _edge2(th2, s2s.reshape(_NP), s2d.reshape(_NP), src, dst,
                        z16, z1)
  return _tc_e(accp2, denp2.reshape(_NC, _NP, 1))[:_N]

# --- scband reference (transcript-rebuilt; emitter-appended) ---
"""Pipeline reference for scband-transductive-gnn-79336635892671 (READ-ONLY COPY).

The authoritative reference and input builder live on the scoring server;
editing this copy changes nothing except your own understanding.
"""

import jax, jax.numpy as jnp
import numpy as np

N_NODES = 10000
N_EDGES = 320000
D_IN = 128
D_HID = 8
N_HEADS1 = 8
D_OUT = 16


def setup_inputs(seed: int = 0) -> dict:
    key = jax.random.key(seed)
    k_x, k_e, k_w1, k_a1, k_w2, k_a2 = jax.random.split(key, 6)
    x = jax.random.normal(k_x, (N_NODES, D_IN), dtype=jnp.float32)
    edge_index = jax.random.randint(k_e, (2, N_EDGES), 0, N_NODES, dtype=jnp.int64)
    # layer-1: 8 heads, each in=128 -> out=8, attention vectors a_src/a_dst of size 8
    W1 = jax.random.normal(k_w1, (N_HEADS1, D_IN, D_HID), dtype=jnp.float32) * 0.1
    a1 = jax.random.normal(k_a1, (N_HEADS1, 2, D_HID), dtype=jnp.float32) * 0.1
    # layer-2: 1 head, in=64 -> out=16
    W2 = jax.random.normal(k_w2, (N_HEADS1 * D_HID, D_OUT), dtype=jnp.float32) * 0.1
    a2 = jax.random.normal(k_a2, (2, D_OUT), dtype=jnp.float32) * 0.1
    return {"x": x, "edge_index": edge_index, "W1": W1, "a1": a1, "W2": W2, "a2": a2}


def _gat_head(h_in, src, dst, n_nodes, W, a_src, a_dst):
    h = h_in @ W  # [N, d_out]
    e = jax.nn.leaky_relu(h[src] @ a_src + h[dst] @ a_dst, negative_slope=0.2)  # [E]
    e_max = jax.ops.segment_max(e, dst, num_segments=n_nodes)
    e_max = jnp.where(jnp.isfinite(e_max), e_max, 0.0)
    e_max = jax.lax.stop_gradient(e_max)
    ex = jnp.exp(e - e_max[dst])
    denom = jax.ops.segment_sum(ex, dst, num_segments=n_nodes)
    alpha = ex / (denom[dst] + 1e-16)
    out = jax.ops.segment_sum(alpha[:, None] * h[src], dst, num_segments=n_nodes)
    return out


def reference(x, edge_index, W1, a1, W2, a2):
    # Dropout layers are identity in eval mode.
    n_nodes = x.shape[0]
    src = edge_index[0]
    dst = edge_index[1]
    # layer 1: multi-head GAT, ELU per head, concat along feature dim
    heads = []
    for i in range(W1.shape[0]):
        hi = _gat_head(x, src, dst, n_nodes, W1[i], a1[i, 0], a1[i, 1])
        heads.append(jax.nn.elu(hi))
    h1 = jnp.concatenate(heads, axis=-1)  # [N, 64]
    # layer 2: single head, ELU, then softmax over classes (dim=1)
    h2 = jax.nn.elu(_gat_head(h1, src, dst, n_nodes, W2, a2[0], a2[1]))
    return jax.nn.softmax(h2, axis=1)

if __name__ == "__main__":
    import jax
    _d = setup_inputs()
    print(jax.jit(kernel)(*tuple(_d.values())))

</pallas_src>

<mosaic_0001>
#map = affine_map<(d0, d1) -> (0, 0)>
#map1 = affine_map<(d0, d1) -> (0)>
#map2 = affine_map<(d0, d1) -> (0, 0, 0)>
module attributes {stable_mosaic.version = 14 : i64} {
  func.func @kern(%arg0: i32, %arg1: i32, %arg2: memref<10240x64xf32, #tpu.memory_space<hbm>>, %arg3: memref<10240x16xf32, #tpu.memory_space<hbm>>, %arg4: memref<10240x16xf32, #tpu.memory_space<hbm>>, %arg5: memref<327680xi32, #tpu.memory_space<hbm>>, %arg6: memref<327680xi32, #tpu.memory_space<hbm>>, %arg7: memref<10240x72xf32, #tpu.memory_space<hbm>>, %arg8: memref<10240xf32, #tpu.memory_space<hbm>>, %arg9: memref<2x10240x72xf32, #tpu.memory_space<hbm>>, %arg10: memref<2x10240xf32, #tpu.memory_space<hbm>>, %arg11: memref<10240x72xf32, #tpu.memory_space<vmem_shared>>, %arg12: memref<10240xf32, #tpu.memory_space<vmem_shared>>, %arg13: memref<128xi32, #tpu.memory_space<vmem>>, %arg14: memref<128xi32, #tpu.memory_space<vmem>>, %arg15: memref<128xi32, #tpu.memory_space<vmem>>, %arg16: memref<128xi32, #tpu.memory_space<vmem>>, %arg17: memref<128x64xf32, #tpu.memory_space<vmem>>, %arg18: memref<128x64xf32, #tpu.memory_space<vmem>>, %arg19: memref<128x16xf32, #tpu.memory_space<vmem>>, %arg20: memref<128x16xf32, #tpu.memory_space<vmem>>, %arg21: memref<128x16xf32, #tpu.memory_space<vmem>>, %arg22: memref<128x16xf32, #tpu.memory_space<vmem>>, %arg23: memref<128xf32, #tpu.memory_space<vmem>>, %arg24: memref<128xf32, #tpu.memory_space<vmem>>, %arg25: memref<128x72xf32, #tpu.memory_space<vmem>>, %arg26: memref<128x72xf32, #tpu.memory_space<vmem>>, %arg27: memref<!tpu.dma_semaphore, #tpu.memory_space<semaphore_mem>>, %arg28: memref<!tpu.dma_semaphore, #tpu.memory_space<semaphore_mem>>, %arg29: memref<!tpu.dma_semaphore, #tpu.memory_space<semaphore_mem>>, %arg30: memref<!tpu.dma_semaphore, #tpu.memory_space<semaphore_mem>>, %arg31: memref<!tpu.dma_semaphore, #tpu.memory_space<semaphore_mem>>, %arg32: memref<!tpu.dma_semaphore, #tpu.memory_space<semaphore_mem>>, %arg33: memref<!tpu.dma_semaphore, #tpu.memory_space<semaphore_mem>>, %arg34: memref<!tpu.dma_semaphore, #tpu.memory_space<semaphore_mem>>, %arg35: memref<!tpu.dma_semaphore, #tpu.memory_space<semaphore_mem>>, %arg36: memref<!tpu.dma_semaphore, #tpu.memory_space<semaphore_mem>>) attributes {dimension_semantics = [#tpu.dimension_semantics<core_parallel>, #tpu.dimension_semantics<subcore_parallel>], iteration_bounds = array<i64: 2, 16>, scalar_prefetch = 0 : i64, scratch_operands = 26 : i64, tpu.core_type = #tpu.core_type<sc_vector_subcore>, window_params = [{transform_indices = #map}, {transform_indices = #map}, {transform_indices = #map}, {transform_indices = #map1}, {transform_indices = #map1}, {transform_indices = #map}, {transform_indices = #map1}, {transform_indices = #map2}, {transform_indices = #map}]} {
    %mul3A = arith.constant 2 : i32
    %mul3A_0 = arith.muli %arg1, %mul3A : i32
    %add3A = arith.addi %mul3A_0, %arg0 : i32
    %iota3A = tpu.iota {dimensions = array<i32: 0>} : vector<16xi32>
    %shift_right_arithmetic3A = arith.constant 3 : i32
    %shift_right_arithmetic3A_1 = vector.broadcast %shift_right_arithmetic3A : i32 to vector<16xi32>
    %shift_right_arithmetic3A_2 = arith.shrsi %iota3A, %shift_right_arithmetic3A_1 : vector<16xi32>
    %mul3A_3 = arith.constant 640 : i32
    %mul3A_4 = arith.muli %arg1, %mul3A_3 : i32
    "tpu.region"() ({
      %run_scoped3A = tpu.sem_alloc : memref<!tpu.dma_semaphore, #tpu.memory_space<semaphore_mem>>
      %dma_start3A_58 = arith.constant 0 : i32
      %dma_start3A_59 = tpu.memref_slice %arg11[%mul3A_4, %dma_start3A_58] : memref<10240x72xf32, #tpu.memory_space<vmem_shared>> -> memref<640x72xf32, #tpu.memory_space<vmem_shared>>
      %dma_start3A_60 = arith.constant 0 : i32
      %dma_start3A_61 = tpu.memref_slice %arg7[%mul3A_4, %dma_start3A_60] : memref<10240x72xf32, #tpu.memory_space<hbm>> -> memref<640x72xf32, #tpu.memory_space<hbm>>
      tpu.enqueue_dma source(%dma_start3A_61 : memref<640x72xf32, #tpu.memory_space<hbm>>) target(%dma_start3A_59 : memref<640x72xf32, #tpu.memory_space<vmem_shared>>) target_semaphore(%run_scoped3A : memref<!tpu.dma_semaphore, #tpu.memory_space<semaphore_mem>>)
      %dma_wait3A_62 = arith.constant 0 : i32
      %dma_wait3A_63 = tpu.memref_slice %arg11[%mul3A_4, %dma_wait3A_62] : memref<10240x72xf32, #tpu.memory_space<vmem_shared>> -> memref<640x72xf32, #tpu.memory_space<vmem_shared>>
      %dma_wait3A_64 = arith.constant 0 : i32
      %dma_wait3A_65 = tpu.memref_slice %arg7[%mul3A_4, %dma_wait3A_64] : memref<10240x72xf32, #tpu.memory_space<hbm>> -> memref<640x72xf32, #tpu.memory_space<hbm>>
      tpu.wait_dma2 semaphore(%run_scoped3A : memref<!tpu.dma_semaphore, #tpu.memory_space<semaphore_mem>>) src(%dma_wait3A_65 : memref<640x72xf32, #tpu.memory_space<hbm>>) dst(%dma_wait3A_63 : memref<640x72xf32, #tpu.memory_space<vmem_shared>>)
      tpu.yield
    }) : () -> ()
    "tpu.region"() ({
      %run_scoped3A = tpu.sem_alloc : memref<!tpu.dma_semaphore, #tpu.memory_space<semaphore_mem>>
      %dma_start3A_58 = tpu.memref_slice %arg12[%mul3A_4] : memref<10240xf32, #tpu.memory_space<vmem_shared>> -> memref<640xf32, #tpu.memory_space<vmem_shared>>
      %dma_start3A_59 = tpu.memref_slice %arg8[%mul3A_4] : memref<10240xf32, #tpu.memory_space<hbm>> -> memref<640xf32, #tpu.memory_space<hbm>>
      tpu.enqueue_dma source(%dma_start3A_59 : memref<640xf32, #tpu.memory_space<hbm>>) target(%dma_start3A_58 : memref<640xf32, #tpu.memory_space<vmem_shared>>) target_semaphore(%run_scoped3A : memref<!tpu.dma_semaphore, #tpu.memory_space<semaphore_mem>>)
      %dma_wait3A_60 = tpu.memref_slice %arg12[%mul3A_4] : memref<10240xf32, #tpu.memory_space<vmem_shared>> -> memref<640xf32, #tpu.memory_space<vmem_shared>>
      %dma_wait3A_61 = tpu.memref_slice %arg8[%mul3A_4] : memref<10240xf32, #tpu.memory_space<hbm>> -> memref<640xf32, #tpu.memory_space<hbm>>
      tpu.wait_dma2 semaphore(%run_scoped3A : memref<!tpu.dma_semaphore, #tpu.memory_space<semaphore_mem>>) src(%dma_wait3A_61 : memref<640xf32, #tpu.memory_space<hbm>>) dst(%dma_wait3A_60 : memref<640xf32, #tpu.memory_space<vmem_shared>>)
      tpu.yield
    }) : () -> ()
    %barrier3A = arith.constant 0 : index
    tpu.barrier barrier_id(%barrier3A)
    %add3A_5 = arith.constant 0 : i32
    %add3A_6 = arith.addi %add3A, %add3A_5 : i32
    %mul3A_7 = arith.constant 128 : i32
    %mul3A_8 = arith.muli %add3A_6, %mul3A_7 : i32
    %dma_start3A = tpu.memref_slice %arg5[%mul3A_8] : memref<327680xi32, #tpu.memory_space<hbm>> -> memref<128xi32, #tpu.memory_space<hbm>>
    %dma_start3A_9 = tpu.memref_slice %arg5[%mul3A_8] : memref<327680xi32, #tpu.memory_space<hbm>> -> memref<128xi32, #tpu.memory_space<hbm>>
    tpu.enqueue_dma source(%dma_start3A_9 : memref<128xi32, #tpu.memory_space<hbm>>) target(%arg13 : memref<128xi32, #tpu.memory_space<vmem>>) target_semaphore(%arg33 : memref<!tpu.dma_semaphore, #tpu.memory_space<semaphore_mem>>)
    %dma_start3A_10 = tpu.memref_slice %arg6[%mul3A_8] : memref<327680xi32, #tpu.memory_space<hbm>> -> memref<128xi32, #tpu.memory_space<hbm>>
    %dma_start3A_11 = tpu.memref_slice %arg6[%mul3A_8] : memref<327680xi32, #tpu.memory_space<hbm>> -> memref<128xi32, #tpu.memory_space<hbm>>
    tpu.enqueue_dma source(%dma_start3A_11 : memref<128xi32, #tpu.memory_space<hbm>>) target(%arg15 : memref<128xi32, #tpu.memory_space<vmem>>) target_semaphore(%arg35 : memref<!tpu.dma_semaphore, #tpu.memory_space<semaphore_mem>>)
    %dma_wait3A = arith.constant 0 : i32
    %dma_wait3A_12 = tpu.memref_slice %arg5[%dma_wait3A] : memref<327680xi32, #tpu.memory_space<hbm>> -> memref<128xi32, #tpu.memory_space<hbm>>
    %dma_wait3A_13 = arith.constant 0 : i32
    %dma_wait3A_14 = tpu.memref_slice %arg5[%dma_wait3A_13] : memref<327680xi32, #tpu.memory_space<hbm>> -> memref<128xi32, #tpu.memory_space<hbm>>
    tpu.wait_dma2 semaphore(%arg33 : memref<!tpu.dma_semaphore, #tpu.memory_space<semaphore_mem>>) src(%dma_wait3A_14 : memref<128xi32, #tpu.memory_space<hbm>>) dst(%arg13 : memref<128xi32, #tpu.memory_space<vmem>>)
    %dma_wait3A_15 = arith.constant 0 : i32
    %dma_wait3A_16 = tpu.memref_slice %arg6[%dma_wait3A_15] : memref<327680xi32, #tpu.memory_space<hbm>> -> memref<128xi32, #tpu.memory_space<hbm>>
    %dma_wait3A_17 = arith.constant 0 : i32
    %dma_wait3A_18 = tpu.memref_slice %arg6[%dma_wait3A_17] : memref<327680xi32, #tpu.memory_space<hbm>> -> memref<128xi32, #tpu.memory_space<hbm>>
    tpu.wait_dma2 semaphore(%arg35 : memref<!tpu.dma_semaphore, #tpu.memory_space<semaphore_mem>>) src(%dma_wait3A_18 : memref<128xi32, #tpu.memory_space<hbm>>) dst(%arg15 : memref<128xi32, #tpu.memory_space<vmem>>)
    %dma_start3A_19 = arith.constant 0 : i32
    %dma_start3A_20 = arith.constant 0 : i32
    %dma_start3A_21 = tpu.memref_slice %arg2[%dma_start3A_19, %dma_start3A_20] : memref<10240x64xf32, #tpu.memory_space<hbm>> -> memref<10240x64xf32, #tpu.memory_space<hbm>>
    tpu.enqueue_indirect_dma source(%dma_start3A_21 : memref<10240x64xf32, #tpu.memory_space<hbm>>) target(%arg17 : memref<128x64xf32, #tpu.memory_space<vmem>>) offsets(%arg13 : memref<128xi32, #tpu.memory_space<vmem>>) semaphore(%arg27 : memref<!tpu.dma_semaphore, #tpu.memory_space<semaphore_mem>>)
    %dma_start3A_22 = arith.constant 0 : i32
    %dma_start3A_23 = arith.constant 0 : i32
    %dma_start3A_24 = tpu.memref_slice %arg3[%dma_start3A_22, %dma_start3A_23] : memref<10240x16xf32, #tpu.memory_space<hbm>> -> memref<10240x16xf32, #tpu.memory_space<hbm>>
    tpu.enqueue_indirect_dma source(%dma_start3A_24 : memref<10240x16xf32, #tpu.memory_space<hbm>>) target(%arg19 : memref<128x16xf32, #tpu.memory_space<vmem>>) offsets(%arg13 : memref<128xi32, #tpu.memory_space<vmem>>) semaphore(%arg29 : memref<!tpu.dma_semaphore, #tpu.memory_space<semaphore_mem>>)
    %dma_start3A_25 = arith.constant 0 : i32
    %dma_start3A_26 = arith.constant 0 : i32
    %dma_start3A_27 = tpu.memref_slice %arg4[%dma_start3A_25, %dma_start3A_26] : memref<10240x16xf32, #tpu.memory_space<hbm>> -> memref<10240x16xf32, #tpu.memory_space<hbm>>
    tpu.enqueue_indirect_dma source(%dma_start3A_27 : memref<10240x16xf32, #tpu.memory_space<hbm>>) target(%arg21 : memref<128x16xf32, #tpu.memory_space<vmem>>) offsets(%arg15 : memref<128xi32, #tpu.memory_space<vmem>>) semaphore(%arg31 : memref<!tpu.dma_semaphore, #tpu.memory_space<semaphore_mem>>)
    %add3A_28 = arith.constant 32 : i32
    %add3A_29 = arith.addi %add3A, %add3A_28 : i32
    %mul3A_30 = arith.constant 128 : i32
    %mul3A_31 = arith.muli %add3A_29, %mul3A_30 : i32
    %dma_start3A_32 = tpu.memref_slice %arg5[%mul3A_31] : memref<327680xi32, #tpu.memory_space<hbm>> -> memref<128xi32, #tpu.memory_space<hbm>>
    %dma_start3A_33 = tpu.memref_slice %arg5[%mul3A_31] : memref<327680xi32, #tpu.memory_space<hbm>> -> memref<128xi32, #tpu.memory_space<hbm>>
    tpu.enqueue_dma source(%dma_start3A_33 : memref<128xi32, #tpu.memory_space<hbm>>) target(%arg14 : memref<128xi32, #tpu.memory_space<vmem>>) target_semaphore(%arg34 : memref<!tpu.dma_semaphore, #tpu.memory_space<semaphore_mem>>)
    %dma_start3A_34 = tpu.memref_slice %arg6[%mul3A_31] : memref<327680xi32, #tpu.memory_space<hbm>> -> memref<128xi32, #tpu.memory_space<hbm>>
    %dma_start3A_35 = tpu.memref_slice %arg6[%mul3A_31] : memref<327680xi32, #tpu.memory_space<hbm>> -> memref<128xi32, #tpu.memory_space<hbm>>
    tpu.enqueue_dma source(%dma_start3A_35 : memref<128xi32, #tpu.memory_space<hbm>>) target(%arg16 : memref<128xi32, #tpu.memory_space<vmem>>) target_semaphore(%arg36 : memref<!tpu.dma_semaphore, #tpu.memory_space<semaphore_mem>>)
    %dma_wait3A_36 = arith.constant 0 : i32
    %dma_wait3A_37 = tpu.memref_slice %arg5[%dma_wait3A_36] : memref<327680xi32, #tpu.memory_space<hbm>> -> memref<128xi32, #tpu.memory_space<hbm>>
    %dma_wait3A_38 = arith.constant 0 : i32
    %dma_wait3A_39 = tpu.memref_slice %arg5[%dma_wait3A_38] : memref<327680xi32, #tpu.memory_space<hbm>> -> memref<128xi32, #tpu.memory_space<hbm>>
    tpu.wait_dma2 semaphore(%arg34 : memref<!tpu.dma_semaphore, #tpu.memory_space<semaphore_mem>>) src(%dma_wait3A_39 : memref<128xi32, #tpu.memory_space<hbm>>) dst(%arg14 : memref<128xi32, #tpu.memory_space<vmem>>)
    %dma_wait3A_40 = arith.constant 0 : i32
    %dma_wait3A_41 = tpu.memref_slice %arg6[%dma_wait3A_40] : memref<327680xi32, #tpu.memory_space<hbm>> -> memref<128xi32, #tpu.memory_space<hbm>>
    %dma_wait3A_42 = arith.constant 0 : i32
    %dma_wait3A_43 = tpu.memref_slice %arg6[%dma_wait3A_42] : memref<327680xi32, #tpu.memory_space<hbm>> -> memref<128xi32, #tpu.memory_space<hbm>>
    tpu.wait_dma2 semaphore(%arg36 : memref<!tpu.dma_semaphore, #tpu.memory_space<semaphore_mem>>) src(%dma_wait3A_43 : memref<128xi32, #tpu.memory_space<hbm>>) dst(%arg16 : memref<128xi32, #tpu.memory_space<vmem>>)
    %dma_start3A_44 = arith.constant 0 : i32
    %dma_start3A_45 = arith.constant 0 : i32
    %dma_start3A_46 = tpu.memref_slice %arg2[%dma_start3A_44, %dma_start3A_45] : memref<10240x64xf32, #tpu.memory_space<hbm>> -> memref<10240x64xf32, #tpu.memory_space<hbm>>
    tpu.enqueue_indirect_dma source(%dma_start3A_46 : memref<10240x64xf32, #tpu.memory_space<hbm>>) target(%arg18 : memref<128x64xf32, #tpu.memory_space<vmem>>) offsets(%arg14 : memref<128xi32, #tpu.memory_space<vmem>>) semaphore(%arg28 : memref<!tpu.dma_semaphore, #tpu.memory_space<semaphore_mem>>)
    %dma_start3A_47 = arith.constant 0 : i32
    %dma_start3A_48 = arith.constant 0 : i32
    %dma_start3A_49 = tpu.memref_slice %arg3[%dma_start3A_47, %dma_start3A_48] : memref<10240x16xf32, #tpu.memory_space<hbm>> -> memref<10240x16xf32, #tpu.memory_space<hbm>>
    tpu.enqueue_indirect_dma source(%dma_start3A_49 : memref<10240x16xf32, #tpu.memory_space<hbm>>) target(%arg20 : memref<128x16xf32, #tpu.memory_space<vmem>>) offsets(%arg14 : memref<128xi32, #tpu.memory_space<vmem>>) semaphore(%arg30 : memref<!tpu.dma_semaphore, #tpu.memory_space<semaphore_mem>>)
    %dma_start3A_50 = arith.constant 0 : i32
    %dma_start3A_51 = arith.constant 0 : i32
    %dma_start3A_52 = tpu.memref_slice %arg4[%dma_start3A_50, %dma_start3A_51] : memref<10240x16xf32, #tpu.memory_space<hbm>> -> memref<10240x16xf32, #tpu.memory_space<hbm>>
    tpu.enqueue_indirect_dma source(%dma_start3A_52 : memref<10240x16xf32, #tpu.memory_space<hbm>>) target(%arg22 : memref<128x16xf32, #tpu.memory_space<vmem>>) offsets(%arg16 : memref<128xi32, #tpu.memory_space<vmem>>) semaphore(%arg32 : memref<!tpu.dma_semaphore, #tpu.memory_space<semaphore_mem>>)
    %scan3A = arith.constant 0 : i32
    %scan3A_53 = arith.constant 40 : i32
    %scan3A_54 = arith.addi %scan3A, %scan3A_53 : i32
    %scan3A_55 = arith.constant 1 : i32
    scf.for %scan3A_58 = %scan3A to %scan3A_54 step %scan3A_55  : i32 {
      %mul3A_59 = arith.constant 2 : i32
      %mul3A_60 = arith.muli %scan3A_58, %mul3A_59 : i32
      %add3A_61 = arith.constant 0 : i32
      %add3A_62 = arith.addi %add3A_61, %mul3A_60 : i32
      %add3A_63 = arith.constant 0 : i32
      %add3A_64 = arith.addi %add3A_62, %add3A_63 : i32
      %dma_wait3A_65 = arith.constant 0 : i32
      %dma_wait3A_66 = arith.constant 0 : i32
      %dma_wait3A_67 = tpu.memref_slice %arg2[%dma_wait3A_65, %dma_wait3A_66] : memref<10240x64xf32, #tpu.memory_space<hbm>> -> memref<128x64xf32, #tpu.memory_space<hbm>>
      %dma_wait3A_68 = arith.constant 0 : i32
      %dma_wait3A_69 = arith.constant 0 : i32
      %dma_wait3A_70 = tpu.memref_slice %arg2[%dma_wait3A_68, %dma_wait3A_69] : memref<10240x64xf32, #tpu.memory_space<hbm>> -> memref<128x64xf32, #tpu.memory_space<hbm>>
      tpu.wait_dma2 semaphore(%arg27 : memref<!tpu.dma_semaphore, #tpu.memory_space<semaphore_mem>>) src(%dma_wait3A_70 : memref<128x64xf32, #tpu.memory_space<hbm>>) dst(%arg17 : memref<128x64xf32, #tpu.memory_space<vmem>>)
      %dma_wait3A_71 = arith.constant 0 : i32
      %dma_wait3A_72 = arith.constant 0 : i32
      %dma_wait3A_73 = tpu.memref_slice %arg3[%dma_wait3A_71, %dma_wait3A_72] : memref<10240x16xf32, #tpu.memory_space<hbm>> -> memref<128x16xf32, #tpu.memory_space<hbm>>
      %dma_wait3A_74 = arith.constant 0 : i32
      %dma_wait3A_75 = arith.constant 0 : i32
      %dma_wait3A_76 = tpu.memref_slice %arg3[%dma_wait3A_74, %dma_wait3A_75] : memref<10240x16xf32, #tpu.memory_space<hbm>> -> memref<128x16xf32, #tpu.memory_space<hbm>>
      tpu.wait_dma2 semaphore(%arg29 : memref<!tpu.dma_semaphore, #tpu.memory_space<semaphore_mem>>) src(%dma_wait3A_76 : memref<128x16xf32, #tpu.memory_space<hbm>>) dst(%arg19 : memref<128x16xf32, #tpu.memory_space<vmem>>)
      %dma_wait3A_77 = arith.constant 0 : i32
      %dma_wait3A_78 = arith.constant 0 : i32
      %dma_wait3A_79 = tpu.memref_slice %arg4[%dma_wait3A_77, %dma_wait3A_78] : memref<10240x16xf32, #tpu.memory_space<hbm>> -> memref<128x16xf32, #tpu.memory_space<hbm>>
      %dma_wait3A_80 = arith.constant 0 : i32
      %dma_wait3A_81 = arith.constant 0 : i32
      %dma_wait3A_82 = tpu.memref_slice %arg4[%dma_wait3A_80, %dma_wait3A_81] : memref<10240x16xf32, #tpu.memory_space<hbm>> -> memref<128x16xf32, #tpu.memory_space<hbm>>
      tpu.wait_dma2 semaphore(%arg31 : memref<!tpu.dma_semaphore, #tpu.memory_space<semaphore_mem>>) src(%dma_wait3A_82 : memref<128x16xf32, #tpu.memory_space<hbm>>) dst(%arg21 : memref<128x16xf32, #tpu.memory_space<vmem>>)
      %add3A_83 = arith.constant 0 : i32
      %add3A_84 = vector.broadcast %add3A_83 : i32 to vector<16xi32>
      %add3A_85 = arith.addi %add3A_84, %shift_right_arithmetic3A_2 : vector<16xi32>
      %add3A_86 = arith.constant 2 : i32
      %add3A_87 = vector.broadcast %add3A_86 : i32 to vector<16xi32>
      %add3A_88 = arith.addi %add3A_87, %shift_right_arithmetic3A_2 : vector<16xi32>
      %add3A_89 = arith.constant 4 : i32
      %add3A_90 = vector.broadcast %add3A_89 : i32 to vector<16xi32>
      %add3A_91 = arith.addi %add3A_90, %shift_right_arithmetic3A_2 : vector<16xi32>
      %add3A_92 = arith.constant 6 : i32
      %add3A_93 = vector.broadcast %add3A_92 : i32 to vector<16xi32>
      %add3A_94 = arith.addi %add3A_93, %shift_right_arithmetic3A_2 : vector<16xi32>
      %scan3A_95 = arith.constant 0 : i32
      %scan3A_96 = arith.constant 0 : i32
      %scan3A_97 = arith.constant 32 : i32
      %scan3A_98 = arith.addi %scan3A_96, %scan3A_97 : i32
      %scan3A_99 = arith.constant 1 : i32
      scf.for %scan3A_150 = %scan3A_96 to %scan3A_98 step %scan3A_99  : i32 {
        %mul3A_151 = arith.constant 4 : i32
        %mul3A_152 = arith.muli %scan3A_150, %mul3A_151 : i32
        %add3A_153 = arith.constant 0 : i32
        %add3A_154 = arith.addi %mul3A_152, %add3A_153 : i32
        %get3A = arith.index_cast %add3A_154 : i32 to index
        %get3A_155 = arith.constant 0 : index
        %get3A_156 = tpu.vector_load %arg19[%get3A, %get3A_155] {strides = array<i32>} : memref<128x16xf32, #tpu.memory_space<vmem>>, vector<1x16xf32>,
        %get3A_157 = vector.shape_cast %get3A_156 : vector<1x16xf32> to vector<16xf32>
        %get3A_158 = arith.index_cast %add3A_154 : i32 to index
        %get3A_159 = arith.constant 0 : index
        %get3A_160 = tpu.vector_load %arg21[%get3A_158, %get3A_159] {strides = array<i32>} : memref<128x16xf32, #tpu.memory_space<vmem>>, vector<1x16xf32>,
        %get3A_161 = vector.shape_cast %get3A_160 : vector<1x16xf32> to vector<16xf32>
        %add3A_162 = arith.addf %get3A_157, %get3A_161 : vector<16xf32>
        %mul3A_163 = arith.constant 2.000000e-01 : f32
        %mul3A_164 = vector.broadcast %mul3A_163 : f32 to vector<16xf32>
        %mul3A_165 = arith.mulf %mul3A_164, %add3A_162 : vector<16xf32>
        %max3A = arith.maximumf %add3A_162, %mul3A_165 : vector<16xf32>
        %exp3A = math.exp %max3A : vector<16xf32>
        %swap3A = arith.index_cast %add3A_154 : i32 to index
        %swap3A_166 = arith.constant 0 : index
        %swap3A_167 = tpu.vector_load %arg25[%swap3A, %swap3A_166] {strides = array<i32>} : memref<128x72xf32, #tpu.memory_space<vmem>>, vector<1x16xf32>,
        %swap3A_168 = vector.shape_cast %swap3A_167 : vector<1x16xf32> to vector<16xf32>
        %swap3A_169 = vector.shape_cast %exp3A : vector<16xf32> to vector<1x16xf32>
        tpu.vector_store %arg25[%swap3A, %swap3A_166], %swap3A_169 {strides = array<i32>} : memref<128x72xf32, #tpu.memory_space<vmem>>, vector<1x16xf32>,
        %lt3A_170 = arith.constant 0 : i32
        %lt3A_171 = vector.broadcast %lt3A_170 : i32 to vector<16xi32>
        %lt3A_172 = arith.cmpi slt, %add3A_85, %lt3A_171 : vector<16xi32>
        %add3A_173 = arith.constant 16 : i32
        %add3A_174 = vector.broadcast %add3A_173 : i32 to vector<16xi32>
        %add3A_175 = arith.addi %add3A_85, %add3A_174 : vector<16xi32>
        %select_n3A = arith.select %lt3A_172, %add3A_175, %add3A_85 : vector<16xi1>, vector<16xi32>
        %broadcast_in_dim3A = vector.shape_cast %select_n3A : vector<16xi32> to vector<16x1xi32>
        %gather3A = vector.shape_cast %broadcast_in_dim3A : vector<16x1xi32> to vector<16xi32>
        %gather3A_176 = tpu.dynamic_gather %exp3A[%gather3A] in [0] : vector<16xf32>, vector<16xi32> -> vector<16xf32>
        %get3A_177 = arith.index_cast %add3A_154 : i32 to index
        %get3A_178 = arith.constant 0 : index
        %get3A_179 = tpu.vector_load %arg17[%get3A_177, %get3A_178] {strides = array<i32>} : memref<128x64xf32, #tpu.memory_space<vmem>>, vector<1x16xf32>,
        %get3A_180 = vector.shape_cast %get3A_179 : vector<1x16xf32> to vector<16xf32>
        %mul3A_181 = arith.mulf %gather3A_176, %get3A_180 : vector<16xf32>
        %swap3A_182 = arith.index_cast %add3A_154 : i32 to index
        %swap3A_183 = arith.constant 8 : index
        %swap3A_184 = tpu.vector_load %arg25[%swap3A_182, %swap3A_183] {strides = array<i32>} : memref<128x72xf32, #tpu.memory_space<vmem>>, vector<1x16xf32>,
        %swap3A_185 = vector.shape_cast %swap3A_184 : vector<1x16xf32> to vector<16xf32>
        %swap3A_186 = vector.shape_cast %mul3A_181 : vector<16xf32> to vector<1x16xf32>
        tpu.vector_store %arg25[%swap3A_182, %swap3A_183], %swap3A_186 {strides = array<i32>} : memref<128x72xf32, #tpu.memory_space<vmem>>, vector<1x16xf32>,
        %lt3A_187 = arith.constant 0 : i32
        %lt3A_188 = vector.broadcast %lt3A_187 : i32 to vector<16xi32>
        %lt3A_189 = arith.cmpi slt, %add3A_88, %lt3A_188 : vector<16xi32>
        %add3A_190 = arith.constant 16 : i32
        %add3A_191 = vector.broadcast %add3A_190 : i32 to vector<16xi32>
        %add3A_192 = arith.addi %add3A_88, %add3A_191 : vector<16xi32>
        %select_n3A_193 = arith.select %lt3A_189, %add3A_192, %add3A_88 : vector<16xi1>, vector<16xi32>
        %broadcast_in_dim3A_194 = vector.shape_cast %select_n3A_193 : vector<16xi32> to vector<16x1xi32>
        %gather3A_195 = vector.shape_cast %broadcast_in_dim3A_194 : vector<16x1xi32> to vector<16xi32>
        %gather3A_196 = tpu.dynamic_gather %exp3A[%gather3A_195] in [0] : vector<16xf32>, vector<16xi32> -> vector<16xf32>
        %get3A_197 = arith.index_cast %add3A_154 : i32 to index
        %get3A_198 = arith.constant 16 : index
        %get3A_199 = tpu.vector_load %arg17[%get3A_197, %get3A_198] {strides = array<i32>} : memref<128x64xf32, #tpu.memory_space<vmem>>, vector<1x16xf32>,
        %get3A_200 = vector.shape_cast %get3A_199 : vector<1x16xf32> to vector<16xf32>
        %mul3A_201 = arith.mulf %gather3A_196, %get3A_200 : vector<16xf32>
        %swap3A_202 = arith.index_cast %add3A_154 : i32 to index
        %swap3A_203 = arith.constant 24 : index
        %swap3A_204 = tpu.vector_load %arg25[%swap3A_202, %swap3A_203] {strides = array<i32>} : memref<128x72xf32, #tpu.memory_space<vmem>>, vector<1x16xf32>,
        %swap3A_205 = vector.shape_cast %swap3A_204 : vector<1x16xf32> to vector<16xf32>
        %swap3A_206 = vector.shape_cast %mul3A_201 : vector<16xf32> to vector<1x16xf32>
        tpu.vector_store %arg25[%swap3A_202, %swap3A_203], %swap3A_206 {strides = array<i32>} : memref<128x72xf32, #tpu.memory_space<vmem>>, vector<1x16xf32>,
        %lt3A_207 = arith.constant 0 : i32
        %lt3A_208 = vector.broadcast %lt3A_207 : i32 to vector<16xi32>
        %lt3A_209 = arith.cmpi slt, %add3A_91, %lt3A_208 : vector<16xi32>
        %add3A_210 = arith.constant 16 : i32
        %add3A_211 = vector.broadcast %add3A_210 : i32 to vector<16xi32>
        %add3A_212 = arith.addi %add3A_91, %add3A_211 : vector<16xi32>
        %select_n3A_213 = arith.select %lt3A_209, %add3A_212, %add3A_91 : vector<16xi1>, vector<16xi32>
        %broadcast_in_dim3A_214 = vector.shape_cast %select_n3A_213 : vector<16xi32> to vector<16x1xi32>
        %gather3A_215 = vector.shape_cast %broadcast_in_dim3A_214 : vector<16x1xi32> to vector<16xi32>
        %gather3A_216 = tpu.dynamic_gather %exp3A[%gather3A_215] in [0] : vector<16xf32>, vector<16xi32> -> vector<16xf32>
        %get3A_217 = arith.index_cast %add3A_154 : i32 to index
        %get3A_218 = arith.constant 32 : index
        %get3A_219 = tpu.vector_load %arg17[%get3A_217, %get3A_218] {strides = array<i32>} : memref<128x64xf32, #tpu.memory_space<vmem>>, vector<1x16xf32>,
        %get3A_220 = vector.shape_cast %get3A_219 : vector<1x16xf32> to vector<16xf32>
        %mul3A_221 = arith.mulf %gather3A_216, %get3A_220 : vector<16xf32>
        %swap3A_222 = arith.index_cast %add3A_154 : i32 to index
        %swap3A_223 = arith.constant 40 : index
        %swap3A_224 = tpu.vector_load %arg25[%swap3A_222, %swap3A_223] {strides = array<i32>} : memref<128x72xf32, #tpu.memory_space<vmem>>, vector<1x16xf32>,
        %swap3A_225 = vector.shape_cast %swap3A_224 : vector<1x16xf32> to vector<16xf32>
        %swap3A_226 = vector.shape_cast %mul3A_221 : vector<16xf32> to vector<1x16xf32>
        tpu.vector_store %arg25[%swap3A_222, %swap3A_223], %swap3A_226 {strides = array<i32>} : memref<128x72xf32, #tpu.memory_space<vmem>>, vector<1x16xf32>,
        %lt3A_227 = arith.constant 0 : i32
        %lt3A_228 = vector.broadcast %lt3A_227 : i32 to vector<16xi32>
        %lt3A_229 = arith.cmpi slt, %add3A_94, %lt3A_228 : vector<16xi32>
        %add3A_230 = arith.constant 16 : i32
        %add3A_231 = vector.broadcast %add3A_230 : i32 to vector<16xi32>
        %add3A_232 = arith.addi %add3A_94, %add3A_231 : vector<16xi32>
        %select_n3A_233 = arith.select %lt3A_229, %add3A_232, %add3A_94 : vector<16xi1>, vector<16xi32>
        %broadcast_in_dim3A_234 = vector.shape_cast %select_n3A_233 : vector<16xi32> to vector<16x1xi32>
        %gather3A_235 = vector.shape_cast %broadcast_in_dim3A_234 : vector<16x1xi32> to vector<16xi32>
        %gather3A_236 = tpu.dynamic_gather %exp3A[%gather3A_235] in [0] : vector<16xf32>, vector<16xi32> -> vector<16xf32>
        %get3A_237 = arith.index_cast %add3A_154 : i32 to index
        %get3A_238 = arith.constant 48 : index
        %get3A_239 = tpu.vector_load %arg17[%get3A_237, %get3A_238] {strides = array<i32>} : memref<128x64xf32, #tpu.memory_space<vmem>>, vector<1x16xf32>,
        %get3A_240 = vector.shape_cast %get3A_239 : vector<1x16xf32> to vector<16xf32>
        %mul3A_241 = arith.mulf %gather3A_236, %get3A_240 : vector<16xf32>
        %swap3A_242 = arith.index_cast %add3A_154 : i32 to index
        %swap3A_243 = arith.constant 56 : index
        %swap3A_244 = tpu.vector_load %arg25[%swap3A_242, %swap3A_243] {strides = array<i32>} : memref<128x72xf32, #tpu.memory_space<vmem>>, vector<1x16xf32>,
        %swap3A_245 = vector.shape_cast %swap3A_244 : vector<1x16xf32> to vector<16xf32>
        %swap3A_246 = vector.shape_cast %mul3A_241 : vector<16xf32> to vector<1x16xf32>
        tpu.vector_store %arg25[%swap3A_242, %swap3A_243], %swap3A_246 {strides = array<i32>} : memref<128x72xf32, #tpu.memory_space<vmem>>, vector<1x16xf32>,
        %mul3A_247 = arith.constant 4 : i32
        %mul3A_248 = arith.muli %scan3A_150, %mul3A_247 : i32
        %add3A_249 = arith.constant 1 : i32
        %add3A_250 = arith.addi %mul3A_248, %add3A_249 : i32
        %get3A_251 = arith.index_cast %add3A_250 : i32 to index
        %get3A_252 = arith.constant 0 : index
        %get3A_253 = tpu.vector_load %arg19[%get3A_251, %get3A_252] {strides = array<i32>} : memref<128x16xf32, #tpu.memory_space<vmem>>, vector<1x16xf32>,
        %get3A_254 = vector.shape_cast %get3A_253 : vector<1x16xf32> to vector<16xf32>
        %get3A_255 = arith.index_cast %add3A_250 : i32 to index
        %get3A_256 = arith.constant 0 : index
        %get3A_257 = tpu.vector_load %arg21[%get3A_255, %get3A_256] {strides = array<i32>} : memref<128x16xf32, #tpu.memory_space<vmem>>, vector<1x16xf32>,
        %get3A_258 = vector.shape_cast %get3A_257 : vector<1x16xf32> to vector<16xf32>
        %add3A_259 = arith.addf %get3A_254, %get3A_258 : vector<16xf32>
        %mul3A_260 = arith.constant 2.000000e-01 : f32
        %mul3A_261 = vector.broadcast %mul3A_260 : f32 to vector<16xf32>
        %mul3A_262 = arith.mulf %mul3A_261, %add3A_259 : vector<16xf32>
        %max3A_263 = arith.maximumf %add3A_259, %mul3A_262 : vector<16xf32>
        %exp3A_264 = math.exp %max3A_263 : vector<16xf32>
        %swap3A_265 = arith.index_cast %add3A_250 : i32 to index
        %swap3A_266 = arith.constant 0 : index
        %swap3A_267 = tpu.vector_load %arg25[%swap3A_265, %swap3A_266] {strides = array<i32>} : memref<128x72xf32, #tpu.memory_space<vmem>>, vector<1x16xf32>,
        %swap3A_268 = vector.shape_cast %swap3A_267 : vector<1x16xf32> to vector<16xf32>
        %swap3A_269 = vector.shape_cast %exp3A_264 : vector<16xf32> to vector<1x16xf32>
        tpu.vector_store %arg25[%swap3A_265, %swap3A_266], %swap3A_269 {strides = array<i32>} : memref<128x72xf32, #tpu.memory_space<vmem>>, vector<1x16xf32>,
        %lt3A_270 = arith.constant 0 : i32
        %lt3A_271 = vector.broadcast %lt3A_270 : i32 to vector<16xi32>
        %lt3A_272 = arith.cmpi slt, %add3A_85, %lt3A_271 : vector<16xi32>
        %add3A_273 = arith.constant 16 : i32
        %add3A_274 = vector.broadcast %add3A_273 : i32 to vector<16xi32>
        %add3A_275 = arith.addi %add3A_85, %add3A_274 : vector<16xi32>
        %select_n3A_276 = arith.select %lt3A_272, %add3A_275, %add3A_85 : vector<16xi1>, vector<16xi32>
        %broadcast_in_dim3A_277 = vector.shape_cast %select_n3A_276 : vector<16xi32> to vector<16x1xi32>
        %gather3A_278 = vector.shape_cast %broadcast_in_dim3A_277 : vector<16x1xi32> to vector<16xi32>
        %gather3A_279 = tpu.dynamic_gather %exp3A_264[%gather3A_278] in [0] : vector<16xf32>, vector<16xi32> -> vector<16xf32>
        %get3A_280 = arith.index_cast %add3A_250 : i32 to index
        %get3A_281 = arith.constant 0 : index
        %get3A_282 = tpu.vector_load %arg17[%get3A_280, %get3A_281] {strides = array<i32>} : memref<128x64xf32, #tpu.memory_space<vmem>>, vector<1x16xf32>,
        %get3A_283 = vector.shape_cast %get3A_282 : vector<1x16xf32> to vector<16xf32>
        %mul3A_284 = arith.mulf %gather3A_279, %get3A_283 : vector<16xf32>
        %swap3A_285 = arith.index_cast %add3A_250 : i32 to index
        %swap3A_286 = arith.constant 8 : index
        %swap3A_287 = tpu.vector_load %arg25[%swap3A_285, %swap3A_286] {strides = array<i32>} : memref<128x72xf32, #tpu.memory_space<vmem>>, vector<1x16xf32>,
        %swap3A_288 = vector.shape_cast %swap3A_287 : vector<1x16xf32> to vector<16xf32>
        %swap3A_289 = vector.shape_cast %mul3A_284 : vector<16xf32> to vector<1x16xf32>
        tpu.vector_store %arg25[%swap3A_285, %swap3A_286], %swap3A_289 {strides = array<i32>} : memref<128x72xf32, #tpu.memory_space<vmem>>, vector<1x16xf32>,
        %lt3A_290 = arith.constant 0 : i32
        %lt3A_291 = vector.broadcast %lt3A_290 : i32 to vector<16xi32>
        %lt3A_292 = arith.cmpi slt, %add3A_88, %lt3A_291 : vector<16xi32>
        %add3A_293 = arith.constant 16 : i32
        %add3A_294 = vector.broadcast %add3A_293 : i32 to vector<16xi32>
        %add3A_295 = arith.addi %add3A_88, %add3A_294 : vector<16xi32>
        %select_n3A_296 = arith.select %lt3A_292, %add3A_295, %add3A_88 : vector<16xi1>, vector<16xi32>
        %broadcast_in_dim3A_297 = vector.shape_cast %select_n3A_296 : vector<16xi32> to vector<16x1xi32>
        %gather3A_298 = vector.shape_cast %broadcast_in_dim3A_297 : vector<16x1xi32> to vector<16xi32>
        %gather3A_299 = tpu.dynamic_gather %exp3A_264[%gather3A_298] in [0] : vector<16xf32>, vector<16xi32> -> vector<16xf32>
        %get3A_300 = arith.index_cast %add3A_250 : i32 to index
        %get3A_301 = arith.constant 16 : index
        %get3A_302 = tpu.vector_load %arg17[%get3A_300, %get3A_301] {strides = array<i32>} : memref<128x64xf32, #tpu.memory_space<vmem>>, vector<1x16xf32>,
        %get3A_303 = vector.shape_cast %get3A_302 : vector<1x16xf32> to vector<16xf32>
        %mul3A_304 = arith.mulf %gather3A_299, %get3A_303 : vector<16xf32>
        %swap3A_305 = arith.index_cast %add3A_250 : i32 to index
        %swap3A_306 = arith.constant 24 : index
        %swap3A_307 = tpu.vector_load %arg25[%swap3A_305, %swap3A_306] {strides = array<i32>} : memref<128x72xf32, #tpu.memory_space<vmem>>, vector<1x16xf32>,
        %swap3A_308 = vector.shape_cast %swap3A_307 : vector<1x16xf32> to vector<16xf32>
        %swap3A_309 = vector.shape_cast %mul3A_304 : vector<16xf32> to vector<1x16xf32>
        tpu.vector_store %arg25[%swap3A_305, %swap3A_306], %swap3A_309 {strides = array<i32>} : memref<128x72xf32, #tpu.memory_space<vmem>>, vector<1x16xf32>,
        %lt3A_310 = arith.constant 0 : i32
        %lt3A_311 = vector.broadcast %lt3A_310 : i32 to vector<16xi32>
        %lt3A_312 = arith.cmpi slt, %add3A_91, %lt3A_311 : vector<16xi32>
        %add3A_313 = arith.constant 16 : i32
        %add3A_314 = vector.broadcast %add3A_313 : i32 to vector<16xi32>
        %add3A_315 = arith.addi %add3A_91, %add3A_314 : vector<16xi32>
        %select_n3A_316 = arith.select %lt3A_312, %add3A_315, %add3A_91 : vector<16xi1>, vector<16xi32>
        %broadcast_in_dim3A_317 = vector.shape_cast %select_n3A_316 : vector<16xi32> to vector<16x1xi32>
        %gather3A_318 = vector.shape_cast %broadcast_in_dim3A_317 : vector<16x1xi32> to vector<16xi32>
        %gather3A_319 = tpu.dynamic_gather %exp3A_264[%gather3A_318] in [0] : vector<16xf32>, vector<16xi32> -> vector<16xf32>
        %get3A_320 = arith.index_cast %add3A_250 : i32 to index
        %get3A_321 = arith.constant 32 : index
        %get3A_322 = tpu.vector_load %arg17[%get3A_320, %get3A_321] {strides = array<i32>} : memref<128x64xf32, #tpu.memory_space<vmem>>, vector<1x16xf32>,
        %get3A_323 = vector.shape_cast %get3A_322 : vector<1x16xf32> to vector<16xf32>
        %mul3A_324 = arith.mulf %gather3A_319, %get3A_323 : vector<16xf32>
        %swap3A_325 = arith.index_cast %add3A_250 : i32 to index
        %swap3A_326 = arith.constant 40 : index
        %swap3A_327 = tpu.vector_load %arg25[%swap3A_325, %swap3A_326] {strides = array<i32>} : memref<128x72xf32, #tpu.memory_space<vmem>>, vector<1x16xf32>,
        %swap3A_328 = vector.shape_cast %swap3A_327 : vector<1x16xf32> to vector<16xf32>
        %swap3A_329 = vector.shape_cast %mul3A_324 : vector<16xf32> to vector<1x16xf32>
        tpu.vector_store %arg25[%swap3A_325, %swap3A_326], %swap3A_329 {strides = array<i32>} : memref<128x72xf32, #tpu.memory_space<vmem>>, vector<1x16xf32>,
        %lt3A_330 = arith.constant 0 : i32
        %lt3A_331 = vector.broadcast %lt3A_330 : i32 to vector<16xi32>
        %lt3A_332 = arith.cmpi slt, %add3A_94, %lt3A_331 : vector<16xi32>
        %add3A_333 = arith.constant 16 : i32
        %add3A_334 = vector.broadcast %add3A_333 : i32 to vector<16xi32>
        %add3A_335 = arith.addi %add3A_94, %add3A_334 : vector<16xi32>
        %select_n3A_336 = arith.select %lt3A_332, %add3A_335, %add3A_94 : vector<16xi1>, vector<16xi32>
        %broadcast_in_dim3A_337 = vector.shape_cast %select_n3A_336 : vector<16xi32> to vector<16x1xi32>
        %gather3A_338 = vector.shape_cast %broadcast_in_dim3A_337 : vector<16x1xi32> to vector<16xi32>
        %gather3A_339 = tpu.dynamic_gather %exp3A_264[%gather3A_338] in [0] : vector<16xf32>, vector<16xi32> -> vector<16xf32>
        %get3A_340 = arith.index_cast %add3A_250 : i32 to index
        %get3A_341 = arith.constant 48 : index
        %get3A_342 = tpu.vector_load %arg17[%get3A_340, %get3A_341] {strides = array<i32>} : memref<128x64xf32, #tpu.memory_space<vmem>>, vector<1x16xf32>,
        %get3A_343 = vector.shape_cast %get3A_342 : vector<1x16xf32> to vector<16xf32>
        %mul3A_344 = arith.mulf %gather3A_339, %get3A_343 : vector<16xf32>
        %swap3A_345 = arith.index_cast %add3A_250 : i32 to index
        %swap3A_346 = arith.constant 56 : index
        %swap3A_347 = tpu.vector_load %arg25[%swap3A_345, %swap3A_346] {strides = array<i32>} : memref<128x72xf32, #tpu.memory_space<vmem>>, vector<1x16xf32>,
        %swap3A_348 = vector.shape_cast %swap3A_347 : vector<1x16xf32> to vector<16xf32>
        %swap3A_349 = vector.shape_cast %mul3A_344 : vector<16xf32> to vector<1x16xf32>
        tpu.vector_store %arg25[%swap3A_345, %swap3A_346], %swap3A_349 {strides = array<i32>} : memref<128x72xf32, #tpu.memory_space<vmem>>, vector<1x16xf32>,
        %mul3A_350 = arith.constant 4 : i32
        %mul3A_351 = arith.muli %scan3A_150, %mul3A_350 : i32
        %add3A_352 = arith.constant 2 : i32
        %add3A_353 = arith.addi %mul3A_351, %add3A_352 : i32
        %get3A_354 = arith.index_cast %add3A_353 : i32 to index
        %get3A_355 = arith.constant 0 : index
        %get3A_356 = tpu.vector_load %arg19[%get3A_354, %get3A_355] {strides = array<i32>} : memref<128x16xf32, #tpu.memory_space<vmem>>, vector<1x16xf32>,
        %get3A_357 = vector.shape_cast %get3A_356 : vector<1x16xf32> to vector<16xf32>
        %get3A_358 = arith.index_cast %add3A_353 : i32 to index
        %get3A_359 = arith.constant 0 : index
        %get3A_360 = tpu.vector_load %arg21[%get3A_358, %get3A_359] {strides = array<i32>} : memref<128x16xf32, #tpu.memory_space<vmem>>, vector<1x16xf32>,
        %get3A_361 = vector.shape_cast %get3A_360 : vector<1x16xf32> to vector<16xf32>
        %add3A_362 = arith.addf %get3A_357, %get3A_361 : vector<16xf32>
        %mul3A_363 = arith.constant 2.000000e-01 : f32
        %mul3A_364 = vector.broadcast %mul3A_363 : f32 to vector<16xf32>
        %mul3A_365 = arith.mulf %mul3A_364, %add3A_362 : vector<16xf32>
        %max3A_366 = arith.maximumf %add3A_362, %mul3A_365 : vector<16xf32>
        %exp3A_367 = math.exp %max3A_366 : vector<16xf32>
        %swap3A_368 = arith.index_cast %add3A_353 : i32 to index
        %swap3A_369 = arith.constant 0 : index
        %swap3A_370 = tpu.vector_load %arg25[%swap3A_368, %swap3A_369] {strides = array<i32>} : memref<128x72xf32, #tpu.memory_space<vmem>>, vector<1x16xf32>,
        %swap3A_371 = vector.shape_cast %swap3A_370 : vector<1x16xf32> to vector<16xf32>
        %swap3A_372 = vector.shape_cast %exp3A_367 : vector<16xf32> to vector<1x16xf32>
        tpu.vector_store %arg25[%swap3A_368, %swap3A_369], %swap3A_372 {strides = array<i32>} : memref<128x72xf32, #tpu.memory_space<vmem>>, vector<1x16xf32>,
        %lt3A_373 = arith.constant 0 : i32
        %lt3A_374 = vector.broadcast %lt3A_373 : i32 to vector<16xi32>
        %lt3A_375 = arith.cmpi slt, %add3A_85, %lt3A_374 : vector<16xi32>
        %add3A_376 = arith.constant 16 : i32
        %add3A_377 = vector.broadcast %add3A_376 : i32 to vector<16xi32>
        %add3A_378 = arith.addi %add3A_85, %add3A_377 : vector<16xi32>
        %select_n3A_379 = arith.select %lt3A_375, %add3A_378, %add3A_85 : vector<16xi1>, vector<16xi32>
        %broadcast_in_dim3A_380 = vector.shape_cast %select_n3A_379 : vector<16xi32> to vector<16x1xi32>
        %gather3A_381 = vector.shape_cast %broadcast_in_dim3A_380 : vector<16x1xi32> to vector<16xi32>
        %gather3A_382 = tpu.dynamic_gather %exp3A_367[%gather3A_381] in [0] : vector<16xf32>, vector<16xi32> -> vector<16xf32>
        %get3A_383 = arith.index_cast %add3A_353 : i32 to index
        %get3A_384 = arith.constant 0 : index
        %get3A_385 = tpu.vector_load %arg17[%get3A_383, %get3A_384] {strides = array<i32>} : memref<128x64xf32, #tpu.memory_space<vmem>>, vector<1x16xf32>,
        %get3A_386 = vector.shape_cast %get3A_385 : vector<1x16xf32> to vector<16xf32>
        %mul3A_387 = arith.mulf %gather3A_382, %get3A_386 : vector<16xf32>
        %swap3A_388 = arith.index_cast %add3A_353 : i32 to index
        %swap3A_389 = arith.constant 8 : index
        %swap3A_390 = tpu.vector_load %arg25[%swap3A_388, %swap3A_389] {strides = array<i32>} : memref<128x72xf32, #tpu.memory_space<vmem>>, vector<1x16xf32>,
        %swap3A_391 = vector.shape_cast %swap3A_390 : vector<1x16xf32> to vector<16xf32>
        %swap3A_392 = vector.shape_cast %mul3A_387 : vector<16xf32> to vector<1x16xf32>
        tpu.vector_store %arg25[%swap3A_388, %swap3A_389], %swap3A_392 {strides = array<i32>} : memref<128x72xf32, #tpu.memory_space<vmem>>, vector<1x16xf32>,
        %lt3A_393 = arith.constant 0 : i32
        %lt3A_394 = vector.broadcast %lt3A_393 : i32 to vector<16xi32>
        %lt3A_395 = arith.cmpi slt, %add3A_88, %lt3A_394 : vector<16xi32>
        %add3A_396 = arith.constant 16 : i32
        %add3A_397 = vector.broadcast %add3A_396 : i32 to vector<16xi32>
        %add3A_398 = arith.addi %add3A_88, %add3A_397 : vector<16xi32>
        %select_n3A_399 = arith.select %lt3A_395, %add3A_398, %add3A_88 : vector<16xi1>, vector<16xi32>
        %broadcast_in_dim3A_400 = vector.shape_cast %select_n3A_399 : vector<16xi32> to vector<16x1xi32>
        %gather3A_401 = vector.shape_cast %broadcast_in_dim3A_400 : vector<16x1xi32> to vector<16xi32>
        %gather3A_402 = tpu.dynamic_gather %exp3A_367[%gather3A_401] in [0] : vector<16xf32>, vector<16xi32> -> vector<16xf32>
        %get3A_403 = arith.index_cast %add3A_353 : i32 to index
        %get3A_404 = arith.constant 16 : index
        %get3A_405 = tpu.vector_load %arg17[%get3A_403, %get3A_404] {strides = array<i32>} : memref<128x64xf32, #tpu.memory_space<vmem>>, vector<1x16xf32>,
        %get3A_406 = vector.shape_cast %get3A_405 : vector<1x16xf32> to vector<16xf32>
        %mul3A_407 = arith.mulf %gather3A_402, %get3A_406 : vector<16xf32>
        %swap3A_408 = arith.index_cast %add3A_353 : i32 to index
        %swap3A_409 = arith.constant 24 : index
        %swap3A_410 = tpu.vector_load %arg25[%swap3A_408, %swap3A_409] {strides = array<i32>} : memref<128x72xf32, #tpu.memory_space<vmem>>, vector<1x16xf32>,
        %swap3A_411 = vector.shape_cast %swap3A_410 : vector<1x16xf32> to vector<16xf32>
        %swap3A_412 = vector.shape_cast %mul3A_407 : vector<16xf32> to vector<1x16xf32>
        tpu.vector_store %arg25[%swap3A_408, %swap3A_409], %swap3A_412 {strides = array<i32>} : memref<128x72xf32, #tpu.memory_space<vmem>>, vector<1x16xf32>,
        %lt3A_413 = arith.constant 0 : i32
        %lt3A_414 = vector.broadcast %lt3A_413 : i32 to vector<16xi32>
        %lt3A_415 = arith.cmpi slt, %add3A_91, %lt3A_414 : vector<16xi32>
        %add3A_416 = arith.constant 16 : i32
        %add3A_417 = vector.broadcast %add3A_416 : i32 to vector<16xi32>
        %add3A_418 = arith.addi %add3A_91, %add3A_417 : vector<16xi32>
        %select_n3A_419 = arith.select %lt3A_415, %add3A_418, %add3A_91 : vector<16xi1>, vector<16xi32>
        %broadcast_in_dim3A_420 = vector.shape_cast %select_n3A_419 : vector<16xi32> to vector<16x1xi32>
        %gather3A_421 = vector.shape_cast %broadcast_in_dim3A_420 : vector<16x1xi32> to vector<16xi32>
        %gather3A_422 = tpu.dynamic_gather %exp3A_367[%gather3A_421] in [0] : vector<16xf32>, vector<16xi32> -> vector<16xf32>
        %get3A_423 = arith.index_cast %add3A_353 : i32 to index
        %get3A_424 = arith.constant 32 : index
        %get3A_425 = tpu.vector_load %arg17[%get3A_423, %get3A_424] {strides = array<i32>} : memref<128x64xf32, #tpu.memory_space<vmem>>, vector<1x16xf32>,
        %get3A_426 = vector.shape_cast %get3A_425 : vector<1x16xf32> to vector<16xf32>
        %mul3A_427 = arith.mulf %gather3A_422, %get3A_426 : vector<16xf32>
        %swap3A_428 = arith.index_cast %add3A_353 : i32 to index
        %swap3A_429 = arith.constant 40 : index
        %swap3A_430 = tpu.vector_load %arg25[%swap3A_428, %swap3A_429] {strides = array<i32>} : memref<128x72xf32, #tpu.memory_space<vmem>>, vector<1x16xf32>,
        %swap3A_431 = vector.shape_cast %swap3A_430 : vector<1x16xf32> to vector<16xf32>
        %swap3A_432 = vector.shape_cast %mul3A_427 : vector<16xf32> to vector<1x16xf32>
        tpu.vector_store %arg25[%swap3A_428, %swap3A_429], %swap3A_432 {strides = array<i32>} : memref<128x72xf32, #tpu.memory_space<vmem>>, vector<1x16xf32>,
        %lt3A_433 = arith.constant 0 : i32
        %lt3A_434 = vector.broadcast %lt3A_433 : i32 to vector<16xi32>
        %lt3A_435 = arith.cmpi slt, %add3A_94, %lt3A_434 : vector<16xi32>
        %add3A_436 = arith.constant 16 : i32
        %add3A_437 = vector.broadcast %add3A_436 : i32 to vector<16xi32>
        %add3A_438 = arith.addi %add3A_94, %add3A_437 : vector<16xi32>
        %select_n3A_439 = arith.select %lt3A_435, %add3A_438, %add3A_94 : vector<16xi1>, vector<16xi32>
        %broadcast_in_dim3A_440 = vector.shape_cast %select_n3A_439 : vector<16xi32> to vector<16x1xi32>
        %gather3A_441 = vector.shape_cast %broadcast_in_dim3A_440 : vector<16x1xi32> to vector<16xi32>
        %gather3A_442 = tpu.dynamic_gather %exp3A_367[%gather3A_441] in [0] : vector<16xf32>, vector<16xi32> -> vector<16xf32>
        %get3A_443 = arith.index_cast %add3A_353 : i32 to index
        %get3A_444 = arith.constant 48 : index
        %get3A_445 = tpu.vector_load %arg17[%get3A_443, %get3A_444] {strides = array<i32>} : memref<128x64xf32, #tpu.memory_space<vmem>>, vector<1x16xf32>,
        %get3A_446 = vector.shape_cast %get3A_445 : vector<1x16xf32> to vector<16xf32>
        %mul3A_447 = arith.mulf %gather3A_442, %get3A_446 : vector<16xf32>
        %swap3A_448 = arith.index_cast %add3A_353 : i32 to index
        %swap3A_449 = arith.constant 56 : index
        %swap3A_450 = tpu.vector_load %arg25[%swap3A_448, %swap3A_449] {strides = array<i32>} : memref<128x72xf32, #tpu.memory_space<vmem>>, vector<1x16xf32>,
        %swap3A_451 = vector.shape_cast %swap3A_450 : vector<1x16xf32> to vector<16xf32>
        %swap3A_452 = vector.shape_cast %mul3A_447 : vector<16xf32> to vector<1x16xf32>
        tpu.vector_store %arg25[%swap3A_448, %swap3A_449], %swap3A_452 {strides = array<i32>} : memref<128x72xf32, #tpu.memory_space<vmem>>, vector<1x16xf32>,
        %mul3A_453 = arith.constant 4 : i32
        %mul3A_454 = arith.muli %scan3A_150, %mul3A_453 : i32
        %add3A_455 = arith.constant 3 : i32
        %add3A_456 = arith.addi %mul3A_454, %add3A_455 : i32
        %get3A_457 = arith.index_cast %add3A_456 : i32 to index
        %get3A_458 = arith.constant 0 : index
        %get3A_459 = tpu.vector_load %arg19[%get3A_457, %get3A_458] {strides = array<i32>} : memref<128x16xf32, #tpu.memory_space<vmem>>, vector<1x16xf32>,
        %get3A_460 = vector.shape_cast %get3A_459 : vector<1x16xf32> to vector<16xf32>
        %get3A_461 = arith.index_cast %add3A_456 : i32 to index
        %get3A_462 = arith.constant 0 : index
        %get3A_463 = tpu.vector_load %arg21[%get3A_461, %get3A_462] {strides = array<i32>} : memref<128x16xf32, #tpu.memory_space<vmem>>, vector<1x16xf32>,
        %get3A_464 = vector.shape_cast %get3A_463 : vector<1x16xf32> to vector<16xf32>
        %add3A_465 = arith.addf %get3A_460, %get3A_464 : vector<16xf32>
        %mul3A_466 = arith.constant 2.000000e-01 : f32
        %mul3A_467 = vector.broadcast %mul3A_466 : f32 to vector<16xf32>
        %mul3A_468 = arith.mulf %mul3A_467, %add3A_465 : vector<16xf32>
        %max3A_469 = arith.maximumf %add3A_465, %mul3A_468 : vector<16xf32>
        %exp3A_470 = math.exp %max3A_469 : vector<16xf32>
        %swap3A_471 = arith.index_cast %add3A_456 : i32 to index
        %swap3A_472 = arith.constant 0 : index
        %swap3A_473 = tpu.vector_load %arg25[%swap3A_471, %swap3A_472] {strides = array<i32>} : memref<128x72xf32, #tpu.memory_space<vmem>>, vector<1x16xf32>,
        %swap3A_474 = vector.shape_cast %swap3A_473 : vector<1x16xf32> to vector<16xf32>
        %swap3A_475 = vector.shape_cast %exp3A_470 : vector<16xf32> to vector<1x16xf32>
        tpu.vector_store %arg25[%swap3A_471, %swap3A_472], %swap3A_475 {strides = array<i32>} : memref<128x72xf32, #tpu.memory_space<vmem>>, vector<1x16xf32>,
        %lt3A_476 = arith.constant 0 : i32
        %lt3A_477 = vector.broadcast %lt3A_476 : i32 to vector<16xi32>
        %lt3A_478 = arith.cmpi slt, %add3A_85, %lt3A_477 : vector<16xi32>
        %add3A_479 = arith.constant 16 : i32
        %add3A_480 = vector.broadcast %add3A_479 : i32 to vector<16xi32>
        %add3A_481 = arith.addi %add3A_85, %add3A_480 : vector<16xi32>
        %select_n3A_482 = arith.select %lt3A_478, %add3A_481, %add3A_85 : vector<16xi1>, vector<16xi32>
        %broadcast_in_dim3A_483 = vector.shape_cast %select_n3A_482 : vector<16xi32> to vector<16x1xi32>
        %gather3A_484 = vector.shape_cast %broadcast_in_dim3A_483 : vector<16x1xi32> to vector<16xi32>
        %gather3A_485 = tpu.dynamic_gather %exp3A_470[%gather3A_484] in [0] : vector<16xf32>, vector<16xi32> -> vector<16xf32>
        %get3A_486 = arith.index_cast %add3A_456 : i32 to index
        %get3A_487 = arith.constant 0 : index
        %get3A_488 = tpu.vector_load %arg17[%get3A_486, %get3A_487] {strides = array<i32>} : memref<128x64xf32, #tpu.memory_space<vmem>>, vector<1x16xf32>,
        %get3A_489 = vector.shape_cast %get3A_488 : vector<1x16xf32> to vector<16xf32>
        %mul3A_490 = arith.mulf %gather3A_485, %get3A_489 : vector<16xf32>
        %swap3A_491 = arith.index_cast %add3A_456 : i32 to index
        %swap3A_492 = arith.constant 8 : index
        %swap3A_493 = tpu.vector_load %arg25[%swap3A_491, %swap3A_492] {strides = array<i32>} : memref<128x72xf32, #tpu.memory_space<vmem>>, vector<1x16xf32>,
        %swap3A_494 = vector.shape_cast %swap3A_493 : vector<1x16xf32> to vector<16xf32>
        %swap3A_495 = vector.shape_cast %mul3A_490 : vector<16xf32> to vector<1x16xf32>
        tpu.vector_store %arg25[%swap3A_491, %swap3A_492], %swap3A_495 {strides = array<i32>} : memref<128x72xf32, #tpu.memory_space<vmem>>, vector<1x16xf32>,
        %lt3A_496 = arith.constant 0 : i32
        %lt3A_497 = vector.broadcast %lt3A_496 : i32 to vector<16xi32>
        %lt3A_498 = arith.cmpi slt, %add3A_88, %lt3A_497 : vector<16xi32>
        %add3A_499 = arith.constant 16 : i32
        %add3A_500 = vector.broadcast %add3A_499 : i32 to vector<16xi32>
        %add3A_501 = arith.addi %add3A_88, %add3A_500 : vector<16xi32>
        %select_n3A_502 = arith.select %lt3A_498, %add3A_501, %add3A_88 : vector<16xi1>, vector<16xi32>
        %broadcast_in_dim3A_503 = vector.shape_cast %select_n3A_502 : vector<16xi32> to vector<16x1xi32>
        %gather3A_504 = vector.shape_cast %broadcast_in_dim3A_503 : vector<16x1xi32> to vector<16xi32>
        %gather3A_505 = tpu.dynamic_gather %exp3A_470[%gather3A_504] in [0] : vector<16xf32>, vector<16xi32> -> vector<16xf32>
        %get3A_506 = arith.index_cast %add3A_456 : i32 to index
        %get3A_507 = arith.constant 16 : index
        %get3A_508 = tpu.vector_load %arg17[%get3A_506, %get3A_507] {strides = array<i32>} : memref<128x64xf32, #tpu.memory_space<vmem>>, vector<1x16xf32>,
        %get3A_509 = vector.shape_cast %get3A_508 : vector<1x16xf32> to vector<16xf32>
        %mul3A_510 = arith.mulf %gather3A_505, %get3A_509 : vector<16xf32>
        %swap3A_511 = arith.index_cast %add3A_456 : i32 to index
        %swap3A_512 = arith.constant 24 : index
        %swap3A_513 = tpu.vector_load %arg25[%swap3A_511, %swap3A_512] {strides = array<i32>} : memref<128x72xf32, #tpu.memory_space<vmem>>, vector<1x16xf32>,
        %swap3A_514 = vector.shape_cast %swap3A_513 : vector<1x16xf32> to vector<16xf32>
        %swap3A_515 = vector.shape_cast %mul3A_510 : vector<16xf32> to vector<1x16xf32>
        tpu.vector_store %arg25[%swap3A_511, %swap3A_512], %swap3A_515 {strides = array<i32>} : memref<128x72xf32, #tpu.memory_space<vmem>>, vector<1x16xf32>,
        %lt3A_516 = arith.constant 0 : i32
        %lt3A_517 = vector.broadcast %lt3A_516 : i32 to vector<16xi32>
        %lt3A_518 = arith.cmpi slt, %add3A_91, %lt3A_517 : vector<16xi32>
        %add3A_519 = arith.constant 16 : i32
        %add3A_520 = vector.broadcast %add3A_519 : i32 to vector<16xi32>
        %add3A_521 = arith.addi %add3A_91, %add3A_520 : vector<16xi32>
        %select_n3A_522 = arith.select %lt3A_518, %add3A_521, %add3A_91 : vector<16xi1>, vector<16xi32>
        %broadcast_in_dim3A_523 = vector.shape_cast %select_n3A_522 : vector<16xi32> to vector<16x1xi32>
        %gather3A_524 = vector.shape_cast %broadcast_in_dim3A_523 : vector<16x1xi32> to vector<16xi32>
        %gather3A_525 = tpu.dynamic_gather %exp3A_470[%gather3A_524] in [0] : vector<16xf32>, vector<16xi32> -> vector<16xf32>
        %get3A_526 = arith.index_cast %add3A_456 : i32 to index
        %get3A_527 = arith.constant 32 : index
        %get3A_528 = tpu.vector_load %arg17[%get3A_526, %get3A_527] {strides = array<i32>} : memref<128x64xf32, #tpu.memory_space<vmem>>, vector<1x16xf32>,
        %get3A_529 = vector.shape_cast %get3A_528 : vector<1x16xf32> to vector<16xf32>
        %mul3A_530 = arith.mulf %gather3A_525, %get3A_529 : vector<16xf32>
        %swap3A_531 = arith.index_cast %add3A_456 : i32 to index
        %swap3A_532 = arith.constant 40 : index
        %swap3A_533 = tpu.vector_load %arg25[%swap3A_531, %swap3A_532] {strides = array<i32>} : memref<128x72xf32, #tpu.memory_space<vmem>>, vector<1x16xf32>,
        %swap3A_534 = vector.shape_cast %swap3A_533 : vector<1x16xf32> to vector<16xf32>
        %swap3A_535 = vector.shape_cast %mul3A_530 : vector<16xf32> to vector<1x16xf32>
        tpu.vector_store %arg25[%swap3A_531, %swap3A_532], %swap3A_535 {strides = array<i32>} : memref<128x72xf32, #tpu.memory_space<vmem>>, vector<1x16xf32>,
        %lt3A_536 = arith.constant 0 : i32
        %lt3A_537 = vector.broadcast %lt3A_536 : i32 to vector<16xi32>
        %lt3A_538 = arith.cmpi slt, %add3A_94, %lt3A_537 : vector<16xi32>
        %add3A_539 = arith.constant 16 : i32
        %add3A_540 = vector.broadcast %add3A_539 : i32 to vector<16xi32>
        %add3A_541 = arith.addi %add3A_94, %add3A_540 : vector<16xi32>
        %select_n3A_542 = arith.select %lt3A_538, %add3A_541, %add3A_94 : vector<16xi1>, vector<16xi32>
        %broadcast_in_dim3A_543 = vector.shape_cast %select_n3A_542 : vector<16xi32> to vector<16x1xi32>
        %gather3A_544 = vector.shape_cast %broadcast_in_dim3A_543 : vector<16x1xi32> to vector<16xi32>
        %gather3A_545 = tpu.dynamic_gather %exp3A_470[%gather3A_544] in [0] : vector<16xf32>, vector<16xi32> -> vector<16xf32>
        %get3A_546 = arith.index_cast %add3A_456 : i32 to index
        %get3A_547 = arith.constant 48 : index
        %get3A_548 = tpu.vector_load %arg17[%get3A_546, %get3A_547] {strides = array<i32>} : memref<128x64xf32, #tpu.memory_space<vmem>>, vector<1x16xf32>,
        %get3A_549 = vector.shape_cast %get3A_548 : vector<1x16xf32> to vector<16xf32>
        %mul3A_550 = arith.mulf %gather3A_545, %get3A_549 : vector<16xf32>
        %swap3A_551 = arith.index_cast %add3A_456 : i32 to index
        %swap3A_552 = arith.constant 56 : index
        %swap3A_553 = tpu.vector_load %arg25[%swap3A_551, %swap3A_552] {strides = array<i32>} : memref<128x72xf32, #tpu.memory_space<vmem>>, vector<1x16xf32>,
        %swap3A_554 = vector.shape_cast %swap3A_553 : vector<1x16xf32> to vector<16xf32>
        %swap3A_555 = vector.shape_cast %mul3A_550 : vector<16xf32> to vector<1x16xf32>
        tpu.vector_store %arg25[%swap3A_551, %swap3A_552], %swap3A_555 {strides = array<i32>} : memref<128x72xf32, #tpu.memory_space<vmem>>, vector<1x16xf32>,
      }
      %scan3A_100 = arith.constant 32 : i32
      "tpu.region"() ({
        %run_scoped3A = tpu.sem_alloc : memref<!tpu.dma_semaphore, #tpu.memory_space<semaphore_mem>>
        %dma_start3A_150 = arith.constant 0 : i32
        %dma_start3A_151 = arith.constant 0 : i32
        %dma_start3A_152 = tpu.memref_slice %arg11[%dma_start3A_150, %dma_start3A_151] : memref<10240x72xf32, #tpu.memory_space<vmem_shared>> -> memref<10240x72xf32, #tpu.memory_space<vmem_shared>>
        tpu.enqueue_indirect_dma source(%arg25 : memref<128x72xf32, #tpu.memory_space<vmem>>) target(%dma_start3A_152 : memref<10240x72xf32, #tpu.memory_space<vmem_shared>>) offsets(%arg15 : memref<128xi32, #tpu.memory_space<vmem>>) semaphore(%run_scoped3A : memref<!tpu.dma_semaphore, #tpu.memory_space<semaphore_mem>>) {add = true}
        %dma_wait3A_153 = arith.constant 0 : i32
        %dma_wait3A_154 = arith.constant 0 : i32
        %dma_wait3A_155 = tpu.memref_slice %arg11[%dma_wait3A_153, %dma_wait3A_154] : memref<10240x72xf32, #tpu.memory_space<vmem_shared>> -> memref<10240x72xf32, #tpu.memory_space<vmem_shared>>
        tpu.wait_indirect_dma semaphore(%run_scoped3A : memref<!tpu.dma_semaphore, #tpu.memory_space<semaphore_mem>>) src(%arg25 : memref<128x72xf32, #tpu.memory_space<vmem>>) dst(%dma_wait3A_155 : memref<10240x72xf32, #tpu.memory_space<vmem_shared>>)
        tpu.yield
      }) : () -> ()
      %add3A_101 = arith.constant 2 : i32
      %add3A_102 = arith.addi %add3A_64, %add3A_101 : i32
      %lt3A = arith.constant 80 : i32
      %lt3A_103 = arith.cmpi slt, %add3A_102, %lt3A : i32
      %convert_element_type3A = arith.extui %lt3A_103 : i1 to i32
      %cond3A = arith.constant 0 : i32
      %cond3A_104 = arith.cmpi ne, %convert_element_type3A, %cond3A : i32
      scf.if %cond3A_104 {
        %add3A_150 = arith.constant 2 : i32
        %add3A_151 = arith.addi %add3A_64, %add3A_150 : i32
        %mul3A_152 = arith.constant 32 : i32
        %mul3A_153 = arith.muli %add3A_151, %mul3A_152 : i32
        %add3A_154 = arith.addi %add3A, %mul3A_153 : i32
        %mul3A_155 = arith.constant 128 : i32
        %mul3A_156 = arith.muli %add3A_154, %mul3A_155 : i32
        %dma_start3A_157 = tpu.memref_slice %arg5[%mul3A_156] : memref<327680xi32, #tpu.memory_space<hbm>> -> memref<128xi32, #tpu.memory_space<hbm>>
        %dma_start3A_158 = tpu.memref_slice %arg5[%mul3A_156] : memref<327680xi32, #tpu.memory_space<hbm>> -> memref<128xi32, #tpu.memory_space<hbm>>
        tpu.enqueue_dma source(%dma_start3A_158 : memref<128xi32, #tpu.memory_space<hbm>>) target(%arg13 : memref<128xi32, #tpu.memory_space<vmem>>) target_semaphore(%arg33 : memref<!tpu.dma_semaphore, #tpu.memory_space<semaphore_mem>>)
        %dma_start3A_159 = tpu.memref_slice %arg6[%mul3A_156] : memref<327680xi32, #tpu.memory_space<hbm>> -> memref<128xi32, #tpu.memory_space<hbm>>
        %dma_start3A_160 = tpu.memref_slice %arg6[%mul3A_156] : memref<327680xi32, #tpu.memory_space<hbm>> -> memref<128xi32, #tpu.memory_space<hbm>>
        tpu.enqueue_dma source(%dma_start3A_160 : memref<128xi32, #tpu.memory_space<hbm>>) target(%arg15 : memref<128xi32, #tpu.memory_space<vmem>>) target_semaphore(%arg35 : memref<!tpu.dma_semaphore, #tpu.memory_space<semaphore_mem>>)
        %dma_wait3A_161 = arith.constant 0 : i32
        %dma_wait3A_162 = tpu.memref_slice %arg5[%dma_wait3A_161] : memref<327680xi32, #tpu.memory_space<hbm>> -> memref<128xi32, #tpu.memory_space<hbm>>
        %dma_wait3A_163 = arith.constant 0 : i32
        %dma_wait3A_164 = tpu.memref_slice %arg5[%dma_wait3A_163] : memref<327680xi32, #tpu.memory_space<hbm>> -> memref<128xi32, #tpu.memory_space<hbm>>
        tpu.wait_dma2 semaphore(%arg33 : memref<!tpu.dma_semaphore, #tpu.memory_space<semaphore_mem>>) src(%dma_wait3A_164 : memref<128xi32, #tpu.memory_space<hbm>>) dst(%arg13 : memref<128xi32, #tpu.memory_space<vmem>>)
        %dma_wait3A_165 = arith.constant 0 : i32
        %dma_wait3A_166 = tpu.memref_slice %arg6[%dma_wait3A_165] : memref<327680xi32, #tpu.memory_space<hbm>> -> memref<128xi32, #tpu.memory_space<hbm>>
        %dma_wait3A_167 = arith.constant 0 : i32
        %dma_wait3A_168 = tpu.memref_slice %arg6[%dma_wait3A_167] : memref<327680xi32, #tpu.memory_space<hbm>> -> memref<128xi32, #tpu.memory_space<hbm>>
        tpu.wait_dma2 semaphore(%arg35 : memref<!tpu.dma_semaphore, #tpu.memory_space<semaphore_mem>>) src(%dma_wait3A_168 : memref<128xi32, #tpu.memory_space<hbm>>) dst(%arg15 : memref<128xi32, #tpu.memory_space<vmem>>)
        %dma_start3A_169 = arith.constant 0 : i32
        %dma_start3A_170 = arith.constant 0 : i32
        %dma_start3A_171 = tpu.memref_slice %arg2[%dma_start3A_169, %dma_start3A_170] : memref<10240x64xf32, #tpu.memory_space<hbm>> -> memref<10240x64xf32, #tpu.memory_space<hbm>>
        tpu.enqueue_indirect_dma source(%dma_start3A_171 : memref<10240x64xf32, #tpu.memory_space<hbm>>) target(%arg17 : memref<128x64xf32, #tpu.memory_space<vmem>>) offsets(%arg13 : memref<128xi32, #tpu.memory_space<vmem>>) semaphore(%arg27 : memref<!tpu.dma_semaphore, #tpu.memory_space<semaphore_mem>>)
        %dma_start3A_172 = arith.constant 0 : i32
        %dma_start3A_173 = arith.constant 0 : i32
        %dma_start3A_174 = tpu.memref_slice %arg3[%dma_start3A_172, %dma_start3A_173] : memref<10240x16xf32, #tpu.memory_space<hbm>> -> memref<10240x16xf32, #tpu.memory_space<hbm>>
        tpu.enqueue_indirect_dma source(%dma_start3A_174 : memref<10240x16xf32, #tpu.memory_space<hbm>>) target(%arg19 : memref<128x16xf32, #tpu.memory_space<vmem>>) offsets(%arg13 : memref<128xi32, #tpu.memory_space<vmem>>) semaphore(%arg29 : memref<!tpu.dma_semaphore, #tpu.memory_space<semaphore_mem>>)
        %dma_start3A_175 = arith.constant 0 : i32
        %dma_start3A_176 = arith.constant 0 : i32
        %dma_start3A_177 = tpu.memref_slice %arg4[%dma_start3A_175, %dma_start3A_176] : memref<10240x16xf32, #tpu.memory_space<hbm>> -> memref<10240x16xf32, #tpu.memory_space<hbm>>
        tpu.enqueue_indirect_dma source(%dma_start3A_177 : memref<10240x16xf32, #tpu.memory_space<hbm>>) target(%arg21 : memref<128x16xf32, #tpu.memory_space<vmem>>) offsets(%arg15 : memref<128xi32, #tpu.memory_space<vmem>>) semaphore(%arg31 : memref<!tpu.dma_semaphore, #tpu.memory_space<semaphore_mem>>)
      } else {
      }
      %add3A_105 = arith.constant 1 : i32
      %add3A_106 = arith.addi %add3A_62, %add3A_105 : i32
      %dma_wait3A_107 = arith.constant 0 : i32
      %dma_wait3A_108 = arith.constant 0 : i32
      %dma_wait3A_109 = tpu.memref_slice %arg2[%dma_wait3A_107, %dma_wait3A_108] : memref<10240x64xf32, #tpu.memory_space<hbm>> -> memref<128x64xf32, #tpu.memory_space<hbm>>
      %dma_wait3A_110 = arith.constant 0 : i32
      %dma_wait3A_111 = arith.constant 0 : i32
      %dma_wait3A_112 = tpu.memref_slice %arg2[%dma_wait3A_110, %dma_wait3A_111] : memref<10240x64xf32, #tpu.memory_space<hbm>> -> memref<128x64xf32, #tpu.memory_space<hbm>>
      tpu.wait_dma2 semaphore(%arg28 : memref<!tpu.dma_semaphore, #tpu.memory_space<semaphore_mem>>) src(%dma_wait3A_112 : memref<128x64xf32, #tpu.memory_space<hbm>>) dst(%arg18 : memref<128x64xf32, #tpu.memory_space<vmem>>)
      %dma_wait3A_113 = arith.constant 0 : i32
      %dma_wait3A_114 = arith.constant 0 : i32
      %dma_wait3A_115 = tpu.memref_slice %arg3[%dma_wait3A_113, %dma_wait3A_114] : memref<10240x16xf32, #tpu.memory_space<hbm>> -> memref<128x16xf32, #tpu.memory_space<hbm>>
      %dma_wait3A_116 = arith.constant 0 : i32
      %dma_wait3A_117 = arith.constant 0 : i32
      %dma_wait3A_118 = tpu.memref_slice %arg3[%dma_wait3A_116, %dma_wait3A_117] : memref<10240x16xf32, #tpu.memory_space<hbm>> -> memref<128x16xf32, #tpu.memory_space<hbm>>
      tpu.wait_dma2 semaphore(%arg30 : memref<!tpu.dma_semaphore, #tpu.memory_space<semaphore_mem>>) src(%dma_wait3A_118 : memref<128x16xf32, #tpu.memory_space<hbm>>) dst(%arg20 : memref<128x16xf32, #tpu.memory_space<vmem>>)
      %dma_wait3A_119 = arith.constant 0 : i32
      %dma_wait3A_120 = arith.constant 0 : i32
      %dma_wait3A_121 = tpu.memref_slice %arg4[%dma_wait3A_119, %dma_wait3A_120] : memref<10240x16xf32, #tpu.memory_space<hbm>> -> memref<128x16xf32, #tpu.memory_space<hbm>>
      %dma_wait3A_122 = arith.constant 0 : i32
      %dma_wait3A_123 = arith.constant 0 : i32
      %dma_wait3A_124 = tpu.memref_slice %arg4[%dma_wait3A_122, %dma_wait3A_123] : memref<10240x16xf32, #tpu.memory_space<hbm>> -> memref<128x16xf32, #tpu.memory_space<hbm>>
      tpu.wait_dma2 semaphore(%arg32 : memref<!tpu.dma_semaphore, #tpu.memory_space<semaphore_mem>>) src(%dma_wait3A_124 : memref<128x16xf32, #tpu.memory_space<hbm>>) dst(%arg22 : memref<128x16xf32, #tpu.memory_space<vmem>>)
      %add3A_125 = arith.constant 0 : i32
      %add3A_126 = vector.broadcast %add3A_125 : i32 to vector<16xi32>
      %add3A_127 = arith.addi %add3A_126, %shift_right_arithmetic3A_2 : vector<16xi32>
      %add3A_128 = arith.constant 2 : i32
      %add3A_129 = vector.broadcast %add3A_128 : i32 to vector<16xi32>
      %add3A_130 = arith.addi %add3A_129, %shift_right_arithmetic3A_2 : vector<16xi32>
      %add3A_131 = arith.constant 4 : i32
      %add3A_132 = vector.broadcast %add3A_131 : i32 to vector<16xi32>
      %add3A_133 = arith.addi %add3A_132, %shift_right_arithmetic3A_2 : vector<16xi32>
      %add3A_134 = arith.constant 6 : i32
      %add3A_135 = vector.broadcast %add3A_134 : i32 to vector<16xi32>
      %add3A_136 = arith.addi %add3A_135, %shift_right_arithmetic3A_2 : vector<16xi32>
      %scan3A_137 = arith.constant 0 : i32
      %scan3A_138 = arith.constant 0 : i32
      %scan3A_139 = arith.constant 32 : i32
      %scan3A_140 = arith.addi %scan3A_138, %scan3A_139 : i32
      %scan3A_141 = arith.constant 1 : i32
      scf.for %scan3A_150 = %scan3A_138 to %scan3A_140 step %scan3A_141  : i32 {
        %mul3A_151 = arith.constant 4 : i32
        %mul3A_152 = arith.muli %scan3A_150, %mul3A_151 : i32
        %add3A_153 = arith.constant 0 : i32
        %add3A_154 = arith.addi %mul3A_152, %add3A_153 : i32
        %get3A = arith.index_cast %add3A_154 : i32 to index
        %get3A_155 = arith.constant 0 : index
        %get3A_156 = tpu.vector_load %arg20[%get3A, %get3A_155] {strides = array<i32>} : memref<128x16xf32, #tpu.memory_space<vmem>>, vector<1x16xf32>,
        %get3A_157 = vector.shape_cast %get3A_156 : vector<1x16xf32> to vector<16xf32>
        %get3A_158 = arith.index_cast %add3A_154 : i32 to index
        %get3A_159 = arith.constant 0 : index
        %get3A_160 = tpu.vector_load %arg22[%get3A_158, %get3A_159] {strides = array<i32>} : memref<128x16xf32, #tpu.memory_space<vmem>>, vector<1x16xf32>,
        %get3A_161 = vector.shape_cast %get3A_160 : vector<1x16xf32> to vector<16xf32>
        %add3A_162 = arith.addf %get3A_157, %get3A_161 : vector<16xf32>
        %mul3A_163 = arith.constant 2.000000e-01 : f32
        %mul3A_164 = vector.broadcast %mul3A_163 : f32 to vector<16xf32>
        %mul3A_165 = arith.mulf %mul3A_164, %add3A_162 : vector<16xf32>
        %max3A = arith.maximumf %add3A_162, %mul3A_165 : vector<16xf32>
        %exp3A = math.exp %max3A : vector<16xf32>
        %swap3A = arith.index_cast %add3A_154 : i32 to index
        %swap3A_166 = arith.constant 0 : index
        %swap3A_167 = tpu.vector_load %arg26[%swap3A, %swap3A_166] {strides = array<i32>} : memref<128x72xf32, #tpu.memory_space<vmem>>, vector<1x16xf32>,
        %swap3A_168 = vector.shape_cast %swap3A_167 : vector<1x16xf32> to vector<16xf32>
        %swap3A_169 = vector.shape_cast %exp3A : vector<16xf32> to vector<1x16xf32>
        tpu.vector_store %arg26[%swap3A, %swap3A_166], %swap3A_169 {strides = array<i32>} : memref<128x72xf32, #tpu.memory_space<vmem>>, vector<1x16xf32>,
        %lt3A_170 = arith.constant 0 : i32
        %lt3A_171 = vector.broadcast %lt3A_170 : i32 to vector<16xi32>
        %lt3A_172 = arith.cmpi slt, %add3A_127, %lt3A_171 : vector<16xi32>
        %add3A_173 = arith.constant 16 : i32
        %add3A_174 = vector.broadcast %add3A_173 : i32 to vector<16xi32>
        %add3A_175 = arith.addi %add3A_127, %add3A_174 : vector<16xi32>
        %select_n3A = arith.select %lt3A_172, %add3A_175, %add3A_127 : vector<16xi1>, vector<16xi32>
        %broadcast_in_dim3A = vector.shape_cast %select_n3A : vector<16xi32> to vector<16x1xi32>
        %gather3A = vector.shape_cast %broadcast_in_dim3A : vector<16x1xi32> to vector<16xi32>
        %gather3A_176 = tpu.dynamic_gather %exp3A[%gather3A] in [0] : vector<16xf32>, vector<16xi32> -> vector<16xf32>
        %get3A_177 = arith.index_cast %add3A_154 : i32 to index
        %get3A_178 = arith.constant 0 : index
        %get3A_179 = tpu.vector_load %arg18[%get3A_177, %get3A_178] {strides = array<i32>} : memref<128x64xf32, #tpu.memory_space<vmem>>, vector<1x16xf32>,
        %get3A_180 = vector.shape_cast %get3A_179 : vector<1x16xf32> to vector<16xf32>
        %mul3A_181 = arith.mulf %gather3A_176, %get3A_180 : vector<16xf32>
        %swap3A_182 = arith.index_cast %add3A_154 : i32 to index
        %swap3A_183 = arith.constant 8 : index
        %swap3A_184 = tpu.vector_load %arg26[%swap3A_182, %swap3A_183] {strides = array<i32>} : memref<128x72xf32, #tpu.memory_space<vmem>>, vector<1x16xf32>,
        %swap3A_185 = vector.shape_cast %swap3A_184 : vector<1x16xf32> to vector<16xf32>
        %swap3A_186 = vector.shape_cast %mul3A_181 : vector<16xf32> to vector<1x16xf32>
        tpu.vector_store %arg26[%swap3A_182, %swap3A_183], %swap3A_186 {strides = array<i32>} : memref<128x72xf32, #tpu.memory_space<vmem>>, vector<1x16xf32>,
        %lt3A_187 = arith.constant 0 : i32
        %lt3A_188 = vector.broadcast %lt3A_187 : i32 to vector<16xi32>
        %lt3A_189 = arith.cmpi slt, %add3A_130, %lt3A_188 : vector<16xi32>
        %add3A_190 = arith.constant 16 : i32
        %add3A_191 = vector.broadcast %add3A_190 : i32 to vector<16xi32>
        %add3A_192 = arith.addi %add3A_130, %add3A_191 : vector<16xi32>
        %select_n3A_193 = arith.select %lt3A_189, %add3A_192, %add3A_130 : vector<16xi1>, vector<16xi32>
        %broadcast_in_dim3A_194 = vector.shape_cast %select_n3A_193 : vector<16xi32> to vector<16x1xi32>
        %gather3A_195 = vector.shape_cast %broadcast_in_dim3A_194 : vector<16x1xi32> to vector<16xi32>
        %gather3A_196 = tpu.dynamic_gather %exp3A[%gather3A_195] in [0] : vector<16xf32>, vector<16xi32> -> vector<16xf32>
        %get3A_197 = arith.index_cast %add3A_154 : i32 to index
        %get3A_198 = arith.constant 16 : index
        %get3A_199 = tpu.vector_load %arg18[%get3A_197, %get3A_198] {strides = array<i32>} : memref<128x64xf32, #tpu.memory_space<vmem>>, vector<1x16xf32>,
        %get3A_200 = vector.shape_cast %get3A_199 : vector<1x16xf32> to vector<16xf32>
        %mul3A_201 = arith.mulf %gather3A_196, %get3A_200 : vector<16xf32>
        %swap3A_202 = arith.index_cast %add3A_154 : i32 to index
        %swap3A_203 = arith.constant 24 : index
        %swap3A_204 = tpu.vector_load %arg26[%swap3A_202, %swap3A_203] {strides = array<i32>} : memref<128x72xf32, #tpu.memory_space<vmem>>, vector<1x16xf32>,
        %swap3A_205 = vector.shape_cast %swap3A_204 : vector<1x16xf32> to vector<16xf32>
        %swap3A_206 = vector.shape_cast %mul3A_201 : vector<16xf32> to vector<1x16xf32>
        tpu.vector_store %arg26[%swap3A_202, %swap3A_203], %swap3A_206 {strides = array<i32>} : memref<128x72xf32, #tpu.memory_space<vmem>>, vector<1x16xf32>,
        %lt3A_207 = arith.constant 0 : i32
        %lt3A_208 = vector.broadcast %lt3A_207 : i32 to vector<16xi32>
        %lt3A_209 = arith.cmpi slt, %add3A_133, %lt3A_208 : vector<16xi32>
        %add3A_210 = arith.constant 16 : i32
        %add3A_211 = vector.broadcast %add3A_210 : i32 to vector<16xi32>
        %add3A_212 = arith.addi %add3A_133, %add3A_211 : vector<16xi32>
        %select_n3A_213 = arith.select %lt3A_209, %add3A_212, %add3A_133 : vector<16xi1>, vector<16xi32>
        %broadcast_in_dim3A_214 = vector.shape_cast %select_n3A_213 : vector<16xi32> to vector<16x1xi32>
        %gather3A_215 = vector.shape_cast %broadcast_in_dim3A_214 : vector<16x1xi32> to vector<16xi32>
        %gather3A_216 = tpu.dynamic_gather %exp3A[%gather3A_215] in [0] : vector<16xf32>, vector<16xi32> -> vector<16xf32>
        %get3A_217 = arith.index_cast %add3A_154 : i32 to index
        %get3A_218 = arith.constant 32 : index
        %get3A_219 = tpu.vector_load %arg18[%get3A_217, %get3A_218] {strides = array<i32>} : memref<128x64xf32, #tpu.memory_space<vmem>>, vector<1x16xf32>,
        %get3A_220 = vector.shape_cast %get3A_219 : vector<1x16xf32> to vector<16xf32>
        %mul3A_221 = arith.mulf %gather3A_216, %get3A_220 : vector<16xf32>
        %swap3A_222 = arith.index_cast %add3A_154 : i32 to index
        %swap3A_223 = arith.constant 40 : index
        %swap3A_224 = tpu.vector_load %arg26[%swap3A_222, %swap3A_223] {strides = array<i32>} : memref<128x72xf32, #tpu.memory_space<vmem>>, vector<1x16xf32>,
        %swap3A_225 = vector.shape_cast %swap3A_224 : vector<1x16xf32> to vector<16xf32>
        %swap3A_226 = vector.shape_cast %mul3A_221 : vector<16xf32> to vector<1x16xf32>
        tpu.vector_store %arg26[%swap3A_222, %swap3A_223], %swap3A_226 {strides = array<i32>} : memref<128x72xf32, #tpu.memory_space<vmem>>, vector<1x16xf32>,
        %lt3A_227 = arith.constant 0 : i32
        %lt3A_228 = vector.broadcast %lt3A_227 : i32 to vector<16xi32>
        %lt3A_229 = arith.cmpi slt, %add3A_136, %lt3A_228 : vector<16xi32>
        %add3A_230 = arith.constant 16 : i32
        %add3A_231 = vector.broadcast %add3A_230 : i32 to vector<16xi32>
        %add3A_232 = arith.addi %add3A_136, %add3A_231 : vector<16xi32>
        %select_n3A_233 = arith.select %lt3A_229, %add3A_232, %add3A_136 : vector<16xi1>, vector<16xi32>
        %broadcast_in_dim3A_234 = vector.shape_cast %select_n3A_233 : vector<16xi32> to vector<16x1xi32>
        %gather3A_235 = vector.shape_cast %broadcast_in_dim3A_234 : vector<16x1xi32> to vector<16xi32>
        %gather3A_236 = tpu.dynamic_gather %exp3A[%gather3A_235] in [0] : vector<16xf32>, vector<16xi32> -> vector<16xf32>
        %get3A_237 = arith.index_cast %add3A_154 : i32 to index
        %get3A_238 = arith.constant 48 : index
        %get3A_239 = tpu.vector_load %arg18[%get3A_237, %get3A_238] {strides = array<i32>} : memref<128x64xf32, #tpu.memory_space<vmem>>, vector<1x16xf32>,
        %get3A_240 = vector.shape_cast %get3A_239 : vector<1x16xf32> to vector<16xf32>
        %mul3A_241 = arith.mulf %gather3A_236, %get3A_240 : vector<16xf32>
        %swap3A_242 = arith.index_cast %add3A_154 : i32 to index
        %swap3A_243 = arith.constant 56 : index
        %swap3A_244 = tpu.vector_load %arg26[%swap3A_242, %swap3A_243] {strides = array<i32>} : memref<128x72xf32, #tpu.memory_space<vmem>>, vector<1x16xf32>,
        %swap3A_245 = vector.shape_cast %swap3A_244 : vector<1x16xf32> to vector<16xf32>
        %swap3A_246 = vector.shape_cast %mul3A_241 : vector<16xf32> to vector<1x16xf32>
        tpu.vector_store %arg26[%swap3A_242, %swap3A_243], %swap3A_246 {strides = array<i32>} : memref<128x72xf32, #tpu.memory_space<vmem>>, vector<1x16xf32>,
        %mul3A_247 = arith.constant 4 : i32
        %mul3A_248 = arith.muli %scan3A_150, %mul3A_247 : i32
        %add3A_249 = arith.constant 1 : i32
        %add3A_250 = arith.addi %mul3A_248, %add3A_249 : i32
        %get3A_251 = arith.index_cast %add3A_250 : i32 to index
        %get3A_252 = arith.constant 0 : index
        %get3A_253 = tpu.vector_load %arg20[%get3A_251, %get3A_252] {strides = array<i32>} : memref<128x16xf32, #tpu.memory_space<vmem>>, vector<1x16xf32>,
        %get3A_254 = vector.shape_cast %get3A_253 : vector<1x16xf32> to vector<16xf32>
        %get3A_255 = arith.index_cast %add3A_250 : i32 to index
        %get3A_256 = arith.constant 0 : index
        %get3A_257 = tpu.vector_load %arg22[%get3A_255, %get3A_256] {strides = array<i32>} : memref<128x16xf32, #tpu.memory_space<vmem>>, vector<1x16xf32>,
        %get3A_258 = vector.shape_cast %get3A_257 : vector<1x16xf32> to vector<16xf32>
        %add3A_259 = arith.addf %get3A_254, %get3A_258 : vector<16xf32>
        %mul3A_260 = arith.constant 2.000000e-01 : f32
        %mul3A_261 = vector.broadcast %mul3A_260 : f32 to vector<16xf32>
        %mul3A_262 = arith.mulf %mul3A_261, %add3A_259 : vector<16xf32>
        %max3A_263 = arith.maximumf %add3A_259, %mul3A_262 : vector<16xf32>
        %exp3A_264 = math.exp %max3A_263 : vector<16xf32>
        %swap3A_265 = arith.index_cast %add3A_250 : i32 to index
        %swap3A_266 = arith.constant 0 : index
        %swap3A_267 = tpu.vector_load %arg26[%swap3A_265, %swap3A_266] {strides = array<i32>} : memref<128x72xf32, #tpu.memory_space<vmem>>, vector<1x16xf32>,
        %swap3A_268 = vector.shape_cast %swap3A_267 : vector<1x16xf32> to vector<16xf32>
        %swap3A_269 = vector.shape_cast %exp3A_264 : vector<16xf32> to vector<1x16xf32>
        tpu.vector_store %arg26[%swap3A_265, %swap3A_266], %swap3A_269 {strides = array<i32>} : memref<128x72xf32, #tpu.memory_space<vmem>>, vector<1x16xf32>,
        %lt3A_270 = arith.constant 0 : i32
        %lt3A_271 = vector.broadcast %lt3A_270 : i32 to vector<16xi32>
        %lt3A_272 = arith.cmpi slt, %add3A_127, %lt3A_271 : vector<16xi32>
        %add3A_273 = arith.constant 16 : i32
        %add3A_274 = vector.broadcast %add3A_273 : i32 to vector<16xi32>
        %add3A_275 = arith.addi %add3A_127, %add3A_274 : vector<16xi32>
        %select_n3A_276 = arith.select %lt3A_272, %add3A_275, %add3A_127 : vector<16xi1>, vector<16xi32>
        %broadcast_in_dim3A_277 = vector.shape_cast %select_n3A_276 : vector<16xi32> to vector<16x1xi32>
        %gather3A_278 = vector.shape_cast %broadcast_in_dim3A_277 : vector<16x1xi32> to vector<16xi32>
        %gather3A_279 = tpu.dynamic_gather %exp3A_264[%gather3A_278] in [0] : vector<16xf32>, vector<16xi32> -> vector<16xf32>
        %get3A_280 = arith.index_cast %add3A_250 : i32 to index
        %get3A_281 = arith.constant 0 : index
        %get3A_282 = tpu.vector_load %arg18[%get3A_280, %get3A_281] {strides = array<i32>} : memref<128x64xf32, #tpu.memory_space<vmem>>, vector<1x16xf32>,
        %get3A_283 = vector.shape_cast %get3A_282 : vector<1x16xf32> to vector<16xf32>
        %mul3A_284 = arith.mulf %gather3A_279, %get3A_283 : vector<16xf32>
        %swap3A_285 = arith.index_cast %add3A_250 : i32 to index
        %swap3A_286 = arith.constant 8 : index
        %swap3A_287 = tpu.vector_load %arg26[%swap3A_285, %swap3A_286] {strides = array<i32>} : memref<128x72xf32, #tpu.memory_space<vmem>>, vector<1x16xf32>,
        %swap3A_288 = vector.shape_cast %swap3A_287 : vector<1x16xf32> to vector<16xf32>
        %swap3A_289 = vector.shape_cast %mul3A_284 : vector<16xf32> to vector<1x16xf32>
        tpu.vector_store %arg26[%swap3A_285, %swap3A_286], %swap3A_289 {strides = array<i32>} : memref<128x72xf32, #tpu.memory_space<vmem>>, vector<1x16xf32>,
        %lt3A_290 = arith.constant 0 : i32
        %lt3A_291 = vector.broadcast %lt3A_290 : i32 to vector<16xi32>
        %lt3A_292 = arith.cmpi slt, %add3A_130, %lt3A_291 : vector<16xi32>
        %add3A_293 = arith.constant 16 : i32
        %add3A_294 = vector.broadcast %add3A_293 : i32 to vector<16xi32>
        %add3A_295 = arith.addi %add3A_130, %add3A_294 : vector<16xi32>
        %select_n3A_296 = arith.select %lt3A_292, %add3A_295, %add3A_130 : vector<16xi1>, vector<16xi32>
        %broadcast_in_dim3A_297 = vector.shape_cast %select_n3A_296 : vector<16xi32> to vector<16x1xi32>
        %gather3A_298 = vector.shape_cast %broadcast_in_dim3A_297 : vector<16x1xi32> to vector<16xi32>
        %gather3A_299 = tpu.dynamic_gather %exp3A_264[%gather3A_298] in [0] : vector<16xf32>, vector<16xi32> -> vector<16xf32>
        %get3A_300 = arith.index_cast %add3A_250 : i32 to index
        %get3A_301 = arith.constant 16 : index
        %get3A_302 = tpu.vector_load %arg18[%get3A_300, %get3A_301] {strides = array<i32>} : memref<128x64xf32, #tpu.memory_space<vmem>>, vector<1x16xf32>,
        %get3A_303 = vector.shape_cast %get3A_302 : vector<1x16xf32> to vector<16xf32>
        %mul3A_304 = arith.mulf %gather3A_299, %get3A_303 : vector<16xf32>
        %swap3A_305 = arith.index_cast %add3A_250 : i32 to index
        %swap3A_306 = arith.constant 24 : index
        %swap3A_307 = tpu.vector_load %arg26[%swap3A_305, %swap3A_306] {strides = array<i32>} : memref<128x72xf32, #tpu.memory_space<vmem>>, vector<1x16xf32>,
        %swap3A_308 = vector.shape_cast %swap3A_307 : vector<1x16xf32> to vector<16xf32>
        %swap3A_309 = vector.shape_cast %mul3A_304 : vector<16xf32> to vector<1x16xf32>
        tpu.vector_store %arg26[%swap3A_305, %swap3A_306], %swap3A_309 {strides = array<i32>} : memref<128x72xf32, #tpu.memory_space<vmem>>, vector<1x16xf32>,
        %lt3A_310 = arith.constant 0 : i32
        %lt3A_311 = vector.broadcast %lt3A_310 : i32 to vector<16xi32>
        %lt3A_312 = arith.cmpi slt, %add3A_133, %lt3A_311 : vector<16xi32>
        %add3A_313 = arith.constant 16 : i32
        %add3A_314 = vector.broadcast %add3A_313 : i32 to vector<16xi32>
        %add3A_315 = arith.addi %add3A_133, %add3A_314 : vector<16xi32>
        %select_n3A_316 = arith.select %lt3A_312, %add3A_315, %add3A_133 : vector<16xi1>, vector<16xi32>
        %broadcast_in_dim3A_317 = vector.shape_cast %select_n3A_316 : vector<16xi32> to vector<16x1xi32>
        %gather3A_318 = vector.shape_cast %broadcast_in_dim3A_317 : vector<16x1xi32> to vector<16xi32>
        %gather3A_319 = tpu.dynamic_gather %exp3A_264[%gather3A_318] in [0] : vector<16xf32>, vector<16xi32> -> vector<16xf32>
        %get3A_320 = arith.index_cast %add3A_250 : i32 to index
        %get3A_321 = arith.constant 32 : index
        %get3A_322 = tpu.vector_load %arg18[%get3A_320, %get3A_321] {strides = array<i32>} : memref<128x64xf32, #tpu.memory_space<vmem>>, vector<1x16xf32>,
        %get3A_323 = vector.shape_cast %get3A_322 : vector<1x16xf32> to vector<16xf32>
        %mul3A_324 = arith.mulf %gather3A_319, %get3A_323 : vector<16xf32>
        %swap3A_325 = arith.index_cast %add3A_250 : i32 to index
        %swap3A_326 = arith.constant 40 : index
        %swap3A_327 = tpu.vector_load %arg26[%swap3A_325, %swap3A_326] {strides = array<i32>} : memref<128x72xf32, #tpu.memory_space<vmem>>, vector<1x16xf32>,
        %swap3A_328 = vector.shape_cast %swap3A_327 : vector<1x16xf32> to vector<16xf32>
        %swap3A_329 = vector.shape_cast %mul3A_324 : vector<16xf32> to vector<1x16xf32>
        tpu.vector_store %arg26[%swap3A_325, %swap3A_326], %swap3A_329 {strides = array<i32>} : memref<128x72xf32, #tpu.memory_space<vmem>>, vector<1x16xf32>,
        %lt3A_330 = arith.constant 0 : i32
        %lt3A_331 = vector.broadcast %lt3A_330 : i32 to vector<16xi32>
        %lt3A_332 = arith.cmpi slt, %add3A_136, %lt3A_331 : vector<16xi32>
        %add3A_333 = arith.constant 16 : i32
        %add3A_334 = vector.broadcast %add3A_333 : i32 to vector<16xi32>
        %add3A_335 = arith.addi %add3A_136, %add3A_334 : vector<16xi32>
        %select_n3A_336 = arith.select %lt3A_332, %add3A_335, %add3A_136 : vector<16xi1>, vector<16xi32>
        %broadcast_in_dim3A_337 = vector.shape_cast %select_n3A_336 : vector<16xi32> to vector<16x1xi32>
        %gather3A_338 = vector.shape_cast %broadcast_in_dim3A_337 : vector<16x1xi32> to vector<16xi32>
        %gather3A_339 = tpu.dynamic_gather %exp3A_264[%gather3A_338] in [0] : vector<16xf32>, vector<16xi32> -> vector<16xf32>
        %get3A_340 = arith.index_cast %add3A_250 : i32 to index
        %get3A_341 = arith.constant 48 : index
        %get3A_342 = tpu.vector_load %arg18[%get3A_340, %get3A_341] {strides = array<i32>} : memref<128x64xf32, #tpu.memory_space<vmem>>, vector<1x16xf32>,
        %get3A_343 = vector.shape_cast %get3A_342 : vector<1x16xf32> to vector<16xf32>
        %mul3A_344 = arith.mulf %gather3A_339, %get3A_343 : vector<16xf32>
        %swap3A_345 = arith.index_cast %add3A_250 : i32 to index
        %swap3A_346 = arith.constant 56 : index
        %swap3A_347 = tpu.vector_load %arg26[%swap3A_345, %swap3A_346] {strides = array<i32>} : memref<128x72xf32, #tpu.memory_space<vmem>>, vector<1x16xf32>,
        %swap3A_348 = vector.shape_cast %swap3A_347 : vector<1x16xf32> to vector<16xf32>
        %swap3A_349 = vector.shape_cast %mul3A_344 : vector<16xf32> to vector<1x16xf32>
        tpu.vector_store %arg26[%swap3A_345, %swap3A_346], %swap3A_349 {strides = array<i32>} : memref<128x72xf32, #tpu.memory_space<vmem>>, vector<1x16xf32>,
        %mul3A_350 = arith.constant 4 : i32
        %mul3A_351 = arith.muli %scan3A_150, %mul3A_350 : i32
        %add3A_352 = arith.constant 2 : i32
        %add3A_353 = arith.addi %mul3A_351, %add3A_352 : i32
        %get3A_354 = arith.index_cast %add3A_353 : i32 to index
        %get3A_355 = arith.constant 0 : index
        %get3A_356 = tpu.vector_load %arg20[%get3A_354, %get3A_355] {strides = array<i32>} : memref<128x16xf32, #tpu.memory_space<vmem>>, vector<1x16xf32>,
        %get3A_357 = vector.shape_cast %get3A_356 : vector<1x16xf32> to vector<16xf32>
        %get3A_358 = arith.index_cast %add3A_353 : i32 to index
        %get3A_359 = arith.constant 0 : index
        %get3A_360 = tpu.vector_load %arg22[%get3A_358, %get3A_359] {strides = array<i32>} : memref<128x16xf32, #tpu.memory_space<vmem>>, vector<1x16xf32>,
        %get3A_361 = vector.shape_cast %get3A_360 : vector<1x16xf32> to vector<16xf32>
        %add3A_362 = arith.addf %get3A_357, %get3A_361 : vector<16xf32>
        %mul3A_363 = arith.constant 2.000000e-01 : f32
        %mul3A_364 = vector.broadcast %mul3A_363 : f32 to vector<16xf32>
        %mul3A_365 = arith.mulf %mul3A_364, %add3A_362 : vector<16xf32>
        %max3A_366 = arith.maximumf %add3A_362, %mul3A_365 : vector<16xf32>
        %exp3A_367 = math.exp %max3A_366 : vector<16xf32>
        %swap3A_368 = arith.index_cast %add3A_353 : i32 to index
        %swap3A_369 = arith.constant 0 : index
        %swap3A_370 = tpu.vector_load %arg26[%swap3A_368, %swap3A_369] {strides = array<i32>} : memref<128x72xf32, #tpu.memory_space<vmem>>, vector<1x16xf32>,
        %swap3A_371 = vector.shape_cast %swap3A_370 : vector<1x16xf32> to vector<16xf32>
        %swap3A_372 = vector.shape_cast %exp3A_367 : vector<16xf32> to vector<1x16xf32>
        tpu.vector_store %arg26[%swap3A_368, %swap3A_369], %swap3A_372 {strides = array<i32>} : memref<128x72xf32, #tpu.memory_space<vmem>>, vector<1x16xf32>,
        %lt3A_373 = arith.constant 0 : i32
        %lt3A_374 = vector.broadcast %lt3A_373 : i32 to vector<16xi32>
        %lt3A_375 = arith.cmpi slt, %add3A_127, %lt3A_374 : vector<16xi32>
        %add3A_376 = arith.constant 16 : i32
        %add3A_377 = vector.broadcast %add3A_376 : i32 to vector<16xi32>
        %add3A_378 = arith.addi %add3A_127, %add3A_377 : vector<16xi32>
        %select_n3A_379 = arith.select %lt3A_375, %add3A_378, %add3A_127 : vector<16xi1>, vector<16xi32>
        %broadcast_in_dim3A_380 = vector.shape_cast %select_n3A_379 : vector<16xi32> to vector<16x1xi32>
        %gather3A_381 = vector.shape_cast %broadcast_in_dim3A_380 : vector<16x1xi32> to vector<16xi32>
        %gather3A_382 = tpu.dynamic_gather %exp3A_367[%gather3A_381] in [0] : vector<16xf32>, vector<16xi32> -> vector<16xf32>
        %get3A_383 = arith.index_cast %add3A_353 : i32 to index
        %get3A_384 = arith.constant 0 : index
        %get3A_385 = tpu.vector_load %arg18[%get3A_383, %get3A_384] {strides = array<i32>} : memref<128x64xf32, #tpu.memory_space<vmem>>, vector<1x16xf32>,
        %get3A_386 = vector.shape_cast %get3A_385 : vector<1x16xf32> to vector<16xf32>
        %mul3A_387 = arith.mulf %gather3A_382, %get3A_386 : vector<16xf32>
        %swap3A_388 = arith.index_cast %add3A_353 : i32 to index
        %swap3A_389 = arith.constant 8 : index
        %swap3A_390 = tpu.vector_load %arg26[%swap3A_388, %swap3A_389] {strides = array<i32>} : memref<128x72xf32, #tpu.memory_space<vmem>>, vector<1x16xf32>,
        %swap3A_391 = vector.shape_cast %swap3A_390 : vector<1x16xf32> to vector<16xf32>
        %swap3A_392 = vector.shape_cast %mul3A_387 : vector<16xf32> to vector<1x16xf32>
        tpu.vector_store %arg26[%swap3A_388, %swap3A_389], %swap3A_392 {strides = array<i32>} : memref<128x72xf32, #tpu.memory_space<vmem>>, vector<1x16xf32>,
        %lt3A_393 = arith.constant 0 : i32
        %lt3A_394 = vector.broadcast %lt3A_393 : i32 to vector<16xi32>
        %lt3A_395 = arith.cmpi slt, %add3A_130, %lt3A_394 : vector<16xi32>
        %add3A_396 = arith.constant 16 : i32
        %add3A_397 = vector.broadcast %add3A_396 : i32 to vector<16xi32>
        %add3A_398 = arith.addi %add3A_130, %add3A_397 : vector<16xi32>
        %select_n3A_399 = arith.select %lt3A_395, %add3A_398, %add3A_130 : vector<16xi1>, vector<16xi32>
        %broadcast_in_dim3A_400 = vector.shape_cast %select_n3A_399 : vector<16xi32> to vector<16x1xi32>
        %gather3A_401 = vector.shape_cast %broadcast_in_dim3A_400 : vector<16x1xi32> to vector<16xi32>
        %gather3A_402 = tpu.dynamic_gather %exp3A_367[%gather3A_401] in [0] : vector<16xf32>, vector<16xi32> -> vector<16xf32>
        %get3A_403 = arith.index_cast %add3A_353 : i32 to index
        %get3A_404 = arith.constant 16 : index
        %get3A_405 = tpu.vector_load %arg18[%get3A_403, %get3A_404] {strides = array<i32>} : memref<128x64xf32, #tpu.memory_space<vmem>>, vector<1x16xf32>,
        %get3A_406 = vector.shape_cast %get3A_405 : vector<1x16xf32> to vector<16xf32>
        %mul3A_407 = arith.mulf %gather3A_402, %get3A_406 : vector<16xf32>
        %swap3A_408 = arith.index_cast %add3A_353 : i32 to index
        %swap3A_409 = arith.constant 24 : index
        %swap3A_410 = tpu.vector_load %arg26[%swap3A_408, %swap3A_409] {strides = array<i32>} : memref<128x72xf32, #tpu.memory_space<vmem>>, vector<1x16xf32>,
        %swap3A_411 = vector.shape_cast %swap3A_410 : vector<1x16xf32> to vector<16xf32>
        %swap3A_412 = vector.shape_cast %mul3A_407 : vector<16xf32> to vector<1x16xf32>
        tpu.vector_store %arg26[%swap3A_408, %swap3A_409], %swap3A_412 {strides = array<i32>} : memref<128x72xf32, #tpu.memory_space<vmem>>, vector<1x16xf32>,
        %lt3A_413 = arith.constant 0 : i32
        %lt3A_414 = vector.broadcast %lt3A_413 : i32 to vector<16xi32>
        %lt3A_415 = arith.cmpi slt, %add3A_133, %lt3A_414 : vector<16xi32>
        %add3A_416 = arith.constant 16 : i32
        %add3A_417 = vector.broadcast %add3A_416 : i32 to vector<16xi32>
        %add3A_418 = arith.addi %add3A_133, %add3A_417 : vector<16xi32>
        %select_n3A_419 = arith.select %lt3A_415, %add3A_418, %add3A_133 : vector<16xi1>, vector<16xi32>
        %broadcast_in_dim3A_420 = vector.shape_cast %select_n3A_419 : vector<16xi32> to vector<16x1xi32>
        %gather3A_421 = vector.shape_cast %broadcast_in_dim3A_420 : vector<16x1xi32> to vector<16xi32>
        %gather3A_422 = tpu.dynamic_gather %exp3A_367[%gather3A_421] in [0] : vector<16xf32>, vector<16xi32> -> vector<16xf32>
        %get3A_423 = arith.index_cast %add3A_353 : i32 to index
        %get3A_424 = arith.constant 32 : index
        %get3A_425 = tpu.vector_load %arg18[%get3A_423, %get3A_424] {strides = array<i32>} : memref<128x64xf32, #tpu.memory_space<vmem>>, vector<1x16xf32>,
        %get3A_426 = vector.shape_cast %get3A_425 : vector<1x16xf32> to vector<16xf32>
        %mul3A_427 = arith.mulf %gather3A_422, %get3A_426 : vector<16xf32>
        %swap3A_428 = arith.index_cast %add3A_353 : i32 to index
        %swap3A_429 = arith.constant 40 : index
        %swap3A_430 = tpu.vector_load %arg26[%swap3A_428, %swap3A_429] {strides = array<i32>} : memref<128x72xf32, #tpu.memory_space<vmem>>, vector<1x16xf32>,
        %swap3A_431 = vector.shape_cast %swap3A_430 : vector<1x16xf32> to vector<16xf32>
        %swap3A_432 = vector.shape_cast %mul3A_427 : vector<16xf32> to vector<1x16xf32>
        tpu.vector_store %arg26[%swap3A_428, %swap3A_429], %swap3A_432 {strides = array<i32>} : memref<128x72xf32, #tpu.memory_space<vmem>>, vector<1x16xf32>,
        %lt3A_433 = arith.constant 0 : i32
        %lt3A_434 = vector.broadcast %lt3A_433 : i32 to vector<16xi32>
        %lt3A_435 = arith.cmpi slt, %add3A_136, %lt3A_434 : vector<16xi32>
        %add3A_436 = arith.constant 16 : i32
        %add3A_437 = vector.broadcast %add3A_436 : i32 to vector<16xi32>
        %add3A_438 = arith.addi %add3A_136, %add3A_437 : vector<16xi32>
        %select_n3A_439 = arith.select %lt3A_435, %add3A_438, %add3A_136 : vector<16xi1>, vector<16xi32>
        %broadcast_in_dim3A_440 = vector.shape_cast %select_n3A_439 : vector<16xi32> to vector<16x1xi32>
        %gather3A_441 = vector.shape_cast %broadcast_in_dim3A_440 : vector<16x1xi32> to vector<16xi32>
        %gather3A_442 = tpu.dynamic_gather %exp3A_367[%gather3A_441] in [0] : vector<16xf32>, vector<16xi32> -> vector<16xf32>
        %get3A_443 = arith.index_cast %add3A_353 : i32 to index
        %get3A_444 = arith.constant 48 : index
        %get3A_445 = tpu.vector_load %arg18[%get3A_443, %get3A_444] {strides = array<i32>} : memref<128x64xf32, #tpu.memory_space<vmem>>, vector<1x16xf32>,
        %get3A_446 = vector.shape_cast %get3A_445 : vector<1x16xf32> to vector<16xf32>
        %mul3A_447 = arith.mulf %gather3A_442, %get3A_446 : vector<16xf32>
        %swap3A_448 = arith.index_cast %add3A_353 : i32 to index
        %swap3A_449 = arith.constant 56 : index
        %swap3A_450 = tpu.vector_load %arg26[%swap3A_448, %swap3A_449] {strides = array<i32>} : memref<128x72xf32, #tpu.memory_space<vmem>>, vector<1x16xf32>,
        %swap3A_451 = vector.shape_cast %swap3A_450 : vector<1x16xf32> to vector<16xf32>
        %swap3A_452 = vector.shape_cast %mul3A_447 : vector<16xf32> to vector<1x16xf32>
        tpu.vector_store %arg26[%swap3A_448, %swap3A_449], %swap3A_452 {strides = array<i32>} : memref<128x72xf32, #tpu.memory_space<vmem>>, vector<1x16xf32>,
        %mul3A_453 = arith.constant 4 : i32
        %mul3A_454 = arith.muli %scan3A_150, %mul3A_453 : i32
        %add3A_455 = arith.constant 3 : i32
        %add3A_456 = arith.addi %mul3A_454, %add3A_455 : i32
        %get3A_457 = arith.index_cast %add3A_456 : i32 to index
        %get3A_458 = arith.constant 0 : index
        %get3A_459 = tpu.vector_load %arg20[%get3A_457, %get3A_458] {strides = array<i32>} : memref<128x16xf32, #tpu.memory_space<vmem>>, vector<1x16xf32>,
        %get3A_460 = vector.shape_cast %get3A_459 : vector<1x16xf32> to vector<16xf32>
        %get3A_461 = arith.index_cast %add3A_456 : i32 to index
        %get3A_462 = arith.constant 0 : index
        %get3A_463 = tpu.vector_load %arg22[%get3A_461, %get3A_462] {strides = array<i32>} : memref<128x16xf32, #tpu.memory_space<vmem>>, vector<1x16xf32>,
        %get3A_464 = vector.shape_cast %get3A_463 : vector<1x16xf32> to vector<16xf32>
        %add3A_465 = arith.addf %get3A_460, %get3A_464 : vector<16xf32>
        %mul3A_466 = arith.constant 2.000000e-01 : f32
        %mul3A_467 = vector.broadcast %mul3A_466 : f32 to vector<16xf32>
        %mul3A_468 = arith.mulf %mul3A_467, %add3A_465 : vector<16xf32>
        %max3A_469 = arith.maximumf %add3A_465, %mul3A_468 : vector<16xf32>
        %exp3A_470 = math.exp %max3A_469 : vector<16xf32>
        %swap3A_471 = arith.index_cast %add3A_456 : i32 to index
        %swap3A_472 = arith.constant 0 : index
        %swap3A_473 = tpu.vector_load %arg26[%swap3A_471, %swap3A_472] {strides = array<i32>} : memref<128x72xf32, #tpu.memory_space<vmem>>, vector<1x16xf32>,
        %swap3A_474 = vector.shape_cast %swap3A_473 : vector<1x16xf32> to vector<16xf32>
        %swap3A_475 = vector.shape_cast %exp3A_470 : vector<16xf32> to vector<1x16xf32>
        tpu.vector_store %arg26[%swap3A_471, %swap3A_472], %swap3A_475 {strides = array<i32>} : memref<128x72xf32, #tpu.memory_space<vmem>>, vector<1x16xf32>,
        %lt3A_476 = arith.constant 0 : i32
        %lt3A_477 = vector.broadcast %lt3A_476 : i32 to vector<16xi32>
        %lt3A_478 = arith.cmpi slt, %add3A_127, %lt3A_477 : vector<16xi32>
        %add3A_479 = arith.constant 16 : i32
        %add3A_480 = vector.broadcast %add3A_479 : i32 to vector<16xi32>
        %add3A_481 = arith.addi %add3A_127, %add3A_480 : vector<16xi32>
        %select_n3A_482 = arith.select %lt3A_478, %add3A_481, %add3A_127 : vector<16xi1>, vector<16xi32>
        %broadcast_in_dim3A_483 = vector.shape_cast %select_n3A_482 : vector<16xi32> to vector<16x1xi32>
        %gather3A_484 = vector.shape_cast %broadcast_in_dim3A_483 : vector<16x1xi32> to vector<16xi32>
        %gather3A_485 = tpu.dynamic_gather %exp3A_470[%gather3A_484] in [0] : vector<16xf32>, vector<16xi32> -> vector<16xf32>
        %get3A_486 = arith.index_cast %add3A_456 : i32 to index
        %get3A_487 = arith.constant 0 : index
        %get3A_488 = tpu.vector_load %arg18[%get3A_486, %get3A_487] {strides = array<i32>} : memref<128x64xf32, #tpu.memory_space<vmem>>, vector<1x16xf32>,
        %get3A_489 = vector.shape_cast %get3A_488 : vector<1x16xf32> to vector<16xf32>
        %mul3A_490 = arith.mulf %gather3A_485, %get3A_489 : vector<16xf32>
        %swap3A_491 = arith.index_cast %add3A_456 : i32 to index
        %swap3A_492 = arith.constant 8 : index
        %swap3A_493 = tpu.vector_load %arg26[%swap3A_491, %swap3A_492] {strides = array<i32>} : memref<128x72xf32, #tpu.memory_space<vmem>>, vector<1x16xf32>,
        %swap3A_494 = vector.shape_cast %swap3A_493 : vector<1x16xf32> to vector<16xf32>
        %swap3A_495 = vector.shape_cast %mul3A_490 : vector<16xf32> to vector<1x16xf32>
        tpu.vector_store %arg26[%swap3A_491, %swap3A_492], %swap3A_495 {strides = array<i32>} : memref<128x72xf32, #tpu.memory_space<vmem>>, vector<1x16xf32>,
        %lt3A_496 = arith.constant 0 : i32
        %lt3A_497 = vector.broadcast %lt3A_496 : i32 to vector<16xi32>
        %lt3A_498 = arith.cmpi slt, %add3A_130, %lt3A_497 : vector<16xi32>
        %add3A_499 = arith.constant 16 : i32
        %add3A_500 = vector.broadcast %add3A_499 : i32 to vector<16xi32>
        %add3A_501 = arith.addi %add3A_130, %add3A_500 : vector<16xi32>
        %select_n3A_502 = arith.select %lt3A_498, %add3A_501, %add3A_130 : vector<16xi1>, vector<16xi32>
        %broadcast_in_dim3A_503 = vector.shape_cast %select_n3A_502 : vector<16xi32> to vector<16x1xi32>
        %gather3A_504 = vector.shape_cast %broadcast_in_dim3A_503 : vector<16x1xi32> to vector<16xi32>
        %gather3A_505 = tpu.dynamic_gather %exp3A_470[%gather3A_504] in [0] : vector<16xf32>, vector<16xi32> -> vector<16xf32>
        %get3A_506 = arith.index_cast %add3A_456 : i32 to index
        %get3A_507 = arith.constant 16 : index
        %get3A_508 = tpu.vector_load %arg18[%get3A_506, %get3A_507] {strides = array<i32>} : memref<128x64xf32, #tpu.memory_space<vmem>>, vector<1x16xf32>,
        %get3A_509 = vector.shape_cast %get3A_508 : vector<1x16xf32> to vector<16xf32>
        %mul3A_510 = arith.mulf %gather3A_505, %get3A_509 : vector<16xf32>
        %swap3A_511 = arith.index_cast %add3A_456 : i32 to index
        %swap3A_512 = arith.constant 24 : index
        %swap3A_513 = tpu.vector_load %arg26[%swap3A_511, %swap3A_512] {strides = array<i32>} : memref<128x72xf32, #tpu.memory_space<vmem>>, vector<1x16xf32>,
        %swap3A_514 = vector.shape_cast %swap3A_513 : vector<1x16xf32> to vector<16xf32>
        %swap3A_515 = vector.shape_cast %mul3A_510 : vector<16xf32> to vector<1x16xf32>
        tpu.vector_store %arg26[%swap3A_511, %swap3A_512], %swap3A_515 {strides = array<i32>} : memref<128x72xf32, #tpu.memory_space<vmem>>, vector<1x16xf32>,
        %lt3A_516 = arith.constant 0 : i32
        %lt3A_517 = vector.broadcast %lt3A_516 : i32 to vector<16xi32>
        %lt3A_518 = arith.cmpi slt, %add3A_133, %lt3A_517 : vector<16xi32>
        %add3A_519 = arith.constant 16 : i32
        %add3A_520 = vector.broadcast %add3A_519 : i32 to vector<16xi32>
        %add3A_521 = arith.addi %add3A_133, %add3A_520 : vector<16xi32>
        %select_n3A_522 = arith.select %lt3A_518, %add3A_521, %add3A_133 : vector<16xi1>, vector<16xi32>
        %broadcast_in_dim3A_523 = vector.shape_cast %select_n3A_522 : vector<16xi32> to vector<16x1xi32>
        %gather3A_524 = vector.shape_cast %broadcast_in_dim3A_523 : vector<16x1xi32> to vector<16xi32>
        %gather3A_525 = tpu.dynamic_gather %exp3A_470[%gather3A_524] in [0] : vector<16xf32>, vector<16xi32> -> vector<16xf32>
        %get3A_526 = arith.index_cast %add3A_456 : i32 to index
        %get3A_527 = arith.constant 32 : index
        %get3A_528 = tpu.vector_load %arg18[%get3A_526, %get3A_527] {strides = array<i32>} : memref<128x64xf32, #tpu.memory_space<vmem>>, vector<1x16xf32>,
        %get3A_529 = vector.shape_cast %get3A_528 : vector<1x16xf32> to vector<16xf32>
        %mul3A_530 = arith.mulf %gather3A_525, %get3A_529 : vector<16xf32>
        %swap3A_531 = arith.index_cast %add3A_456 : i32 to index
        %swap3A_532 = arith.constant 40 : index
        %swap3A_533 = tpu.vector_load %arg26[%swap3A_531, %swap3A_532] {strides = array<i32>} : memref<128x72xf32, #tpu.memory_space<vmem>>, vector<1x16xf32>,
        %swap3A_534 = vector.shape_cast %swap3A_533 : vector<1x16xf32> to vector<16xf32>
        %swap3A_535 = vector.shape_cast %mul3A_530 : vector<16xf32> to vector<1x16xf32>
        tpu.vector_store %arg26[%swap3A_531, %swap3A_532], %swap3A_535 {strides = array<i32>} : memref<128x72xf32, #tpu.memory_space<vmem>>, vector<1x16xf32>,
        %lt3A_536 = arith.constant 0 : i32
        %lt3A_537 = vector.broadcast %lt3A_536 : i32 to vector<16xi32>
        %lt3A_538 = arith.cmpi slt, %add3A_136, %lt3A_537 : vector<16xi32>
        %add3A_539 = arith.constant 16 : i32
        %add3A_540 = vector.broadcast %add3A_539 : i32 to vector<16xi32>
        %add3A_541 = arith.addi %add3A_136, %add3A_540 : vector<16xi32>
        %select_n3A_542 = arith.select %lt3A_538, %add3A_541, %add3A_136 : vector<16xi1>, vector<16xi32>
        %broadcast_in_dim3A_543 = vector.shape_cast %select_n3A_542 : vector<16xi32> to vector<16x1xi32>
        %gather3A_544 = vector.shape_cast %broadcast_in_dim3A_543 : vector<16x1xi32> to vector<16xi32>
        %gather3A_545 = tpu.dynamic_gather %exp3A_470[%gather3A_544] in [0] : vector<16xf32>, vector<16xi32> -> vector<16xf32>
        %get3A_546 = arith.index_cast %add3A_456 : i32 to index
        %get3A_547 = arith.constant 48 : index
        %get3A_548 = tpu.vector_load %arg18[%get3A_546, %get3A_547] {strides = array<i32>} : memref<128x64xf32, #tpu.memory_space<vmem>>, vector<1x16xf32>,
        %get3A_549 = vector.shape_cast %get3A_548 : vector<1x16xf32> to vector<16xf32>
        %mul3A_550 = arith.mulf %gather3A_545, %get3A_549 : vector<16xf32>
        %swap3A_551 = arith.index_cast %add3A_456 : i32 to index
        %swap3A_552 = arith.constant 56 : index
        %swap3A_553 = tpu.vector_load %arg26[%swap3A_551, %swap3A_552] {strides = array<i32>} : memref<128x72xf32, #tpu.memory_space<vmem>>, vector<1x16xf32>,
        %swap3A_554 = vector.shape_cast %swap3A_553 : vector<1x16xf32> to vector<16xf32>
        %swap3A_555 = vector.shape_cast %mul3A_550 : vector<16xf32> to vector<1x16xf32>
        tpu.vector_store %arg26[%swap3A_551, %swap3A_552], %swap3A_555 {strides = array<i32>} : memref<128x72xf32, #tpu.memory_space<vmem>>, vector<1x16xf32>,
      }
      %scan3A_142 = arith.constant 32 : i32
      "tpu.region"() ({
        %run_scoped3A = tpu.sem_alloc : memref<!tpu.dma_semaphore, #tpu.memory_space<semaphore_mem>>
        %dma_start3A_150 = arith.constant 0 : i32
        %dma_start3A_151 = arith.constant 0 : i32
        %dma_start3A_152 = tpu.memref_slice %arg11[%dma_start3A_150, %dma_start3A_151] : memref<10240x72xf32, #tpu.memory_space<vmem_shared>> -> memref<10240x72xf32, #tpu.memory_space<vmem_shared>>
        tpu.enqueue_indirect_dma source(%arg26 : memref<128x72xf32, #tpu.memory_space<vmem>>) target(%dma_start3A_152 : memref<10240x72xf32, #tpu.memory_space<vmem_shared>>) offsets(%arg16 : memref<128xi32, #tpu.memory_space<vmem>>) semaphore(%run_scoped3A : memref<!tpu.dma_semaphore, #tpu.memory_space<semaphore_mem>>) {add = true}
        %dma_wait3A_153 = arith.constant 0 : i32
        %dma_wait3A_154 = arith.constant 0 : i32
        %dma_wait3A_155 = tpu.memref_slice %arg11[%dma_wait3A_153, %dma_wait3A_154] : memref<10240x72xf32, #tpu.memory_space<vmem_shared>> -> memref<10240x72xf32, #tpu.memory_space<vmem_shared>>
        tpu.wait_indirect_dma semaphore(%run_scoped3A : memref<!tpu.dma_semaphore, #tpu.memory_space<semaphore_mem>>) src(%arg26 : memref<128x72xf32, #tpu.memory_space<vmem>>) dst(%dma_wait3A_155 : memref<10240x72xf32, #tpu.memory_space<vmem_shared>>)
        tpu.yield
      }) : () -> ()
      %add3A_143 = arith.constant 2 : i32
      %add3A_144 = arith.addi %add3A_106, %add3A_143 : i32
      %lt3A_145 = arith.constant 80 : i32
      %lt3A_146 = arith.cmpi slt, %add3A_144, %lt3A_145 : i32
      %convert_element_type3A_147 = arith.extui %lt3A_146 : i1 to i32
      %cond3A_148 = arith.constant 0 : i32
      %cond3A_149 = arith.cmpi ne, %convert_element_type3A_147, %cond3A_148 : i32
      scf.if %cond3A_149 {
        %add3A_150 = arith.constant 2 : i32
        %add3A_151 = arith.addi %add3A_106, %add3A_150 : i32
        %mul3A_152 = arith.constant 32 : i32
        %mul3A_153 = arith.muli %add3A_151, %mul3A_152 : i32
        %add3A_154 = arith.addi %add3A, %mul3A_153 : i32
        %mul3A_155 = arith.constant 128 : i32
        %mul3A_156 = arith.muli %add3A_154, %mul3A_155 : i32
        %dma_start3A_157 = tpu.memref_slice %arg5[%mul3A_156] : memref<327680xi32, #tpu.memory_space<hbm>> -> memref<128xi32, #tpu.memory_space<hbm>>
        %dma_start3A_158 = tpu.memref_slice %arg5[%mul3A_156] : memref<327680xi32, #tpu.memory_space<hbm>> -> memref<128xi32, #tpu.memory_space<hbm>>
        tpu.enqueue_dma source(%dma_start3A_158 : memref<128xi32, #tpu.memory_space<hbm>>) target(%arg14 : memref<128xi32, #tpu.memory_space<vmem>>) target_semaphore(%arg34 : memref<!tpu.dma_semaphore, #tpu.memory_space<semaphore_mem>>)
        %dma_start3A_159 = tpu.memref_slice %arg6[%mul3A_156] : memref<327680xi32, #tpu.memory_space<hbm>> -> memref<128xi32, #tpu.memory_space<hbm>>
        %dma_start3A_160 = tpu.memref_slice %arg6[%mul3A_156] : memref<327680xi32, #tpu.memory_space<hbm>> -> memref<128xi32, #tpu.memory_space<hbm>>
        tpu.enqueue_dma source(%dma_start3A_160 : memref<128xi32, #tpu.memory_space<hbm>>) target(%arg16 : memref<128xi32, #tpu.memory_space<vmem>>) target_semaphore(%arg36 : memref<!tpu.dma_semaphore, #tpu.memory_space<semaphore_mem>>)
        %dma_wait3A_161 = arith.constant 0 : i32
        %dma_wait3A_162 = tpu.memref_slice %arg5[%dma_wait3A_161] : memref<327680xi32, #tpu.memory_space<hbm>> -> memref<128xi32, #tpu.memory_space<hbm>>
        %dma_wait3A_163 = arith.constant 0 : i32
        %dma_wait3A_164 = tpu.memref_slice %arg5[%dma_wait3A_163] : memref<327680xi32, #tpu.memory_space<hbm>> -> memref<128xi32, #tpu.memory_space<hbm>>
        tpu.wait_dma2 semaphore(%arg34 : memref<!tpu.dma_semaphore, #tpu.memory_space<semaphore_mem>>) src(%dma_wait3A_164 : memref<128xi32, #tpu.memory_space<hbm>>) dst(%arg14 : memref<128xi32, #tpu.memory_space<vmem>>)
        %dma_wait3A_165 = arith.constant 0 : i32
        %dma_wait3A_166 = tpu.memref_slice %arg6[%dma_wait3A_165] : memref<327680xi32, #tpu.memory_space<hbm>> -> memref<128xi32, #tpu.memory_space<hbm>>
        %dma_wait3A_167 = arith.constant 0 : i32
        %dma_wait3A_168 = tpu.memref_slice %arg6[%dma_wait3A_167] : memref<327680xi32, #tpu.memory_space<hbm>> -> memref<128xi32, #tpu.memory_space<hbm>>
        tpu.wait_dma2 semaphore(%arg36 : memref<!tpu.dma_semaphore, #tpu.memory_space<semaphore_mem>>) src(%dma_wait3A_168 : memref<128xi32, #tpu.memory_space<hbm>>) dst(%arg16 : memref<128xi32, #tpu.memory_space<vmem>>)
        %dma_start3A_169 = arith.constant 0 : i32
        %dma_start3A_170 = arith.constant 0 : i32
        %dma_start3A_171 = tpu.memref_slice %arg2[%dma_start3A_169, %dma_start3A_170] : memref<10240x64xf32, #tpu.memory_space<hbm>> -> memref<10240x64xf32, #tpu.memory_space<hbm>>
        tpu.enqueue_indirect_dma source(%dma_start3A_171 : memref<10240x64xf32, #tpu.memory_space<hbm>>) target(%arg18 : memref<128x64xf32, #tpu.memory_space<vmem>>) offsets(%arg14 : memref<128xi32, #tpu.memory_space<vmem>>) semaphore(%arg28 : memref<!tpu.dma_semaphore, #tpu.memory_space<semaphore_mem>>)
        %dma_start3A_172 = arith.constant 0 : i32
        %dma_start3A_173 = arith.constant 0 : i32
        %dma_start3A_174 = tpu.memref_slice %arg3[%dma_start3A_172, %dma_start3A_173] : memref<10240x16xf32, #tpu.memory_space<hbm>> -> memref<10240x16xf32, #tpu.memory_space<hbm>>
        tpu.enqueue_indirect_dma source(%dma_start3A_174 : memref<10240x16xf32, #tpu.memory_space<hbm>>) target(%arg20 : memref<128x16xf32, #tpu.memory_space<vmem>>) offsets(%arg14 : memref<128xi32, #tpu.memory_space<vmem>>) semaphore(%arg30 : memref<!tpu.dma_semaphore, #tpu.memory_space<semaphore_mem>>)
        %dma_start3A_175 = arith.constant 0 : i32
        %dma_start3A_176 = arith.constant 0 : i32
        %dma_start3A_177 = tpu.memref_slice %arg4[%dma_start3A_175, %dma_start3A_176] : memref<10240x16xf32, #tpu.memory_space<hbm>> -> memref<10240x16xf32, #tpu.memory_space<hbm>>
        tpu.enqueue_indirect_dma source(%dma_start3A_177 : memref<10240x16xf32, #tpu.memory_space<hbm>>) target(%arg22 : memref<128x16xf32, #tpu.memory_space<vmem>>) offsets(%arg16 : memref<128xi32, #tpu.memory_space<vmem>>) semaphore(%arg32 : memref<!tpu.dma_semaphore, #tpu.memory_space<semaphore_mem>>)
      } else {
      }
    }
    %scan3A_56 = arith.constant 40 : i32
    %barrier3A_57 = arith.constant 0 : index
    tpu.barrier barrier_id(%barrier3A_57)
    "tpu.region"() ({
      %run_scoped3A = tpu.sem_alloc : memref<!tpu.dma_semaphore, #tpu.memory_space<semaphore_mem>>
      %dma_start3A_58 = arith.constant 0 : i32
      %dma_start3A_59 = tpu.memref_slice %arg9[%arg0, %mul3A_4, %dma_start3A_58] : memref<2x10240x72xf32, #tpu.memory_space<hbm>> -> memref<1x640x72xf32, #tpu.memory_space<hbm>>
      %dma_start3A_60 = tpu.memref_squeeze %dma_start3A_59 : memref<1x640x72xf32, #tpu.memory_space<hbm>> -> memref<640x72xf32, #tpu.memory_space<hbm>>
      %dma_start3A_61 = arith.constant 0 : i32
      %dma_start3A_62 = tpu.memref_slice %arg11[%mul3A_4, %dma_start3A_61] : memref<10240x72xf32, #tpu.memory_space<vmem_shared>> -> memref<640x72xf32, #tpu.memory_space<vmem_shared>>
      tpu.enqueue_dma source(%dma_start3A_62 : memref<640x72xf32, #tpu.memory_space<vmem_shared>>) target(%dma_start3A_60 : memref<640x72xf32, #tpu.memory_space<hbm>>) target_semaphore(%run_scoped3A : memref<!tpu.dma_semaphore, #tpu.memory_space<semaphore_mem>>)
      %dma_wait3A_63 = arith.constant 0 : i32
      %dma_wait3A_64 = tpu.memref_slice %arg9[%arg0, %mul3A_4, %dma_wait3A_63] : memref<2x10240x72xf32, #tpu.memory_space<hbm>> -> memref<1x640x72xf32, #tpu.memory_space<hbm>>
      %dma_wait3A_65 = tpu.memref_squeeze %dma_wait3A_64 : memref<1x640x72xf32, #tpu.memory_space<hbm>> -> memref<640x72xf32, #tpu.memory_space<hbm>>
      %dma_wait3A_66 = arith.constant 0 : i32
      %dma_wait3A_67 = tpu.memref_slice %arg11[%mul3A_4, %dma_wait3A_66] : memref<10240x72xf32, #tpu.memory_space<vmem_shared>> -> memref<640x72xf32, #tpu.memory_space<vmem_shared>>
      tpu.wait_dma2 semaphore(%run_scoped3A : memref<!tpu.dma_semaphore, #tpu.memory_space<semaphore_mem>>) src(%dma_wait3A_67 : memref<640x72xf32, #tpu.memory_space<vmem_shared>>) dst(%dma_wait3A_65 : memref<640x72xf32, #tpu.memory_space<hbm>>)
      tpu.yield
    }) : () -> ()
    "tpu.region"() ({
      %run_scoped3A = tpu.sem_alloc : memref<!tpu.dma_semaphore, #tpu.memory_space<semaphore_mem>>
      %dma_start3A_58 = tpu.memref_slice %arg10[%arg0, %mul3A_4] : memref<2x10240xf32, #tpu.memory_space<hbm>> -> memref<1x640xf32, #tpu.memory_space<hbm>>
      %dma_start3A_59 = tpu.memref_squeeze %dma_start3A_58 : memref<1x640xf32, #tpu.memory_space<hbm>> -> memref<640xf32, #tpu.memory_space<hbm>>
      %dma_start3A_60 = tpu.memref_slice %arg12[%mul3A_4] : memref<10240xf32, #tpu.memory_space<vmem_shared>> -> memref<640xf32, #tpu.memory_space<vmem_shared>>
      tpu.enqueue_dma source(%dma_start3A_60 : memref<640xf32, #tpu.memory_space<vmem_shared>>) target(%dma_start3A_59 : memref<640xf32, #tpu.memory_space<hbm>>) target_semaphore(%run_scoped3A : memref<!tpu.dma_semaphore, #tpu.memory_space<semaphore_mem>>)
      %dma_wait3A_61 = tpu.memref_slice %arg10[%arg0, %mul3A_4] : memref<2x10240xf32, #tpu.memory_space<hbm>> -> memref<1x640xf32, #tpu.memory_space<hbm>>
      %dma_wait3A_62 = tpu.memref_squeeze %dma_wait3A_61 : memref<1x640xf32, #tpu.memory_space<hbm>> -> memref<640xf32, #tpu.memory_space<hbm>>
      %dma_wait3A_63 = tpu.memref_slice %arg12[%mul3A_4] : memref<10240xf32, #tpu.memory_space<vmem_shared>> -> memref<640xf32, #tpu.memory_space<vmem_shared>>
      tpu.wait_dma2 semaphore(%run_scoped3A : memref<!tpu.dma_semaphore, #tpu.memory_space<semaphore_mem>>) src(%dma_wait3A_63 : memref<640xf32, #tpu.memory_space<vmem_shared>>) dst(%dma_wait3A_62 : memref<640xf32, #tpu.memory_space<hbm>>)
      tpu.yield
    }) : () -> ()
    return
  }
}

#map = affine_map<(d0, d1) -> (0, 0)>
#map1 = affine_map<(d0, d1) -> (0)>
#map2 = affine_map<(d0, d1) -> (0, 0, 0)>
module attributes {stable_mosaic.version = 14 : i64} {
  func.func @kern(%arg0: i32, %arg1: i32, %arg2: memref<10240x16xf32, #tpu.memory_space<hbm>>, %arg3: memref<10240xf32, #tpu.memory_space<hbm>>, %arg4: memref<10240xf32, #tpu.memory_space<hbm>>, %arg5: memref<327680xi32, #tpu.memory_space<hbm>>, %arg6: memref<327680xi32, #tpu.memory_space<hbm>>, %arg7: memref<10240x16xf32, #tpu.memory_space<hbm>>, %arg8: memref<10240xf32, #tpu.memory_space<hbm>>, %arg9: memref<2x10240x16xf32, #tpu.memory_space<hbm>>, %arg10: memref<2x10240xf32, #tpu.memory_space<hbm>>, %arg11: memref<10240x16xf32, #tpu.memory_space<vmem_shared>>, %arg12: memref<10240xf32, #tpu.memory_space<vmem_shared>>, %arg13: memref<128xi32, #tpu.memory_space<vmem>>, %arg14: memref<128xi32, #tpu.memory_space<vmem>>, %arg15: memref<128xi32, #tpu.memory_space<vmem>>, %arg16: memref<128xi32, #tpu.memory_space<vmem>>, %arg17: memref<128x16xf32, #tpu.memory_space<vmem>>, %arg18: memref<128x16xf32, #tpu.memory_space<vmem>>, %arg19: memref<128xf32, #tpu.memory_space<vmem>>, %arg20: memref<128xf32, #tpu.memory_space<vmem>>, %arg21: memref<128xf32, #tpu.memory_space<vmem>>, %arg22: memref<128xf32, #tpu.memory_space<vmem>>, %arg23: memref<128xf32, #tpu.memory_space<vmem>>, %arg24: memref<128xf32, #tpu.memory_space<vmem>>, %arg25: memref<128x16xf32, #tpu.memory_space<vmem>>, %arg26: memref<128x16xf32, #tpu.memory_space<vmem>>, %arg27: memref<!tpu.dma_semaphore, #tpu.memory_space<semaphore_mem>>, %arg28: memref<!tpu.dma_semaphore, #tpu.memory_space<semaphore_mem>>, %arg29: memref<!tpu.dma_semaphore, #tpu.memory_space<semaphore_mem>>, %arg30: memref<!tpu.dma_semaphore, #tpu.memory_space<semaphore_mem>>, %arg31: memref<!tpu.dma_semaphore, #tpu.memory_space<semaphore_mem>>, %arg32: memref<!tpu.dma_semaphore, #tpu.memory_space<semaphore_mem>>, %arg33: memref<!tpu.dma_semaphore, #tpu.memory_space<semaphore_mem>>, %arg34: memref<!tpu.dma_semaphore, #tpu.memory_space<semaphore_mem>>, %arg35: memref<!tpu.dma_semaphore, #tpu.memory_space<semaphore_mem>>, %arg36: memref<!tpu.dma_semaphore, #tpu.memory_space<semaphore_mem>>) attributes {dimension_semantics = [#tpu.dimension_semantics<core_parallel>, #tpu.dimension_semantics<subcore_parallel>], iteration_bounds = array<i64: 2, 16>, scalar_prefetch = 0 : i64, scratch_operands = 26 : i64, tpu.core_type = #tpu.core_type<sc_vector_subcore>, window_params = [{transform_indices = #map}, {transform_indices = #map1}, {transform_indices = #map1}, {transform_indices = #map1}, {transform_indices = #map1}, {transform_indices = #map}, {transform_indices = #map1}, {transform_indices = #map2}, {transform_indices = #map}]} {
    %mul3A = arith.constant 2 : i32
    %mul3A_0 = arith.muli %arg1, %mul3A : i32
    %add3A = arith.addi %mul3A_0, %arg0 : i32
    %iota3A = tpu.iota {dimensions = array<i32: 0>} : vector<16xi32>
    %shift_right_arithmetic3A = arith.constant 3 : i32
    %shift_right_arithmetic3A_1 = vector.broadcast %shift_right_arithmetic3A : i32 to vector<16xi32>
    %shift_right_arithmetic3A_2 = arith.shrsi %iota3A, %shift_right_arithmetic3A_1 : vector<16xi32>
    %mul3A_3 = arith.constant 640 : i32
    %mul3A_4 = arith.muli %arg1, %mul3A_3 : i32
    "tpu.region"() ({
      %run_scoped3A = tpu.sem_alloc : memref<!tpu.dma_semaphore, #tpu.memory_space<semaphore_mem>>
      %dma_start3A_54 = arith.constant 0 : i32
      %dma_start3A_55 = tpu.memref_slice %arg11[%mul3A_4, %dma_start3A_54] : memref<10240x16xf32, #tpu.memory_space<vmem_shared>> -> memref<640x16xf32, #tpu.memory_space<vmem_shared>>
      %dma_start3A_56 = arith.constant 0 : i32
      %dma_start3A_57 = tpu.memref_slice %arg7[%mul3A_4, %dma_start3A_56] : memref<10240x16xf32, #tpu.memory_space<hbm>> -> memref<640x16xf32, #tpu.memory_space<hbm>>
      tpu.enqueue_dma source(%dma_start3A_57 : memref<640x16xf32, #tpu.memory_space<hbm>>) target(%dma_start3A_55 : memref<640x16xf32, #tpu.memory_space<vmem_shared>>) target_semaphore(%run_scoped3A : memref<!tpu.dma_semaphore, #tpu.memory_space<semaphore_mem>>)
      %dma_wait3A_58 = arith.constant 0 : i32
      %dma_wait3A_59 = tpu.memref_slice %arg11[%mul3A_4, %dma_wait3A_58] : memref<10240x16xf32, #tpu.memory_space<vmem_shared>> -> memref<640x16xf32, #tpu.memory_space<vmem_shared>>
      %dma_wait3A_60 = arith.constant 0 : i32
      %dma_wait3A_61 = tpu.memref_slice %arg7[%mul3A_4, %dma_wait3A_60] : memref<10240x16xf32, #tpu.memory_space<hbm>> -> memref<640x16xf32, #tpu.memory_space<hbm>>
      tpu.wait_dma2 semaphore(%run_scoped3A : memref<!tpu.dma_semaphore, #tpu.memory_space<semaphore_mem>>) src(%dma_wait3A_61 : memref<640x16xf32, #tpu.memory_space<hbm>>) dst(%dma_wait3A_59 : memref<640x16xf32, #tpu.memory_space<vmem_shared>>)
      tpu.yield
    }) : () -> ()
    "tpu.region"() ({
      %run_scoped3A = tpu.sem_alloc : memref<!tpu.dma_semaphore, #tpu.memory_space<semaphore_mem>>
      %dma_start3A_54 = tpu.memref_slice %arg12[%mul3A_4] : memref<10240xf32, #tpu.memory_space<vmem_shared>> -> memref<640xf32, #tpu.memory_space<vmem_shared>>
      %dma_start3A_55 = tpu.memref_slice %arg8[%mul3A_4] : memref<10240xf32, #tpu.memory_space<hbm>> -> memref<640xf32, #tpu.memory_space<hbm>>
      tpu.enqueue_dma source(%dma_start3A_55 : memref<640xf32, #tpu.memory_space<hbm>>) target(%dma_start3A_54 : memref<640xf32, #tpu.memory_space<vmem_shared>>) target_semaphore(%run_scoped3A : memref<!tpu.dma_semaphore, #tpu.memory_space<semaphore_mem>>)
      %dma_wait3A_56 = tpu.memref_slice %arg12[%mul3A_4] : memref<10240xf32, #tpu.memory_space<vmem_shared>> -> memref<640xf32, #tpu.memory_space<vmem_shared>>
      %dma_wait3A_57 = tpu.memref_slice %arg8[%mul3A_4] : memref<10240xf32, #tpu.memory_space<hbm>> -> memref<640xf32, #tpu.memory_space<hbm>>
      tpu.wait_dma2 semaphore(%run_scoped3A : memref<!tpu.dma_semaphore, #tpu.memory_space<semaphore_mem>>) src(%dma_wait3A_57 : memref<640xf32, #tpu.memory_space<hbm>>) dst(%dma_wait3A_56 : memref<640xf32, #tpu.memory_space<vmem_shared>>)
      tpu.yield
    }) : () -> ()
    %barrier3A = arith.constant 0 : index
    tpu.barrier barrier_id(%barrier3A)
    %add3A_5 = arith.constant 0 : i32
    %add3A_6 = arith.addi %add3A, %add3A_5 : i32
    %mul3A_7 = arith.constant 128 : i32
    %mul3A_8 = arith.muli %add3A_6, %mul3A_7 : i32
    %dma_start3A = tpu.memref_slice %arg5[%mul3A_8] : memref<327680xi32, #tpu.memory_space<hbm>> -> memref<128xi32, #tpu.memory_space<hbm>>
    %dma_start3A_9 = tpu.memref_slice %arg5[%mul3A_8] : memref<327680xi32, #tpu.memory_space<hbm>> -> memref<128xi32, #tpu.memory_space<hbm>>
    tpu.enqueue_dma source(%dma_start3A_9 : memref<128xi32, #tpu.memory_space<hbm>>) target(%arg13 : memref<128xi32, #tpu.memory_space<vmem>>) target_semaphore(%arg33 : memref<!tpu.dma_semaphore, #tpu.memory_space<semaphore_mem>>)
    %dma_start3A_10 = tpu.memref_slice %arg6[%mul3A_8] : memref<327680xi32, #tpu.memory_space<hbm>> -> memref<128xi32, #tpu.memory_space<hbm>>
    %dma_start3A_11 = tpu.memref_slice %arg6[%mul3A_8] : memref<327680xi32, #tpu.memory_space<hbm>> -> memref<128xi32, #tpu.memory_space<hbm>>
    tpu.enqueue_dma source(%dma_start3A_11 : memref<128xi32, #tpu.memory_space<hbm>>) target(%arg15 : memref<128xi32, #tpu.memory_space<vmem>>) target_semaphore(%arg35 : memref<!tpu.dma_semaphore, #tpu.memory_space<semaphore_mem>>)
    %dma_wait3A = arith.constant 0 : i32
    %dma_wait3A_12 = tpu.memref_slice %arg5[%dma_wait3A] : memref<327680xi32, #tpu.memory_space<hbm>> -> memref<128xi32, #tpu.memory_space<hbm>>
    %dma_wait3A_13 = arith.constant 0 : i32
    %dma_wait3A_14 = tpu.memref_slice %arg5[%dma_wait3A_13] : memref<327680xi32, #tpu.memory_space<hbm>> -> memref<128xi32, #tpu.memory_space<hbm>>
    tpu.wait_dma2 semaphore(%arg33 : memref<!tpu.dma_semaphore, #tpu.memory_space<semaphore_mem>>) src(%dma_wait3A_14 : memref<128xi32, #tpu.memory_space<hbm>>) dst(%arg13 : memref<128xi32, #tpu.memory_space<vmem>>)
    %dma_wait3A_15 = arith.constant 0 : i32
    %dma_wait3A_16 = tpu.memref_slice %arg6[%dma_wait3A_15] : memref<327680xi32, #tpu.memory_space<hbm>> -> memref<128xi32, #tpu.memory_space<hbm>>
    %dma_wait3A_17 = arith.constant 0 : i32
    %dma_wait3A_18 = tpu.memref_slice %arg6[%dma_wait3A_17] : memref<327680xi32, #tpu.memory_space<hbm>> -> memref<128xi32, #tpu.memory_space<hbm>>
    tpu.wait_dma2 semaphore(%arg35 : memref<!tpu.dma_semaphore, #tpu.memory_space<semaphore_mem>>) src(%dma_wait3A_18 : memref<128xi32, #tpu.memory_space<hbm>>) dst(%arg15 : memref<128xi32, #tpu.memory_space<vmem>>)
    %dma_start3A_19 = arith.constant 0 : i32
    %dma_start3A_20 = arith.constant 0 : i32
    %dma_start3A_21 = tpu.memref_slice %arg2[%dma_start3A_19, %dma_start3A_20] : memref<10240x16xf32, #tpu.memory_space<hbm>> -> memref<10240x16xf32, #tpu.memory_space<hbm>>
    tpu.enqueue_indirect_dma source(%dma_start3A_21 : memref<10240x16xf32, #tpu.memory_space<hbm>>) target(%arg17 : memref<128x16xf32, #tpu.memory_space<vmem>>) offsets(%arg13 : memref<128xi32, #tpu.memory_space<vmem>>) semaphore(%arg27 : memref<!tpu.dma_semaphore, #tpu.memory_space<semaphore_mem>>)
    %dma_start3A_22 = arith.constant 0 : i32
    %dma_start3A_23 = tpu.memref_slice %arg3[%dma_start3A_22] : memref<10240xf32, #tpu.memory_space<hbm>> -> memref<10240xf32, #tpu.memory_space<hbm>>
    tpu.enqueue_indirect_dma source(%dma_start3A_23 : memref<10240xf32, #tpu.memory_space<hbm>>) target(%arg19 : memref<128xf32, #tpu.memory_space<vmem>>) offsets(%arg13 : memref<128xi32, #tpu.memory_space<vmem>>) semaphore(%arg29 : memref<!tpu.dma_semaphore, #tpu.memory_space<semaphore_mem>>)
    %dma_start3A_24 = arith.constant 0 : i32
    %dma_start3A_25 = tpu.memref_slice %arg4[%dma_start3A_24] : memref<10240xf32, #tpu.memory_space<hbm>> -> memref<10240xf32, #tpu.memory_space<hbm>>
    tpu.enqueue_indirect_dma source(%dma_start3A_25 : memref<10240xf32, #tpu.memory_space<hbm>>) target(%arg21 : memref<128xf32, #tpu.memory_space<vmem>>) offsets(%arg15 : memref<128xi32, #tpu.memory_space<vmem>>) semaphore(%arg31 : memref<!tpu.dma_semaphore, #tpu.memory_space<semaphore_mem>>)
    %add3A_26 = arith.constant 32 : i32
    %add3A_27 = arith.addi %add3A, %add3A_26 : i32
    %mul3A_28 = arith.constant 128 : i32
    %mul3A_29 = arith.muli %add3A_27, %mul3A_28 : i32
    %dma_start3A_30 = tpu.memref_slice %arg5[%mul3A_29] : memref<327680xi32, #tpu.memory_space<hbm>> -> memref<128xi32, #tpu.memory_space<hbm>>
    %dma_start3A_31 = tpu.memref_slice %arg5[%mul3A_29] : memref<327680xi32, #tpu.memory_space<hbm>> -> memref<128xi32, #tpu.memory_space<hbm>>
    tpu.enqueue_dma source(%dma_start3A_31 : memref<128xi32, #tpu.memory_space<hbm>>) target(%arg14 : memref<128xi32, #tpu.memory_space<vmem>>) target_semaphore(%arg34 : memref<!tpu.dma_semaphore, #tpu.memory_space<semaphore_mem>>)
    %dma_start3A_32 = tpu.memref_slice %arg6[%mul3A_29] : memref<327680xi32, #tpu.memory_space<hbm>> -> memref<128xi32, #tpu.memory_space<hbm>>
    %dma_start3A_33 = tpu.memref_slice %arg6[%mul3A_29] : memref<327680xi32, #tpu.memory_space<hbm>> -> memref<128xi32, #tpu.memory_space<hbm>>
    tpu.enqueue_dma source(%dma_start3A_33 : memref<128xi32, #tpu.memory_space<hbm>>) target(%arg16 : memref<128xi32, #tpu.memory_space<vmem>>) target_semaphore(%arg36 : memref<!tpu.dma_semaphore, #tpu.memory_space<semaphore_mem>>)
    %dma_wait3A_34 = arith.constant 0 : i32
    %dma_wait3A_35 = tpu.memref_slice %arg5[%dma_wait3A_34] : memref<327680xi32, #tpu.memory_space<hbm>> -> memref<128xi32, #tpu.memory_space<hbm>>
    %dma_wait3A_36 = arith.constant 0 : i32
    %dma_wait3A_37 = tpu.memref_slice %arg5[%dma_wait3A_36] : memref<327680xi32, #tpu.memory_space<hbm>> -> memref<128xi32, #tpu.memory_space<hbm>>
    tpu.wait_dma2 semaphore(%arg34 : memref<!tpu.dma_semaphore, #tpu.memory_space<semaphore_mem>>) src(%dma_wait3A_37 : memref<128xi32, #tpu.memory_space<hbm>>) dst(%arg14 : memref<128xi32, #tpu.memory_space<vmem>>)
    %dma_wait3A_38 = arith.constant 0 : i32
    %dma_wait3A_39 = tpu.memref_slice %arg6[%dma_wait3A_38] : memref<327680xi32, #tpu.memory_space<hbm>> -> memref<128xi32, #tpu.memory_space<hbm>>
    %dma_wait3A_40 = arith.constant 0 : i32
    %dma_wait3A_41 = tpu.memref_slice %arg6[%dma_wait3A_40] : memref<327680xi32, #tpu.memory_space<hbm>> -> memref<128xi32, #tpu.memory_space<hbm>>
    tpu.wait_dma2 semaphore(%arg36 : memref<!tpu.dma_semaphore, #tpu.memory_space<semaphore_mem>>) src(%dma_wait3A_41 : memref<128xi32, #tpu.memory_space<hbm>>) dst(%arg16 : memref<128xi32, #tpu.memory_space<vmem>>)
    %dma_start3A_42 = arith.constant 0 : i32
    %dma_start3A_43 = arith.constant 0 : i32
    %dma_start3A_44 = tpu.memref_slice %arg2[%dma_start3A_42, %dma_start3A_43] : memref<10240x16xf32, #tpu.memory_space<hbm>> -> memref<10240x16xf32, #tpu.memory_space<hbm>>
    tpu.enqueue_indirect_dma source(%dma_start3A_44 : memref<10240x16xf32, #tpu.memory_space<hbm>>) target(%arg18 : memref<128x16xf32, #tpu.memory_space<vmem>>) offsets(%arg14 : memref<128xi32, #tpu.memory_space<vmem>>) semaphore(%arg28 : memref<!tpu.dma_semaphore, #tpu.memory_space<semaphore_mem>>)
    %dma_start3A_45 = arith.constant 0 : i32
    %dma_start3A_46 = tpu.memref_slice %arg3[%dma_start3A_45] : memref<10240xf32, #tpu.memory_space<hbm>> -> memref<10240xf32, #tpu.memory_space<hbm>>
    tpu.enqueue_indirect_dma source(%dma_start3A_46 : memref<10240xf32, #tpu.memory_space<hbm>>) target(%arg20 : memref<128xf32, #tpu.memory_space<vmem>>) offsets(%arg14 : memref<128xi32, #tpu.memory_space<vmem>>) semaphore(%arg30 : memref<!tpu.dma_semaphore, #tpu.memory_space<semaphore_mem>>)
    %dma_start3A_47 = arith.constant 0 : i32
    %dma_start3A_48 = tpu.memref_slice %arg4[%dma_start3A_47] : memref<10240xf32, #tpu.memory_space<hbm>> -> memref<10240xf32, #tpu.memory_space<hbm>>
    tpu.enqueue_indirect_dma source(%dma_start3A_48 : memref<10240xf32, #tpu.memory_space<hbm>>) target(%arg22 : memref<128xf32, #tpu.memory_space<vmem>>) offsets(%arg16 : memref<128xi32, #tpu.memory_space<vmem>>) semaphore(%arg32 : memref<!tpu.dma_semaphore, #tpu.memory_space<semaphore_mem>>)
    %scan3A = arith.constant 0 : i32
    %scan3A_49 = arith.constant 40 : i32
    %scan3A_50 = arith.addi %scan3A, %scan3A_49 : i32
    %scan3A_51 = arith.constant 1 : i32
    scf.for %scan3A_54 = %scan3A to %scan3A_50 step %scan3A_51  : i32 {
      %mul3A_55 = arith.constant 2 : i32
      %mul3A_56 = arith.muli %scan3A_54, %mul3A_55 : i32
      %add3A_57 = arith.constant 0 : i32
      %add3A_58 = arith.addi %add3A_57, %mul3A_56 : i32
      %add3A_59 = arith.constant 0 : i32
      %add3A_60 = arith.addi %add3A_58, %add3A_59 : i32
      %dma_wait3A_61 = arith.constant 0 : i32
      %dma_wait3A_62 = arith.constant 0 : i32
      %dma_wait3A_63 = tpu.memref_slice %arg2[%dma_wait3A_61, %dma_wait3A_62] : memref<10240x16xf32, #tpu.memory_space<hbm>> -> memref<128x16xf32, #tpu.memory_space<hbm>>
      %dma_wait3A_64 = arith.constant 0 : i32
      %dma_wait3A_65 = arith.constant 0 : i32
      %dma_wait3A_66 = tpu.memref_slice %arg2[%dma_wait3A_64, %dma_wait3A_65] : memref<10240x16xf32, #tpu.memory_space<hbm>> -> memref<128x16xf32, #tpu.memory_space<hbm>>
      tpu.wait_dma2 semaphore(%arg27 : memref<!tpu.dma_semaphore, #tpu.memory_space<semaphore_mem>>) src(%dma_wait3A_66 : memref<128x16xf32, #tpu.memory_space<hbm>>) dst(%arg17 : memref<128x16xf32, #tpu.memory_space<vmem>>)
      %dma_wait3A_67 = arith.constant 0 : i32
      %dma_wait3A_68 = tpu.memref_slice %arg3[%dma_wait3A_67] : memref<10240xf32, #tpu.memory_space<hbm>> -> memref<128xf32, #tpu.memory_space<hbm>>
      %dma_wait3A_69 = arith.constant 0 : i32
      %dma_wait3A_70 = tpu.memref_slice %arg3[%dma_wait3A_69] : memref<10240xf32, #tpu.memory_space<hbm>> -> memref<128xf32, #tpu.memory_space<hbm>>
      tpu.wait_dma2 semaphore(%arg29 : memref<!tpu.dma_semaphore, #tpu.memory_space<semaphore_mem>>) src(%dma_wait3A_70 : memref<128xf32, #tpu.memory_space<hbm>>) dst(%arg19 : memref<128xf32, #tpu.memory_space<vmem>>)
      %dma_wait3A_71 = arith.constant 0 : i32
      %dma_wait3A_72 = tpu.memref_slice %arg4[%dma_wait3A_71] : memref<10240xf32, #tpu.memory_space<hbm>> -> memref<128xf32, #tpu.memory_space<hbm>>
      %dma_wait3A_73 = arith.constant 0 : i32
      %dma_wait3A_74 = tpu.memref_slice %arg4[%dma_wait3A_73] : memref<10240xf32, #tpu.memory_space<hbm>> -> memref<128xf32, #tpu.memory_space<hbm>>
      tpu.wait_dma2 semaphore(%arg31 : memref<!tpu.dma_semaphore, #tpu.memory_space<semaphore_mem>>) src(%dma_wait3A_74 : memref<128xf32, #tpu.memory_space<hbm>>) dst(%arg21 : memref<128xf32, #tpu.memory_space<vmem>>)
      %get3A = arith.constant 0 : index
      %get3A_75 = tpu.vector_load %arg19[%get3A] {strides = array<i32>} : memref<128xf32, #tpu.memory_space<vmem>>, vector<16xf32>,
      %get3A_76 = vector.shape_cast %get3A_75 : vector<16xf32> to vector<16xf32>
      %get3A_77 = arith.constant 0 : index
      %get3A_78 = tpu.vector_load %arg21[%get3A_77] {strides = array<i32>} : memref<128xf32, #tpu.memory_space<vmem>>, vector<16xf32>,
      %get3A_79 = vector.shape_cast %get3A_78 : vector<16xf32> to vector<16xf32>
      %add3A_80 = arith.addf %get3A_76, %get3A_79 : vector<16xf32>
      %mul3A_81 = arith.constant 2.000000e-01 : f32
      %mul3A_82 = vector.broadcast %mul3A_81 : f32 to vector<16xf32>
      %mul3A_83 = arith.mulf %mul3A_82, %add3A_80 : vector<16xf32>
      %max3A = arith.maximumf %add3A_80, %mul3A_83 : vector<16xf32>
      %exp3A = math.exp %max3A : vector<16xf32>
      %swap3A = arith.constant 0 : index
      %swap3A_84 = tpu.vector_load %arg23[%swap3A] {strides = array<i32>} : memref<128xf32, #tpu.memory_space<vmem>>, vector<16xf32>,
      %swap3A_85 = vector.shape_cast %swap3A_84 : vector<16xf32> to vector<16xf32>
      %swap3A_86 = vector.shape_cast %exp3A : vector<16xf32> to vector<16xf32>
      tpu.vector_store %arg23[%swap3A], %swap3A_86 {strides = array<i32>} : memref<128xf32, #tpu.memory_space<vmem>>, vector<16xf32>,
      %get3A_87 = arith.constant 16 : index
      %get3A_88 = tpu.vector_load %arg19[%get3A_87] {strides = array<i32>} : memref<128xf32, #tpu.memory_space<vmem>>, vector<16xf32>,
      %get3A_89 = vector.shape_cast %get3A_88 : vector<16xf32> to vector<16xf32>
      %get3A_90 = arith.constant 16 : index
      %get3A_91 = tpu.vector_load %arg21[%get3A_90] {strides = array<i32>} : memref<128xf32, #tpu.memory_space<vmem>>, vector<16xf32>,
      %get3A_92 = vector.shape_cast %get3A_91 : vector<16xf32> to vector<16xf32>
      %add3A_93 = arith.addf %get3A_89, %get3A_92 : vector<16xf32>
      %mul3A_94 = arith.constant 2.000000e-01 : f32
      %mul3A_95 = vector.broadcast %mul3A_94 : f32 to vector<16xf32>
      %mul3A_96 = arith.mulf %mul3A_95, %add3A_93 : vector<16xf32>
      %max3A_97 = arith.maximumf %add3A_93, %mul3A_96 : vector<16xf32>
      %exp3A_98 = math.exp %max3A_97 : vector<16xf32>
      %swap3A_99 = arith.constant 16 : index
      %swap3A_100 = tpu.vector_load %arg23[%swap3A_99] {strides = array<i32>} : memref<128xf32, #tpu.memory_space<vmem>>, vector<16xf32>,
      %swap3A_101 = vector.shape_cast %swap3A_100 : vector<16xf32> to vector<16xf32>
      %swap3A_102 = vector.shape_cast %exp3A_98 : vector<16xf32> to vector<16xf32>
      tpu.vector_store %arg23[%swap3A_99], %swap3A_102 {strides = array<i32>} : memref<128xf32, #tpu.memory_space<vmem>>, vector<16xf32>,
      %get3A_103 = arith.constant 32 : index
      %get3A_104 = tpu.vector_load %arg19[%get3A_103] {strides = array<i32>} : memref<128xf32, #tpu.memory_space<vmem>>, vector<16xf32>,
      %get3A_105 = vector.shape_cast %get3A_104 : vector<16xf32> to vector<16xf32>
      %get3A_106 = arith.constant 32 : index
      %get3A_107 = tpu.vector_load %arg21[%get3A_106] {strides = array<i32>} : memref<128xf32, #tpu.memory_space<vmem>>, vector<16xf32>,
      %get3A_108 = vector.shape_cast %get3A_107 : vector<16xf32> to vector<16xf32>
      %add3A_109 = arith.addf %get3A_105, %get3A_108 : vector<16xf32>
      %mul3A_110 = arith.constant 2.000000e-01 : f32
      %mul3A_111 = vector.broadcast %mul3A_110 : f32 to vector<16xf32>
      %mul3A_112 = arith.mulf %mul3A_111, %add3A_109 : vector<16xf32>
      %max3A_113 = arith.maximumf %add3A_109, %mul3A_112 : vector<16xf32>
      %exp3A_114 = math.exp %max3A_113 : vector<16xf32>
      %swap3A_115 = arith.constant 32 : index
      %swap3A_116 = tpu.vector_load %arg23[%swap3A_115] {strides = array<i32>} : memref<128xf32, #tpu.memory_space<vmem>>, vector<16xf32>,
      %swap3A_117 = vector.shape_cast %swap3A_116 : vector<16xf32> to vector<16xf32>
      %swap3A_118 = vector.shape_cast %exp3A_114 : vector<16xf32> to vector<16xf32>
      tpu.vector_store %arg23[%swap3A_115], %swap3A_118 {strides = array<i32>} : memref<128xf32, #tpu.memory_space<vmem>>, vector<16xf32>,
      %get3A_119 = arith.constant 48 : index
      %get3A_120 = tpu.vector_load %arg19[%get3A_119] {strides = array<i32>} : memref<128xf32, #tpu.memory_space<vmem>>, vector<16xf32>,
      %get3A_121 = vector.shape_cast %get3A_120 : vector<16xf32> to vector<16xf32>
      %get3A_122 = arith.constant 48 : index
      %get3A_123 = tpu.vector_load %arg21[%get3A_122] {strides = array<i32>} : memref<128xf32, #tpu.memory_space<vmem>>, vector<16xf32>,
      %get3A_124 = vector.shape_cast %get3A_123 : vector<16xf32> to vector<16xf32>
      %add3A_125 = arith.addf %get3A_121, %get3A_124 : vector<16xf32>
      %mul3A_126 = arith.constant 2.000000e-01 : f32
      %mul3A_127 = vector.broadcast %mul3A_126 : f32 to vector<16xf32>
      %mul3A_128 = arith.mulf %mul3A_127, %add3A_125 : vector<16xf32>
      %max3A_129 = arith.maximumf %add3A_125, %mul3A_128 : vector<16xf32>
      %exp3A_130 = math.exp %max3A_129 : vector<16xf32>
      %swap3A_131 = arith.constant 48 : index
      %swap3A_132 = tpu.vector_load %arg23[%swap3A_131] {strides = array<i32>} : memref<128xf32, #tpu.memory_space<vmem>>, vector<16xf32>,
      %swap3A_133 = vector.shape_cast %swap3A_132 : vector<16xf32> to vector<16xf32>
      %swap3A_134 = vector.shape_cast %exp3A_130 : vector<16xf32> to vector<16xf32>
      tpu.vector_store %arg23[%swap3A_131], %swap3A_134 {strides = array<i32>} : memref<128xf32, #tpu.memory_space<vmem>>, vector<16xf32>,
      %get3A_135 = arith.constant 64 : index
      %get3A_136 = tpu.vector_load %arg19[%get3A_135] {strides = array<i32>} : memref<128xf32, #tpu.memory_space<vmem>>, vector<16xf32>,
      %get3A_137 = vector.shape_cast %get3A_136 : vector<16xf32> to vector<16xf32>
      %get3A_138 = arith.constant 64 : index
      %get3A_139 = tpu.vector_load %arg21[%get3A_138] {strides = array<i32>} : memref<128xf32, #tpu.memory_space<vmem>>, vector<16xf32>,
      %get3A_140 = vector.shape_cast %get3A_139 : vector<16xf32> to vector<16xf32>
      %add3A_141 = arith.addf %get3A_137, %get3A_140 : vector<16xf32>
      %mul3A_142 = arith.constant 2.000000e-01 : f32
      %mul3A_143 = vector.broadcast %mul3A_142 : f32 to vector<16xf32>
      %mul3A_144 = arith.mulf %mul3A_143, %add3A_141 : vector<16xf32>
      %max3A_145 = arith.maximumf %add3A_141, %mul3A_144 : vector<16xf32>
      %exp3A_146 = math.exp %max3A_145 : vector<16xf32>
      %swap3A_147 = arith.constant 64 : index
      %swap3A_148 = tpu.vector_load %arg23[%swap3A_147] {strides = array<i32>} : memref<128xf32, #tpu.memory_space<vmem>>, vector<16xf32>,
      %swap3A_149 = vector.shape_cast %swap3A_148 : vector<16xf32> to vector<16xf32>
      %swap3A_150 = vector.shape_cast %exp3A_146 : vector<16xf32> to vector<16xf32>
      tpu.vector_store %arg23[%swap3A_147], %swap3A_150 {strides = array<i32>} : memref<128xf32, #tpu.memory_space<vmem>>, vector<16xf32>,
      %get3A_151 = arith.constant 80 : index
      %get3A_152 = tpu.vector_load %arg19[%get3A_151] {strides = array<i32>} : memref<128xf32, #tpu.memory_space<vmem>>, vector<16xf32>,
      %get3A_153 = vector.shape_cast %get3A_152 : vector<16xf32> to vector<16xf32>
      %get3A_154 = arith.constant 80 : index
      %get3A_155 = tpu.vector_load %arg21[%get3A_154] {strides = array<i32>} : memref<128xf32, #tpu.memory_space<vmem>>, vector<16xf32>,
      %get3A_156 = vector.shape_cast %get3A_155 : vector<16xf32> to vector<16xf32>
      %add3A_157 = arith.addf %get3A_153, %get3A_156 : vector<16xf32>
      %mul3A_158 = arith.constant 2.000000e-01 : f32
      %mul3A_159 = vector.broadcast %mul3A_158 : f32 to vector<16xf32>
      %mul3A_160 = arith.mulf %mul3A_159, %add3A_157 : vector<16xf32>
      %max3A_161 = arith.maximumf %add3A_157, %mul3A_160 : vector<16xf32>
      %exp3A_162 = math.exp %max3A_161 : vector<16xf32>
      %swap3A_163 = arith.constant 80 : index
      %swap3A_164 = tpu.vector_load %arg23[%swap3A_163] {strides = array<i32>} : memref<128xf32, #tpu.memory_space<vmem>>, vector<16xf32>,
      %swap3A_165 = vector.shape_cast %swap3A_164 : vector<16xf32> to vector<16xf32>
      %swap3A_166 = vector.shape_cast %exp3A_162 : vector<16xf32> to vector<16xf32>
      tpu.vector_store %arg23[%swap3A_163], %swap3A_166 {strides = array<i32>} : memref<128xf32, #tpu.memory_space<vmem>>, vector<16xf32>,
      %get3A_167 = arith.constant 96 : index
      %get3A_168 = tpu.vector_load %arg19[%get3A_167] {strides = array<i32>} : memref<128xf32, #tpu.memory_space<vmem>>, vector<16xf32>,
      %get3A_169 = vector.shape_cast %get3A_168 : vector<16xf32> to vector<16xf32>
      %get3A_170 = arith.constant 96 : index
      %get3A_171 = tpu.vector_load %arg21[%get3A_170] {strides = array<i32>} : memref<128xf32, #tpu.memory_space<vmem>>, vector<16xf32>,
      %get3A_172 = vector.shape_cast %get3A_171 : vector<16xf32> to vector<16xf32>
      %add3A_173 = arith.addf %get3A_169, %get3A_172 : vector<16xf32>
      %mul3A_174 = arith.constant 2.000000e-01 : f32
      %mul3A_175 = vector.broadcast %mul3A_174 : f32 to vector<16xf32>
      %mul3A_176 = arith.mulf %mul3A_175, %add3A_173 : vector<16xf32>
      %max3A_177 = arith.maximumf %add3A_173, %mul3A_176 : vector<16xf32>
      %exp3A_178 = math.exp %max3A_177 : vector<16xf32>
      %swap3A_179 = arith.constant 96 : index
      %swap3A_180 = tpu.vector_load %arg23[%swap3A_179] {strides = array<i32>} : memref<128xf32, #tpu.memory_space<vmem>>, vector<16xf32>,
      %swap3A_181 = vector.shape_cast %swap3A_180 : vector<16xf32> to vector<16xf32>
      %swap3A_182 = vector.shape_cast %exp3A_178 : vector<16xf32> to vector<16xf32>
      tpu.vector_store %arg23[%swap3A_179], %swap3A_182 {strides = array<i32>} : memref<128xf32, #tpu.memory_space<vmem>>, vector<16xf32>,
      %get3A_183 = arith.constant 112 : index
      %get3A_184 = tpu.vector_load %arg19[%get3A_183] {strides = array<i32>} : memref<128xf32, #tpu.memory_space<vmem>>, vector<16xf32>,
      %get3A_185 = vector.shape_cast %get3A_184 : vector<16xf32> to vector<16xf32>
      %get3A_186 = arith.constant 112 : index
      %get3A_187 = tpu.vector_load %arg21[%get3A_186] {strides = array<i32>} : memref<128xf32, #tpu.memory_space<vmem>>, vector<16xf32>,
      %get3A_188 = vector.shape_cast %get3A_187 : vector<16xf32> to vector<16xf32>
      %add3A_189 = arith.addf %get3A_185, %get3A_188 : vector<16xf32>
      %mul3A_190 = arith.constant 2.000000e-01 : f32
      %mul3A_191 = vector.broadcast %mul3A_190 : f32 to vector<16xf32>
      %mul3A_192 = arith.mulf %mul3A_191, %add3A_189 : vector<16xf32>
      %max3A_193 = arith.maximumf %add3A_189, %mul3A_192 : vector<16xf32>
      %exp3A_194 = math.exp %max3A_193 : vector<16xf32>
      %swap3A_195 = arith.constant 112 : index
      %swap3A_196 = tpu.vector_load %arg23[%swap3A_195] {strides = array<i32>} : memref<128xf32, #tpu.memory_space<vmem>>, vector<16xf32>,
      %swap3A_197 = vector.shape_cast %swap3A_196 : vector<16xf32> to vector<16xf32>
      %swap3A_198 = vector.shape_cast %exp3A_194 : vector<16xf32> to vector<16xf32>
      tpu.vector_store %arg23[%swap3A_195], %swap3A_198 {strides = array<i32>} : memref<128xf32, #tpu.memory_space<vmem>>, vector<16xf32>,
      %broadcast_in_dim3A = arith.constant 0 : i32
      %broadcast_in_dim3A_199 = vector.broadcast %broadcast_in_dim3A : i32 to vector<16xi32>
      %broadcast_in_dim3A_200 = arith.constant 1 : i32
      %broadcast_in_dim3A_201 = vector.broadcast %broadcast_in_dim3A_200 : i32 to vector<16xi32>
      %broadcast_in_dim3A_202 = arith.constant 2 : i32
      %broadcast_in_dim3A_203 = vector.broadcast %broadcast_in_dim3A_202 : i32 to vector<16xi32>
      %broadcast_in_dim3A_204 = arith.constant 3 : i32
      %broadcast_in_dim3A_205 = vector.broadcast %broadcast_in_dim3A_204 : i32 to vector<16xi32>
      %broadcast_in_dim3A_206 = arith.constant 4 : i32
      %broadcast_in_dim3A_207 = vector.broadcast %broadcast_in_dim3A_206 : i32 to vector<16xi32>
      %broadcast_in_dim3A_208 = arith.constant 5 : i32
      %broadcast_in_dim3A_209 = vector.broadcast %broadcast_in_dim3A_208 : i32 to vector<16xi32>
      %broadcast_in_dim3A_210 = arith.constant 6 : i32
      %broadcast_in_dim3A_211 = vector.broadcast %broadcast_in_dim3A_210 : i32 to vector<16xi32>
      %broadcast_in_dim3A_212 = arith.constant 7 : i32
      %broadcast_in_dim3A_213 = vector.broadcast %broadcast_in_dim3A_212 : i32 to vector<16xi32>
      %broadcast_in_dim3A_214 = arith.constant 8 : i32
      %broadcast_in_dim3A_215 = vector.broadcast %broadcast_in_dim3A_214 : i32 to vector<16xi32>
      %broadcast_in_dim3A_216 = arith.constant 9 : i32
      %broadcast_in_dim3A_217 = vector.broadcast %broadcast_in_dim3A_216 : i32 to vector<16xi32>
      %broadcast_in_dim3A_218 = arith.constant 10 : i32
      %broadcast_in_dim3A_219 = vector.broadcast %broadcast_in_dim3A_218 : i32 to vector<16xi32>
      %broadcast_in_dim3A_220 = arith.constant 11 : i32
      %broadcast_in_dim3A_221 = vector.broadcast %broadcast_in_dim3A_220 : i32 to vector<16xi32>
      %broadcast_in_dim3A_222 = arith.constant 12 : i32
      %broadcast_in_dim3A_223 = vector.broadcast %broadcast_in_dim3A_222 : i32 to vector<16xi32>
      %broadcast_in_dim3A_224 = arith.constant 13 : i32
      %broadcast_in_dim3A_225 = vector.broadcast %broadcast_in_dim3A_224 : i32 to vector<16xi32>
      %broadcast_in_dim3A_226 = arith.constant 14 : i32
      %broadcast_in_dim3A_227 = vector.broadcast %broadcast_in_dim3A_226 : i32 to vector<16xi32>
      %broadcast_in_dim3A_228 = arith.constant 15 : i32
      %broadcast_in_dim3A_229 = vector.broadcast %broadcast_in_dim3A_228 : i32 to vector<16xi32>
      %scan3A_230 = arith.constant 0 : i32
      %scan3A_231 = arith.constant 0 : i32
      %scan3A_232 = arith.constant 8 : i32
      %scan3A_233 = arith.addi %scan3A_231, %scan3A_232 : i32
      %scan3A_234 = arith.constant 1 : i32
      scf.for %scan3A_429 = %scan3A_231 to %scan3A_233 step %scan3A_234  : i32 {
        %mul3A_430 = arith.constant 16 : i32
        %mul3A_431 = arith.muli %scan3A_429, %mul3A_430 : i32
        %get3A_432 = arith.index_cast %mul3A_431 : i32 to index
        %get3A_433 = tpu.vector_load %arg23[%get3A_432] {strides = array<i32>} : memref<128xf32, #tpu.memory_space<vmem>>, vector<16xf32>,
        %get3A_434 = vector.shape_cast %get3A_433 : vector<16xf32> to vector<16xf32>
        %mul3A_435 = arith.constant 16 : i32
        %mul3A_436 = arith.muli %scan3A_429, %mul3A_435 : i32
        %add3A_437 = arith.constant 0 : i32
        %add3A_438 = arith.addi %mul3A_436, %add3A_437 : i32
        %lt3A_439 = arith.constant 0 : i32
        %lt3A_440 = vector.broadcast %lt3A_439 : i32 to vector<16xi32>
        %lt3A_441 = arith.cmpi slt, %broadcast_in_dim3A_199, %lt3A_440 : vector<16xi32>
        %add3A_442 = arith.constant 16 : i32
        %add3A_443 = vector.broadcast %add3A_442 : i32 to vector<16xi32>
        %add3A_444 = arith.addi %broadcast_in_dim3A_199, %add3A_443 : vector<16xi32>
        %select_n3A = arith.select %lt3A_441, %add3A_444, %broadcast_in_dim3A_199 : vector<16xi1>, vector<16xi32>
        %broadcast_in_dim3A_445 = vector.shape_cast %select_n3A : vector<16xi32> to vector<16x1xi32>
        %gather3A = vector.shape_cast %broadcast_in_dim3A_445 : vector<16x1xi32> to vector<16xi32>
        %gather3A_446 = tpu.dynamic_gather %get3A_434[%gather3A] in [0] : vector<16xf32>, vector<16xi32> -> vector<16xf32>
        %get3A_447 = arith.index_cast %add3A_438 : i32 to index
        %get3A_448 = arith.constant 0 : index
        %get3A_449 = tpu.vector_load %arg17[%get3A_447, %get3A_448] {strides = array<i32>} : memref<128x16xf32, #tpu.memory_space<vmem>>, vector<1x16xf32>,
        %get3A_450 = vector.shape_cast %get3A_449 : vector<1x16xf32> to vector<16xf32>
        %mul3A_451 = arith.mulf %gather3A_446, %get3A_450 : vector<16xf32>
        %swap3A_452 = arith.index_cast %add3A_438 : i32 to index
        %swap3A_453 = arith.constant 0 : index
        %swap3A_454 = tpu.vector_load %arg25[%swap3A_452, %swap3A_453] {strides = array<i32>} : memref<128x16xf32, #tpu.memory_space<vmem>>, vector<1x16xf32>,
        %swap3A_455 = vector.shape_cast %swap3A_454 : vector<1x16xf32> to vector<16xf32>
        %swap3A_456 = vector.shape_cast %mul3A_451 : vector<16xf32> to vector<1x16xf32>
        tpu.vector_store %arg25[%swap3A_452, %swap3A_453], %swap3A_456 {strides = array<i32>} : memref<128x16xf32, #tpu.memory_space<vmem>>, vector<1x16xf32>,
        %mul3A_457 = arith.constant 16 : i32
        %mul3A_458 = arith.muli %scan3A_429, %mul3A_457 : i32
        %add3A_459 = arith.constant 1 : i32
        %add3A_460 = arith.addi %mul3A_458, %add3A_459 : i32
        %lt3A_461 = arith.constant 0 : i32
        %lt3A_462 = vector.broadcast %lt3A_461 : i32 to vector<16xi32>
        %lt3A_463 = arith.cmpi slt, %broadcast_in_dim3A_201, %lt3A_462 : vector<16xi32>
        %add3A_464 = arith.constant 16 : i32
        %add3A_465 = vector.broadcast %add3A_464 : i32 to vector<16xi32>
        %add3A_466 = arith.addi %broadcast_in_dim3A_201, %add3A_465 : vector<16xi32>
        %select_n3A_467 = arith.select %lt3A_463, %add3A_466, %broadcast_in_dim3A_201 : vector<16xi1>, vector<16xi32>
        %broadcast_in_dim3A_468 = vector.shape_cast %select_n3A_467 : vector<16xi32> to vector<16x1xi32>
        %gather3A_469 = vector.shape_cast %broadcast_in_dim3A_468 : vector<16x1xi32> to vector<16xi32>
        %gather3A_470 = tpu.dynamic_gather %get3A_434[%gather3A_469] in [0] : vector<16xf32>, vector<16xi32> -> vector<16xf32>
        %get3A_471 = arith.index_cast %add3A_460 : i32 to index
        %get3A_472 = arith.constant 0 : index
        %get3A_473 = tpu.vector_load %arg17[%get3A_471, %get3A_472] {strides = array<i32>} : memref<128x16xf32, #tpu.memory_space<vmem>>, vector<1x16xf32>,
        %get3A_474 = vector.shape_cast %get3A_473 : vector<1x16xf32> to vector<16xf32>
        %mul3A_475 = arith.mulf %gather3A_470, %get3A_474 : vector<16xf32>
        %swap3A_476 = arith.index_cast %add3A_460 : i32 to index
        %swap3A_477 = arith.constant 0 : index
        %swap3A_478 = tpu.vector_load %arg25[%swap3A_476, %swap3A_477] {strides = array<i32>} : memref<128x16xf32, #tpu.memory_space<vmem>>, vector<1x16xf32>,
        %swap3A_479 = vector.shape_cast %swap3A_478 : vector<1x16xf32> to vector<16xf32>
        %swap3A_480 = vector.shape_cast %mul3A_475 : vector<16xf32> to vector<1x16xf32>
        tpu.vector_store %arg25[%swap3A_476, %swap3A_477], %swap3A_480 {strides = array<i32>} : memref<128x16xf32, #tpu.memory_space<vmem>>, vector<1x16xf32>,
        %mul3A_481 = arith.constant 16 : i32
        %mul3A_482 = arith.muli %scan3A_429, %mul3A_481 : i32
        %add3A_483 = arith.constant 2 : i32
        %add3A_484 = arith.addi %mul3A_482, %add3A_483 : i32
        %lt3A_485 = arith.constant 0 : i32
        %lt3A_486 = vector.broadcast %lt3A_485 : i32 to vector<16xi32>
        %lt3A_487 = arith.cmpi slt, %broadcast_in_dim3A_203, %lt3A_486 : vector<16xi32>
        %add3A_488 = arith.constant 16 : i32
        %add3A_489 = vector.broadcast %add3A_488 : i32 to vector<16xi32>
        %add3A_490 = arith.addi %broadcast_in_dim3A_203, %add3A_489 : vector<16xi32>
        %select_n3A_491 = arith.select %lt3A_487, %add3A_490, %broadcast_in_dim3A_203 : vector<16xi1>, vector<16xi32>
        %broadcast_in_dim3A_492 = vector.shape_cast %select_n3A_491 : vector<16xi32> to vector<16x1xi32>
        %gather3A_493 = vector.shape_cast %broadcast_in_dim3A_492 : vector<16x1xi32> to vector<16xi32>
        %gather3A_494 = tpu.dynamic_gather %get3A_434[%gather3A_493] in [0] : vector<16xf32>, vector<16xi32> -> vector<16xf32>
        %get3A_495 = arith.index_cast %add3A_484 : i32 to index
        %get3A_496 = arith.constant 0 : index
        %get3A_497 = tpu.vector_load %arg17[%get3A_495, %get3A_496] {strides = array<i32>} : memref<128x16xf32, #tpu.memory_space<vmem>>, vector<1x16xf32>,
        %get3A_498 = vector.shape_cast %get3A_497 : vector<1x16xf32> to vector<16xf32>
        %mul3A_499 = arith.mulf %gather3A_494, %get3A_498 : vector<16xf32>
        %swap3A_500 = arith.index_cast %add3A_484 : i32 to index
        %swap3A_501 = arith.constant 0 : index
        %swap3A_502 = tpu.vector_load %arg25[%swap3A_500, %swap3A_501] {strides = array<i32>} : memref<128x16xf32, #tpu.memory_space<vmem>>, vector<1x16xf32>,
        %swap3A_503 = vector.shape_cast %swap3A_502 : vector<1x16xf32> to vector<16xf32>
        %swap3A_504 = vector.shape_cast %mul3A_499 : vector<16xf32> to vector<1x16xf32>
        tpu.vector_store %arg25[%swap3A_500, %swap3A_501], %swap3A_504 {strides = array<i32>} : memref<128x16xf32, #tpu.memory_space<vmem>>, vector<1x16xf32>,
        %mul3A_505 = arith.constant 16 : i32
        %mul3A_506 = arith.muli %scan3A_429, %mul3A_505 : i32
        %add3A_507 = arith.constant 3 : i32
        %add3A_508 = arith.addi %mul3A_506, %add3A_507 : i32
        %lt3A_509 = arith.constant 0 : i32
        %lt3A_510 = vector.broadcast %lt3A_509 : i32 to vector<16xi32>
        %lt3A_511 = arith.cmpi slt, %broadcast_in_dim3A_205, %lt3A_510 : vector<16xi32>
        %add3A_512 = arith.constant 16 : i32
        %add3A_513 = vector.broadcast %add3A_512 : i32 to vector<16xi32>
        %add3A_514 = arith.addi %broadcast_in_dim3A_205, %add3A_513 : vector<16xi32>
        %select_n3A_515 = arith.select %lt3A_511, %add3A_514, %broadcast_in_dim3A_205 : vector<16xi1>, vector<16xi32>
        %broadcast_in_dim3A_516 = vector.shape_cast %select_n3A_515 : vector<16xi32> to vector<16x1xi32>
        %gather3A_517 = vector.shape_cast %broadcast_in_dim3A_516 : vector<16x1xi32> to vector<16xi32>
        %gather3A_518 = tpu.dynamic_gather %get3A_434[%gather3A_517] in [0] : vector<16xf32>, vector<16xi32> -> vector<16xf32>
        %get3A_519 = arith.index_cast %add3A_508 : i32 to index
        %get3A_520 = arith.constant 0 : index
        %get3A_521 = tpu.vector_load %arg17[%get3A_519, %get3A_520] {strides = array<i32>} : memref<128x16xf32, #tpu.memory_space<vmem>>, vector<1x16xf32>,
        %get3A_522 = vector.shape_cast %get3A_521 : vector<1x16xf32> to vector<16xf32>
        %mul3A_523 = arith.mulf %gather3A_518, %get3A_522 : vector<16xf32>
        %swap3A_524 = arith.index_cast %add3A_508 : i32 to index
        %swap3A_525 = arith.constant 0 : index
        %swap3A_526 = tpu.vector_load %arg25[%swap3A_524, %swap3A_525] {strides = array<i32>} : memref<128x16xf32, #tpu.memory_space<vmem>>, vector<1x16xf32>,
        %swap3A_527 = vector.shape_cast %swap3A_526 : vector<1x16xf32> to vector<16xf32>
        %swap3A_528 = vector.shape_cast %mul3A_523 : vector<16xf32> to vector<1x16xf32>
        tpu.vector_store %arg25[%swap3A_524, %swap3A_525], %swap3A_528 {strides = array<i32>} : memref<128x16xf32, #tpu.memory_space<vmem>>, vector<1x16xf32>,
        %mul3A_529 = arith.constant 16 : i32
        %mul3A_530 = arith.muli %scan3A_429, %mul3A_529 : i32
        %add3A_531 = arith.constant 4 : i32
        %add3A_532 = arith.addi %mul3A_530, %add3A_531 : i32
        %lt3A_533 = arith.constant 0 : i32
        %lt3A_534 = vector.broadcast %lt3A_533 : i32 to vector<16xi32>
        %lt3A_535 = arith.cmpi slt, %broadcast_in_dim3A_207, %lt3A_534 : vector<16xi32>
        %add3A_536 = arith.constant 16 : i32
        %add3A_537 = vector.broadcast %add3A_536 : i32 to vector<16xi32>
        %add3A_538 = arith.addi %broadcast_in_dim3A_207, %add3A_537 : vector<16xi32>
        %select_n3A_539 = arith.select %lt3A_535, %add3A_538, %broadcast_in_dim3A_207 : vector<16xi1>, vector<16xi32>
        %broadcast_in_dim3A_540 = vector.shape_cast %select_n3A_539 : vector<16xi32> to vector<16x1xi32>
        %gather3A_541 = vector.shape_cast %broadcast_in_dim3A_540 : vector<16x1xi32> to vector<16xi32>
        %gather3A_542 = tpu.dynamic_gather %get3A_434[%gather3A_541] in [0] : vector<16xf32>, vector<16xi32> -> vector<16xf32>
        %get3A_543 = arith.index_cast %add3A_532 : i32 to index
        %get3A_544 = arith.constant 0 : index
        %get3A_545 = tpu.vector_load %arg17[%get3A_543, %get3A_544] {strides = array<i32>} : memref<128x16xf32, #tpu.memory_space<vmem>>, vector<1x16xf32>,
        %get3A_546 = vector.shape_cast %get3A_545 : vector<1x16xf32> to vector<16xf32>
        %mul3A_547 = arith.mulf %gather3A_542, %get3A_546 : vector<16xf32>
        %swap3A_548 = arith.index_cast %add3A_532 : i32 to index
        %swap3A_549 = arith.constant 0 : index
        %swap3A_550 = tpu.vector_load %arg25[%swap3A_548, %swap3A_549] {strides = array<i32>} : memref<128x16xf32, #tpu.memory_space<vmem>>, vector<1x16xf32>,
        %swap3A_551 = vector.shape_cast %swap3A_550 : vector<1x16xf32> to vector<16xf32>
        %swap3A_552 = vector.shape_cast %mul3A_547 : vector<16xf32> to vector<1x16xf32>
        tpu.vector_store %arg25[%swap3A_548, %swap3A_549], %swap3A_552 {strides = array<i32>} : memref<128x16xf32, #tpu.memory_space<vmem>>, vector<1x16xf32>,
        %mul3A_553 = arith.constant 16 : i32
        %mul3A_554 = arith.muli %scan3A_429, %mul3A_553 : i32
        %add3A_555 = arith.constant 5 : i32
        %add3A_556 = arith.addi %mul3A_554, %add3A_555 : i32
        %lt3A_557 = arith.constant 0 : i32
        %lt3A_558 = vector.broadcast %lt3A_557 : i32 to vector<16xi32>
        %lt3A_559 = arith.cmpi slt, %broadcast_in_dim3A_209, %lt3A_558 : vector<16xi32>
        %add3A_560 = arith.constant 16 : i32
        %add3A_561 = vector.broadcast %add3A_560 : i32 to vector<16xi32>
        %add3A_562 = arith.addi %broadcast_in_dim3A_209, %add3A_561 : vector<16xi32>
        %select_n3A_563 = arith.select %lt3A_559, %add3A_562, %broadcast_in_dim3A_209 : vector<16xi1>, vector<16xi32>
        %broadcast_in_dim3A_564 = vector.shape_cast %select_n3A_563 : vector<16xi32> to vector<16x1xi32>
        %gather3A_565 = vector.shape_cast %broadcast_in_dim3A_564 : vector<16x1xi32> to vector<16xi32>
        %gather3A_566 = tpu.dynamic_gather %get3A_434[%gather3A_565] in [0] : vector<16xf32>, vector<16xi32> -> vector<16xf32>
        %get3A_567 = arith.index_cast %add3A_556 : i32 to index
        %get3A_568 = arith.constant 0 : index
        %get3A_569 = tpu.vector_load %arg17[%get3A_567, %get3A_568] {strides = array<i32>} : memref<128x16xf32, #tpu.memory_space<vmem>>, vector<1x16xf32>,
        %get3A_570 = vector.shape_cast %get3A_569 : vector<1x16xf32> to vector<16xf32>
        %mul3A_571 = arith.mulf %gather3A_566, %get3A_570 : vector<16xf32>
        %swap3A_572 = arith.index_cast %add3A_556 : i32 to index
        %swap3A_573 = arith.constant 0 : index
        %swap3A_574 = tpu.vector_load %arg25[%swap3A_572, %swap3A_573] {strides = array<i32>} : memref<128x16xf32, #tpu.memory_space<vmem>>, vector<1x16xf32>,
        %swap3A_575 = vector.shape_cast %swap3A_574 : vector<1x16xf32> to vector<16xf32>
        %swap3A_576 = vector.shape_cast %mul3A_571 : vector<16xf32> to vector<1x16xf32>
        tpu.vector_store %arg25[%swap3A_572, %swap3A_573], %swap3A_576 {strides = array<i32>} : memref<128x16xf32, #tpu.memory_space<vmem>>, vector<1x16xf32>,
        %mul3A_577 = arith.constant 16 : i32
        %mul3A_578 = arith.muli %scan3A_429, %mul3A_577 : i32
        %add3A_579 = arith.constant 6 : i32
        %add3A_580 = arith.addi %mul3A_578, %add3A_579 : i32
        %lt3A_581 = arith.constant 0 : i32
        %lt3A_582 = vector.broadcast %lt3A_581 : i32 to vector<16xi32>
        %lt3A_583 = arith.cmpi slt, %broadcast_in_dim3A_211, %lt3A_582 : vector<16xi32>
        %add3A_584 = arith.constant 16 : i32
        %add3A_585 = vector.broadcast %add3A_584 : i32 to vector<16xi32>
        %add3A_586 = arith.addi %broadcast_in_dim3A_211, %add3A_585 : vector<16xi32>
        %select_n3A_587 = arith.select %lt3A_583, %add3A_586, %broadcast_in_dim3A_211 : vector<16xi1>, vector<16xi32>
        %broadcast_in_dim3A_588 = vector.shape_cast %select_n3A_587 : vector<16xi32> to vector<16x1xi32>
        %gather3A_589 = vector.shape_cast %broadcast_in_dim3A_588 : vector<16x1xi32> to vector<16xi32>
        %gather3A_590 = tpu.dynamic_gather %get3A_434[%gather3A_589] in [0] : vector<16xf32>, vector<16xi32> -> vector<16xf32>
        %get3A_591 = arith.index_cast %add3A_580 : i32 to index
        %get3A_592 = arith.constant 0 : index
        %get3A_593 = tpu.vector_load %arg17[%get3A_591, %get3A_592] {strides = array<i32>} : memref<128x16xf32, #tpu.memory_space<vmem>>, vector<1x16xf32>,
        %get3A_594 = vector.shape_cast %get3A_593 : vector<1x16xf32> to vector<16xf32>
        %mul3A_595 = arith.mulf %gather3A_590, %get3A_594 : vector<16xf32>
        %swap3A_596 = arith.index_cast %add3A_580 : i32 to index
        %swap3A_597 = arith.constant 0 : index
        %swap3A_598 = tpu.vector_load %arg25[%swap3A_596, %swap3A_597] {strides = array<i32>} : memref<128x16xf32, #tpu.memory_space<vmem>>, vector<1x16xf32>,
        %swap3A_599 = vector.shape_cast %swap3A_598 : vector<1x16xf32> to vector<16xf32>
        %swap3A_600 = vector.shape_cast %mul3A_595 : vector<16xf32> to vector<1x16xf32>
        tpu.vector_store %arg25[%swap3A_596, %swap3A_597], %swap3A_600 {strides = array<i32>} : memref<128x16xf32, #tpu.memory_space<vmem>>, vector<1x16xf32>,
        %mul3A_601 = arith.constant 16 : i32
        %mul3A_602 = arith.muli %scan3A_429, %mul3A_601 : i32
        %add3A_603 = arith.constant 7 : i32
        %add3A_604 = arith.addi %mul3A_602, %add3A_603 : i32
        %lt3A_605 = arith.constant 0 : i32
        %lt3A_606 = vector.broadcast %lt3A_605 : i32 to vector<16xi32>
        %lt3A_607 = arith.cmpi slt, %broadcast_in_dim3A_213, %lt3A_606 : vector<16xi32>
        %add3A_608 = arith.constant 16 : i32
        %add3A_609 = vector.broadcast %add3A_608 : i32 to vector<16xi32>
        %add3A_610 = arith.addi %broadcast_in_dim3A_213, %add3A_609 : vector<16xi32>
        %select_n3A_611 = arith.select %lt3A_607, %add3A_610, %broadcast_in_dim3A_213 : vector<16xi1>, vector<16xi32>
        %broadcast_in_dim3A_612 = vector.shape_cast %select_n3A_611 : vector<16xi32> to vector<16x1xi32>
        %gather3A_613 = vector.shape_cast %broadcast_in_dim3A_612 : vector<16x1xi32> to vector<16xi32>
        %gather3A_614 = tpu.dynamic_gather %get3A_434[%gather3A_613] in [0] : vector<16xf32>, vector<16xi32> -> vector<16xf32>
        %get3A_615 = arith.index_cast %add3A_604 : i32 to index
        %get3A_616 = arith.constant 0 : index
        %get3A_617 = tpu.vector_load %arg17[%get3A_615, %get3A_616] {strides = array<i32>} : memref<128x16xf32, #tpu.memory_space<vmem>>, vector<1x16xf32>,
        %get3A_618 = vector.shape_cast %get3A_617 : vector<1x16xf32> to vector<16xf32>
        %mul3A_619 = arith.mulf %gather3A_614, %get3A_618 : vector<16xf32>
        %swap3A_620 = arith.index_cast %add3A_604 : i32 to index
        %swap3A_621 = arith.constant 0 : index
        %swap3A_622 = tpu.vector_load %arg25[%swap3A_620, %swap3A_621] {strides = array<i32>} : memref<128x16xf32, #tpu.memory_space<vmem>>, vector<1x16xf32>,
        %swap3A_623 = vector.shape_cast %swap3A_622 : vector<1x16xf32> to vector<16xf32>
        %swap3A_624 = vector.shape_cast %mul3A_619 : vector<16xf32> to vector<1x16xf32>
        tpu.vector_store %arg25[%swap3A_620, %swap3A_621], %swap3A_624 {strides = array<i32>} : memref<128x16xf32, #tpu.memory_space<vmem>>, vector<1x16xf32>,
        %mul3A_625 = arith.constant 16 : i32
        %mul3A_626 = arith.muli %scan3A_429, %mul3A_625 : i32
        %add3A_627 = arith.constant 8 : i32
        %add3A_628 = arith.addi %mul3A_626, %add3A_627 : i32
        %lt3A_629 = arith.constant 0 : i32
        %lt3A_630 = vector.broadcast %lt3A_629 : i32 to vector<16xi32>
        %lt3A_631 = arith.cmpi slt, %broadcast_in_dim3A_215, %lt3A_630 : vector<16xi32>
        %add3A_632 = arith.constant 16 : i32
        %add3A_633 = vector.broadcast %add3A_632 : i32 to vector<16xi32>
        %add3A_634 = arith.addi %broadcast_in_dim3A_215, %add3A_633 : vector<16xi32>
        %select_n3A_635 = arith.select %lt3A_631, %add3A_634, %broadcast_in_dim3A_215 : vector<16xi1>, vector<16xi32>
        %broadcast_in_dim3A_636 = vector.shape_cast %select_n3A_635 : vector<16xi32> to vector<16x1xi32>
        %gather3A_637 = vector.shape_cast %broadcast_in_dim3A_636 : vector<16x1xi32> to vector<16xi32>
        %gather3A_638 = tpu.dynamic_gather %get3A_434[%gather3A_637] in [0] : vector<16xf32>, vector<16xi32> -> vector<16xf32>
        %get3A_639 = arith.index_cast %add3A_628 : i32 to index
        %get3A_640 = arith.constant 0 : index
        %get3A_641 = tpu.vector_load %arg17[%get3A_639, %get3A_640] {strides = array<i32>} : memref<128x16xf32, #tpu.memory_space<vmem>>, vector<1x16xf32>,
        %get3A_642 = vector.shape_cast %get3A_641 : vector<1x16xf32> to vector<16xf32>
        %mul3A_643 = arith.mulf %gather3A_638, %get3A_642 : vector<16xf32>
        %swap3A_644 = arith.index_cast %add3A_628 : i32 to index
        %swap3A_645 = arith.constant 0 : index
        %swap3A_646 = tpu.vector_load %arg25[%swap3A_644, %swap3A_645] {strides = array<i32>} : memref<128x16xf32, #tpu.memory_space<vmem>>, vector<1x16xf32>,
        %swap3A_647 = vector.shape_cast %swap3A_646 : vector<1x16xf32> to vector<16xf32>
        %swap3A_648 = vector.shape_cast %mul3A_643 : vector<16xf32> to vector<1x16xf32>
        tpu.vector_store %arg25[%swap3A_644, %swap3A_645], %swap3A_648 {strides = array<i32>} : memref<128x16xf32, #tpu.memory_space<vmem>>, vector<1x16xf32>,
        %mul3A_649 = arith.constant 16 : i32
        %mul3A_650 = arith.muli %scan3A_429, %mul3A_649 : i32
        %add3A_651 = arith.constant 9 : i32
        %add3A_652 = arith.addi %mul3A_650, %add3A_651 : i32
        %lt3A_653 = arith.constant 0 : i32
        %lt3A_654 = vector.broadcast %lt3A_653 : i32 to vector<16xi32>
        %lt3A_655 = arith.cmpi slt, %broadcast_in_dim3A_217, %lt3A_654 : vector<16xi32>
        %add3A_656 = arith.constant 16 : i32
        %add3A_657 = vector.broadcast %add3A_656 : i32 to vector<16xi32>
        %add3A_658 = arith.addi %broadcast_in_dim3A_217, %add3A_657 : vector<16xi32>
        %select_n3A_659 = arith.select %lt3A_655, %add3A_658, %broadcast_in_dim3A_217 : vector<16xi1>, vector<16xi32>
        %broadcast_in_dim3A_660 = vector.shape_cast %select_n3A_659 : vector<16xi32> to vector<16x1xi32>
        %gather3A_661 = vector.shape_cast %broadcast_in_dim3A_660 : vector<16x1xi32> to vector<16xi32>
        %gather3A_662 = tpu.dynamic_gather %get3A_434[%gather3A_661] in [0] : vector<16xf32>, vector<16xi32> -> vector<16xf32>
        %get3A_663 = arith.index_cast %add3A_652 : i32 to index
        %get3A_664 = arith.constant 0 : index
        %get3A_665 = tpu.vector_load %arg17[%get3A_663, %get3A_664] {strides = array<i32>} : memref<128x16xf32, #tpu.memory_space<vmem>>, vector<1x16xf32>,
        %get3A_666 = vector.shape_cast %get3A_665 : vector<1x16xf32> to vector<16xf32>
        %mul3A_667 = arith.mulf %gather3A_662, %get3A_666 : vector<16xf32>
        %swap3A_668 = arith.index_cast %add3A_652 : i32 to index
        %swap3A_669 = arith.constant 0 : index
        %swap3A_670 = tpu.vector_load %arg25[%swap3A_668, %swap3A_669] {strides = array<i32>} : memref<128x16xf32, #tpu.memory_space<vmem>>, vector<1x16xf32>,
        %swap3A_671 = vector.shape_cast %swap3A_670 : vector<1x16xf32> to vector<16xf32>
        %swap3A_672 = vector.shape_cast %mul3A_667 : vector<16xf32> to vector<1x16xf32>
        tpu.vector_store %arg25[%swap3A_668, %swap3A_669], %swap3A_672 {strides = array<i32>} : memref<128x16xf32, #tpu.memory_space<vmem>>, vector<1x16xf32>,
        %mul3A_673 = arith.constant 16 : i32
        %mul3A_674 = arith.muli %scan3A_429, %mul3A_673 : i32
        %add3A_675 = arith.constant 10 : i32
        %add3A_676 = arith.addi %mul3A_674, %add3A_675 : i32
        %lt3A_677 = arith.constant 0 : i32
        %lt3A_678 = vector.broadcast %lt3A_677 : i32 to vector<16xi32>
        %lt3A_679 = arith.cmpi slt, %broadcast_in_dim3A_219, %lt3A_678 : vector<16xi32>
        %add3A_680 = arith.constant 16 : i32
        %add3A_681 = vector.broadcast %add3A_680 : i32 to vector<16xi32>
        %add3A_682 = arith.addi %broadcast_in_dim3A_219, %add3A_681 : vector<16xi32>
        %select_n3A_683 = arith.select %lt3A_679, %add3A_682, %broadcast_in_dim3A_219 : vector<16xi1>, vector<16xi32>
        %broadcast_in_dim3A_684 = vector.shape_cast %select_n3A_683 : vector<16xi32> to vector<16x1xi32>
        %gather3A_685 = vector.shape_cast %broadcast_in_dim3A_684 : vector<16x1xi32> to vector<16xi32>
        %gather3A_686 = tpu.dynamic_gather %get3A_434[%gather3A_685] in [0] : vector<16xf32>, vector<16xi32> -> vector<16xf32>
        %get3A_687 = arith.index_cast %add3A_676 : i32 to index
        %get3A_688 = arith.constant 0 : index
        %get3A_689 = tpu.vector_load %arg17[%get3A_687, %get3A_688] {strides = array<i32>} : memref<128x16xf32, #tpu.memory_space<vmem>>, vector<1x16xf32>,
        %get3A_690 = vector.shape_cast %get3A_689 : vector<1x16xf32> to vector<16xf32>
        %mul3A_691 = arith.mulf %gather3A_686, %get3A_690 : vector<16xf32>
        %swap3A_692 = arith.index_cast %add3A_676 : i32 to index
        %swap3A_693 = arith.constant 0 : index
        %swap3A_694 = tpu.vector_load %arg25[%swap3A_692, %swap3A_693] {strides = array<i32>} : memref<128x16xf32, #tpu.memory_space<vmem>>, vector<1x16xf32>,
        %swap3A_695 = vector.shape_cast %swap3A_694 : vector<1x16xf32> to vector<16xf32>
        %swap3A_696 = vector.shape_cast %mul3A_691 : vector<16xf32> to vector<1x16xf32>
        tpu.vector_store %arg25[%swap3A_692, %swap3A_693], %swap3A_696 {strides = array<i32>} : memref<128x16xf32, #tpu.memory_space<vmem>>, vector<1x16xf32>,
        %mul3A_697 = arith.constant 16 : i32
        %mul3A_698 = arith.muli %scan3A_429, %mul3A_697 : i32
        %add3A_699 = arith.constant 11 : i32
        %add3A_700 = arith.addi %mul3A_698, %add3A_699 : i32
        %lt3A_701 = arith.constant 0 : i32
        %lt3A_702 = vector.broadcast %lt3A_701 : i32 to vector<16xi32>
        %lt3A_703 = arith.cmpi slt, %broadcast_in_dim3A_221, %lt3A_702 : vector<16xi32>
        %add3A_704 = arith.constant 16 : i32
        %add3A_705 = vector.broadcast %add3A_704 : i32 to vector<16xi32>
        %add3A_706 = arith.addi %broadcast_in_dim3A_221, %add3A_705 : vector<16xi32>
        %select_n3A_707 = arith.select %lt3A_703, %add3A_706, %broadcast_in_dim3A_221 : vector<16xi1>, vector<16xi32>
        %broadcast_in_dim3A_708 = vector.shape_cast %select_n3A_707 : vector<16xi32> to vector<16x1xi32>
        %gather3A_709 = vector.shape_cast %broadcast_in_dim3A_708 : vector<16x1xi32> to vector<16xi32>
        %gather3A_710 = tpu.dynamic_gather %get3A_434[%gather3A_709] in [0] : vector<16xf32>, vector<16xi32> -> vector<16xf32>
        %get3A_711 = arith.index_cast %add3A_700 : i32 to index
        %get3A_712 = arith.constant 0 : index
        %get3A_713 = tpu.vector_load %arg17[%get3A_711, %get3A_712] {strides = array<i32>} : memref<128x16xf32, #tpu.memory_space<vmem>>, vector<1x16xf32>,
        %get3A_714 = vector.shape_cast %get3A_713 : vector<1x16xf32> to vector<16xf32>
        %mul3A_715 = arith.mulf %gather3A_710, %get3A_714 : vector<16xf32>
        %swap3A_716 = arith.index_cast %add3A_700 : i32 to index
        %swap3A_717 = arith.constant 0 : index
        %swap3A_718 = tpu.vector_load %arg25[%swap3A_716, %swap3A_717] {strides = array<i32>} : memref<128x16xf32, #tpu.memory_space<vmem>>, vector<1x16xf32>,
        %swap3A_719 = vector.shape_cast %swap3A_718 : vector<1x16xf32> to vector<16xf32>
        %swap3A_720 = vector.shape_cast %mul3A_715 : vector<16xf32> to vector<1x16xf32>
        tpu.vector_store %arg25[%swap3A_716, %swap3A_717], %swap3A_720 {strides = array<i32>} : memref<128x16xf32, #tpu.memory_space<vmem>>, vector<1x16xf32>,
        %mul3A_721 = arith.constant 16 : i32
        %mul3A_722 = arith.muli %scan3A_429, %mul3A_721 : i32
        %add3A_723 = arith.constant 12 : i32
        %add3A_724 = arith.addi %mul3A_722, %add3A_723 : i32
        %lt3A_725 = arith.constant 0 : i32
        %lt3A_726 = vector.broadcast %lt3A_725 : i32 to vector<16xi32>
        %lt3A_727 = arith.cmpi slt, %broadcast_in_dim3A_223, %lt3A_726 : vector<16xi32>
        %add3A_728 = arith.constant 16 : i32
        %add3A_729 = vector.broadcast %add3A_728 : i32 to vector<16xi32>
        %add3A_730 = arith.addi %broadcast_in_dim3A_223, %add3A_729 : vector<16xi32>
        %select_n3A_731 = arith.select %lt3A_727, %add3A_730, %broadcast_in_dim3A_223 : vector<16xi1>, vector<16xi32>
        %broadcast_in_dim3A_732 = vector.shape_cast %select_n3A_731 : vector<16xi32> to vector<16x1xi32>
        %gather3A_733 = vector.shape_cast %broadcast_in_dim3A_732 : vector<16x1xi32> to vector<16xi32>
        %gather3A_734 = tpu.dynamic_gather %get3A_434[%gather3A_733] in [0] : vector<16xf32>, vector<16xi32> -> vector<16xf32>
        %get3A_735 = arith.index_cast %add3A_724 : i32 to index
        %get3A_736 = arith.constant 0 : index
        %get3A_737 = tpu.vector_load %arg17[%get3A_735, %get3A_736] {strides = array<i32>} : memref<128x16xf32, #tpu.memory_space<vmem>>, vector<1x16xf32>,
        %get3A_738 = vector.shape_cast %get3A_737 : vector<1x16xf32> to vector<16xf32>
        %mul3A_739 = arith.mulf %gather3A_734, %get3A_738 : vector<16xf32>
        %swap3A_740 = arith.index_cast %add3A_724 : i32 to index
        %swap3A_741 = arith.constant 0 : index
        %swap3A_742 = tpu.vector_load %arg25[%swap3A_740, %swap3A_741] {strides = array<i32>} : memref<128x16xf32, #tpu.memory_space<vmem>>, vector<1x16xf32>,
        %swap3A_743 = vector.shape_cast %swap3A_742 : vector<1x16xf32> to vector<16xf32>
        %swap3A_744 = vector.shape_cast %mul3A_739 : vector<16xf32> to vector<1x16xf32>
        tpu.vector_store %arg25[%swap3A_740, %swap3A_741], %swap3A_744 {strides = array<i32>} : memref<128x16xf32, #tpu.memory_space<vmem>>, vector<1x16xf32>,
        %mul3A_745 = arith.constant 16 : i32
        %mul3A_746 = arith.muli %scan3A_429, %mul3A_745 : i32
        %add3A_747 = arith.constant 13 : i32
        %add3A_748 = arith.addi %mul3A_746, %add3A_747 : i32
        %lt3A_749 = arith.constant 0 : i32
        %lt3A_750 = vector.broadcast %lt3A_749 : i32 to vector<16xi32>
        %lt3A_751 = arith.cmpi slt, %broadcast_in_dim3A_225, %lt3A_750 : vector<16xi32>
        %add3A_752 = arith.constant 16 : i32
        %add3A_753 = vector.broadcast %add3A_752 : i32 to vector<16xi32>
        %add3A_754 = arith.addi %broadcast_in_dim3A_225, %add3A_753 : vector<16xi32>
        %select_n3A_755 = arith.select %lt3A_751, %add3A_754, %broadcast_in_dim3A_225 : vector<16xi1>, vector<16xi32>
        %broadcast_in_dim3A_756 = vector.shape_cast %select_n3A_755 : vector<16xi32> to vector<16x1xi32>
        %gather3A_757 = vector.shape_cast %broadcast_in_dim3A_756 : vector<16x1xi32> to vector<16xi32>
        %gather3A_758 = tpu.dynamic_gather %get3A_434[%gather3A_757] in [0] : vector<16xf32>, vector<16xi32> -> vector<16xf32>
        %get3A_759 = arith.index_cast %add3A_748 : i32 to index
        %get3A_760 = arith.constant 0 : index
        %get3A_761 = tpu.vector_load %arg17[%get3A_759, %get3A_760] {strides = array<i32>} : memref<128x16xf32, #tpu.memory_space<vmem>>, vector<1x16xf32>,
        %get3A_762 = vector.shape_cast %get3A_761 : vector<1x16xf32> to vector<16xf32>
        %mul3A_763 = arith.mulf %gather3A_758, %get3A_762 : vector<16xf32>
        %swap3A_764 = arith.index_cast %add3A_748 : i32 to index
        %swap3A_765 = arith.constant 0 : index
        %swap3A_766 = tpu.vector_load %arg25[%swap3A_764, %swap3A_765] {strides = array<i32>} : memref<128x16xf32, #tpu.memory_space<vmem>>, vector<1x16xf32>,
        %swap3A_767 = vector.shape_cast %swap3A_766 : vector<1x16xf32> to vector<16xf32>
        %swap3A_768 = vector.shape_cast %mul3A_763 : vector<16xf32> to vector<1x16xf32>
        tpu.vector_store %arg25[%swap3A_764, %swap3A_765], %swap3A_768 {strides = array<i32>} : memref<128x16xf32, #tpu.memory_space<vmem>>, vector<1x16xf32>,
        %mul3A_769 = arith.constant 16 : i32
        %mul3A_770 = arith.muli %scan3A_429, %mul3A_769 : i32
        %add3A_771 = arith.constant 14 : i32
        %add3A_772 = arith.addi %mul3A_770, %add3A_771 : i32
        %lt3A_773 = arith.constant 0 : i32
        %lt3A_774 = vector.broadcast %lt3A_773 : i32 to vector<16xi32>
        %lt3A_775 = arith.cmpi slt, %broadcast_in_dim3A_227, %lt3A_774 : vector<16xi32>
        %add3A_776 = arith.constant 16 : i32
        %add3A_777 = vector.broadcast %add3A_776 : i32 to vector<16xi32>
        %add3A_778 = arith.addi %broadcast_in_dim3A_227, %add3A_777 : vector<16xi32>
        %select_n3A_779 = arith.select %lt3A_775, %add3A_778, %broadcast_in_dim3A_227 : vector<16xi1>, vector<16xi32>
        %broadcast_in_dim3A_780 = vector.shape_cast %select_n3A_779 : vector<16xi32> to vector<16x1xi32>
        %gather3A_781 = vector.shape_cast %broadcast_in_dim3A_780 : vector<16x1xi32> to vector<16xi32>
        %gather3A_782 = tpu.dynamic_gather %get3A_434[%gather3A_781] in [0] : vector<16xf32>, vector<16xi32> -> vector<16xf32>
        %get3A_783 = arith.index_cast %add3A_772 : i32 to index
        %get3A_784 = arith.constant 0 : index
        %get3A_785 = tpu.vector_load %arg17[%get3A_783, %get3A_784] {strides = array<i32>} : memref<128x16xf32, #tpu.memory_space<vmem>>, vector<1x16xf32>,
        %get3A_786 = vector.shape_cast %get3A_785 : vector<1x16xf32> to vector<16xf32>
        %mul3A_787 = arith.mulf %gather3A_782, %get3A_786 : vector<16xf32>
        %swap3A_788 = arith.index_cast %add3A_772 : i32 to index
        %swap3A_789 = arith.constant 0 : index
        %swap3A_790 = tpu.vector_load %arg25[%swap3A_788, %swap3A_789] {strides = array<i32>} : memref<128x16xf32, #tpu.memory_space<vmem>>, vector<1x16xf32>,
        %swap3A_791 = vector.shape_cast %swap3A_790 : vector<1x16xf32> to vector<16xf32>
        %swap3A_792 = vector.shape_cast %mul3A_787 : vector<16xf32> to vector<1x16xf32>
        tpu.vector_store %arg25[%swap3A_788, %swap3A_789], %swap3A_792 {strides = array<i32>} : memref<128x16xf32, #tpu.memory_space<vmem>>, vector<1x16xf32>,
        %mul3A_793 = arith.constant 16 : i32
        %mul3A_794 = arith.muli %scan3A_429, %mul3A_793 : i32
        %add3A_795 = arith.constant 15 : i32
        %add3A_796 = arith.addi %mul3A_794, %add3A_795 : i32
        %lt3A_797 = arith.constant 0 : i32
        %lt3A_798 = vector.broadcast %lt3A_797 : i32 to vector<16xi32>
        %lt3A_799 = arith.cmpi slt, %broadcast_in_dim3A_229, %lt3A_798 : vector<16xi32>
        %add3A_800 = arith.constant 16 : i32
        %add3A_801 = vector.broadcast %add3A_800 : i32 to vector<16xi32>
        %add3A_802 = arith.addi %broadcast_in_dim3A_229, %add3A_801 : vector<16xi32>
        %select_n3A_803 = arith.select %lt3A_799, %add3A_802, %broadcast_in_dim3A_229 : vector<16xi1>, vector<16xi32>
        %broadcast_in_dim3A_804 = vector.shape_cast %select_n3A_803 : vector<16xi32> to vector<16x1xi32>
        %gather3A_805 = vector.shape_cast %broadcast_in_dim3A_804 : vector<16x1xi32> to vector<16xi32>
        %gather3A_806 = tpu.dynamic_gather %get3A_434[%gather3A_805] in [0] : vector<16xf32>, vector<16xi32> -> vector<16xf32>
        %get3A_807 = arith.index_cast %add3A_796 : i32 to index
        %get3A_808 = arith.constant 0 : index
        %get3A_809 = tpu.vector_load %arg17[%get3A_807, %get3A_808] {strides = array<i32>} : memref<128x16xf32, #tpu.memory_space<vmem>>, vector<1x16xf32>,
        %get3A_810 = vector.shape_cast %get3A_809 : vector<1x16xf32> to vector<16xf32>
        %mul3A_811 = arith.mulf %gather3A_806, %get3A_810 : vector<16xf32>
        %swap3A_812 = arith.index_cast %add3A_796 : i32 to index
        %swap3A_813 = arith.constant 0 : index
        %swap3A_814 = tpu.vector_load %arg25[%swap3A_812, %swap3A_813] {strides = array<i32>} : memref<128x16xf32, #tpu.memory_space<vmem>>, vector<1x16xf32>,
        %swap3A_815 = vector.shape_cast %swap3A_814 : vector<1x16xf32> to vector<16xf32>
        %swap3A_816 = vector.shape_cast %mul3A_811 : vector<16xf32> to vector<1x16xf32>
        tpu.vector_store %arg25[%swap3A_812, %swap3A_813], %swap3A_816 {strides = array<i32>} : memref<128x16xf32, #tpu.memory_space<vmem>>, vector<1x16xf32>,
      }
      %scan3A_235 = arith.constant 8 : i32
      "tpu.region"() ({
        %run_scoped3A = tpu.sem_alloc : memref<!tpu.dma_semaphore, #tpu.memory_space<semaphore_mem>>
        %dma_start3A_429 = arith.constant 0 : i32
        %dma_start3A_430 = arith.constant 0 : i32
        %dma_start3A_431 = tpu.memref_slice %arg11[%dma_start3A_429, %dma_start3A_430] : memref<10240x16xf32, #tpu.memory_space<vmem_shared>> -> memref<10240x16xf32, #tpu.memory_space<vmem_shared>>
        tpu.enqueue_indirect_dma source(%arg25 : memref<128x16xf32, #tpu.memory_space<vmem>>) target(%dma_start3A_431 : memref<10240x16xf32, #tpu.memory_space<vmem_shared>>) offsets(%arg15 : memref<128xi32, #tpu.memory_space<vmem>>) semaphore(%run_scoped3A : memref<!tpu.dma_semaphore, #tpu.memory_space<semaphore_mem>>) {add = true}
        %dma_wait3A_432 = arith.constant 0 : i32
        %dma_wait3A_433 = arith.constant 0 : i32
        %dma_wait3A_434 = tpu.memref_slice %arg11[%dma_wait3A_432, %dma_wait3A_433] : memref<10240x16xf32, #tpu.memory_space<vmem_shared>> -> memref<10240x16xf32, #tpu.memory_space<vmem_shared>>
        tpu.wait_indirect_dma semaphore(%run_scoped3A : memref<!tpu.dma_semaphore, #tpu.memory_space<semaphore_mem>>) src(%arg25 : memref<128x16xf32, #tpu.memory_space<vmem>>) dst(%dma_wait3A_434 : memref<10240x16xf32, #tpu.memory_space<vmem_shared>>)
        tpu.yield
      }) : () -> ()
      "tpu.region"() ({
        %run_scoped3A = tpu.sem_alloc : memref<!tpu.dma_semaphore, #tpu.memory_space<semaphore_mem>>
        %dma_start3A_429 = arith.constant 0 : i32
        %dma_start3A_430 = tpu.memref_slice %arg12[%dma_start3A_429] : memref<10240xf32, #tpu.memory_space<vmem_shared>> -> memref<10240xf32, #tpu.memory_space<vmem_shared>>
        tpu.enqueue_indirect_dma source(%arg23 : memref<128xf32, #tpu.memory_space<vmem>>) target(%dma_start3A_430 : memref<10240xf32, #tpu.memory_space<vmem_shared>>) offsets(%arg15 : memref<128xi32, #tpu.memory_space<vmem>>) semaphore(%run_scoped3A : memref<!tpu.dma_semaphore, #tpu.memory_space<semaphore_mem>>) {add = true}
        %dma_wait3A_431 = arith.constant 0 : i32
        %dma_wait3A_432 = tpu.memref_slice %arg12[%dma_wait3A_431] : memref<10240xf32, #tpu.memory_space<vmem_shared>> -> memref<10240xf32, #tpu.memory_space<vmem_shared>>
        tpu.wait_indirect_dma semaphore(%run_scoped3A : memref<!tpu.dma_semaphore, #tpu.memory_space<semaphore_mem>>) src(%arg23 : memref<128xf32, #tpu.memory_space<vmem>>) dst(%dma_wait3A_432 : memref<10240xf32, #tpu.memory_space<vmem_shared>>)
        tpu.yield
      }) : () -> ()
      %add3A_236 = arith.constant 2 : i32
      %add3A_237 = arith.addi %add3A_60, %add3A_236 : i32
      %lt3A = arith.constant 80 : i32
      %lt3A_238 = arith.cmpi slt, %add3A_237, %lt3A : i32
      %convert_element_type3A = arith.extui %lt3A_238 : i1 to i32
      %cond3A = arith.constant 0 : i32
      %cond3A_239 = arith.cmpi ne, %convert_element_type3A, %cond3A : i32
      scf.if %cond3A_239 {
        %add3A_429 = arith.constant 2 : i32
        %add3A_430 = arith.addi %add3A_60, %add3A_429 : i32
        %mul3A_431 = arith.constant 32 : i32
        %mul3A_432 = arith.muli %add3A_430, %mul3A_431 : i32
        %add3A_433 = arith.addi %add3A, %mul3A_432 : i32
        %mul3A_434 = arith.constant 128 : i32
        %mul3A_435 = arith.muli %add3A_433, %mul3A_434 : i32
        %dma_start3A_436 = tpu.memref_slice %arg5[%mul3A_435] : memref<327680xi32, #tpu.memory_space<hbm>> -> memref<128xi32, #tpu.memory_space<hbm>>
        %dma_start3A_437 = tpu.memref_slice %arg5[%mul3A_435] : memref<327680xi32, #tpu.memory_space<hbm>> -> memref<128xi32, #tpu.memory_space<hbm>>
        tpu.enqueue_dma source(%dma_start3A_437 : memref<128xi32, #tpu.memory_space<hbm>>) target(%arg13 : memref<128xi32, #tpu.memory_space<vmem>>) target_semaphore(%arg33 : memref<!tpu.dma_semaphore, #tpu.memory_space<semaphore_mem>>)
        %dma_start3A_438 = tpu.memref_slice %arg6[%mul3A_435] : memref<327680xi32, #tpu.memory_space<hbm>> -> memref<128xi32, #tpu.memory_space<hbm>>
        %dma_start3A_439 = tpu.memref_slice %arg6[%mul3A_435] : memref<327680xi32, #tpu.memory_space<hbm>> -> memref<128xi32, #tpu.memory_space<hbm>>
        tpu.enqueue_dma source(%dma_start3A_439 : memref<128xi32, #tpu.memory_space<hbm>>) target(%arg15 : memref<128xi32, #tpu.memory_space<vmem>>) target_semaphore(%arg35 : memref<!tpu.dma_semaphore, #tpu.memory_space<semaphore_mem>>)
        %dma_wait3A_440 = arith.constant 0 : i32
        %dma_wait3A_441 = tpu.memref_slice %arg5[%dma_wait3A_440] : memref<327680xi32, #tpu.memory_space<hbm>> -> memref<128xi32, #tpu.memory_space<hbm>>
        %dma_wait3A_442 = arith.constant 0 : i32
        %dma_wait3A_443 = tpu.memref_slice %arg5[%dma_wait3A_442] : memref<327680xi32, #tpu.memory_space<hbm>> -> memref<128xi32, #tpu.memory_space<hbm>>
        tpu.wait_dma2 semaphore(%arg33 : memref<!tpu.dma_semaphore, #tpu.memory_space<semaphore_mem>>) src(%dma_wait3A_443 : memref<128xi32, #tpu.memory_space<hbm>>) dst(%arg13 : memref<128xi32, #tpu.memory_space<vmem>>)
        %dma_wait3A_444 = arith.constant 0 : i32
        %dma_wait3A_445 = tpu.memref_slice %arg6[%dma_wait3A_444] : memref<327680xi32, #tpu.memory_space<hbm>> -> memref<128xi32, #tpu.memory_space<hbm>>
        %dma_wait3A_446 = arith.constant 0 : i32
        %dma_wait3A_447 = tpu.memref_slice %arg6[%dma_wait3A_446] : memref<327680xi32, #tpu.memory_space<hbm>> -> memref<128xi32, #tpu.memory_space<hbm>>
        tpu.wait_dma2 semaphore(%arg35 : memref<!tpu.dma_semaphore, #tpu.memory_space<semaphore_mem>>) src(%dma_wait3A_447 : memref<128xi32, #tpu.memory_space<hbm>>) dst(%arg15 : memref<128xi32, #tpu.memory_space<vmem>>)
        %dma_start3A_448 = arith.constant 0 : i32
        %dma_start3A_449 = arith.constant 0 : i32
        %dma_start3A_450 = tpu.memref_slice %arg2[%dma_start3A_448, %dma_start3A_449] : memref<10240x16xf32, #tpu.memory_space<hbm>> -> memref<10240x16xf32, #tpu.memory_space<hbm>>
        tpu.enqueue_indirect_dma source(%dma_start3A_450 : memref<10240x16xf32, #tpu.memory_space<hbm>>) target(%arg17 : memref<128x16xf32, #tpu.memory_space<vmem>>) offsets(%arg13 : memref<128xi32, #tpu.memory_space<vmem>>) semaphore(%arg27 : memref<!tpu.dma_semaphore, #tpu.memory_space<semaphore_mem>>)
        %dma_start3A_451 = arith.constant 0 : i32
        %dma_start3A_452 = tpu.memref_slice %arg3[%dma_start3A_451] : memref<10240xf32, #tpu.memory_space<hbm>> -> memref<10240xf32, #tpu.memory_space<hbm>>
        tpu.enqueue_indirect_dma source(%dma_start3A_452 : memref<10240xf32, #tpu.memory_space<hbm>>) target(%arg19 : memref<128xf32, #tpu.memory_space<vmem>>) offsets(%arg13 : memref<128xi32, #tpu.memory_space<vmem>>) semaphore(%arg29 : memref<!tpu.dma_semaphore, #tpu.memory_space<semaphore_mem>>)
        %dma_start3A_453 = arith.constant 0 : i32
        %dma_start3A_454 = tpu.memref_slice %arg4[%dma_start3A_453] : memref<10240xf32, #tpu.memory_space<hbm>> -> memref<10240xf32, #tpu.memory_space<hbm>>
        tpu.enqueue_indirect_dma source(%dma_start3A_454 : memref<10240xf32, #tpu.memory_space<hbm>>) target(%arg21 : memref<128xf32, #tpu.memory_space<vmem>>) offsets(%arg15 : memref<128xi32, #tpu.memory_space<vmem>>) semaphore(%arg31 : memref<!tpu.dma_semaphore, #tpu.memory_space<semaphore_mem>>)
      } else {
      }
      %add3A_240 = arith.constant 1 : i32
      %add3A_241 = arith.addi %add3A_58, %add3A_240 : i32
      %dma_wait3A_242 = arith.constant 0 : i32
      %dma_wait3A_243 = arith.constant 0 : i32
      %dma_wait3A_244 = tpu.memref_slice %arg2[%dma_wait3A_242, %dma_wait3A_243] : memref<10240x16xf32, #tpu.memory_space<hbm>> -> memref<128x16xf32, #tpu.memory_space<hbm>>
      %dma_wait3A_245 = arith.constant 0 : i32
      %dma_wait3A_246 = arith.constant 0 : i32
      %dma_wait3A_247 = tpu.memref_slice %arg2[%dma_wait3A_245, %dma_wait3A_246] : memref<10240x16xf32, #tpu.memory_space<hbm>> -> memref<128x16xf32, #tpu.memory_space<hbm>>
      tpu.wait_dma2 semaphore(%arg28 : memref<!tpu.dma_semaphore, #tpu.memory_space<semaphore_mem>>) src(%dma_wait3A_247 : memref<128x16xf32, #tpu.memory_space<hbm>>) dst(%arg18 : memref<128x16xf32, #tpu.memory_space<vmem>>)
      %dma_wait3A_248 = arith.constant 0 : i32
      %dma_wait3A_249 = tpu.memref_slice %arg3[%dma_wait3A_248] : memref<10240xf32, #tpu.memory_space<hbm>> -> memref<128xf32, #tpu.memory_space<hbm>>
      %dma_wait3A_250 = arith.constant 0 : i32
      %dma_wait3A_251 = tpu.memref_slice %arg3[%dma_wait3A_250] : memref<10240xf32, #tpu.memory_space<hbm>> -> memref<128xf32, #tpu.memory_space<hbm>>
      tpu.wait_dma2 semaphore(%arg30 : memref<!tpu.dma_semaphore, #tpu.memory_space<semaphore_mem>>) src(%dma_wait3A_251 : memref<128xf32, #tpu.memory_space<hbm>>) dst(%arg20 : memref<128xf32, #tpu.memory_space<vmem>>)
      %dma_wait3A_252 = arith.constant 0 : i32
      %dma_wait3A_253 = tpu.memref_slice %arg4[%dma_wait3A_252] : memref<10240xf32, #tpu.memory_space<hbm>> -> memref<128xf32, #tpu.memory_space<hbm>>
      %dma_wait3A_254 = arith.constant 0 : i32
      %dma_wait3A_255 = tpu.memref_slice %arg4[%dma_wait3A_254] : memref<10240xf32, #tpu.memory_space<hbm>> -> memref<128xf32, #tpu.memory_space<hbm>>
      tpu.wait_dma2 semaphore(%arg32 : memref<!tpu.dma_semaphore, #tpu.memory_space<semaphore_mem>>) src(%dma_wait3A_255 : memref<128xf32, #tpu.memory_space<hbm>>) dst(%arg22 : memref<128xf32, #tpu.memory_space<vmem>>)
      %get3A_256 = arith.constant 0 : index
      %get3A_257 = tpu.vector_load %arg20[%get3A_256] {strides = array<i32>} : memref<128xf32, #tpu.memory_space<vmem>>, vector<16xf32>,
      %get3A_258 = vector.shape_cast %get3A_257 : vector<16xf32> to vector<16xf32>
      %get3A_259 = arith.constant 0 : index
      %get3A_260 = tpu.vector_load %arg22[%get3A_259] {strides = array<i32>} : memref<128xf32, #tpu.memory_space<vmem>>, vector<16xf32>,
      %get3A_261 = vector.shape_cast %get3A_260 : vector<16xf32> to vector<16xf32>
      %add3A_262 = arith.addf %get3A_258, %get3A_261 : vector<16xf32>
      %mul3A_263 = arith.constant 2.000000e-01 : f32
      %mul3A_264 = vector.broadcast %mul3A_263 : f32 to vector<16xf32>
      %mul3A_265 = arith.mulf %mul3A_264, %add3A_262 : vector<16xf32>
      %max3A_266 = arith.maximumf %add3A_262, %mul3A_265 : vector<16xf32>
      %exp3A_267 = math.exp %max3A_266 : vector<16xf32>
      %swap3A_268 = arith.constant 0 : index
      %swap3A_269 = tpu.vector_load %arg24[%swap3A_268] {strides = array<i32>} : memref<128xf32, #tpu.memory_space<vmem>>, vector<16xf32>,
      %swap3A_270 = vector.shape_cast %swap3A_269 : vector<16xf32> to vector<16xf32>
      %swap3A_271 = vector.shape_cast %exp3A_267 : vector<16xf32> to vector<16xf32>
      tpu.vector_store %arg24[%swap3A_268], %swap3A_271 {strides = array<i32>} : memref<128xf32, #tpu.memory_space<vmem>>, vector<16xf32>,
      %get3A_272 = arith.constant 16 : index
      %get3A_273 = tpu.vector_load %arg20[%get3A_272] {strides = array<i32>} : memref<128xf32, #tpu.memory_space<vmem>>, vector<16xf32>,
      %get3A_274 = vector.shape_cast %get3A_273 : vector<16xf32> to vector<16xf32>
      %get3A_275 = arith.constant 16 : index
      %get3A_276 = tpu.vector_load %arg22[%get3A_275] {strides = array<i32>} : memref<128xf32, #tpu.memory_space<vmem>>, vector<16xf32>,
      %get3A_277 = vector.shape_cast %get3A_276 : vector<16xf32> to vector<16xf32>
      %add3A_278 = arith.addf %get3A_274, %get3A_277 : vector<16xf32>
      %mul3A_279 = arith.constant 2.000000e-01 : f32
      %mul3A_280 = vector.broadcast %mul3A_279 : f32 to vector<16xf32>
      %mul3A_281 = arith.mulf %mul3A_280, %add3A_278 : vector<16xf32>
      %max3A_282 = arith.maximumf %add3A_278, %mul3A_281 : vector<16xf32>
      %exp3A_283 = math.exp %max3A_282 : vector<16xf32>
      %swap3A_284 = arith.constant 16 : index
      %swap3A_285 = tpu.vector_load %arg24[%swap3A_284] {strides = array<i32>} : memref<128xf32, #tpu.memory_space<vmem>>, vector<16xf32>,
      %swap3A_286 = vector.shape_cast %swap3A_285 : vector<16xf32> to vector<16xf32>
      %swap3A_287 = vector.shape_cast %exp3A_283 : vector<16xf32> to vector<16xf32>
      tpu.vector_store %arg24[%swap3A_284], %swap3A_287 {strides = array<i32>} : memref<128xf32, #tpu.memory_space<vmem>>, vector<16xf32>,
      %get3A_288 = arith.constant 32 : index
      %get3A_289 = tpu.vector_load %arg20[%get3A_288] {strides = array<i32>} : memref<128xf32, #tpu.memory_space<vmem>>, vector<16xf32>,
      %get3A_290 = vector.shape_cast %get3A_289 : vector<16xf32> to vector<16xf32>
      %get3A_291 = arith.constant 32 : index
      %get3A_292 = tpu.vector_load %arg22[%get3A_291] {strides = array<i32>} : memref<128xf32, #tpu.memory_space<vmem>>, vector<16xf32>,
      %get3A_293 = vector.shape_cast %get3A_292 : vector<16xf32> to vector<16xf32>
      %add3A_294 = arith.addf %get3A_290, %get3A_293 : vector<16xf32>
      %mul3A_295 = arith.constant 2.000000e-01 : f32
      %mul3A_296 = vector.broadcast %mul3A_295 : f32 to vector<16xf32>
      %mul3A_297 = arith.mulf %mul3A_296, %add3A_294 : vector<16xf32>
      %max3A_298 = arith.maximumf %add3A_294, %mul3A_297 : vector<16xf32>
      %exp3A_299 = math.exp %max3A_298 : vector<16xf32>
      %swap3A_300 = arith.constant 32 : index
      %swap3A_301 = tpu.vector_load %arg24[%swap3A_300] {strides = array<i32>} : memref<128xf32, #tpu.memory_space<vmem>>, vector<16xf32>,
      %swap3A_302 = vector.shape_cast %swap3A_301 : vector<16xf32> to vector<16xf32>
      %swap3A_303 = vector.shape_cast %exp3A_299 : vector<16xf32> to vector<16xf32>
      tpu.vector_store %arg24[%swap3A_300], %swap3A_303 {strides = array<i32>} : memref<128xf32, #tpu.memory_space<vmem>>, vector<16xf32>,
      %get3A_304 = arith.constant 48 : index
      %get3A_305 = tpu.vector_load %arg20[%get3A_304] {strides = array<i32>} : memref<128xf32, #tpu.memory_space<vmem>>, vector<16xf32>,
      %get3A_306 = vector.shape_cast %get3A_305 : vector<16xf32> to vector<16xf32>
      %get3A_307 = arith.constant 48 : index
      %get3A_308 = tpu.vector_load %arg22[%get3A_307] {strides = array<i32>} : memref<128xf32, #tpu.memory_space<vmem>>, vector<16xf32>,
      %get3A_309 = vector.shape_cast %get3A_308 : vector<16xf32> to vector<16xf32>
      %add3A_310 = arith.addf %get3A_306, %get3A_309 : vector<16xf32>
      %mul3A_311 = arith.constant 2.000000e-01 : f32
      %mul3A_312 = vector.broadcast %mul3A_311 : f32 to vector<16xf32>
      %mul3A_313 = arith.mulf %mul3A_312, %add3A_310 : vector<16xf32>
      %max3A_314 = arith.maximumf %add3A_310, %mul3A_313 : vector<16xf32>
      %exp3A_315 = math.exp %max3A_314 : vector<16xf32>
      %swap3A_316 = arith.constant 48 : index
      %swap3A_317 = tpu.vector_load %arg24[%swap3A_316] {strides = array<i32>} : memref<128xf32, #tpu.memory_space<vmem>>, vector<16xf32>,
      %swap3A_318 = vector.shape_cast %swap3A_317 : vector<16xf32> to vector<16xf32>
      %swap3A_319 = vector.shape_cast %exp3A_315 : vector<16xf32> to vector<16xf32>
      tpu.vector_store %arg24[%swap3A_316], %swap3A_319 {strides = array<i32>} : memref<128xf32, #tpu.memory_space<vmem>>, vector<16xf32>,
      %get3A_320 = arith.constant 64 : index
      %get3A_321 = tpu.vector_load %arg20[%get3A_320] {strides = array<i32>} : memref<128xf32, #tpu.memory_space<vmem>>, vector<16xf32>,
      %get3A_322 = vector.shape_cast %get3A_321 : vector<16xf32> to vector<16xf32>
      %get3A_323 = arith.constant 64 : index
      %get3A_324 = tpu.vector_load %arg22[%get3A_323] {strides = array<i32>} : memref<128xf32, #tpu.memory_space<vmem>>, vector<16xf32>,
      %get3A_325 = vector.shape_cast %get3A_324 : vector<16xf32> to vector<16xf32>
      %add3A_326 = arith.addf %get3A_322, %get3A_325 : vector<16xf32>
      %mul3A_327 = arith.constant 2.000000e-01 : f32
      %mul3A_328 = vector.broadcast %mul3A_327 : f32 to vector<16xf32>
      %mul3A_329 = arith.mulf %mul3A_328, %add3A_326 : vector<16xf32>
      %max3A_330 = arith.maximumf %add3A_326, %mul3A_329 : vector<16xf32>
      %exp3A_331 = math.exp %max3A_330 : vector<16xf32>
      %swap3A_332 = arith.constant 64 : index
      %swap3A_333 = tpu.vector_load %arg24[%swap3A_332] {strides = array<i32>} : memref<128xf32, #tpu.memory_space<vmem>>, vector<16xf32>,
      %swap3A_334 = vector.shape_cast %swap3A_333 : vector<16xf32> to vector<16xf32>
      %swap3A_335 = vector.shape_cast %exp3A_331 : vector<16xf32> to vector<16xf32>
      tpu.vector_store %arg24[%swap3A_332], %swap3A_335 {strides = array<i32>} : memref<128xf32, #tpu.memory_space<vmem>>, vector<16xf32>,
      %get3A_336 = arith.constant 80 : index
      %get3A_337 = tpu.vector_load %arg20[%get3A_336] {strides = array<i32>} : memref<128xf32, #tpu.memory_space<vmem>>, vector<16xf32>,
      %get3A_338 = vector.shape_cast %get3A_337 : vector<16xf32> to vector<16xf32>
      %get3A_339 = arith.constant 80 : index
      %get3A_340 = tpu.vector_load %arg22[%get3A_339] {strides = array<i32>} : memref<128xf32, #tpu.memory_space<vmem>>, vector<16xf32>,
      %get3A_341 = vector.shape_cast %get3A_340 : vector<16xf32> to vector<16xf32>
      %add3A_342 = arith.addf %get3A_338, %get3A_341 : vector<16xf32>
      %mul3A_343 = arith.constant 2.000000e-01 : f32
      %mul3A_344 = vector.broadcast %mul3A_343 : f32 to vector<16xf32>
      %mul3A_345 = arith.mulf %mul3A_344, %add3A_342 : vector<16xf32>
      %max3A_346 = arith.maximumf %add3A_342, %mul3A_345 : vector<16xf32>
      %exp3A_347 = math.exp %max3A_346 : vector<16xf32>
      %swap3A_348 = arith.constant 80 : index
      %swap3A_349 = tpu.vector_load %arg24[%swap3A_348] {strides = array<i32>} : memref<128xf32, #tpu.memory_space<vmem>>, vector<16xf32>,
      %swap3A_350 = vector.shape_cast %swap3A_349 : vector<16xf32> to vector<16xf32>
      %swap3A_351 = vector.shape_cast %exp3A_347 : vector<16xf32> to vector<16xf32>
      tpu.vector_store %arg24[%swap3A_348], %swap3A_351 {strides = array<i32>} : memref<128xf32, #tpu.memory_space<vmem>>, vector<16xf32>,
      %get3A_352 = arith.constant 96 : index
      %get3A_353 = tpu.vector_load %arg20[%get3A_352] {strides = array<i32>} : memref<128xf32, #tpu.memory_space<vmem>>, vector<16xf32>,
      %get3A_354 = vector.shape_cast %get3A_353 : vector<16xf32> to vector<16xf32>
      %get3A_355 = arith.constant 96 : index
      %get3A_356 = tpu.vector_load %arg22[%get3A_355] {strides = array<i32>} : memref<128xf32, #tpu.memory_space<vmem>>, vector<16xf32>,
      %get3A_357 = vector.shape_cast %get3A_356 : vector<16xf32> to vector<16xf32>
      %add3A_358 = arith.addf %get3A_354, %get3A_357 : vector<16xf32>
      %mul3A_359 = arith.constant 2.000000e-01 : f32
      %mul3A_360 = vector.broadcast %mul3A_359 : f32 to vector<16xf32>
      %mul3A_361 = arith.mulf %mul3A_360, %add3A_358 : vector<16xf32>
      %max3A_362 = arith.maximumf %add3A_358, %mul3A_361 : vector<16xf32>
      %exp3A_363 = math.exp %max3A_362 : vector<16xf32>
      %swap3A_364 = arith.constant 96 : index
      %swap3A_365 = tpu.vector_load %arg24[%swap3A_364] {strides = array<i32>} : memref<128xf32, #tpu.memory_space<vmem>>, vector<16xf32>,
      %swap3A_366 = vector.shape_cast %swap3A_365 : vector<16xf32> to vector<16xf32>
      %swap3A_367 = vector.shape_cast %exp3A_363 : vector<16xf32> to vector<16xf32>
      tpu.vector_store %arg24[%swap3A_364], %swap3A_367 {strides = array<i32>} : memref<128xf32, #tpu.memory_space<vmem>>, vector<16xf32>,
      %get3A_368 = arith.constant 112 : index
      %get3A_369 = tpu.vector_load %arg20[%get3A_368] {strides = array<i32>} : memref<128xf32, #tpu.memory_space<vmem>>, vector<16xf32>,
      %get3A_370 = vector.shape_cast %get3A_369 : vector<16xf32> to vector<16xf32>
      %get3A_371 = arith.constant 112 : index
      %get3A_372 = tpu.vector_load %arg22[%get3A_371] {strides = array<i32>} : memref<128xf32, #tpu.memory_space<vmem>>, vector<16xf32>,
      %get3A_373 = vector.shape_cast %get3A_372 : vector<16xf32> to vector<16xf32>
      %add3A_374 = arith.addf %get3A_370, %get3A_373 : vector<16xf32>
      %mul3A_375 = arith.constant 2.000000e-01 : f32
      %mul3A_376 = vector.broadcast %mul3A_375 : f32 to vector<16xf32>
      %mul3A_377 = arith.mulf %mul3A_376, %add3A_374 : vector<16xf32>
      %max3A_378 = arith.maximumf %add3A_374, %mul3A_377 : vector<16xf32>
      %exp3A_379 = math.exp %max3A_378 : vector<16xf32>
      %swap3A_380 = arith.constant 112 : index
      %swap3A_381 = tpu.vector_load %arg24[%swap3A_380] {strides = array<i32>} : memref<128xf32, #tpu.memory_space<vmem>>, vector<16xf32>,
      %swap3A_382 = vector.shape_cast %swap3A_381 : vector<16xf32> to vector<16xf32>
      %swap3A_383 = vector.shape_cast %exp3A_379 : vector<16xf32> to vector<16xf32>
      tpu.vector_store %arg24[%swap3A_380], %swap3A_383 {strides = array<i32>} : memref<128xf32, #tpu.memory_space<vmem>>, vector<16xf32>,
      %broadcast_in_dim3A_384 = arith.constant 0 : i32
      %broadcast_in_dim3A_385 = vector.broadcast %broadcast_in_dim3A_384 : i32 to vector<16xi32>
      %broadcast_in_dim3A_386 = arith.constant 1 : i32
      %broadcast_in_dim3A_387 = vector.broadcast %broadcast_in_dim3A_386 : i32 to vector<16xi32>
      %broadcast_in_dim3A_388 = arith.constant 2 : i32
      %broadcast_in_dim3A_389 = vector.broadcast %broadcast_in_dim3A_388 : i32 to vector<16xi32>
      %broadcast_in_dim3A_390 = arith.constant 3 : i32
      %broadcast_in_dim3A_391 = vector.broadcast %broadcast_in_dim3A_390 : i32 to vector<16xi32>
      %broadcast_in_dim3A_392 = arith.constant 4 : i32
      %broadcast_in_dim3A_393 = vector.broadcast %broadcast_in_dim3A_392 : i32 to vector<16xi32>
      %broadcast_in_dim3A_394 = arith.constant 5 : i32
      %broadcast_in_dim3A_395 = vector.broadcast %broadcast_in_dim3A_394 : i32 to vector<16xi32>
      %broadcast_in_dim3A_396 = arith.constant 6 : i32
      %broadcast_in_dim3A_397 = vector.broadcast %broadcast_in_dim3A_396 : i32 to vector<16xi32>
      %broadcast_in_dim3A_398 = arith.constant 7 : i32
      %broadcast_in_dim3A_399 = vector.broadcast %broadcast_in_dim3A_398 : i32 to vector<16xi32>
      %broadcast_in_dim3A_400 = arith.constant 8 : i32
      %broadcast_in_dim3A_401 = vector.broadcast %broadcast_in_dim3A_400 : i32 to vector<16xi32>
      %broadcast_in_dim3A_402 = arith.constant 9 : i32
      %broadcast_in_dim3A_403 = vector.broadcast %broadcast_in_dim3A_402 : i32 to vector<16xi32>
      %broadcast_in_dim3A_404 = arith.constant 10 : i32
      %broadcast_in_dim3A_405 = vector.broadcast %broadcast_in_dim3A_404 : i32 to vector<16xi32>
      %broadcast_in_dim3A_406 = arith.constant 11 : i32
      %broadcast_in_dim3A_407 = vector.broadcast %broadcast_in_dim3A_406 : i32 to vector<16xi32>
      %broadcast_in_dim3A_408 = arith.constant 12 : i32
      %broadcast_in_dim3A_409 = vector.broadcast %broadcast_in_dim3A_408 : i32 to vector<16xi32>
      %broadcast_in_dim3A_410 = arith.constant 13 : i32
      %broadcast_in_dim3A_411 = vector.broadcast %broadcast_in_dim3A_410 : i32 to vector<16xi32>
      %broadcast_in_dim3A_412 = arith.constant 14 : i32
      %broadcast_in_dim3A_413 = vector.broadcast %broadcast_in_dim3A_412 : i32 to vector<16xi32>
      %broadcast_in_dim3A_414 = arith.constant 15 : i32
      %broadcast_in_dim3A_415 = vector.broadcast %broadcast_in_dim3A_414 : i32 to vector<16xi32>
      %scan3A_416 = arith.constant 0 : i32
      %scan3A_417 = arith.constant 0 : i32
      %scan3A_418 = arith.constant 8 : i32
      %scan3A_419 = arith.addi %scan3A_417, %scan3A_418 : i32
      %scan3A_420 = arith.constant 1 : i32
      scf.for %scan3A_429 = %scan3A_417 to %scan3A_419 step %scan3A_420  : i32 {
        %mul3A_430 = arith.constant 16 : i32
        %mul3A_431 = arith.muli %scan3A_429, %mul3A_430 : i32
        %get3A_432 = arith.index_cast %mul3A_431 : i32 to index
        %get3A_433 = tpu.vector_load %arg24[%get3A_432] {strides = array<i32>} : memref<128xf32, #tpu.memory_space<vmem>>, vector<16xf32>,
        %get3A_434 = vector.shape_cast %get3A_433 : vector<16xf32> to vector<16xf32>
        %mul3A_435 = arith.constant 16 : i32
        %mul3A_436 = arith.muli %scan3A_429, %mul3A_435 : i32
        %add3A_437 = arith.constant 0 : i32
        %add3A_438 = arith.addi %mul3A_436, %add3A_437 : i32
        %lt3A_439 = arith.constant 0 : i32
        %lt3A_440 = vector.broadcast %lt3A_439 : i32 to vector<16xi32>
        %lt3A_441 = arith.cmpi slt, %broadcast_in_dim3A_385, %lt3A_440 : vector<16xi32>
        %add3A_442 = arith.constant 16 : i32
        %add3A_443 = vector.broadcast %add3A_442 : i32 to vector<16xi32>
        %add3A_444 = arith.addi %broadcast_in_dim3A_385, %add3A_443 : vector<16xi32>
        %select_n3A = arith.select %lt3A_441, %add3A_444, %broadcast_in_dim3A_385 : vector<16xi1>, vector<16xi32>
        %broadcast_in_dim3A_445 = vector.shape_cast %select_n3A : vector<16xi32> to vector<16x1xi32>
        %gather3A = vector.shape_cast %broadcast_in_dim3A_445 : vector<16x1xi32> to vector<16xi32>
        %gather3A_446 = tpu.dynamic_gather %get3A_434[%gather3A] in [0] : vector<16xf32>, vector<16xi32> -> vector<16xf32>
        %get3A_447 = arith.index_cast %add3A_438 : i32 to index
        %get3A_448 = arith.constant 0 : index
        %get3A_449 = tpu.vector_load %arg18[%get3A_447, %get3A_448] {strides = array<i32>} : memref<128x16xf32, #tpu.memory_space<vmem>>, vector<1x16xf32>,
        %get3A_450 = vector.shape_cast %get3A_449 : vector<1x16xf32> to vector<16xf32>
        %mul3A_451 = arith.mulf %gather3A_446, %get3A_450 : vector<16xf32>
        %swap3A_452 = arith.index_cast %add3A_438 : i32 to index
        %swap3A_453 = arith.constant 0 : index
        %swap3A_454 = tpu.vector_load %arg26[%swap3A_452, %swap3A_453] {strides = array<i32>} : memref<128x16xf32, #tpu.memory_space<vmem>>, vector<1x16xf32>,
        %swap3A_455 = vector.shape_cast %swap3A_454 : vector<1x16xf32> to vector<16xf32>
        %swap3A_456 = vector.shape_cast %mul3A_451 : vector<16xf32> to vector<1x16xf32>
        tpu.vector_store %arg26[%swap3A_452, %swap3A_453], %swap3A_456 {strides = array<i32>} : memref<128x16xf32, #tpu.memory_space<vmem>>, vector<1x16xf32>,
        %mul3A_457 = arith.constant 16 : i32
        %mul3A_458 = arith.muli %scan3A_429, %mul3A_457 : i32
        %add3A_459 = arith.constant 1 : i32
        %add3A_460 = arith.addi %mul3A_458, %add3A_459 : i32
        %lt3A_461 = arith.constant 0 : i32
        %lt3A_462 = vector.broadcast %lt3A_461 : i32 to vector<16xi32>
        %lt3A_463 = arith.cmpi slt, %broadcast_in_dim3A_387, %lt3A_462 : vector<16xi32>
        %add3A_464 = arith.constant 16 : i32
        %add3A_465 = vector.broadcast %add3A_464 : i32 to vector<16xi32>
        %add3A_466 = arith.addi %broadcast_in_dim3A_387, %add3A_465 : vector<16xi32>
        %select_n3A_467 = arith.select %lt3A_463, %add3A_466, %broadcast_in_dim3A_387 : vector<16xi1>, vector<16xi32>
        %broadcast_in_dim3A_468 = vector.shape_cast %select_n3A_467 : vector<16xi32> to vector<16x1xi32>
        %gather3A_469 = vector.shape_cast %broadcast_in_dim3A_468 : vector<16x1xi32> to vector<16xi32>
        %gather3A_470 = tpu.dynamic_gather %get3A_434[%gather3A_469] in [0] : vector<16xf32>, vector<16xi32> -> vector<16xf32>
        %get3A_471 = arith.index_cast %add3A_460 : i32 to index
        %get3A_472 = arith.constant 0 : index
        %get3A_473 = tpu.vector_load %arg18[%get3A_471, %get3A_472] {strides = array<i32>} : memref<128x16xf32, #tpu.memory_space<vmem>>, vector<1x16xf32>,
        %get3A_474 = vector.shape_cast %get3A_473 : vector<1x16xf32> to vector<16xf32>
        %mul3A_475 = arith.mulf %gather3A_470, %get3A_474 : vector<16xf32>
        %swap3A_476 = arith.index_cast %add3A_460 : i32 to index
        %swap3A_477 = arith.constant 0 : index
        %swap3A_478 = tpu.vector_load %arg26[%swap3A_476, %swap3A_477] {strides = array<i32>} : memref<128x16xf32, #tpu.memory_space<vmem>>, vector<1x16xf32>,
        %swap3A_479 = vector.shape_cast %swap3A_478 : vector<1x16xf32> to vector<16xf32>
        %swap3A_480 = vector.shape_cast %mul3A_475 : vector<16xf32> to vector<1x16xf32>
        tpu.vector_store %arg26[%swap3A_476, %swap3A_477], %swap3A_480 {strides = array<i32>} : memref<128x16xf32, #tpu.memory_space<vmem>>, vector<1x16xf32>,
        %mul3A_481 = arith.constant 16 : i32
        %mul3A_482 = arith.muli %scan3A_429, %mul3A_481 : i32
        %add3A_483 = arith.constant 2 : i32
        %add3A_484 = arith.addi %mul3A_482, %add3A_483 : i32
        %lt3A_485 = arith.constant 0 : i32
        %lt3A_486 = vector.broadcast %lt3A_485 : i32 to vector<16xi32>
        %lt3A_487 = arith.cmpi slt, %broadcast_in_dim3A_389, %lt3A_486 : vector<16xi32>
        %add3A_488 = arith.constant 16 : i32
        %add3A_489 = vector.broadcast %add3A_488 : i32 to vector<16xi32>
        %add3A_490 = arith.addi %broadcast_in_dim3A_389, %add3A_489 : vector<16xi32>
        %select_n3A_491 = arith.select %lt3A_487, %add3A_490, %broadcast_in_dim3A_389 : vector<16xi1>, vector<16xi32>
        %broadcast_in_dim3A_492 = vector.shape_cast %select_n3A_491 : vector<16xi32> to vector<16x1xi32>
        %gather3A_493 = vector.shape_cast %broadcast_in_dim3A_492 : vector<16x1xi32> to vector<16xi32>
        %gather3A_494 = tpu.dynamic_gather %get3A_434[%gather3A_493] in [0] : vector<16xf32>, vector<16xi32> -> vector<16xf32>
        %get3A_495 = arith.index_cast %add3A_484 : i32 to index
        %get3A_496 = arith.constant 0 : index
        %get3A_497 = tpu.vector_load %arg18[%get3A_495, %get3A_496] {strides = array<i32>} : memref<128x16xf32, #tpu.memory_space<vmem>>, vector<1x16xf32>,
        %get3A_498 = vector.shape_cast %get3A_497 : vector<1x16xf32> to vector<16xf32>
        %mul3A_499 = arith.mulf %gather3A_494, %get3A_498 : vector<16xf32>
        %swap3A_500 = arith.index_cast %add3A_484 : i32 to index
        %swap3A_501 = arith.constant 0 : index
        %swap3A_502 = tpu.vector_load %arg26[%swap3A_500, %swap3A_501] {strides = array<i32>} : memref<128x16xf32, #tpu.memory_space<vmem>>, vector<1x16xf32>,
        %swap3A_503 = vector.shape_cast %swap3A_502 : vector<1x16xf32> to vector<16xf32>
        %swap3A_504 = vector.shape_cast %mul3A_499 : vector<16xf32> to vector<1x16xf32>
        tpu.vector_store %arg26[%swap3A_500, %swap3A_501], %swap3A_504 {strides = array<i32>} : memref<128x16xf32, #tpu.memory_space<vmem>>, vector<1x16xf32>,
        %mul3A_505 = arith.constant 16 : i32
        %mul3A_506 = arith.muli %scan3A_429, %mul3A_505 : i32
        %add3A_507 = arith.constant 3 : i32
        %add3A_508 = arith.addi %mul3A_506, %add3A_507 : i32
        %lt3A_509 = arith.constant 0 : i32
        %lt3A_510 = vector.broadcast %lt3A_509 : i32 to vector<16xi32>
        %lt3A_511 = arith.cmpi slt, %broadcast_in_dim3A_391, %lt3A_510 : vector<16xi32>
        %add3A_512 = arith.constant 16 : i32
        %add3A_513 = vector.broadcast %add3A_512 : i32 to vector<16xi32>
        %add3A_514 = arith.addi %broadcast_in_dim3A_391, %add3A_513 : vector<16xi32>
        %select_n3A_515 = arith.select %lt3A_511, %add3A_514, %broadcast_in_dim3A_391 : vector<16xi1>, vector<16xi32>
        %broadcast_in_dim3A_516 = vector.shape_cast %select_n3A_515 : vector<16xi32> to vector<16x1xi32>
        %gather3A_517 = vector.shape_cast %broadcast_in_dim3A_516 : vector<16x1xi32> to vector<16xi32>
        %gather3A_518 = tpu.dynamic_gather %get3A_434[%gather3A_517] in [0] : vector<16xf32>, vector<16xi32> -> vector<16xf32>
        %get3A_519 = arith.index_cast %add3A_508 : i32 to index
        %get3A_520 = arith.constant 0 : index
        %get3A_521 = tpu.vector_load %arg18[%get3A_519, %get3A_520] {strides = array<i32>} : memref<128x16xf32, #tpu.memory_space<vmem>>, vector<1x16xf32>,
        %get3A_522 = vector.shape_cast %get3A_521 : vector<1x16xf32> to vector<16xf32>
        %mul3A_523 = arith.mulf %gather3A_518, %get3A_522 : vector<16xf32>
        %swap3A_524 = arith.index_cast %add3A_508 : i32 to index
        %swap3A_525 = arith.constant 0 : index
        %swap3A_526 = tpu.vector_load %arg26[%swap3A_524, %swap3A_525] {strides = array<i32>} : memref<128x16xf32, #tpu.memory_space<vmem>>, vector<1x16xf32>,
        %swap3A_527 = vector.shape_cast %swap3A_526 : vector<1x16xf32> to vector<16xf32>
        %swap3A_528 = vector.shape_cast %mul3A_523 : vector<16xf32> to vector<1x16xf32>
        tpu.vector_store %arg26[%swap3A_524, %swap3A_525], %swap3A_528 {strides = array<i32>} : memref<128x16xf32, #tpu.memory_space<vmem>>, vector<1x16xf32>,
        %mul3A_529 = arith.constant 16 : i32
        %mul3A_530 = arith.muli %scan3A_429, %mul3A_529 : i32
        %add3A_531 = arith.constant 4 : i32
        %add3A_532 = arith.addi %mul3A_530, %add3A_531 : i32
        %lt3A_533 = arith.constant 0 : i32
        %lt3A_534 = vector.broadcast %lt3A_533 : i32 to vector<16xi32>
        %lt3A_535 = arith.cmpi slt, %broadcast_in_dim3A_393, %lt3A_534 : vector<16xi32>
        %add3A_536 = arith.constant 16 : i32
        %add3A_537 = vector.broadcast %add3A_536 : i32 to vector<16xi32>
        %add3A_538 = arith.addi %broadcast_in_dim3A_393, %add3A_537 : vector<16xi32>
        %select_n3A_539 = arith.select %lt3A_535, %add3A_538, %broadcast_in_dim3A_393 : vector<16xi1>, vector<16xi32>
        %broadcast_in_dim3A_540 = vector.shape_cast %select_n3A_539 : vector<16xi32> to vector<16x1xi32>
        %gather3A_541 = vector.shape_cast %broadcast_in_dim3A_540 : vector<16x1xi32> to vector<16xi32>
        %gather3A_542 = tpu.dynamic_gather %get3A_434[%gather3A_541] in [0] : vector<16xf32>, vector<16xi32> -> vector<16xf32>
        %get3A_543 = arith.index_cast %add3A_532 : i32 to index
        %get3A_544 = arith.constant 0 : index
        %get3A_545 = tpu.vector_load %arg18[%get3A_543, %get3A_544] {strides = array<i32>} : memref<128x16xf32, #tpu.memory_space<vmem>>, vector<1x16xf32>,
        %get3A_546 = vector.shape_cast %get3A_545 : vector<1x16xf32> to vector<16xf32>
        %mul3A_547 = arith.mulf %gather3A_542, %get3A_546 : vector<16xf32>
        %swap3A_548 = arith.index_cast %add3A_532 : i32 to index
        %swap3A_549 = arith.constant 0 : index
        %swap3A_550 = tpu.vector_load %arg26[%swap3A_548, %swap3A_549] {strides = array<i32>} : memref<128x16xf32, #tpu.memory_space<vmem>>, vector<1x16xf32>,
        %swap3A_551 = vector.shape_cast %swap3A_550 : vector<1x16xf32> to vector<16xf32>
        %swap3A_552 = vector.shape_cast %mul3A_547 : vector<16xf32> to vector<1x16xf32>
        tpu.vector_store %arg26[%swap3A_548, %swap3A_549], %swap3A_552 {strides = array<i32>} : memref<128x16xf32, #tpu.memory_space<vmem>>, vector<1x16xf32>,
        %mul3A_553 = arith.constant 16 : i32
        %mul3A_554 = arith.muli %scan3A_429, %mul3A_553 : i32
        %add3A_555 = arith.constant 5 : i32
        %add3A_556 = arith.addi %mul3A_554, %add3A_555 : i32
        %lt3A_557 = arith.constant 0 : i32
        %lt3A_558 = vector.broadcast %lt3A_557 : i32 to vector<16xi32>
        %lt3A_559 = arith.cmpi slt, %broadcast_in_dim3A_395, %lt3A_558 : vector<16xi32>
        %add3A_560 = arith.constant 16 : i32
        %add3A_561 = vector.broadcast %add3A_560 : i32 to vector<16xi32>
        %add3A_562 = arith.addi %broadcast_in_dim3A_395, %add3A_561 : vector<16xi32>
        %select_n3A_563 = arith.select %lt3A_559, %add3A_562, %broadcast_in_dim3A_395 : vector<16xi1>, vector<16xi32>
        %broadcast_in_dim3A_564 = vector.shape_cast %select_n3A_563 : vector<16xi32> to vector<16x1xi32>
        %gather3A_565 = vector.shape_cast %broadcast_in_dim3A_564 : vector<16x1xi32> to vector<16xi32>
        %gather3A_566 = tpu.dynamic_gather %get3A_434[%gather3A_565] in [0] : vector<16xf32>, vector<16xi32> -> vector<16xf32>
        %get3A_567 = arith.index_cast %add3A_556 : i32 to index
        %get3A_568 = arith.constant 0 : index
        %get3A_569 = tpu.vector_load %arg18[%get3A_567, %get3A_568] {strides = array<i32>} : memref<128x16xf32, #tpu.memory_space<vmem>>, vector<1x16xf32>,
        %get3A_570 = vector.shape_cast %get3A_569 : vector<1x16xf32> to vector<16xf32>
        %mul3A_571 = arith.mulf %gather3A_566, %get3A_570 : vector<16xf32>
        %swap3A_572 = arith.index_cast %add3A_556 : i32 to index
        %swap3A_573 = arith.constant 0 : index
        %swap3A_574 = tpu.vector_load %arg26[%swap3A_572, %swap3A_573] {strides = array<i32>} : memref<128x16xf32, #tpu.memory_space<vmem>>, vector<1x16xf32>,
        %swap3A_575 = vector.shape_cast %swap3A_574 : vector<1x16xf32> to vector<16xf32>
        %swap3A_576 = vector.shape_cast %mul3A_571 : vector<16xf32> to vector<1x16xf32>
        tpu.vector_store %arg26[%swap3A_572, %swap3A_573], %swap3A_576 {strides = array<i32>} : memref<128x16xf32, #tpu.memory_space<vmem>>, vector<1x16xf32>,
        %mul3A_577 = arith.constant 16 : i32
        %mul3A_578 = arith.muli %scan3A_429, %mul3A_577 : i32
        %add3A_579 = arith.constant 6 : i32
        %add3A_580 = arith.addi %mul3A_578, %add3A_579 : i32
        %lt3A_581 = arith.constant 0 : i32
        %lt3A_582 = vector.broadcast %lt3A_581 : i32 to vector<16xi32>
        %lt3A_583 = arith.cmpi slt, %broadcast_in_dim3A_397, %lt3A_582 : vector<16xi32>
        %add3A_584 = arith.constant 16 : i32
        %add3A_585 = vector.broadcast %add3A_584 : i32 to vector<16xi32>
        %add3A_586 = arith.addi %broadcast_in_dim3A_397, %add3A_585 : vector<16xi32>
        %select_n3A_587 = arith.select %lt3A_583, %add3A_586, %broadcast_in_dim3A_397 : vector<16xi1>, vector<16xi32>
        %broadcast_in_dim3A_588 = vector.shape_cast %select_n3A_587 : vector<16xi32> to vector<16x1xi32>
        %gather3A_589 = vector.shape_cast %broadcast_in_dim3A_588 : vector<16x1xi32> to vector<16xi32>
        %gather3A_590 = tpu.dynamic_gather %get3A_434[%gather3A_589] in [0] : vector<16xf32>, vector<16xi32> -> vector<16xf32>
        %get3A_591 = arith.index_cast %add3A_580 : i32 to index
        %get3A_592 = arith.constant 0 : index
        %get3A_593 = tpu.vector_load %arg18[%get3A_591, %get3A_592] {strides = array<i32>} : memref<128x16xf32, #tpu.memory_space<vmem>>, vector<1x16xf32>,
        %get3A_594 = vector.shape_cast %get3A_593 : vector<1x16xf32> to vector<16xf32>
        %mul3A_595 = arith.mulf %gather3A_590, %get3A_594 : vector<16xf32>
        %swap3A_596 = arith.index_cast %add3A_580 : i32 to index
        %swap3A_597 = arith.constant 0 : index
        %swap3A_598 = tpu.vector_load %arg26[%swap3A_596, %swap3A_597] {strides = array<i32>} : memref<128x16xf32, #tpu.memory_space<vmem>>, vector<1x16xf32>,
        %swap3A_599 = vector.shape_cast %swap3A_598 : vector<1x16xf32> to vector<16xf32>
        %swap3A_600 = vector.shape_cast %mul3A_595 : vector<16xf32> to vector<1x16xf32>
        tpu.vector_store %arg26[%swap3A_596, %swap3A_597], %swap3A_600 {strides = array<i32>} : memref<128x16xf32, #tpu.memory_space<vmem>>, vector<1x16xf32>,
        %mul3A_601 = arith.constant 16 : i32
        %mul3A_602 = arith.muli %scan3A_429, %mul3A_601 : i32
        %add3A_603 = arith.constant 7 : i32
        %add3A_604 = arith.addi %mul3A_602, %add3A_603 : i32
        %lt3A_605 = arith.constant 0 : i32
        %lt3A_606 = vector.broadcast %lt3A_605 : i32 to vector<16xi32>
        %lt3A_607 = arith.cmpi slt, %broadcast_in_dim3A_399, %lt3A_606 : vector<16xi32>
        %add3A_608 = arith.constant 16 : i32
        %add3A_609 = vector.broadcast %add3A_608 : i32 to vector<16xi32>
        %add3A_610 = arith.addi %broadcast_in_dim3A_399, %add3A_609 : vector<16xi32>
        %select_n3A_611 = arith.select %lt3A_607, %add3A_610, %broadcast_in_dim3A_399 : vector<16xi1>, vector<16xi32>
        %broadcast_in_dim3A_612 = vector.shape_cast %select_n3A_611 : vector<16xi32> to vector<16x1xi32>
        %gather3A_613 = vector.shape_cast %broadcast_in_dim3A_612 : vector<16x1xi32> to vector<16xi32>
        %gather3A_614 = tpu.dynamic_gather %get3A_434[%gather3A_613] in [0] : vector<16xf32>, vector<16xi32> -> vector<16xf32>
        %get3A_615 = arith.index_cast %add3A_604 : i32 to index
        %get3A_616 = arith.constant 0 : index
        %get3A_617 = tpu.vector_load %arg18[%get3A_615, %get3A_616] {strides = array<i32>} : memref<128x16xf32, #tpu.memory_space<vmem>>, vector<1x16xf32>,
        %get3A_618 = vector.shape_cast %get3A_617 : vector<1x16xf32> to vector<16xf32>
        %mul3A_619 = arith.mulf %gather3A_614, %get3A_618 : vector<16xf32>
        %swap3A_620 = arith.index_cast %add3A_604 : i32 to index
        %swap3A_621 = arith.constant 0 : index
        %swap3A_622 = tpu.vector_load %arg26[%swap3A_620, %swap3A_621] {strides = array<i32>} : memref<128x16xf32, #tpu.memory_space<vmem>>, vector<1x16xf32>,
        %swap3A_623 = vector.shape_cast %swap3A_622 : vector<1x16xf32> to vector<16xf32>
        %swap3A_624 = vector.shape_cast %mul3A_619 : vector<16xf32> to vector<1x16xf32>
        tpu.vector_store %arg26[%swap3A_620, %swap3A_621], %swap3A_624 {strides = array<i32>} : memref<128x16xf32, #tpu.memory_space<vmem>>, vector<1x16xf32>,
        %mul3A_625 = arith.constant 16 : i32
        %mul3A_626 = arith.muli %scan3A_429, %mul3A_625 : i32
        %add3A_627 = arith.constant 8 : i32
        %add3A_628 = arith.addi %mul3A_626, %add3A_627 : i32
        %lt3A_629 = arith.constant 0 : i32
        %lt3A_630 = vector.broadcast %lt3A_629 : i32 to vector<16xi32>
        %lt3A_631 = arith.cmpi slt, %broadcast_in_dim3A_401, %lt3A_630 : vector<16xi32>
        %add3A_632 = arith.constant 16 : i32
        %add3A_633 = vector.broadcast %add3A_632 : i32 to vector<16xi32>
        %add3A_634 = arith.addi %broadcast_in_dim3A_401, %add3A_633 : vector<16xi32>
        %select_n3A_635 = arith.select %lt3A_631, %add3A_634, %broadcast_in_dim3A_401 : vector<16xi1>, vector<16xi32>
        %broadcast_in_dim3A_636 = vector.shape_cast %select_n3A_635 : vector<16xi32> to vector<16x1xi32>
        %gather3A_637 = vector.shape_cast %broadcast_in_dim3A_636 : vector<16x1xi32> to vector<16xi32>
        %gather3A_638 = tpu.dynamic_gather %get3A_434[%gather3A_637] in [0] : vector<16xf32>, vector<16xi32> -> vector<16xf32>
        %get3A_639 = arith.index_cast %add3A_628 : i32 to index
        %get3A_640 = arith.constant 0 : index
        %get3A_641 = tpu.vector_load %arg18[%get3A_639, %get3A_640] {strides = array<i32>} : memref<128x16xf32, #tpu.memory_space<vmem>>, vector<1x16xf32>,
        %get3A_642 = vector.shape_cast %get3A_641 : vector<1x16xf32> to vector<16xf32>
        %mul3A_643 = arith.mulf %gather3A_638, %get3A_642 : vector<16xf32>
        %swap3A_644 = arith.index_cast %add3A_628 : i32 to index
        %swap3A_645 = arith.constant 0 : index
        %swap3A_646 = tpu.vector_load %arg26[%swap3A_644, %swap3A_645] {strides = array<i32>} : memref<128x16xf32, #tpu.memory_space<vmem>>, vector<1x16xf32>,
        %swap3A_647 = vector.shape_cast %swap3A_646 : vector<1x16xf32> to vector<16xf32>
        %swap3A_648 = vector.shape_cast %mul3A_643 : vector<16xf32> to vector<1x16xf32>
        tpu.vector_store %arg26[%swap3A_644, %swap3A_645], %swap3A_648 {strides = array<i32>} : memref<128x16xf32, #tpu.memory_space<vmem>>, vector<1x16xf32>,
        %mul3A_649 = arith.constant 16 : i32
        %mul3A_650 = arith.muli %scan3A_429, %mul3A_649 : i32
        %add3A_651 = arith.constant 9 : i32
        %add3A_652 = arith.addi %mul3A_650, %add3A_651 : i32
        %lt3A_653 = arith.constant 0 : i32
        %lt3A_654 = vector.broadcast %lt3A_653 : i32 to vector<16xi32>
        %lt3A_655 = arith.cmpi slt, %broadcast_in_dim3A_403, %lt3A_654 : vector<16xi32>
        %add3A_656 = arith.constant 16 : i32
        %add3A_657 = vector.broadcast %add3A_656 : i32 to vector<16xi32>
        %add3A_658 = arith.addi %broadcast_in_dim3A_403, %add3A_657 : vector<16xi32>
        %select_n3A_659 = arith.select %lt3A_655, %add3A_658, %broadcast_in_dim3A_403 : vector<16xi1>, vector<16xi32>
        %broadcast_in_dim3A_660 = vector.shape_cast %select_n3A_659 : vector<16xi32> to vector<16x1xi32>
        %gather3A_661 = vector.shape_cast %broadcast_in_dim3A_660 : vector<16x1xi32> to vector<16xi32>
        %gather3A_662 = tpu.dynamic_gather %get3A_434[%gather3A_661] in [0] : vector<16xf32>, vector<16xi32> -> vector<16xf32>
        %get3A_663 = arith.index_cast %add3A_652 : i32 to index
        %get3A_664 = arith.constant 0 : index
        %get3A_665 = tpu.vector_load %arg18[%get3A_663, %get3A_664] {strides = array<i32>} : memref<128x16xf32, #tpu.memory_space<vmem>>, vector<1x16xf32>,
        %get3A_666 = vector.shape_cast %get3A_665 : vector<1x16xf32> to vector<16xf32>
        %mul3A_667 = arith.mulf %gather3A_662, %get3A_666 : vector<16xf32>
        %swap3A_668 = arith.index_cast %add3A_652 : i32 to index
        %swap3A_669 = arith.constant 0 : index
        %swap3A_670 = tpu.vector_load %arg26[%swap3A_668, %swap3A_669] {strides = array<i32>} : memref<128x16xf32, #tpu.memory_space<vmem>>, vector<1x16xf32>,
        %swap3A_671 = vector.shape_cast %swap3A_670 : vector<1x16xf32> to vector<16xf32>
        %swap3A_672 = vector.shape_cast %mul3A_667 : vector<16xf32> to vector<1x16xf32>
        tpu.vector_store %arg26[%swap3A_668, %swap3A_669], %swap3A_672 {strides = array<i32>} : memref<128x16xf32, #tpu.memory_space<vmem>>, vector<1x16xf32>,
        %mul3A_673 = arith.constant 16 : i32
        %mul3A_674 = arith.muli %scan3A_429, %mul3A_673 : i32
        %add3A_675 = arith.constant 10 : i32
        %add3A_676 = arith.addi %mul3A_674, %add3A_675 : i32
        %lt3A_677 = arith.constant 0 : i32
        %lt3A_678 = vector.broadcast %lt3A_677 : i32 to vector<16xi32>
        %lt3A_679 = arith.cmpi slt, %broadcast_in_dim3A_405, %lt3A_678 : vector<16xi32>
        %add3A_680 = arith.constant 16 : i32
        %add3A_681 = vector.broadcast %add3A_680 : i32 to vector<16xi32>
        %add3A_682 = arith.addi %broadcast_in_dim3A_405, %add3A_681 : vector<16xi32>
        %select_n3A_683 = arith.select %lt3A_679, %add3A_682, %broadcast_in_dim3A_405 : vector<16xi1>, vector<16xi32>
        %broadcast_in_dim3A_684 = vector.shape_cast %select_n3A_683 : vector<16xi32> to vector<16x1xi32>
        %gather3A_685 = vector.shape_cast %broadcast_in_dim3A_684 : vector<16x1xi32> to vector<16xi32>
        %gather3A_686 = tpu.dynamic_gather %get3A_434[%gather3A_685] in [0] : vector<16xf32>, vector<16xi32> -> vector<16xf32>
        %get3A_687 = arith.index_cast %add3A_676 : i32 to index
        %get3A_688 = arith.constant 0 : index
        %get3A_689 = tpu.vector_load %arg18[%get3A_687, %get3A_688] {strides = array<i32>} : memref<128x16xf32, #tpu.memory_space<vmem>>, vector<1x16xf32>,
        %get3A_690 = vector.shape_cast %get3A_689 : vector<1x16xf32> to vector<16xf32>
        %mul3A_691 = arith.mulf %gather3A_686, %get3A_690 : vector<16xf32>
        %swap3A_692 = arith.index_cast %add3A_676 : i32 to index
        %swap3A_693 = arith.constant 0 : index
        %swap3A_694 = tpu.vector_load %arg26[%swap3A_692, %swap3A_693] {strides = array<i32>} : memref<128x16xf32, #tpu.memory_space<vmem>>, vector<1x16xf32>,
        %swap3A_695 = vector.shape_cast %swap3A_694 : vector<1x16xf32> to vector<16xf32>
        %swap3A_696 = vector.shape_cast %mul3A_691 : vector<16xf32> to vector<1x16xf32>
        tpu.vector_store %arg26[%swap3A_692, %swap3A_693], %swap3A_696 {strides = array<i32>} : memref<128x16xf32, #tpu.memory_space<vmem>>, vector<1x16xf32>,
        %mul3A_697 = arith.constant 16 : i32
        %mul3A_698 = arith.muli %scan3A_429, %mul3A_697 : i32
        %add3A_699 = arith.constant 11 : i32
        %add3A_700 = arith.addi %mul3A_698, %add3A_699 : i32
        %lt3A_701 = arith.constant 0 : i32
        %lt3A_702 = vector.broadcast %lt3A_701 : i32 to vector<16xi32>
        %lt3A_703 = arith.cmpi slt, %broadcast_in_dim3A_407, %lt3A_702 : vector<16xi32>
        %add3A_704 = arith.constant 16 : i32
        %add3A_705 = vector.broadcast %add3A_704 : i32 to vector<16xi32>
        %add3A_706 = arith.addi %broadcast_in_dim3A_407, %add3A_705 : vector<16xi32>
        %select_n3A_707 = arith.select %lt3A_703, %add3A_706, %broadcast_in_dim3A_407 : vector<16xi1>, vector<16xi32>
        %broadcast_in_dim3A_708 = vector.shape_cast %select_n3A_707 : vector<16xi32> to vector<16x1xi32>
        %gather3A_709 = vector.shape_cast %broadcast_in_dim3A_708 : vector<16x1xi32> to vector<16xi32>
        %gather3A_710 = tpu.dynamic_gather %get3A_434[%gather3A_709] in [0] : vector<16xf32>, vector<16xi32> -> vector<16xf32>
        %get3A_711 = arith.index_cast %add3A_700 : i32 to index
        %get3A_712 = arith.constant 0 : index
        %get3A_713 = tpu.vector_load %arg18[%get3A_711, %get3A_712] {strides = array<i32>} : memref<128x16xf32, #tpu.memory_space<vmem>>, vector<1x16xf32>,
        %get3A_714 = vector.shape_cast %get3A_713 : vector<1x16xf32> to vector<16xf32>
        %mul3A_715 = arith.mulf %gather3A_710, %get3A_714 : vector<16xf32>
        %swap3A_716 = arith.index_cast %add3A_700 : i32 to index
        %swap3A_717 = arith.constant 0 : index
        %swap3A_718 = tpu.vector_load %arg26[%swap3A_716, %swap3A_717] {strides = array<i32>} : memref<128x16xf32, #tpu.memory_space<vmem>>, vector<1x16xf32>,
        %swap3A_719 = vector.shape_cast %swap3A_718 : vector<1x16xf32> to vector<16xf32>
        %swap3A_720 = vector.shape_cast %mul3A_715 : vector<16xf32> to vector<1x16xf32>
        tpu.vector_store %arg26[%swap3A_716, %swap3A_717], %swap3A_720 {strides = array<i32>} : memref<128x16xf32, #tpu.memory_space<vmem>>, vector<1x16xf32>,
        %mul3A_721 = arith.constant 16 : i32
        %mul3A_722 = arith.muli %scan3A_429, %mul3A_721 : i32
        %add3A_723 = arith.constant 12 : i32
        %add3A_724 = arith.addi %mul3A_722, %add3A_723 : i32
        %lt3A_725 = arith.constant 0 : i32
        %lt3A_726 = vector.broadcast %lt3A_725 : i32 to vector<16xi32>
        %lt3A_727 = arith.cmpi slt, %broadcast_in_dim3A_409, %lt3A_726 : vector<16xi32>
        %add3A_728 = arith.constant 16 : i32
        %add3A_729 = vector.broadcast %add3A_728 : i32 to vector<16xi32>
        %add3A_730 = arith.addi %broadcast_in_dim3A_409, %add3A_729 : vector<16xi32>
        %select_n3A_731 = arith.select %lt3A_727, %add3A_730, %broadcast_in_dim3A_409 : vector<16xi1>, vector<16xi32>
        %broadcast_in_dim3A_732 = vector.shape_cast %select_n3A_731 : vector<16xi32> to vector<16x1xi32>
        %gather3A_733 = vector.shape_cast %broadcast_in_dim3A_732 : vector<16x1xi32> to vector<16xi32>
        %gather3A_734 = tpu.dynamic_gather %get3A_434[%gather3A_733] in [0] : vector<16xf32>, vector<16xi32> -> vector<16xf32>
        %get3A_735 = arith.index_cast %add3A_724 : i32 to index
        %get3A_736 = arith.constant 0 : index
        %get3A_737 = tpu.vector_load %arg18[%get3A_735, %get3A_736] {strides = array<i32>} : memref<128x16xf32, #tpu.memory_space<vmem>>, vector<1x16xf32>,
        %get3A_738 = vector.shape_cast %get3A_737 : vector<1x16xf32> to vector<16xf32>
        %mul3A_739 = arith.mulf %gather3A_734, %get3A_738 : vector<16xf32>
        %swap3A_740 = arith.index_cast %add3A_724 : i32 to index
        %swap3A_741 = arith.constant 0 : index
        %swap3A_742 = tpu.vector_load %arg26[%swap3A_740, %swap3A_741] {strides = array<i32>} : memref<128x16xf32, #tpu.memory_space<vmem>>, vector<1x16xf32>,
        %swap3A_743 = vector.shape_cast %swap3A_742 : vector<1x16xf32> to vector<16xf32>
        %swap3A_744 = vector.shape_cast %mul3A_739 : vector<16xf32> to vector<1x16xf32>
        tpu.vector_store %arg26[%swap3A_740, %swap3A_741], %swap3A_744 {strides = array<i32>} : memref<128x16xf32, #tpu.memory_space<vmem>>, vector<1x16xf32>,
        %mul3A_745 = arith.constant 16 : i32
        %mul3A_746 = arith.muli %scan3A_429, %mul3A_745 : i32
        %add3A_747 = arith.constant 13 : i32
        %add3A_748 = arith.addi %mul3A_746, %add3A_747 : i32
        %lt3A_749 = arith.constant 0 : i32
        %lt3A_750 = vector.broadcast %lt3A_749 : i32 to vector<16xi32>
        %lt3A_751 = arith.cmpi slt, %broadcast_in_dim3A_411, %lt3A_750 : vector<16xi32>
        %add3A_752 = arith.constant 16 : i32
        %add3A_753 = vector.broadcast %add3A_752 : i32 to vector<16xi32>
        %add3A_754 = arith.addi %broadcast_in_dim3A_411, %add3A_753 : vector<16xi32>
        %select_n3A_755 = arith.select %lt3A_751, %add3A_754, %broadcast_in_dim3A_411 : vector<16xi1>, vector<16xi32>
        %broadcast_in_dim3A_756 = vector.shape_cast %select_n3A_755 : vector<16xi32> to vector<16x1xi32>
        %gather3A_757 = vector.shape_cast %broadcast_in_dim3A_756 : vector<16x1xi32> to vector<16xi32>
        %gather3A_758 = tpu.dynamic_gather %get3A_434[%gather3A_757] in [0] : vector<16xf32>, vector<16xi32> -> vector<16xf32>
        %get3A_759 = arith.index_cast %add3A_748 : i32 to index
        %get3A_760 = arith.constant 0 : index
        %get3A_761 = tpu.vector_load %arg18[%get3A_759, %get3A_760] {strides = array<i32>} : memref<128x16xf32, #tpu.memory_space<vmem>>, vector<1x16xf32>,
        %get3A_762 = vector.shape_cast %get3A_761 : vector<1x16xf32> to vector<16xf32>
        %mul3A_763 = arith.mulf %gather3A_758, %get3A_762 : vector<16xf32>
        %swap3A_764 = arith.index_cast %add3A_748 : i32 to index
        %swap3A_765 = arith.constant 0 : index
        %swap3A_766 = tpu.vector_load %arg26[%swap3A_764, %swap3A_765] {strides = array<i32>} : memref<128x16xf32, #tpu.memory_space<vmem>>, vector<1x16xf32>,
        %swap3A_767 = vector.shape_cast %swap3A_766 : vector<1x16xf32> to vector<16xf32>
        %swap3A_768 = vector.shape_cast %mul3A_763 : vector<16xf32> to vector<1x16xf32>
        tpu.vector_store %arg26[%swap3A_764, %swap3A_765], %swap3A_768 {strides = array<i32>} : memref<128x16xf32, #tpu.memory_space<vmem>>, vector<1x16xf32>,
        %mul3A_769 = arith.constant 16 : i32
        %mul3A_770 = arith.muli %scan3A_429, %mul3A_769 : i32
        %add3A_771 = arith.constant 14 : i32
        %add3A_772 = arith.addi %mul3A_770, %add3A_771 : i32
        %lt3A_773 = arith.constant 0 : i32
        %lt3A_774 = vector.broadcast %lt3A_773 : i32 to vector<16xi32>
        %lt3A_775 = arith.cmpi slt, %broadcast_in_dim3A_413, %lt3A_774 : vector<16xi32>
        %add3A_776 = arith.constant 16 : i32
        %add3A_777 = vector.broadcast %add3A_776 : i32 to vector<16xi32>
        %add3A_778 = arith.addi %broadcast_in_dim3A_413, %add3A_777 : vector<16xi32>
        %select_n3A_779 = arith.select %lt3A_775, %add3A_778, %broadcast_in_dim3A_413 : vector<16xi1>, vector<16xi32>
        %broadcast_in_dim3A_780 = vector.shape_cast %select_n3A_779 : vector<16xi32> to vector<16x1xi32>
        %gather3A_781 = vector.shape_cast %broadcast_in_dim3A_780 : vector<16x1xi32> to vector<16xi32>
        %gather3A_782 = tpu.dynamic_gather %get3A_434[%gather3A_781] in [0] : vector<16xf32>, vector<16xi32> -> vector<16xf32>
        %get3A_783 = arith.index_cast %add3A_772 : i32 to index
        %get3A_784 = arith.constant 0 : index
        %get3A_785 = tpu.vector_load %arg18[%get3A_783, %get3A_784] {strides = array<i32>} : memref<128x16xf32, #tpu.memory_space<vmem>>, vector<1x16xf32>,
        %get3A_786 = vector.shape_cast %get3A_785 : vector<1x16xf32> to vector<16xf32>
        %mul3A_787 = arith.mulf %gather3A_782, %get3A_786 : vector<16xf32>
        %swap3A_788 = arith.index_cast %add3A_772 : i32 to index
        %swap3A_789 = arith.constant 0 : index
        %swap3A_790 = tpu.vector_load %arg26[%swap3A_788, %swap3A_789] {strides = array<i32>} : memref<128x16xf32, #tpu.memory_space<vmem>>, vector<1x16xf32>,
        %swap3A_791 = vector.shape_cast %swap3A_790 : vector<1x16xf32> to vector<16xf32>
        %swap3A_792 = vector.shape_cast %mul3A_787 : vector<16xf32> to vector<1x16xf32>
        tpu.vector_store %arg26[%swap3A_788, %swap3A_789], %swap3A_792 {strides = array<i32>} : memref<128x16xf32, #tpu.memory_space<vmem>>, vector<1x16xf32>,
        %mul3A_793 = arith.constant 16 : i32
        %mul3A_794 = arith.muli %scan3A_429, %mul3A_793 : i32
        %add3A_795 = arith.constant 15 : i32
        %add3A_796 = arith.addi %mul3A_794, %add3A_795 : i32
        %lt3A_797 = arith.constant 0 : i32
        %lt3A_798 = vector.broadcast %lt3A_797 : i32 to vector<16xi32>
        %lt3A_799 = arith.cmpi slt, %broadcast_in_dim3A_415, %lt3A_798 : vector<16xi32>
        %add3A_800 = arith.constant 16 : i32
        %add3A_801 = vector.broadcast %add3A_800 : i32 to vector<16xi32>
        %add3A_802 = arith.addi %broadcast_in_dim3A_415, %add3A_801 : vector<16xi32>
        %select_n3A_803 = arith.select %lt3A_799, %add3A_802, %broadcast_in_dim3A_415 : vector<16xi1>, vector<16xi32>
        %broadcast_in_dim3A_804 = vector.shape_cast %select_n3A_803 : vector<16xi32> to vector<16x1xi32>
        %gather3A_805 = vector.shape_cast %broadcast_in_dim3A_804 : vector<16x1xi32> to vector<16xi32>
        %gather3A_806 = tpu.dynamic_gather %get3A_434[%gather3A_805] in [0] : vector<16xf32>, vector<16xi32> -> vector<16xf32>
        %get3A_807 = arith.index_cast %add3A_796 : i32 to index
        %get3A_808 = arith.constant 0 : index
        %get3A_809 = tpu.vector_load %arg18[%get3A_807, %get3A_808] {strides = array<i32>} : memref<128x16xf32, #tpu.memory_space<vmem>>, vector<1x16xf32>,
        %get3A_810 = vector.shape_cast %get3A_809 : vector<1x16xf32> to vector<16xf32>
        %mul3A_811 = arith.mulf %gather3A_806, %get3A_810 : vector<16xf32>
        %swap3A_812 = arith.index_cast %add3A_796 : i32 to index
        %swap3A_813 = arith.constant 0 : index
        %swap3A_814 = tpu.vector_load %arg26[%swap3A_812, %swap3A_813] {strides = array<i32>} : memref<128x16xf32, #tpu.memory_space<vmem>>, vector<1x16xf32>,
        %swap3A_815 = vector.shape_cast %swap3A_814 : vector<1x16xf32> to vector<16xf32>
        %swap3A_816 = vector.shape_cast %mul3A_811 : vector<16xf32> to vector<1x16xf32>
        tpu.vector_store %arg26[%swap3A_812, %swap3A_813], %swap3A_816 {strides = array<i32>} : memref<128x16xf32, #tpu.memory_space<vmem>>, vector<1x16xf32>,
      }
      %scan3A_421 = arith.constant 8 : i32
      "tpu.region"() ({
        %run_scoped3A = tpu.sem_alloc : memref<!tpu.dma_semaphore, #tpu.memory_space<semaphore_mem>>
        %dma_start3A_429 = arith.constant 0 : i32
        %dma_start3A_430 = arith.constant 0 : i32
        %dma_start3A_431 = tpu.memref_slice %arg11[%dma_start3A_429, %dma_start3A_430] : memref<10240x16xf32, #tpu.memory_space<vmem_shared>> -> memref<10240x16xf32, #tpu.memory_space<vmem_shared>>
        tpu.enqueue_indirect_dma source(%arg26 : memref<128x16xf32, #tpu.memory_space<vmem>>) target(%dma_start3A_431 : memref<10240x16xf32, #tpu.memory_space<vmem_shared>>) offsets(%arg16 : memref<128xi32, #tpu.memory_space<vmem>>) semaphore(%run_scoped3A : memref<!tpu.dma_semaphore, #tpu.memory_space<semaphore_mem>>) {add = true}
        %dma_wait3A_432 = arith.constant 0 : i32
        %dma_wait3A_433 = arith.constant 0 : i32
        %dma_wait3A_434 = tpu.memref_slice %arg11[%dma_wait3A_432, %dma_wait3A_433] : memref<10240x16xf32, #tpu.memory_space<vmem_shared>> -> memref<10240x16xf32, #tpu.memory_space<vmem_shared>>
        tpu.wait_indirect_dma semaphore(%run_scoped3A : memref<!tpu.dma_semaphore, #tpu.memory_space<semaphore_mem>>) src(%arg26 : memref<128x16xf32, #tpu.memory_space<vmem>>) dst(%dma_wait3A_434 : memref<10240x16xf32, #tpu.memory_space<vmem_shared>>)
        tpu.yield
      }) : () -> ()
      "tpu.region"() ({
        %run_scoped3A = tpu.sem_alloc : memref<!tpu.dma_semaphore, #tpu.memory_space<semaphore_mem>>
        %dma_start3A_429 = arith.constant 0 : i32
        %dma_start3A_430 = tpu.memref_slice %arg12[%dma_start3A_429] : memref<10240xf32, #tpu.memory_space<vmem_shared>> -> memref<10240xf32, #tpu.memory_space<vmem_shared>>
        tpu.enqueue_indirect_dma source(%arg24 : memref<128xf32, #tpu.memory_space<vmem>>) target(%dma_start3A_430 : memref<10240xf32, #tpu.memory_space<vmem_shared>>) offsets(%arg16 : memref<128xi32, #tpu.memory_space<vmem>>) semaphore(%run_scoped3A : memref<!tpu.dma_semaphore, #tpu.memory_space<semaphore_mem>>) {add = true}
        %dma_wait3A_431 = arith.constant 0 : i32
        %dma_wait3A_432 = tpu.memref_slice %arg12[%dma_wait3A_431] : memref<10240xf32, #tpu.memory_space<vmem_shared>> -> memref<10240xf32, #tpu.memory_space<vmem_shared>>
        tpu.wait_indirect_dma semaphore(%run_scoped3A : memref<!tpu.dma_semaphore, #tpu.memory_space<semaphore_mem>>) src(%arg24 : memref<128xf32, #tpu.memory_space<vmem>>) dst(%dma_wait3A_432 : memref<10240xf32, #tpu.memory_space<vmem_shared>>)
        tpu.yield
      }) : () -> ()
      %add3A_422 = arith.constant 2 : i32
      %add3A_423 = arith.addi %add3A_241, %add3A_422 : i32
      %lt3A_424 = arith.constant 80 : i32
      %lt3A_425 = arith.cmpi slt, %add3A_423, %lt3A_424 : i32
      %convert_element_type3A_426 = arith.extui %lt3A_425 : i1 to i32
      %cond3A_427 = arith.constant 0 : i32
      %cond3A_428 = arith.cmpi ne, %convert_element_type3A_426, %cond3A_427 : i32
      scf.if %cond3A_428 {
        %add3A_429 = arith.constant 2 : i32
        %add3A_430 = arith.addi %add3A_241, %add3A_429 : i32
        %mul3A_431 = arith.constant 32 : i32
        %mul3A_432 = arith.muli %add3A_430, %mul3A_431 : i32
        %add3A_433 = arith.addi %add3A, %mul3A_432 : i32
        %mul3A_434 = arith.constant 128 : i32
        %mul3A_435 = arith.muli %add3A_433, %mul3A_434 : i32
        %dma_start3A_436 = tpu.memref_slice %arg5[%mul3A_435] : memref<327680xi32, #tpu.memory_space<hbm>> -> memref<128xi32, #tpu.memory_space<hbm>>
        %dma_start3A_437 = tpu.memref_slice %arg5[%mul3A_435] : memref<327680xi32, #tpu.memory_space<hbm>> -> memref<128xi32, #tpu.memory_space<hbm>>
        tpu.enqueue_dma source(%dma_start3A_437 : memref<128xi32, #tpu.memory_space<hbm>>) target(%arg14 : memref<128xi32, #tpu.memory_space<vmem>>) target_semaphore(%arg34 : memref<!tpu.dma_semaphore, #tpu.memory_space<semaphore_mem>>)
        %dma_start3A_438 = tpu.memref_slice %arg6[%mul3A_435] : memref<327680xi32, #tpu.memory_space<hbm>> -> memref<128xi32, #tpu.memory_space<hbm>>
        %dma_start3A_439 = tpu.memref_slice %arg6[%mul3A_435] : memref<327680xi32, #tpu.memory_space<hbm>> -> memref<128xi32, #tpu.memory_space<hbm>>
        tpu.enqueue_dma source(%dma_start3A_439 : memref<128xi32, #tpu.memory_space<hbm>>) target(%arg16 : memref<128xi32, #tpu.memory_space<vmem>>) target_semaphore(%arg36 : memref<!tpu.dma_semaphore, #tpu.memory_space<semaphore_mem>>)
        %dma_wait3A_440 = arith.constant 0 : i32
        %dma_wait3A_441 = tpu.memref_slice %arg5[%dma_wait3A_440] : memref<327680xi32, #tpu.memory_space<hbm>> -> memref<128xi32, #tpu.memory_space<hbm>>
        %dma_wait3A_442 = arith.constant 0 : i32
        %dma_wait3A_443 = tpu.memref_slice %arg5[%dma_wait3A_442] : memref<327680xi32, #tpu.memory_space<hbm>> -> memref<128xi32, #tpu.memory_space<hbm>>
        tpu.wait_dma2 semaphore(%arg34 : memref<!tpu.dma_semaphore, #tpu.memory_space<semaphore_mem>>) src(%dma_wait3A_443 : memref<128xi32, #tpu.memory_space<hbm>>) dst(%arg14 : memref<128xi32, #tpu.memory_space<vmem>>)
        %dma_wait3A_444 = arith.constant 0 : i32
        %dma_wait3A_445 = tpu.memref_slice %arg6[%dma_wait3A_444] : memref<327680xi32, #tpu.memory_space<hbm>> -> memref<128xi32, #tpu.memory_space<hbm>>
        %dma_wait3A_446 = arith.constant 0 : i32
        %dma_wait3A_447 = tpu.memref_slice %arg6[%dma_wait3A_446] : memref<327680xi32, #tpu.memory_space<hbm>> -> memref<128xi32, #tpu.memory_space<hbm>>
        tpu.wait_dma2 semaphore(%arg36 : memref<!tpu.dma_semaphore, #tpu.memory_space<semaphore_mem>>) src(%dma_wait3A_447 : memref<128xi32, #tpu.memory_space<hbm>>) dst(%arg16 : memref<128xi32, #tpu.memory_space<vmem>>)
        %dma_start3A_448 = arith.constant 0 : i32
        %dma_start3A_449 = arith.constant 0 : i32
        %dma_start3A_450 = tpu.memref_slice %arg2[%dma_start3A_448, %dma_start3A_449] : memref<10240x16xf32, #tpu.memory_space<hbm>> -> memref<10240x16xf32, #tpu.memory_space<hbm>>
        tpu.enqueue_indirect_dma source(%dma_start3A_450 : memref<10240x16xf32, #tpu.memory_space<hbm>>) target(%arg18 : memref<128x16xf32, #tpu.memory_space<vmem>>) offsets(%arg14 : memref<128xi32, #tpu.memory_space<vmem>>) semaphore(%arg28 : memref<!tpu.dma_semaphore, #tpu.memory_space<semaphore_mem>>)
        %dma_start3A_451 = arith.constant 0 : i32
        %dma_start3A_452 = tpu.memref_slice %arg3[%dma_start3A_451] : memref<10240xf32, #tpu.memory_space<hbm>> -> memref<10240xf32, #tpu.memory_space<hbm>>
        tpu.enqueue_indirect_dma source(%dma_start3A_452 : memref<10240xf32, #tpu.memory_space<hbm>>) target(%arg20 : memref<128xf32, #tpu.memory_space<vmem>>) offsets(%arg14 : memref<128xi32, #tpu.memory_space<vmem>>) semaphore(%arg30 : memref<!tpu.dma_semaphore, #tpu.memory_space<semaphore_mem>>)
        %dma_start3A_453 = arith.constant 0 : i32
        %dma_start3A_454 = tpu.memref_slice %arg4[%dma_start3A_453] : memref<10240xf32, #tpu.memory_space<hbm>> -> memref<10240xf32, #tpu.memory_space<hbm>>
        tpu.enqueue_indirect_dma source(%dma_start3A_454 : memref<10240xf32, #tpu.memory_space<hbm>>) target(%arg22 : memref<128xf32, #tpu.memory_space<vmem>>) offsets(%arg16 : memref<128xi32, #tpu.memory_space<vmem>>) semaphore(%arg32 : memref<!tpu.dma_semaphore, #tpu.memory_space<semaphore_mem>>)
      } else {
      }
    }
    %scan3A_52 = arith.constant 40 : i32
    %barrier3A_53 = arith.constant 0 : index
    tpu.barrier barrier_id(%barrier3A_53)
    "tpu.region"() ({
      %run_scoped3A = tpu.sem_alloc : memref<!tpu.dma_semaphore, #tpu.memory_space<semaphore_mem>>
      %dma_start3A_54 = arith.constant 0 : i32
      %dma_start3A_55 = tpu.memref_slice %arg9[%arg0, %mul3A_4, %dma_start3A_54] : memref<2x10240x16xf32, #tpu.memory_space<hbm>> -> memref<1x640x16xf32, #tpu.memory_space<hbm>>
      %dma_start3A_56 = tpu.memref_squeeze %dma_start3A_55 : memref<1x640x16xf32, #tpu.memory_space<hbm>> -> memref<640x16xf32, #tpu.memory_space<hbm>>
      %dma_start3A_57 = arith.constant 0 : i32
      %dma_start3A_58 = tpu.memref_slice %arg11[%mul3A_4, %dma_start3A_57] : memref<10240x16xf32, #tpu.memory_space<vmem_shared>> -> memref<640x16xf32, #tpu.memory_space<vmem_shared>>
      tpu.enqueue_dma source(%dma_start3A_58 : memref<640x16xf32, #tpu.memory_space<vmem_shared>>) target(%dma_start3A_56 : memref<640x16xf32, #tpu.memory_space<hbm>>) target_semaphore(%run_scoped3A : memref<!tpu.dma_semaphore, #tpu.memory_space<semaphore_mem>>)
      %dma_wait3A_59 = arith.constant 0 : i32
      %dma_wait3A_60 = tpu.memref_slice %arg9[%arg0, %mul3A_4, %dma_wait3A_59] : memref<2x10240x16xf32, #tpu.memory_space<hbm>> -> memref<1x640x16xf32, #tpu.memory_space<hbm>>
      %dma_wait3A_61 = tpu.memref_squeeze %dma_wait3A_60 : memref<1x640x16xf32, #tpu.memory_space<hbm>> -> memref<640x16xf32, #tpu.memory_space<hbm>>
      %dma_wait3A_62 = arith.constant 0 : i32
      %dma_wait3A_63 = tpu.memref_slice %arg11[%mul3A_4, %dma_wait3A_62] : memref<10240x16xf32, #tpu.memory_space<vmem_shared>> -> memref<640x16xf32, #tpu.memory_space<vmem_shared>>
      tpu.wait_dma2 semaphore(%run_scoped3A : memref<!tpu.dma_semaphore, #tpu.memory_space<semaphore_mem>>) src(%dma_wait3A_63 : memref<640x16xf32, #tpu.memory_space<vmem_shared>>) dst(%dma_wait3A_61 : memref<640x16xf32, #tpu.memory_space<hbm>>)
      tpu.yield
    }) : () -> ()
    "tpu.region"() ({
      %run_scoped3A = tpu.sem_alloc : memref<!tpu.dma_semaphore, #tpu.memory_space<semaphore_mem>>
      %dma_start3A_54 = tpu.memref_slice %arg10[%arg0, %mul3A_4] : memref<2x10240xf32, #tpu.memory_space<hbm>> -> memref<1x640xf32, #tpu.memory_space<hbm>>
      %dma_start3A_55 = tpu.memref_squeeze %dma_start3A_54 : memref<1x640xf32, #tpu.memory_space<hbm>> -> memref<640xf32, #tpu.memory_space<hbm>>
      %dma_start3A_56 = tpu.memref_slice %arg12[%mul3A_4] : memref<10240xf32, #tpu.memory_space<vmem_shared>> -> memref<640xf32, #tpu.memory_space<vmem_shared>>
      tpu.enqueue_dma source(%dma_start3A_56 : memref<640xf32, #tpu.memory_space<vmem_shared>>) target(%dma_start3A_55 : memref<640xf32, #tpu.memory_space<hbm>>) target_semaphore(%run_scoped3A : memref<!tpu.dma_semaphore, #tpu.memory_space<semaphore_mem>>)
      %dma_wait3A_57 = tpu.memref_slice %arg10[%arg0, %mul3A_4] : memref<2x10240xf32, #tpu.memory_space<hbm>> -> memref<1x640xf32, #tpu.memory_space<hbm>>
      %dma_wait3A_58 = tpu.memref_squeeze %dma_wait3A_57 : memref<1x640xf32, #tpu.memory_space<hbm>> -> memref<640xf32, #tpu.memory_space<hbm>>
      %dma_wait3A_59 = tpu.memref_slice %arg12[%mul3A_4] : memref<10240xf32, #tpu.memory_space<vmem_shared>> -> memref<640xf32, #tpu.memory_space<vmem_shared>>
      tpu.wait_dma2 semaphore(%run_scoped3A : memref<!tpu.dma_semaphore, #tpu.memory_space<semaphore_mem>>) src(%dma_wait3A_59 : memref<640xf32, #tpu.memory_space<vmem_shared>>) dst(%dma_wait3A_58 : memref<640xf32, #tpu.memory_space<hbm>>)
      tpu.yield
    }) : () -> ()
    return
  }
}

module attributes {stable_mosaic.version = 14 : i64} {
  func.func @body(%arg0: i32, %arg1: memref<1024x128xf32, #tpu.memory_space<vmem>>, %arg2: memref<128x64xf32, #tpu.memory_space<vmem>>, %arg3: memref<64x16xf32, #tpu.memory_space<vmem>>, %arg4: memref<64x16xf32, #tpu.memory_space<vmem>>, %arg5: memref<1024x64xf32, #tpu.memory_space<vmem>>, %arg6: memref<1024x16xf32, #tpu.memory_space<vmem>>, %arg7: memref<1024x16xf32, #tpu.memory_space<vmem>>) attributes {dimension_semantics = [#tpu.dimension_semantics<arbitrary>], iteration_bounds = array<i64: 10>, scalar_prefetch = 0 : i64, scratch_operands = 0 : i64, tpu.core_type = #tpu.core_type<tc>, window_params = [{transform_indices = @transform_0, window_bounds = array<i64: 1024, 128>}, {pipeline_mode = #tpu.pipeline_mode<synchronous>, transform_indices = @transform_1, window_bounds = array<i64: 128, 64>}, {pipeline_mode = #tpu.pipeline_mode<synchronous>, transform_indices = @transform_2, window_bounds = array<i64: 64, 16>}, {pipeline_mode = #tpu.pipeline_mode<synchronous>, transform_indices = @transform_3, window_bounds = array<i64: 64, 16>}, {transform_indices = @transform_4, window_bounds = array<i64: 1024, 64>}, {transform_indices = @transform_5, window_bounds = array<i64: 1024, 16>}, {transform_indices = @transform_6, window_bounds = array<i64: 1024, 16>}]} {
    %get3A = arith.constant 0 : index
    %get3A_0 = arith.constant 0 : index
    %get3A_1 = vector.load %arg1[%get3A, %get3A_0] : memref<1024x128xf32, #tpu.memory_space<vmem>>, vector<1024x128xf32>
    %get3A_2 = arith.constant 0 : index
    %get3A_3 = arith.constant 0 : index
    %get3A_4 = vector.load %arg2[%get3A_2, %get3A_3] : memref<128x64xf32, #tpu.memory_space<vmem>>, vector<128x64xf32>
    %dot_general3A = arith.constant dense<0.000000e+00> : vector<1024x64xf32>
    %dot_general3A_5 = tpu.matmul %get3A_1, %get3A_4, %dot_general3A {dimension_numbers = #tpu.dot_dimension_numbers<[1], [0], [0], [1], [0, 0, 1, 1], [], []>, transpose_lhs_hint = false} : vector<1024x128xf32>, vector<128x64xf32>, vector<1024x64xf32> -> vector<1024x64xf32>
    %swap3A = arith.constant 0 : index
    %swap3A_6 = arith.constant 0 : index
    %swap3A_7 = vector.load %arg5[%swap3A, %swap3A_6] : memref<1024x64xf32, #tpu.memory_space<vmem>>, vector<1024x64xf32>
    tpu.vector_store %arg5[%swap3A, %swap3A_6], %dot_general3A_5 {strides = array<i32>} : memref<1024x64xf32, #tpu.memory_space<vmem>>, vector<1024x64xf32>,
    %get3A_8 = arith.constant 0 : index
    %get3A_9 = arith.constant 0 : index
    %get3A_10 = vector.load %arg3[%get3A_8, %get3A_9] : memref<64x16xf32, #tpu.memory_space<vmem>>, vector<64x16xf32>
    %dot_general3A_11 = arith.constant dense<0.000000e+00> : vector<1024x16xf32>
    %dot_general3A_12 = tpu.matmul %dot_general3A_5, %get3A_10, %dot_general3A_11 {dimension_numbers = #tpu.dot_dimension_numbers<[1], [0], [0], [1], [0, 0, 1, 1], [], []>, transpose_lhs_hint = false} : vector<1024x64xf32>, vector<64x16xf32>, vector<1024x16xf32> -> vector<1024x16xf32>
    %swap3A_13 = arith.constant 0 : index
    %swap3A_14 = arith.constant 0 : index
    %swap3A_15 = vector.load %arg6[%swap3A_13, %swap3A_14] : memref<1024x16xf32, #tpu.memory_space<vmem>>, vector<1024x16xf32>
    tpu.vector_store %arg6[%swap3A_13, %swap3A_14], %dot_general3A_12 {strides = array<i32>} : memref<1024x16xf32, #tpu.memory_space<vmem>>, vector<1024x16xf32>,
    %get3A_16 = arith.constant 0 : index
    %get3A_17 = arith.constant 0 : index
    %get3A_18 = vector.load %arg4[%get3A_16, %get3A_17] : memref<64x16xf32, #tpu.memory_space<vmem>>, vector<64x16xf32>
    %dot_general3A_19 = arith.constant dense<0.000000e+00> : vector<1024x16xf32>
    %dot_general3A_20 = tpu.matmul %dot_general3A_5, %get3A_18, %dot_general3A_19 {dimension_numbers = #tpu.dot_dimension_numbers<[1], [0], [0], [1], [0, 0, 1, 1], [], []>, transpose_lhs_hint = false} : vector<1024x64xf32>, vector<64x16xf32>, vector<1024x16xf32> -> vector<1024x16xf32>
    %swap3A_21 = arith.constant 0 : index
    %swap3A_22 = arith.constant 0 : index
    %swap3A_23 = vector.load %arg7[%swap3A_21, %swap3A_22] : memref<1024x16xf32, #tpu.memory_space<vmem>>, vector<1024x16xf32>
    tpu.vector_store %arg7[%swap3A_21, %swap3A_22], %dot_general3A_20 {strides = array<i32>} : memref<1024x16xf32, #tpu.memory_space<vmem>>, vector<1024x16xf32>,
    return
  }
  func.func @transform_0(%arg0: i32) -> (i32, i32) {
    %c0_i32 = arith.constant 0 : i32
    %c0_i32_0 = arith.constant 0 : i32
    return %arg0, %c0_i32 : i32, i32
  }
  func.func @transform_1(%arg0: i32) -> (i32, i32) {
    %c0_i32 = arith.constant 0 : i32
    %c0_i32_0 = arith.constant 0 : i32
    %c0_i32_1 = arith.constant 0 : i32
    return %c0_i32, %c0_i32_0 : i32, i32
  }
  func.func @transform_2(%arg0: i32) -> (i32, i32) {
    %c0_i32 = arith.constant 0 : i32
    %c0_i32_0 = arith.constant 0 : i32
    %c0_i32_1 = arith.constant 0 : i32
    return %c0_i32, %c0_i32_0 : i32, i32
  }
  func.func @transform_3(%arg0: i32) -> (i32, i32) {
    %c0_i32 = arith.constant 0 : i32
    %c0_i32_0 = arith.constant 0 : i32
    %c0_i32_1 = arith.constant 0 : i32
    return %c0_i32, %c0_i32_0 : i32, i32
  }
  func.func @transform_4(%arg0: i32) -> (i32, i32) {
    %c0_i32 = arith.constant 0 : i32
    %c0_i32_0 = arith.constant 0 : i32
    return %arg0, %c0_i32 : i32, i32
  }
  func.func @transform_5(%arg0: i32) -> (i32, i32) {
    %c0_i32 = arith.constant 0 : i32
    %c0_i32_0 = arith.constant 0 : i32
    return %arg0, %c0_i32 : i32, i32
  }
  func.func @transform_6(%arg0: i32) -> (i32, i32) {
    %c0_i32 = arith.constant 0 : i32
    %c0_i32_0 = arith.constant 0 : i32
    return %arg0, %c0_i32 : i32, i32
  }
}

module attributes {stable_mosaic.version = 14 : i64} {
  func.func @body(%arg0: i32, %arg1: memref<2x1024x72xf32, #tpu.memory_space<vmem>>, %arg2: memref<72x64xf32, #tpu.memory_space<vmem>>, %arg3: memref<72x64xf32, #tpu.memory_space<vmem>>, %arg4: memref<64x16xf32, #tpu.memory_space<vmem>>, %arg5: memref<16x2xf32, #tpu.memory_space<vmem>>, %arg6: memref<1024x16xf32, #tpu.memory_space<vmem>>, %arg7: memref<1024x1xf32, #tpu.memory_space<vmem>>, %arg8: memref<1024x1xf32, #tpu.memory_space<vmem>>) attributes {dimension_semantics = [#tpu.dimension_semantics<arbitrary>], iteration_bounds = array<i64: 10>, scalar_prefetch = 0 : i64, scratch_operands = 0 : i64, tpu.core_type = #tpu.core_type<tc>, window_params = [{transform_indices = @transform_0, window_bounds = array<i64: 2, 1024, 72>}, {pipeline_mode = #tpu.pipeline_mode<synchronous>, transform_indices = @transform_1, window_bounds = array<i64: 72, 64>}, {pipeline_mode = #tpu.pipeline_mode<synchronous>, transform_indices = @transform_2, window_bounds = array<i64: 72, 64>}, {pipeline_mode = #tpu.pipeline_mode<synchronous>, transform_indices = @transform_3, window_bounds = array<i64: 64, 16>}, {pipeline_mode = #tpu.pipeline_mode<synchronous>, transform_indices = @transform_4, window_bounds = array<i64: 16, 2>}, {transform_indices = @transform_5, window_bounds = array<i64: 1024, 16>}, {transform_indices = @transform_6, window_bounds = array<i64: 1024, 1>}, {transform_indices = @transform_7, window_bounds = array<i64: 1024, 1>}]} {
    %get3A = arith.constant 0 : index
    %get3A_0 = arith.constant 0 : index
    %get3A_1 = arith.constant 0 : index
    %get3A_2 = vector.load %arg1[%get3A, %get3A_0, %get3A_1] : memref<2x1024x72xf32, #tpu.memory_space<vmem>>, vector<1x1024x72xf32>
    %get3A_3 = vector.shape_cast %get3A_2 : vector<1x1024x72xf32> to vector<1024x72xf32>
    %get3A_4 = arith.constant 1 : index
    %get3A_5 = arith.constant 0 : index
    %get3A_6 = arith.constant 0 : index
    %get3A_7 = vector.load %arg1[%get3A_4, %get3A_5, %get3A_6] : memref<2x1024x72xf32, #tpu.memory_space<vmem>>, vector<1x1024x72xf32>
    %get3A_8 = vector.shape_cast %get3A_7 : vector<1x1024x72xf32> to vector<1024x72xf32>
    %add3A = arith.addf %get3A_3, %get3A_8 : vector<1024x72xf32>
    %get3A_9 = arith.constant 0 : index
    %get3A_10 = arith.constant 0 : index
    %get3A_11 = vector.load %arg2[%get3A_9, %get3A_10] : memref<72x64xf32, #tpu.memory_space<vmem>>, vector<72x64xf32>
    %dot_general3A = arith.constant dense<0.000000e+00> : vector<1024x64xf32>
    %dot_general3A_12 = tpu.matmul %add3A, %get3A_11, %dot_general3A {dimension_numbers = #tpu.dot_dimension_numbers<[1], [0], [0], [1], [0, 0, 1, 1], [], []>, transpose_lhs_hint = false} : vector<1024x72xf32>, vector<72x64xf32>, vector<1024x64xf32> -> vector<1024x64xf32>
    %add3A_13 = arith.constant 1.000000e-16 : f32
    %add3A_14 = vector.broadcast %add3A_13 : f32 to vector<1024x64xf32>
    %add3A_15 = arith.addf %dot_general3A_12, %add3A_14 : vector<1024x64xf32>
    %get3A_16 = arith.constant 0 : index
    %get3A_17 = arith.constant 0 : index
    %get3A_18 = vector.load %arg3[%get3A_16, %get3A_17] : memref<72x64xf32, #tpu.memory_space<vmem>>, vector<72x64xf32>
    %dot_general3A_19 = arith.constant dense<0.000000e+00> : vector<1024x64xf32>
    %dot_general3A_20 = tpu.matmul %add3A, %get3A_18, %dot_general3A_19 {dimension_numbers = #tpu.dot_dimension_numbers<[1], [0], [0], [1], [0, 0, 1, 1], [], []>, transpose_lhs_hint = false} : vector<1024x72xf32>, vector<72x64xf32>, vector<1024x64xf32> -> vector<1024x64xf32>
    %div3A = arith.divf %dot_general3A_20, %add3A_15 : vector<1024x64xf32>
    %gt3A = arith.constant 0.000000e+00 : f32
    %gt3A_21 = vector.broadcast %gt3A : f32 to vector<1024x64xf32>
    %gt3A_22 = arith.cmpf ogt, %div3A, %gt3A_21 : vector<1024x64xf32>
    %min3A = arith.constant 0.000000e+00 : f32
    %min3A_23 = vector.broadcast %min3A : f32 to vector<1024x64xf32>
    %min3A_24 = arith.minimumf %div3A, %min3A_23 : vector<1024x64xf32>
    %exp3A = math.exp %min3A_24 : vector<1024x64xf32>
    %sub3A = arith.constant 1.000000e+00 : f32
    %sub3A_25 = vector.broadcast %sub3A : f32 to vector<1024x64xf32>
    %sub3A_26 = arith.subf %exp3A, %sub3A_25 : vector<1024x64xf32>
    %select_n3A = arith.select %gt3A_22, %div3A, %sub3A_26 : vector<1024x64xi1>, vector<1024x64xf32>
    %get3A_27 = arith.constant 0 : index
    %get3A_28 = arith.constant 0 : index
    %get3A_29 = vector.load %arg4[%get3A_27, %get3A_28] : memref<64x16xf32, #tpu.memory_space<vmem>>, vector<64x16xf32>
    %dot_general3A_30 = arith.constant dense<0.000000e+00> : vector<1024x16xf32>
    %dot_general3A_31 = tpu.matmul %select_n3A, %get3A_29, %dot_general3A_30 {dimension_numbers = #tpu.dot_dimension_numbers<[1], [0], [0], [1], [0, 0, 1, 1], [], []>, transpose_lhs_hint = false} : vector<1024x64xf32>, vector<64x16xf32>, vector<1024x16xf32> -> vector<1024x16xf32>
    %get3A_32 = arith.constant 0 : index
    %get3A_33 = arith.constant 0 : index
    %get3A_34 = vector.load %arg5[%get3A_32, %get3A_33] : memref<16x2xf32, #tpu.memory_space<vmem>>, vector<16x2xf32>
    %dot_general3A_35 = arith.constant dense<0.000000e+00> : vector<1024x2xf32>
    %dot_general3A_36 = tpu.matmul %dot_general3A_31, %get3A_34, %dot_general3A_35 {dimension_numbers = #tpu.dot_dimension_numbers<[1], [0], [0], [1], [0, 0, 1, 1], [], []>, transpose_lhs_hint = false} : vector<1024x16xf32>, vector<16x2xf32>, vector<1024x2xf32> -> vector<1024x2xf32>
    %swap3A = arith.constant 0 : index
    %swap3A_37 = arith.constant 0 : index
    %swap3A_38 = vector.load %arg6[%swap3A, %swap3A_37] : memref<1024x16xf32, #tpu.memory_space<vmem>>, vector<1024x16xf32>
    tpu.vector_store %arg6[%swap3A, %swap3A_37], %dot_general3A_31 {strides = array<i32>} : memref<1024x16xf32, #tpu.memory_space<vmem>>, vector<1024x16xf32>,
    %slice3A = vector.extract_strided_slice %dot_general3A_36 {offsets = [0, 0], sizes = [1024, 1], strides = [1, 1]} : vector<1024x2xf32> to vector<1024x1xf32>
    %swap3A_39 = arith.constant 0 : index
    %swap3A_40 = arith.constant 0 : index
    %swap3A_41 = vector.load %arg7[%swap3A_39, %swap3A_40] : memref<1024x1xf32, #tpu.memory_space<vmem>>, vector<1024x1xf32>
    tpu.vector_store %arg7[%swap3A_39, %swap3A_40], %slice3A {strides = array<i32>} : memref<1024x1xf32, #tpu.memory_space<vmem>>, vector<1024x1xf32>,
    %slice3A_42 = vector.extract_strided_slice %dot_general3A_36 {offsets = [0, 1], sizes = [1024, 1], strides = [1, 1]} : vector<1024x2xf32> to vector<1024x1xf32>
    %swap3A_43 = arith.constant 0 : index
    %swap3A_44 = arith.constant 0 : index
    %swap3A_45 = vector.load %arg8[%swap3A_43, %swap3A_44] : memref<1024x1xf32, #tpu.memory_space<vmem>>, vector<1024x1xf32>
    tpu.vector_store %arg8[%swap3A_43, %swap3A_44], %slice3A_42 {strides = array<i32>} : memref<1024x1xf32, #tpu.memory_space<vmem>>, vector<1024x1xf32>,
    return
  }
  func.func @transform_0(%arg0: i32) -> (i32, i32, i32) {
    %c0_i32 = arith.constant 0 : i32
    %c0_i32_0 = arith.constant 0 : i32
    %c0_i32_1 = arith.constant 0 : i32
    return %c0_i32, %arg0, %c0_i32_0 : i32, i32, i32
  }
  func.func @transform_1(%arg0: i32) -> (i32, i32) {
    %c0_i32 = arith.constant 0 : i32
    %c0_i32_0 = arith.constant 0 : i32
    %c0_i32_1 = arith.constant 0 : i32
    return %c0_i32, %c0_i32_0 : i32, i32
  }
  func.func @transform_2(%arg0: i32) -> (i32, i32) {
    %c0_i32 = arith.constant 0 : i32
    %c0_i32_0 = arith.constant 0 : i32
    %c0_i32_1 = arith.constant 0 : i32
    return %c0_i32, %c0_i32_0 : i32, i32
  }
  func.func @transform_3(%arg0: i32) -> (i32, i32) {
    %c0_i32 = arith.constant 0 : i32
    %c0_i32_0 = arith.constant 0 : i32
    %c0_i32_1 = arith.constant 0 : i32
    return %c0_i32, %c0_i32_0 : i32, i32
  }
  func.func @transform_4(%arg0: i32) -> (i32, i32) {
    %c0_i32 = arith.constant 0 : i32
    %c0_i32_0 = arith.constant 0 : i32
    %c0_i32_1 = arith.constant 0 : i32
    return %c0_i32, %c0_i32_0 : i32, i32
  }
  func.func @transform_5(%arg0: i32) -> (i32, i32) {
    %c0_i32 = arith.constant 0 : i32
    %c0_i32_0 = arith.constant 0 : i32
    return %arg0, %c0_i32 : i32, i32
  }
  func.func @transform_6(%arg0: i32) -> (i32, i32) {
    %c0_i32 = arith.constant 0 : i32
    %c0_i32_0 = arith.constant 0 : i32
    return %arg0, %c0_i32 : i32, i32
  }
  func.func @transform_7(%arg0: i32) -> (i32, i32) {
    %c0_i32 = arith.constant 0 : i32
    %c0_i32_0 = arith.constant 0 : i32
    return %arg0, %c0_i32 : i32, i32
  }
}

module attributes {stable_mosaic.version = 14 : i64} {
  func.func @body(%arg0: i32, %arg1: memref<2x1024x16xf32, #tpu.memory_space<vmem>>, %arg2: memref<2x1024x1xf32, #tpu.memory_space<vmem>>, %arg3: memref<1024x16xf32, #tpu.memory_space<vmem>>) attributes {dimension_semantics = [#tpu.dimension_semantics<arbitrary>], iteration_bounds = array<i64: 10>, scalar_prefetch = 0 : i64, scratch_operands = 0 : i64, tpu.core_type = #tpu.core_type<tc>, window_params = [{transform_indices = @transform_0, window_bounds = array<i64: 2, 1024, 16>}, {transform_indices = @transform_1, window_bounds = array<i64: 2, 1024, 1>}, {transform_indices = @transform_2, window_bounds = array<i64: 1024, 16>}]} {
    %get3A = arith.constant 0 : index
    %get3A_0 = arith.constant 0 : index
    %get3A_1 = arith.constant 0 : index
    %get3A_2 = vector.load %arg1[%get3A, %get3A_0, %get3A_1] : memref<2x1024x16xf32, #tpu.memory_space<vmem>>, vector<1x1024x16xf32>
    %get3A_3 = vector.shape_cast %get3A_2 : vector<1x1024x16xf32> to vector<1024x16xf32>
    %get3A_4 = arith.constant 1 : index
    %get3A_5 = arith.constant 0 : index
    %get3A_6 = arith.constant 0 : index
    %get3A_7 = vector.load %arg1[%get3A_4, %get3A_5, %get3A_6] : memref<2x1024x16xf32, #tpu.memory_space<vmem>>, vector<1x1024x16xf32>
    %get3A_8 = vector.shape_cast %get3A_7 : vector<1x1024x16xf32> to vector<1024x16xf32>
    %add3A = arith.addf %get3A_3, %get3A_8 : vector<1024x16xf32>
    %get3A_9 = arith.constant 0 : index
    %get3A_10 = arith.constant 0 : index
    %get3A_11 = arith.constant 0 : index
    %get3A_12 = vector.load %arg2[%get3A_9, %get3A_10, %get3A_11] : memref<2x1024x1xf32, #tpu.memory_space<vmem>>, vector<1x1024x1xf32>
    %get3A_13 = vector.shape_cast %get3A_12 : vector<1x1024x1xf32> to vector<1024x1xf32>
    %get3A_14 = arith.constant 1 : index
    %get3A_15 = arith.constant 0 : index
    %get3A_16 = arith.constant 0 : index
    %get3A_17 = vector.load %arg2[%get3A_14, %get3A_15, %get3A_16] : memref<2x1024x1xf32, #tpu.memory_space<vmem>>, vector<1x1024x1xf32>
    %get3A_18 = vector.shape_cast %get3A_17 : vector<1x1024x1xf32> to vector<1024x1xf32>
    %add3A_19 = arith.addf %get3A_13, %get3A_18 : vector<1024x1xf32>
    %add3A_20 = arith.constant 1.000000e-16 : f32
    %add3A_21 = vector.broadcast %add3A_20 : f32 to vector<1024x1xf32>
    %add3A_22 = arith.addf %add3A_19, %add3A_21 : vector<1024x1xf32>
    %div3A = vector.broadcast %add3A_22 : vector<1024x1xf32> to vector<1024x16xf32>
    %div3A_23 = arith.divf %add3A, %div3A : vector<1024x16xf32>
    %gt3A = arith.constant 0.000000e+00 : f32
    %gt3A_24 = vector.broadcast %gt3A : f32 to vector<1024x16xf32>
    %gt3A_25 = arith.cmpf ogt, %div3A_23, %gt3A_24 : vector<1024x16xf32>
    %min3A = arith.constant 0.000000e+00 : f32
    %min3A_26 = vector.broadcast %min3A : f32 to vector<1024x16xf32>
    %min3A_27 = arith.minimumf %div3A_23, %min3A_26 : vector<1024x16xf32>
    %exp3A = math.exp %min3A_27 : vector<1024x16xf32>
    %sub3A = arith.constant 1.000000e+00 : f32
    %sub3A_28 = vector.broadcast %sub3A : f32 to vector<1024x16xf32>
    %sub3A_29 = arith.subf %exp3A, %sub3A_28 : vector<1024x16xf32>
    %select_n3A = arith.select %gt3A_25, %div3A_23, %sub3A_29 : vector<1024x16xi1>, vector<1024x16xf32>
    %reduce_max3A = arith.constant dense<0xFF800000> : vector<1024xf32>
    %reduce_max3A_30 = vector.multi_reduction <maximumf>, %select_n3A, %reduce_max3A [1] : vector<1024x16xf32> to vector<1024xf32>
    %broadcast_in_dim3A = vector.shape_cast %reduce_max3A_30 : vector<1024xf32> to vector<1024x1xf32>
    %sub3A_31 = vector.broadcast %broadcast_in_dim3A : vector<1024x1xf32> to vector<1024x16xf32>
    %sub3A_32 = arith.subf %select_n3A, %sub3A_31 : vector<1024x16xf32>
    %exp3A_33 = math.exp %sub3A_32 : vector<1024x16xf32>
    %reduce_sum3A = arith.constant dense<0.000000e+00> : vector<1024xf32>
    %reduce_sum3A_34 = vector.multi_reduction <add>, %exp3A_33, %reduce_sum3A [1] : vector<1024x16xf32> to vector<1024xf32>
    %broadcast_in_dim3A_35 = vector.shape_cast %reduce_sum3A_34 : vector<1024xf32> to vector<1024x1xf32>
    %div3A_36 = vector.broadcast %broadcast_in_dim3A_35 : vector<1024x1xf32> to vector<1024x16xf32>
    %div3A_37 = arith.divf %exp3A_33, %div3A_36 : vector<1024x16xf32>
    %swap3A = arith.constant 0 : index
    %swap3A_38 = arith.constant 0 : index
    %swap3A_39 = vector.load %arg3[%swap3A, %swap3A_38] : memref<1024x16xf32, #tpu.memory_space<vmem>>, vector<1024x16xf32>
    tpu.vector_store %arg3[%swap3A, %swap3A_38], %div3A_37 {strides = array<i32>} : memref<1024x16xf32, #tpu.memory_space<vmem>>, vector<1024x16xf32>,
    return
  }
  func.func @transform_0(%arg0: i32) -> (i32, i32, i32) {
    %c0_i32 = arith.constant 0 : i32
    %c0_i32_0 = arith.constant 0 : i32
    %c0_i32_1 = arith.constant 0 : i32
    return %c0_i32, %arg0, %c0_i32_0 : i32, i32, i32
  }
  func.func @transform_1(%arg0: i32) -> (i32, i32, i32) {
    %c0_i32 = arith.constant 0 : i32
    %c0_i32_0 = arith.constant 0 : i32
    %c0_i32_1 = arith.constant 0 : i32
    return %c0_i32, %arg0, %c0_i32_0 : i32, i32, i32
  }
  func.func @transform_2(%arg0: i32) -> (i32, i32) {
    %c0_i32 = arith.constant 0 : i32
    %c0_i32_0 = arith.constant 0 : i32
    return %arg0, %c0_i32 : i32, i32
  }
}

</mosaic_0001>

<sc_bundles>
// kernel: kernel.10.cloned.1.call-start
scs
__scs_entry_jumppad:
0x0: {  	(pc) =	sbr.rel $0x88, $3  }
0x1: {  	(tag) =	ssettag $0x0;
	lr =	simm.s32 $0x1  }
0x2: {  	[smem:$0x3F9B] =	sst lr;
	_ =	strace $0xD0000000  }
0x3: {  	_ = 	snop  }
0x4: {  	_ = 	snop  }
0x5: {  	_ = 	snop  }
0x6: {  	_ = 	snop  }
0x7: {  	_ = 	snop  }
__scs_overlays_trampoline_lowered:
0x8: {  	[smem:$0x3FAA] =	sst s0  }
0x9: {  	[smem:$0x3FAB] =	sst s1  }
0xa: {  	[smem:$0x3FAC] =	sst s2  }
0xb: {  	[smem:$0x3FAD] =	sst s3  }
0xc: {  	[smem:$0x3FAE] =	sst s4  }
0xd: {  	[smem:$0x3FAF] =	sst s5  }
0xe: {  	[smem:$0x3FB0] =	sst s6  }
0xf: {  	[smem:$0x3FB1] =	sst s7  }
0x10: {  	[smem:$0x3FB2] =	sst s8  }
0x11: {  	[smem:$0x3FB3] =	sst s9;
	s0 =	simm.s32 @!p0 $0x0  }
0x12: {  	s1 =	sld [smem:$0x3F99];
	s0 =	simm.s32 @p0 $0x1  }
0x13: {  	[smem:$0x3FB4] =	sst s0;
	s0 =	simm.s32 @!p1 $0x0  }
0x14: {  	s2 =	sld [smem:$0x3F98];
	s0 =	simm.s32 @p1 $0x1  }
0x15: {  	[smem:$0x3FB5] =	sst s0;
	s0 =	simm.s32 @!p2 $0x0  }
0x16: {  	s3 =	sld [smem:$0x3FDB];
	s0 =	simm.s32 @p2 $0x1  }
0x17: {  	s4 =	simm.s32 $0x1BF5;
	[smem:$0x3FB7] =	sst s0  }
0x18: {  	s0 =	sld [smem:$0x3F9A];
	_ =	swait.ge [sflag:s4], $0x0  }
0x19: {  	s7 =	sld [smem:$0x3F9B]  }
0x1a: {  	s8 =	sadd.s32 $0xFFFFE003, lr  }
0x1b: {  	s9 =	sadd.s32 $0xFFFFFEF7, lr;
	s5 =	simm.s32 $0xFFFFFFFF;
	p2 =	slt.u32 s8, $0xFFFFF086  }
0x1c: {  	p1 =	slt.u32 s9, $0xF7A;
	s5 =	simm.s32 @!p2 $0x0  }
0x1d: {  	s5 =	simm.s32 @p1 $0x1;
	p0 =	seq.s32 s7, s2  }
0x1e: {  	s7 =	smul.u32 @!p0 $0xF7A, s2;
	p2 =	seq.s32 @!p0 s5, $0x0  }
0x1f: {  	s9 =	smul.u32 $0xF7A, s1;
	s8 =	simm.s32 @!p0 $0x1BF5;
	p2 =	por !p2, p0  }
0x20: {  	[sflag:s8] =	ssyncset.s32 @!p0 $0xFFFFF086;
	s6 =	sadd.s32 @!p0 s3, s7;
	s7 =	simm.s32 @!p0 $0x108  }
0x21: {  	s3 =	sadd.s32 s3, s9;
	s6 =	sadd.s32 @!p0 $0x88, s6;
	s7 =	simm.s32 @p2 $0x1082  }
0x22: {  	[simem:s7], [sflag:s8] =	dma.local @!p0 [hbm:s6], $0xF7A  }
0x23: {  	s9 =	sor.u32 $0xD0000000, s2;
	s6 =	simm.s32 $0x108;
	_ =	swait.ge @!p0 [sflag:s8], $0x0  }
0x24: {  	s3 =	sadd.s32 $0x88, s3;
	s6 =	simm.s32 @!p1 $0x1082;
	[sflag:s4] =	ssyncset.s32 $0xFFFFF086  }
0x25: {  	[simem:s6], [sflag:s4] =	dma.local [hbm:s3], $0xF7A  }
0x26: {  	[smem:$0x3F9B] =	sst s1;
	(tag) =	ssettag s2;
	_ =	strace s9  }
0x27: {  	s1 =	sld [smem:$0x3FAB]  }
0x28: {  	s2 =	sld [smem:$0x3FAC]  }
0x29: {  	s4 =	sld [smem:$0x3FAE]  }
0x2a: {  	p0 =	seq.s32 s5, $0x0;
	s5 =	sld [smem:$0x3FAF]  }
0x2b: {  	s6 =	sld [smem:$0x3FB0]  }
0x2c: {  	s7 =	sld [smem:$0x3FB1]  }
0x2d: {  	s3 =	simm.s32 $0x108;
	s8 =	sld [smem:$0x3FB2]  }
0x2e: {  	s3 =	simm.s32 @!p0 $0x1082;
	s9 =	sld [smem:$0x3FB3]  }
0x2f: {  	lr =	sadd.s32 s0, s3;
	s0 =	sld [smem:$0x3FAA]  }
0x30: {  	s3 =	sld [smem:$0x3FAD]  }
0x31: {  	[smem:$0x3FB6] =	sst s10  }
0x32: {  	s10 =	sld [smem:$0x3FB4];
	_ =	sdelay $0x3  }
0x33: {  	p0 =	seq.s32 s10, $0x1;
	s10 =	sld [smem:$0x3FB6];
	_ =	sdelay $0x3  }
0x34: {  	[smem:$0x3FB6] =	sst s10  }
0x35: {  	s10 =	sld [smem:$0x3FB5];
	_ =	sdelay $0x3  }
0x36: {  	p1 =	seq.s32 s10, $0x1;
	s10 =	sld [smem:$0x3FB6];
	_ =	sdelay $0x3  }
0x37: {  	[smem:$0x3FB6] =	sst s10  }
0x38: {  	s10 =	sld [smem:$0x3FB7]  }
0x39: {  	_ = 	snop;
	(pc) =	sbr.ind lr, $3  }
0x3a: {  	_ = 	snop  }
0x3b: {  	_ = 	snop  }
0x3c: {  	p2 =	seq.s32 s10, $0x1;
	s10 =	sld [smem:$0x3FB6]  }
0x3d: {  	_ =	shalt  }
0x3e: {  	_ =	shalt  }
0x3f: {  	_ =	shalt  }
0x40: {  	_ =	shalt  }
0x41: {  	_ =	shalt  }
0x42: {  	_ =	shalt  }
0x43: {  	_ =	shalt  }
0x44: {  	_ =	shalt  }
0x45: {  	_ =	shalt  }
0x46: {  	_ =	shalt  }
0x47: {  	_ =	shalt  }
0x48: {  	_ =	shalt  }
0x49: {  	_ =	shalt  }
0x4a: {  	_ =	shalt  }
0x4b: {  	_ =	shalt  }
0x4c: {  	_ =	shalt  }
0x4d: {  	_ =	shalt  }
0x4e: {  	_ =	shalt  }
0x4f: {  	_ =	shalt  }
0x50: {  	_ =	shalt  }
0x51: {  	_ =	shalt  }
0x52: {  	_ =	shalt  }
0x53: {  	_ =	shalt  }
0x54: {  	_ =	shalt  }
0x55: {  	_ =	shalt  }
0x56: {  	_ =	shalt  }
0x57: {  	_ =	shalt  }
0x58: {  	_ =	shalt  }
0x59: {  	_ =	shalt  }
0x5a: {  	_ =	shalt  }
0x5b: {  	_ =	shalt  }
0x5c: {  	_ =	shalt  }
0x5d: {  	_ =	shalt  }
0x5e: {  	_ =	shalt  }
0x5f: {  	_ =	shalt  }
0x60: {  	_ =	shalt  }
0x61: {  	_ =	shalt  }
0x62: {  	_ =	shalt  }
0x63: {  	_ =	shalt  }
0x64: {  	_ =	shalt  }
0x65: {  	_ =	shalt  }
0x66: {  	_ =	shalt  }
0x67: {  	_ =	shalt  }
0x68: {  	_ =	shalt  }
0x69: {  	_ =	shalt  }
0x6a: {  	_ =	shalt  }
0x6b: {  	_ =	shalt  }
0x6c: {  	_ =	shalt  }
0x6d: {  	_ =	shalt  }
0x6e: {  	_ =	shalt  }
0x6f: {  	_ =	shalt  }
0x70: {  	_ =	shalt  }
0x71: {  	_ =	shalt  }
0x72: {  	_ =	shalt  }
0x73: {  	_ =	shalt  }
0x74: {  	_ =	shalt  }
0x75: {  	_ =	shalt  }
0x76: {  	_ =	shalt  }
0x77: {  	_ =	shalt  }
0x78: {  	_ =	shalt  }
0x79: {  	_ =	shalt  }
0x7a: {  	_ =	shalt  }
0x7b: {  	_ =	shalt  }
0x7c: {  	_ =	shalt  }
0x7d: {  	_ =	shalt  }
0x7e: {  	_ =	shalt  }
0x7f: {  	_ =	shalt  }
0x80: {  	_ =	shalt  }
0x81: {  	_ =	shalt  }
0x82: {  	_ =	shalt  }
0x83: {  	_ =	shalt  }
0x84: {  	_ =	shalt  }
0x85: {  	_ =	shalt  }
0x86: {  	_ =	shalt  }
0x87: {  	_ =	shalt  }
.Lfunc_end0:
.L_simem_size_0:
called_computation.1_lowered:
.L_overlay_start_0:
0x88: {  	s2 =	sld [smem:$0x3FD9]  }
0x89: {  	s3 =	sld [smem:$0x3FFE];
	_ =	sdelay $0x1  }
0x8a: {  	s1 =	srdreg.scid  }
0x8b: {  	s0 =	sand.u32 $0x1, s1  }
0x8c: {  	s17 =	sshll.u32 s0, $0xA;
	s2 =	sadd.s32 s3, s2  }
0x8d: {  	s2 =	sadd.s32 s2, s17  }
0x8e: {  	[smem:$0x3FC2] =	sst s2  }
0x8f: {  	_ = 	snop  }
0x90: {  	s2 =	sld [smem:$0x3FD0];
	(tm) =	ssettm $0x1  }
0x91: {  	s18 =	sld [smem:$0x3FFB];
	_ =	sdelay $0x3  }
0x92: {  	_ =	strace s18  }
0x93: {  	s3 =	sld [smem:$0x3FFC];
	_ =	sdelay $0x3  }
0x94: {  	_ =	strace s3  }
0x95: {  	s3 =	sld [smem:$0x3FFD];
	_ =	sdelay $0x3  }
0x96: {  	_ =	strace s3  }
0x97: {  	_ =	strace $0x8FFFFFFF  }
0x98: {  	s19 =	sld [smem:$0x3FDB];
	_ =	sdelay $0x1  }
0x99: {  	s4 =	simm.s32 $_scs_section_size  }
0x9a: {  	s5 =	simm.s32 $_size__tile_overlayer_lowered;
	s6 =	simm.s32 $_tile_overlayer_lowered  }
0x9b: {  	s22 =	simm.s32 $0x1BFF;
	s21 =	sshll.u32 s6, $0x1;
	s3 =	sadd.s32 s4, s19  }
0x9c: {  	s7 =	simm.s32 $0x0;
	s20 =	sshll.u32 s5, $0x1;
	s5 =	sadd.s32 s21, s3  }
0x9d: {  	[timem:s7], [sflag:s22] =	dma.local [hbm:s5], s20  }
0x9e: {  	_ =	swait.ge [sflag:s22], s20  }
0x9f: {  	s4 =	ssub.s32 $0x0, s20;
	[sflag:s22] =	ssyncset.done $0x0  }
0xa0: {  	[sflag:s22] =	ssyncadd.s32 s4;
	_ =	sdelay $0x1  }
0xa1: {  	s23 =	simm.s32 $0x1B8B  }
0xa2: {  	_ =	swait.ge [sflag:s23], $0x1  }
0xa3: {  	[sflag:s23] =	ssyncset.done $0x0  }
0xa4: {  	s25 =	simm.s32 $0x1B8E;
	s24 =	sld [smem:$0x3FFE];
	[sflag:s23] =	ssyncadd.s32 $0xFFFFFFFF  }
0xa5: {  	s26 =	simm.s32 $execute0_lowered;
	[smem:$0x3FD2] =	sst s25  }
0xa6: {  	s5 =	sshll.u32 s26, $0x1;
	_ =	strace $0x80000049;
	[dreg:$0x1] =	wrdreg $0xFFFFFFFF  }
0xa7: {  	s28 =	simm.s32 $_size_execute0_lowered;
	s3 =	sadd.s32 s3, s5;
	[dreg:$0x0] =	wrdreg $0x0  }
0xa8: {  	s5 =	sshll.u32 s28, $0x1;
	[dreg:$0x2] =	wrdreg s3  }
0xa9: {  	[dreg:$0x3] =	wrdreg s5  }
0xaa: {  	[dreg:$0x4] =	wrdreg $0xC0  }
0xab: {  	_ =	task [dreg:s7], $0x5FFFF  }
0xac: {  	[dreg:$0x1] =	wrdreg $0xFFFFFFFF  }
0xad: {  	[dreg:$0x0] =	wrdreg $0x60  }
0xae: {  	[dreg:$0x2] =	wrdreg s24  }
0xaf: {  	[dreg:$0x3] =	wrdreg s2  }
0xb0: {  	[dreg:$0x4] =	wrdreg $0x0  }
0xb1: {  	[dreg:$0x5] =	wrdreg $0x28000  }
0xb2: {  	[dreg:$0x6] =	wrdreg $0x9  }
0xb3: {  	_ =	task.clear_ibuf [dreg:s7], $0x7FFFF;
	_ =	strace $0x90000049  }
0xb4: {  	s29 =	simm.s32 $0x9;
	_ =	strace $0x8000004B  }
0xb5: {  	_ =	swait.ge [sflag:s29], $0x1  }
0xb6: {  	[sflag:s29] =	ssyncadd.s32 $0xFFFFFFFF  }
0xb7: {  	_ =	strace $0x9000004B  }
0xb8: {  	_ =	sfence  }
0xb9: {  	s30 =	sld [smem:$0x0];
	_ =	sdelay $0x2  }
0xba: {  	s31 =	sshll.u32 s1, $0xD;
	s1 =	sshrl.u32 s1, $0x2  }
0xbb: {  	s3 =	sand.u32 $0x4000, s31;
	s1 =	sadd.s32 s1, s30  }
0xbc: {  	s0 =	sor.u32 s3, s0;
	s1 =	sshll.u32 s1, $0x11  }
0xbd: {  	s0 =	sor.u32 s1, s0  }
0xbe: {  	s0 =	sadd.s32 $0x8F2B, s0  }
0xbf: {  	[sflag:s0] =	ssyncadd.remote.s32 $0x1  }
0xc0: {  	_ =	sfence.sel $0xFFFF  }
0xc1: {  	[dreg:$0x0] =	wrdreg $0xFFFFFFFF;
	(pc) =	sbr.abs _section_cstart, $3  }
0xc2: {  	[dreg:$0x1] =	wrdreg $0xFFFFFFFF  }
0xc3: {  	_ =	task.clear_ibuf [dreg:s7], $0x2FFFF;
	_ =	strace $0x9FFFFFFF  }
0xc4: {  	(tm) =	ssettm $0x7FFFFFFF  }
0xc5: {  	_ =	shalt  }
tec
execute0_lowered:
.L_overlay_start_1:
0x0: {  	(tag) =	ssettag $0x1  }
0x1: {  	s0 =	rddreg [dreg:$0x0]  }
0x2: {  	s3 =	rddreg [dreg:$0x1]  }
0x3: {  	s1 =	rddreg [dreg:$0x2]  }
0x4: {  	s2 =	rddreg [dreg:$0x3];
	s4 =	simm.s32 $0x0  }
0x5: {  	s18 =	stileid.u32;
	s7 =	srdreg.scid;
	s30 =	simm.s32 $0x80  }
0x6: {  	s31 =	simm.s32 $0x2B00;
	s28 =	simm.s32 $0x4780;
	s29 =	simm.s32 $0x3F00  }
0x7: {  	[smem:$0x7FF] =	sst s4;
	s5 =	sadd.s32 $0xE00, s0;
	s10 =	smul.u32 $0x2800, s18  }
0x8: {  	s6 =	sadd.s32 $0x6400, s0;
	s11 =	smul.u32 $0x280, s18;
	s12 =	sand.u32 $0x1, s7  }
0x9: {  	s7 =	sadd.s32 $0x5E00, s0;
	s8 =	sadd.s32 $0x28E00, s0;
	s9 =	sadd.s32 $0x1EE00, s0  }
0xa: {  	s26 =	sshll.u32 s18, $0x6;
	s19 =	sshll.u32 s18, $0x5;
	_ =	strace $0x8000004A  }
0xb: {  	s14 =	smul.u32 $0x28000, s12;
	s16 =	ssub.s32 $0x2, s12;
	s20 =	sshll.u32 s12, $0x4  }
0xc: {  	s12 =	smul.u32 $0x2800, s12;
	s13 =	sshrl.u32 s10, $0x3;
	s15 =	sshrl.u32 s11, $0x3  }
0xd: {  	s17 =	sshrl.u32 s16, $0x1;
	s13 =	sadd.s32 s13, s0;
	s14 =	sadd.s32 s10, s14  }
0xe: {  	s15 =	sadd.s32 s15, s0;
	s10 =	sadd.s32 s10, s1;
	s14 =	sshrl.u32 s14, $0x3  }
0xf: {  	[dreg:$0x5] =	wrdreg s10;
	s13 =	sadd.s32 $0x6A00, s13;
	s15 =	sadd.s32 $0x32E00, s15  }
0x10: {  	s10 =	sor.u32 s20, s19;
	s0 =	sadd.s32 s14, s0;
	s14 =	ssub.s32 s16, s17  }
0x11: {  	[dreg:$0x6] =	wrdreg s13;
	s16 =	sor.u32 $0x1C0B, s26;
	s17 =	sadd.s32 s11, s2  }
0x12: {  	[dreg:$0x9] =	wrdreg s15;
	s13 =	sadd.s32 s8, s10;
	s21 =	sadd.s32 s9, s10  }
0x13: {  	s22 =	sor.u32 $0x200, s10;
	s11 =	sadd.s32 s11, s12;
	[dreg:$0x8] =	wrdreg s17  }
0x14: {  	s19 =	sor.u32 $0x400, s10;
	s20 =	sor.u32 $0x600, s10;
	[dreg:$0xa] =	wrdreg s13  }
0x15: {  	s10 =	simm.s32 $0xA;
	s15 =	simm.s32 $0x1;
	[dreg:$0xb] =	wrdreg s21  }
0x16: {  	s23 =	sadd.s32 s8, s22;
	s13 =	sadd.s32 s9, s22;
	s12 =	smov.u32 s16  }
0x17: {  	s24 =	sshrl.u32 s11, $0x3;
	s0 =	sadd.s32 $0xBA00, s0;
	[dreg:$0xc] =	wrdreg s23  }
0x18: {  	v0 =	vimm.s32 $0x0;
	s26 =	smax.u32 s14, $0x1;
	s16 =	simm.s32 $0x3;
	[dreg:$0xd] =	wrdreg s13  }
.Ltmp0:
0x19: {  	v1 =	vimm.s32 $0x1;
	v2 =	vimm.s32 $0x2;
	v3 =	vimm.s32 $0x3;
	s17 =	simm.s32 $0x5;
	[dreg:$0xe] =	wrdreg s0;
	(pc) =	sbr.rel .LBB2_1-.Ltmp0, $4  }
0x1a: {  	v4 =	vimm.s32 $0x4;
	v5 =	vimm.s32 $0x5;
	v6 =	vimm.s32 $0x6;
	s22 =	simm.s32 $0x2;
	s25 =	sadd.s32 s3, s24;
	[dreg:$0x10] =	wrdreg s26  }
0x1b: {  	v7 =	vimm.s32 $0x7;
	v8 =	vimm.s32 $0x8;
	v9 =	vimm.s32 $0x9;
	s24 =	simm.s32 $0xB;
	s26 =	simm.s32 $0x2B80;
	s0 =	simm.s32 $0x2C00  }
0x1c: {  	v10 =	vimm.s32 $0xA;
	v11 =	vimm.s32 $0xB;
	v12 =	vimm.s32 $0xC;
	s3 =	simm.s32 $0x8;
	s23 =	simm.s32 $0x4;
	[dreg:$0x7] =	wrdreg s12  }
0x1d: {  	v13 =	vimm.s32 $0xD;
	v14 =	vimm.s32 $0xE;
	v15 =	vimm.s32 $0xF;
	s13 =	simm.s32 $0x0;
	[dreg:$0xf] =	wrdreg s25;
	s25 =	simm.s32 $0x6  }
.LBB2_8:
0x1e: {  	[bflag:$0x0] =	sbarrier.arrive $0xFFFF  }
0x1f: {  	s12 =	rddreg [dreg:$0x7]  }
0x20: {  	s11 =	rddreg [dreg:$0xe]  }
0x21: {  	s13 =	rddreg [dreg:$0x12]  }
0x22: {  	[hbm:s11], [sflag:s12] =	dma.local [spmem:s13], $0x500  }
0x23: {  	_ =	swait.ge [sflag:s24], $0x500  }
0x24: {  	[sflag:s24] =	ssyncset.done $0x0;
	s13 =	rddreg [dreg:$0xf]  }
0x25: {  	s14 =	rddreg [dreg:$0x13];
	[sflag:s24] =	ssyncadd.s32 $0xFFFFFB00  }
0x26: {  	[hbm:s13], [sflag:s12] =	dma.local [spmem:s14], $0x50  }
0x27: {  	_ =	swait.ge [sflag:s24], $0x50  }
0x28: {  	s18 =	rddreg [dreg:$0x11]  }
0x29: {  	s21 =	rddreg [dreg:$0x10];
	s13 =	sadd.s32 $0x1, s18  }
0x2a: {  	p0 =	sne.s32 s13, s21  }
.Ltmp1:
0x2b: {  	_ = 	snop;
	(pc) =	sbr.rel @!p0 .LBB2_9-.Ltmp1, $3  }
0x2c: {  	_ =	sdelay $0x1  }
0x2d: {  	[sflag:s24] =	ssyncset.done $0x0  }
0x2e: {  	[sflag:s24] =	ssyncadd.s32 $0xFFFFFFB0  }
.LBB2_1:
0x2f: {  	[dreg:$0x11] =	wrdreg s13  }
0x30: {  	s11 =	rddreg [dreg:$0x5]  }
0x31: {  	s21 =	rddreg [dreg:$0x6];
	s18 =	sshrl.u32 s11, $0x3  }
0x32: {  	[dreg:$0x12] =	wrdreg s18  }
0x33: {  	[spmem:s18], [sflag:s12] =	dma.local [hbm:s21], $0x500  }
0x34: {  	_ =	swait.ge [sflag:s24], $0x500  }
0x35: {  	s14 =	rddreg [dreg:$0x8]  }
0x36: {  	[sflag:s24] =	ssyncset.done $0x0;
	s21 =	rddreg [dreg:$0x9];
	s18 =	sshrl.u32 s14, $0x3  }
0x37: {  	[sflag:s24] =	ssyncadd.s32 $0xFFFFFB00;
	[dreg:$0x13] =	wrdreg s18  }
0x38: {  	[spmem:s18], [sflag:s12] =	dma.local [hbm:s21], $0x50  }
0x39: {  	_ =	swait.ge [sflag:s24], $0x50  }
0x3a: {  	[sflag:s24] =	ssyncset.done $0x0  }
0x3b: {  	[sflag:s24] =	ssyncadd.s32 $0xFFFFFFB0  }
0x3c: {  	[bflag:$0x0] =	sbarrier.arrive $0xFFFF  }
0x3d: {  	s12 =	simm.s32 $0x2A80;
	s14 =	rddreg [dreg:$0xa]  }
0x3e: {  	[tilespmem:s12], [sflag:$0x7] =	stream.linear.gather [hbm4b:s14+s4], $0x80, $0x38;
	[tilespmem:$0x4F80] =	vst v63  }
0x3f: {  	s21 =	simm.s32 $0x7;
	s18 =	rddreg [dreg:$0xb]  }
0x40: {  	[tilespmem:s26], [sflag:$0x9] =	stream.linear.gather [hbm4b:s18+s4], $0x80, $0x38;
	[tilespmem:$0x4F80] =	vst v63  }
0x41: {  	_ =	swait.ge [sflag:s21], $0x80  }
0x42: {  	[sflag:s21] =	ssyncset.done $0x0  }
0x43: {  	s13 =	simm.s32 $0x9;
	[sflag:s21] =	ssyncadd.s32 $0xFFFFFF80  }
0x44: {  	_ =	swait.ge [sflag:s13], $0x80  }
0x45: {  	[sflag:s13] =	ssyncset.done $0x0  }
0x46: {  	s14 =	simm.s32 $0x2C80;
	[sflag:s13] =	ssyncadd.s32 $0xFFFFFF80  }
0x47: {  	[tilespmem:s14], [sflag:$0x1] =	stream.indirect.gather [hbm4b:s5+s30], $0x10, s12, s30, $0xb8;
	[tilespmem:$0x4F80] =	vst v63  }
0x48: {  	s18 =	simm.s32 $0x3C80  }
0x49: {  	[tilespmem:s18], [sflag:$0x3] =	stream.indirect.gather [hbm4b:s6+s30], $0x1, s12, s30, $0xb8;
	[tilespmem:$0x4F80] =	vst v63  }
0x4a: {  	s21 =	simm.s32 $0x3D80  }
0x4b: {  	[tilespmem:s21], [sflag:$0x5] =	stream.indirect.gather [hbm4b:s7+s30], $0x1, s26, s30, $0xb8;
	[tilespmem:$0x4F80] =	vst v63  }
0x4c: {  	s12 =	rddreg [dreg:$0xc]  }
0x4d: {  	[tilespmem:s31], [sflag:$0x8] =	stream.linear.gather [hbm4b:s12+s4], $0x80, $0x38;
	[tilespmem:$0x4F80] =	vst v63  }
0x4e: {  	s13 =	rddreg [dreg:$0xd]  }
0x4f: {  	[tilespmem:s0], [sflag:$0xA] =	stream.linear.gather [hbm4b:s13+s4], $0x80, $0x38;
	[tilespmem:$0x4F80] =	vst v63  }
0x50: {  	_ =	swait.ge [sflag:s3], $0x80  }
0x51: {  	[sflag:s3] =	ssyncset.done $0x0  }
0x52: {  	[sflag:s3] =	ssyncadd.s32 $0xFFFFFF80  }
0x53: {  	_ =	swait.ge [sflag:s10], $0x80  }
0x54: {  	[sflag:s10] =	ssyncset.done $0x0  }
0x55: {  	s14 =	simm.s32 $0x3480;
	[sflag:s10] =	ssyncadd.s32 $0xFFFFFF80  }
0x56: {  	[tilespmem:s14], [sflag:$0x2] =	stream.indirect.gather [hbm4b:s5+s30], $0x10, s31, s30, $0xb8;
	[tilespmem:$0x4F80] =	vst v63  }
0x57: {  	s18 =	simm.s32 $0x3D00  }
0x58: {  	[tilespmem:s18], [sflag:$0x4] =	stream.indirect.gather [hbm4b:s6+s30], $0x1, s31, s30, $0xb8;
	[tilespmem:$0x4F80] =	vst v63  }
0x59: {  	s21 =	simm.s32 $0x3E00;
	s12 =	simm.s32 $0x0  }
0x5a: {  	[tilespmem:s21], [sflag:$0x6] =	stream.indirect.gather [hbm4b:s7+s30], $0x1, s0, s30, $0xb8;
	[tilespmem:$0x4F80] =	vst v63  }
.LBB2_2:
0x5b: {  	_ =	swait.ge [sflag:s15], $0x800  }
0x5c: {  	[sflag:s15] =	ssyncset.done $0x0  }
0x5d: {  	[sflag:s15] =	ssyncadd.s32 $0xFFFFF800  }
0x5e: {  	_ =	swait.ge [sflag:s16], $0x80  }
0x5f: {  	[sflag:s16] =	ssyncset.done $0x0  }
0x60: {  	[sflag:s16] =	ssyncadd.s32 $0xFFFFFF80  }
0x61: {  	_ =	swait.ge [sflag:s17], $0x80  }
0x62: {  	[sflag:s17] =	ssyncset.done $0x0  }
0x63: {  	[sflag:s17] =	ssyncadd.s32 $0xFFFFFF80  }
0x64: {  	v16 =	vld [tilespmem:$0x3C80]  }
0x65: {  	v17 =	vld [tilespmem:$0x3D80]  }
0x66: {  	v18 =	vld [tilespmem:$0x3C90]  }
0x67: {  	v19 =	vld [tilespmem:$0x3D90]  }
0x68: {  	v20 =	vld [tilespmem:$0x3CA0]  }
0x69: {  	v21 =	vld [tilespmem:$0x3DA0]  }
0x6a: {  	v22 =	vld [tilespmem:$0x3CB0]  }
0x6b: {  	v23 =	vld [tilespmem:$0x3DB0]  }
0x6c: {  	v24 =	vld [tilespmem:$0x3CC0]  }
0x6d: {  	v25 =	vld [tilespmem:$0x3DC0]  }
0x6e: {  	v29 =	vld [tilespmem:$0x3CF0]  }
0x6f: {  	v58 =	vld [tilespmem:$0x3DF0];
	v16 =	vadd.f32 v17, v16  }
0x70: {  	v56 =	vld [tilespmem:$0x3CE0];
	v18 =	vadd.f32 v19, v18  }
0x71: {  	v17 =	vld [tilespmem:$0x3CD0];
	v26 =	vmul.f32 $2.000000030e-01, v16  }
0x72: {  	v19 =	vld [tilespmem:$0x3DD0];
	v27 =	vmul.f32 $2.000000030e-01, v18  }
0x73: {  	v28 =	vld [tilespmem:$0x3DE0];
	v20 =	vadd.f32 v21, v20;
	v16 =	vmax.f32 v16, v26  }
0x74: {  	v60 =	vadd.f32 v58, v29;
	v18 =	vmax.f32 v18, v27;
	v16 =	vmul.f32 $1.442695020e+00, v16  }
0x75: {  	v22 =	vadd.f32 v23, v22;
	v57 =	vmul.f32 $2.000000030e-01, v20;
	v18 =	vmul.f32 $1.442695020e+00, v18  }
0x76: {  	v63 =	vmul.f32 $2.000000030e-01, v60;
	(erf) = vpow2.f32 v16;
	v16 =	vadd.f32 v25, v24  }
0x77: {  	v17 =	vadd.f32 v19, v17;
	(erf) = vpow2.f32 v18;
	v18 =	vmul.f32 $2.000000030e-01, v22  }
0x78: {  	v20 =	vmax.f32 v20, v57;
	v19 =	vadd.f32 v28, v56;
	v59 =	vmul.f32 $2.000000030e-01, v16  }
0x79: {  	v20 =	vmul.f32 $1.442695020e+00, v20;
	v61 =	vmul.f32 $2.000000030e-01, v17;
	v18 =	vmax.f32 v22, v18  }
0x7a: {  	v62 =	vmul.f32 $2.000000030e-01, v19;
	v18 =	vmul.f32 $1.442695020e+00, v18;
	v16 =	vmax.f32 v16, v59  }
0x7b: {  	(erf) = vpow2.f32 v20;
	v17 =	vmax.f32 v17, v61;
	v16 =	vmul.f32 $1.442695020e+00, v16  }
0x7c: {  	v17 =	vmul.f32 $1.442695020e+00, v17;
	(erf) = vpow2.f32 v18;
	v18 =	vmax.f32 v19, v62  }
0x7d: {  	(erf) = vpow2.f32 v16;
	v16 =	vmax.f32 v60, v63;
	v18 =	vmul.f32 $1.442695020e+00, v18  }
0x7e: {  	(erf) = vpow2.f32 v17;
	v16 =	vmul.f32 $1.442695020e+00, v16  }
0x7f: {  	(erf) = vpow2.f32 v18  }
0x80: {  	(erf) = vpow2.f32 v16;
	_ =	sdelay $0x1  }
0x81: {  	v16 =	vpop (erf)  }
0x82: {  	v17 =	vpop (erf);
	[tilespmem:$0x3E80] =	vst v16  }
0x83: {  	v16 =	vpop (erf);
	[tilespmem:$0x3E90] =	vst v17  }
0x84: {  	v17 =	vpop (erf);
	[tilespmem:$0x3EA0] =	vst v16  }
0x85: {  	v16 =	vpop (erf);
	[tilespmem:$0x3EB0] =	vst v17  }
0x86: {  	v17 =	vpop (erf);
	[tilespmem:$0x3EC0] =	vst v16  }
0x87: {  	v16 =	vpop (erf);
	[tilespmem:$0x3ED0] =	vst v17  }
0x88: {  	[tilespmem:$0x3EE0] =	vst v16;
	v16 =	vpop (erf)  }
0x89: {  	s11 =	simm.s32 $0x0;
	[tilespmem:$0x3EF0] =	vst v16  }
0x8a: {  	s13 =	simm.s32 $0x3E80;
	v17 =	vld [tilespmem:s11+$0x2C80]  }
0x8b: {  	s14 =	simm.s32 $0x400;
	v16 =	vld [tilespmem:s13+$0x0]  }
.LBB2_3:
0x8c: {  	p0 =	sne.s32 s14, $0x1C00;
	v18 =	vld [tilespmem:s11+$0x2C90]  }
0x8d: {  	v19 =	vld [tilespmem:s11+$0x2CA0]  }
0x8e: {  	v20 =	vld [tilespmem:s11+$0x2CB0]  }
0x8f: {  	v21 =	vld [tilespmem:s11+$0x2CC0]  }
0x90: {  	v22 =	vperm.xlane v16, v0;
	v23 =	vperm.xlane v16, v1;
	v24 =	vld [tilespmem:s11+$0x2CD0]  }
0x91: {  	v25 =	vperm.xlane v16, v2;
	v26 =	vperm.xlane v16, v3;
	v27 =	vld [tilespmem:s11+$0x2CE0]  }
0x92: {  	v17 =	vmul.f32 v17, v22;
	v18 =	vmul.f32 v18, v23;
	v22 =	vld [tilespmem:s11+$0x2CF0]  }
0x93: {  	v19 =	vmul.f32 v19, v25;
	v20 =	vmul.f32 v20, v26;
	v23 =	vld [tilespmem:s11+$0x2D00]  }
0x94: {  	v25 =	vperm.xlane v16, v5;
	[tilespmem:s11+$0x3F80] =	vst v17;
	v17 =	vperm.xlane v16, v4;
	v26 =	vld [tilespmem:s11+$0x2D10]  }
0x95: {  	v28 =	vperm.xlane v16, v7;
	[tilespmem:s11+$0x3F90] =	vst v18;
	v18 =	vperm.xlane v16, v6;
	v29 =	vld [tilespmem:s11+$0x2D20]  }
0x96: {  	[tilespmem:s11+$0x3FA0] =	vst v19;
	v17 =	vmul.f32 v21, v17;
	v19 =	vmul.f32 v24, v25;
	v21 =	vld [tilespmem:s11+$0x2D30]  }
0x97: {  	[tilespmem:s11+$0x3FB0] =	vst v20;
	v18 =	vmul.f32 v27, v18;
	v20 =	vmul.f32 v22, v28;
	v22 =	vld [tilespmem:s11+$0x2D40]  }
0x98: {  	v24 =	vperm.xlane v16, v9;
	[tilespmem:s11+$0x3FC0] =	vst v17;
	v17 =	vperm.xlane v16, v8;
	v25 =	vld [tilespmem:s11+$0x2D50]  }
0x99: {  	v27 =	vperm.xlane v16, v11;
	[tilespmem:s11+$0x3FD0] =	vst v19;
	v19 =	vperm.xlane v16, v10;
	v28 =	vld [tilespmem:s11+$0x2D60]  }
0x9a: {  	[tilespmem:s11+$0x3FE0] =	vst v18;
	v17 =	vmul.f32 v23, v17;
	v18 =	vmul.f32 v26, v24;
	v23 =	vld [tilespmem:s11+$0x2D70]  }
0x9b: {  	[tilespmem:s11+$0x3FF0] =	vst v20;
	v19 =	vmul.f32 v29, v19;
	v20 =	vmul.f32 v21, v27  }
0x9c: {  	v21 =	vperm.xlane v16, v13;
	[tilespmem:s11+$0x4000] =	vst v17;
	v17 =	vperm.xlane v16, v12  }
0x9d: {  	[tilespmem:s11+$0x4010] =	vst v18;
	v18 =	vperm.xlane v16, v14;
	v16 =	vperm.xlane v16, v15  }
0x9e: {  	[tilespmem:s11+$0x4020] =	vst v19;
	v17 =	vmul.f32 v22, v17;
	v19 =	vmul.f32 v25, v21  }
0x9f: {  	[tilespmem:s11+$0x4030] =	vst v20;
	v18 =	vmul.f32 v28, v18;
	v16 =	vmul.f32 v23, v16  }
.Ltmp2:
0xa0: {  	[tilespmem:s11+$0x4040] =	vst v17;
	(pc) =	sbr.rel @p0 .LBB2_3-.Ltmp2, $4  }
0xa1: {  	[tilespmem:s11+$0x4050] =	vst v19  }
0xa2: {  	s18 =	sshra.s32 s14, $0x2;
	[tilespmem:s11+$0x4060] =	vst v18  }
0xa3: {  	s13 =	sadd.s32 $0x10, s13;
	v17 =	vld [tilespmem:s18+$0x2C80];
	[tilespmem:s11+$0x4070] =	vst v16;
	s11 =	smov.u32 s18  }
0xa4: {  	s14 =	sadd.s32 $0x400, s14;
	v16 =	vld [tilespmem:s13+$0x0]  }
0xa5: {  	_ =	sdelay $0x1  }
0xa6: {  	v18 =	vld [tilespmem:s11+$0x2C90]  }
0xa7: {  	v19 =	vld [tilespmem:s11+$0x2CA0]  }
0xa8: {  	v20 =	vld [tilespmem:s11+$0x2CB0];
	v22 =	vperm.xlane v16, v0  }
0xa9: {  	v21 =	vld [tilespmem:s11+$0x2CC0];
	v25 =	vperm.xlane v16, v1  }
0xaa: {  	v23 =	vld [tilespmem:s11+$0x2CD0];
	v27 =	vperm.xlane v16, v2;
	v17 =	vmul.f32 v17, v22  }
0xab: {  	v24 =	vld [tilespmem:s11+$0x2CE0];
	v32 =	vperm.xlane v16, v3;
	v18 =	vmul.f32 v18, v25  }
0xac: {  	v31 =	vld [tilespmem:s11+$0x2CF0];
	v33 =	vperm.xlane v16, v4;
	v19 =	vmul.f32 v19, v27;
	[tilespmem:s11+$0x3F80] =	vst v17  }
0xad: {  	v37 =	vld [tilespmem:s11+$0x2D50];
	v34 =	vperm.xlane v16, v5;
	v20 =	vmul.f32 v20, v32;
	[tilespmem:s11+$0x3F90] =	vst v18  }
0xae: {  	v26 =	vld [tilespmem:s11+$0x2D00];
	v36 =	vperm.xlane v16, v6;
	v21 =	vmul.f32 v21, v33;
	[tilespmem:s11+$0x3FA0] =	vst v19  }
0xaf: {  	v38 =	vperm.xlane v16, v7;
	v23 =	vmul.f32 v23, v34;
	v17 =	vld [tilespmem:s11+$0x2D10];
	[tilespmem:s11+$0x3FB0] =	vst v20  }
0xb0: {  	v45 =	vperm.xlane v16, v13;
	v24 =	vmul.f32 v24, v36;
	v18 =	vld [tilespmem:s11+$0x2D20];
	[tilespmem:s11+$0x3FC0] =	vst v21  }
0xb1: {  	v39 =	vperm.xlane v16, v8;
	v22 =	vmul.f32 v31, v38;
	v19 =	vld [tilespmem:s11+$0x2D30];
	[tilespmem:s11+$0x3FD0] =	vst v23  }
0xb2: {  	v35 =	vld [tilespmem:s11+$0x2D40];
	v41 =	vperm.xlane v16, v9;
	v46 =	vmul.f32 v37, v45;
	[tilespmem:s11+$0x3FE0] =	vst v24  }
0xb3: {  	v40 =	vld [tilespmem:s11+$0x2D60];
	v42 =	vperm.xlane v16, v10;
	v23 =	vmul.f32 v26, v39;
	[tilespmem:s11+$0x3FF0] =	vst v22  }
0xb4: {  	v43 =	vld [tilespmem:s11+$0x2D70];
	v28 =	vperm.xlane v16, v11;
	[tilespmem:s11+$0x4050] =	vst v46;
	v17 =	vmul.f32 v17, v41  }
0xb5: {  	v44 =	vperm.xlane v16, v12;
	[tilespmem:s11+$0x4000] =	vst v23;
	v18 =	vmul.f32 v18, v42  }
0xb6: {  	v19 =	vmul.f32 v19, v28;
	[tilespmem:s11+$0x4010] =	vst v17;
	v17 =	vperm.xlane v16, v14  }
0xb7: {  	[tilespmem:s11+$0x4020] =	vst v18;
	v18 =	vmul.f32 v35, v44;
	v16 =	vperm.xlane v16, v15  }
0xb8: {  	[tilespmem:s11+$0x4030] =	vst v19;
	v17 =	vmul.f32 v40, v17  }
0xb9: {  	[tilespmem:s11+$0x4040] =	vst v18;
	v16 =	vmul.f32 v43, v16  }
0xba: {  	[tilespmem:s11+$0x4060] =	vst v17  }
0xbb: {  	s18 =	simm.s32 $0x3F80;
	[tilespmem:s11+$0x4070] =	vst v16  }
0xbc: {  	[spmem:s1] =	stream.indirect.scatter.add.f32 [tilespmem:s18], [sflag:$0xB], $0x10, s26, s30, $0xb8;
	[tilespmem:$0x4F80] =	vst v63  }
0xbd: {  	_ =	swait.ge [sflag:s24], $0x800  }
0xbe: {  	[sflag:s24] =	ssyncset.done $0x0  }
0xbf: {  	s21 =	simm.s32 $0x3E80;
	[sflag:s24] =	ssyncadd.s32 $0xFFFFF800  }
0xc0: {  	[spmem:s2] =	stream.indirect.scatter.add.f32 [tilespmem:s21], [sflag:$0xB], $0x1, s26, s30, $0xb8;
	[tilespmem:$0x4F80] =	vst v63  }
0xc1: {  	p0 =	seq.s32 s12, $0x27;
	s11 =	sshll.u32 s12, $0xA;
	_ =	swait.ge [sflag:s24], $0x80  }
0xc2: {  	s13 =	sadd.s32 @!p0 s19, s11;
	s18 =	simm.s32 @!p0 $0x0;
	[sflag:s24] =	ssyncset.done $0x0  }
0xc3: {  	s14 =	sadd.s32 @!p0 s8, s13;
	s21 =	simm.s32 @!p0 $0x2A80;
	[sflag:s24] =	ssyncadd.s32 $0xFFFFFF80  }
0xc4: {  	[tilespmem:s21], [sflag:$0x7] =	stream.linear.gather @!p0 [hbm4b:s14+s18], $0x80, $0x38;
	[tilespmem:$0x4F80] =	vst v63  }
0xc5: {  	s13 =	sadd.s32 @!p0 s9, s13;
	s14 =	simm.s32 @!p0 $0x2B80  }
0xc6: {  	[tilespmem:s14], [sflag:$0x9] =	stream.linear.gather @!p0 [hbm4b:s13+s18], $0x80, $0x38;
	[tilespmem:$0x4F80] =	vst v63  }
0xc7: {  	s13 =	simm.s32 @!p0 $0x7  }
0xc8: {  	_ =	swait.ge @!p0 [sflag:s13], $0x80  }
0xc9: {  	[sflag:s13] =	ssyncset.done @!p0 $0x0  }
0xca: {  	[sflag:s13] =	ssyncadd.s32 @!p0 $0xFFFFFF80;
	s13 =	simm.s32 @!p0 $0x9  }
0xcb: {  	_ =	swait.ge @!p0 [sflag:s13], $0x80  }
0xcc: {  	[sflag:s13] =	ssyncset.done @!p0 $0x0  }
0xcd: {  	s18 =	simm.s32 @!p0 $0x2C80;
	[sflag:s13] =	ssyncadd.s32 @!p0 $0xFFFFFF80;
	s13 =	simm.s32 @!p0 $0x80  }
0xce: {  	[tilespmem:s18], [sflag:$0x1] =	stream.indirect.gather @!p0 [hbm4b:s5+s13], $0x10, s21, s13, $0xb8;
	[tilespmem:$0x4F80] =	vst v63  }
0xcf: {  	s18 =	simm.s32 @!p0 $0x3C80  }
0xd0: {  	[tilespmem:s18], [sflag:$0x3] =	stream.indirect.gather @!p0 [hbm4b:s6+s13], $0x1, s21, s13, $0xb8;
	[tilespmem:$0x4F80] =	vst v63  }
0xd1: {  	s18 =	simm.s32 @!p0 $0x3D80  }
0xd2: {  	[tilespmem:s18], [sflag:$0x5] =	stream.indirect.gather @!p0 [hbm4b:s7+s13], $0x1, s14, s13, $0xb8;
	[tilespmem:$0x4F80] =	vst v63  }
0xd3: {  	_ =	swait.ge [sflag:s22], $0x800  }
0xd4: {  	[sflag:s22] =	ssyncset.done $0x0  }
0xd5: {  	[sflag:s22] =	ssyncadd.s32 $0xFFFFF800  }
0xd6: {  	_ =	swait.ge [sflag:s23], $0x80  }
0xd7: {  	[sflag:s23] =	ssyncset.done $0x0  }
0xd8: {  	[sflag:s23] =	ssyncadd.s32 $0xFFFFFF80  }
0xd9: {  	_ =	swait.ge [sflag:s25], $0x80  }
0xda: {  	[sflag:s25] =	ssyncset.done $0x0  }
0xdb: {  	[sflag:s25] =	ssyncadd.s32 $0xFFFFFF80  }
0xdc: {  	v16 =	vld [tilespmem:$0x3D00]  }
0xdd: {  	v17 =	vld [tilespmem:$0x3E00]  }
0xde: {  	v18 =	vld [tilespmem:$0x3D10]  }
0xdf: {  	v19 =	vld [tilespmem:$0x3E10]  }
0xe0: {  	v47 =	vld [tilespmem:$0x3D20]  }
0xe1: {  	v48 =	vld [tilespmem:$0x3E20]  }
0xe2: {  	v49 =	vld [tilespmem:$0x3D30]  }
0xe3: {  	v50 =	vld [tilespmem:$0x3E30]  }
0xe4: {  	v51 =	vld [tilespmem:$0x3D40]  }
0xe5: {  	v52 =	vld [tilespmem:$0x3E40]  }
0xe6: {  	v54 =	vld [tilespmem:$0x3D60];
	v16 =	vadd.f32 v17, v16  }
0xe7: {  	v56 =	vld [tilespmem:$0x3E60];
	v18 =	vadd.f32 v19, v18  }
0xe8: {  	v17 =	vld [tilespmem:$0x3D50];
	v20 =	vadd.f32 v48, v47;
	v53 =	vmul.f32 $2.000000030e-01, v16  }
0xe9: {  	v19 =	vld [tilespmem:$0x3E50];
	v55 =	vmul.f32 $2.000000030e-01, v18  }
0xea: {  	v29 =	vld [tilespmem:$0x3D70];
	v57 =	vmul.f32 $2.000000030e-01, v20;
	v16 =	vmax.f32 v16, v53  }
0xeb: {  	v58 =	vld [tilespmem:$0x3E70];
	v18 =	vmax.f32 v18, v55;
	v16 =	vmul.f32 $1.442695020e+00, v16  }
0xec: {  	v22 =	vadd.f32 v50, v49;
	v20 =	vmax.f32 v20, v57;
	v18 =	vmul.f32 $1.442695020e+00, v18  }
0xed: {  	v59 =	vadd.f32 v52, v51;
	(erf) = vpow2.f32 v16;
	v16 =	vmul.f32 $1.442695020e+00, v20  }
0xee: {  	v17 =	vadd.f32 v19, v17;
	(erf) = vpow2.f32 v18;
	v18 =	vmul.f32 $2.000000030e-01, v22  }
0xef: {  	v19 =	vadd.f32 v56, v54;
	(erf) = vpow2.f32 v16;
	v16 =	vmul.f32 $2.000000030e-01, v59  }
0xf0: {  	v61 =	vadd.f32 v58, v29;
	v60 =	vmul.f32 $2.000000030e-01, v17;
	v18 =	vmax.f32 v22, v18  }
0xf1: {  	v62 =	vmul.f32 $2.000000030e-01, v19;
	v18 =	vmul.f32 $1.442695020e+00, v18;
	v16 =	vmax.f32 v59, v16  }
0xf2: {  	v63 =	vmul.f32 $2.000000030e-01, v61;
	v17 =	vmax.f32 v17, v60;
	v16 =	vmul.f32 $1.442695020e+00, v16  }
0xf3: {  	v17 =	vmul.f32 $1.442695020e+00, v17;
	(erf) = vpow2.f32 v18;
	v18 =	vmax.f32 v19, v62  }
0xf4: {  	(erf) = vpow2.f32 v16;
	v16 =	vmul.f32 $1.442695020e+00, v18;
	v18 =	vmax.f32 v61, v63  }
0xf5: {  	(erf) = vpow2.f32 v17;
	v17 =	vmul.f32 $1.442695020e+00, v18  }
0xf6: {  	(erf) = vpow2.f32 v16  }
0xf7: {  	(erf) = vpow2.f32 v17;
	_ =	sdelay $0x1  }
0xf8: {  	v16 =	vpop (erf)  }
0xf9: {  	v17 =	vpop (erf);
	[tilespmem:$0x3F00] =	vst v16  }
0xfa: {  	v16 =	vpop (erf);
	[tilespmem:$0x3F10] =	vst v17  }
0xfb: {  	[tilespmem:$0x3F20] =	vst v16;
	v17 =	vpop (erf)  }
0xfc: {  	v16 =	vpop (erf);
	[tilespmem:$0x3F30] =	vst v17  }
0xfd: {  	v17 =	vpop (erf);
	[tilespmem:$0x3F40] =	vst v16  }
0xfe: {  	v16 =	vpop (erf);
	[tilespmem:$0x3F50] =	vst v17  }
0xff: {  	[tilespmem:$0x3F60] =	vst v16;
	v16 =	vpop (erf)  }
0x100: {  	s13 =	simm.s32 $0x0;
	[tilespmem:$0x3F70] =	vst v16  }
0x101: {  	s14 =	simm.s32 $0x3F00;
	v17 =	vld [tilespmem:s13+$0x3480]  }
0x102: {  	s18 =	simm.s32 $0x400;
	v16 =	vld [tilespmem:s14+$0x0]  }
.LBB2_5:
0x103: {  	p1 =	sne.s32 s18, $0x1C00;
	v18 =	vld [tilespmem:s13+$0x3490]  }
0x104: {  	v19 =	vld [tilespmem:s13+$0x34A0]  }
0x105: {  	v20 =	vld [tilespmem:s13+$0x34B0]  }
0x106: {  	v21 =	vld [tilespmem:s13+$0x34C0]  }
0x107: {  	v22 =	vperm.xlane v16, v0;
	v23 =	vperm.xlane v16, v1;
	v24 =	vld [tilespmem:s13+$0x34D0]  }
0x108: {  	v25 =	vperm.xlane v16, v2;
	v26 =	vperm.xlane v16, v3;
	v27 =	vld [tilespmem:s13+$0x34E0]  }
0x109: {  	v17 =	vmul.f32 v17, v22;
	v18 =	vmul.f32 v18, v23;
	v22 =	vld [tilespmem:s13+$0x34F0]  }
0x10a: {  	v19 =	vmul.f32 v19, v25;
	v20 =	vmul.f32 v20, v26;
	v23 =	vld [tilespmem:s13+$0x3500]  }
0x10b: {  	v25 =	vperm.xlane v16, v5;
	[tilespmem:s13+$0x4780] =	vst v17;
	v17 =	vperm.xlane v16, v4;
	v26 =	vld [tilespmem:s13+$0x3510]  }
0x10c: {  	v28 =	vperm.xlane v16, v7;
	[tilespmem:s13+$0x4790] =	vst v18;
	v18 =	vperm.xlane v16, v6;
	v29 =	vld [tilespmem:s13+$0x3520]  }
0x10d: {  	[tilespmem:s13+$0x47A0] =	vst v19;
	v17 =	vmul.f32 v21, v17;
	v19 =	vmul.f32 v24, v25;
	v21 =	vld [tilespmem:s13+$0x3530]  }
0x10e: {  	[tilespmem:s13+$0x47B0] =	vst v20;
	v18 =	vmul.f32 v27, v18;
	v20 =	vmul.f32 v22, v28;
	v22 =	vld [tilespmem:s13+$0x3540]  }
0x10f: {  	v24 =	vperm.xlane v16, v9;
	[tilespmem:s13+$0x47C0] =	vst v17;
	v17 =	vperm.xlane v16, v8;
	v25 =	vld [tilespmem:s13+$0x3550]  }
0x110: {  	v27 =	vperm.xlane v16, v11;
	[tilespmem:s13+$0x47D0] =	vst v19;
	v19 =	vperm.xlane v16, v10;
	v28 =	vld [tilespmem:s13+$0x3560]  }
0x111: {  	[tilespmem:s13+$0x47E0] =	vst v18;
	v17 =	vmul.f32 v23, v17;
	v18 =	vmul.f32 v26, v24;
	v23 =	vld [tilespmem:s13+$0x3570]  }
0x112: {  	[tilespmem:s13+$0x47F0] =	vst v20;
	v19 =	vmul.f32 v29, v19;
	v20 =	vmul.f32 v21, v27  }
0x113: {  	v21 =	vperm.xlane v16, v13;
	[tilespmem:s13+$0x4800] =	vst v17;
	v17 =	vperm.xlane v16, v12  }
0x114: {  	[tilespmem:s13+$0x4810] =	vst v18;
	v18 =	vperm.xlane v16, v14;
	v16 =	vperm.xlane v16, v15  }
0x115: {  	[tilespmem:s13+$0x4820] =	vst v19;
	v17 =	vmul.f32 v22, v17;
	v19 =	vmul.f32 v25, v21  }
0x116: {  	[tilespmem:s13+$0x4830] =	vst v20;
	v18 =	vmul.f32 v28, v18;
	v16 =	vmul.f32 v23, v16  }
.Ltmp3:
0x117: {  	[tilespmem:s13+$0x4840] =	vst v17;
	(pc) =	sbr.rel @p1 .LBB2_5-.Ltmp3, $4  }
0x118: {  	[tilespmem:s13+$0x4850] =	vst v19  }
0x119: {  	s21 =	sshra.s32 s18, $0x2;
	[tilespmem:s13+$0x4860] =	vst v18  }
0x11a: {  	s14 =	sadd.s32 $0x10, s14;
	v17 =	vld [tilespmem:s21+$0x3480];
	[tilespmem:s13+$0x4870] =	vst v16;
	s13 =	smov.u32 s21  }
0x11b: {  	s18 =	sadd.s32 $0x400, s18;
	v16 =	vld [tilespmem:s14+$0x0]  }
0x11c: {  	_ =	sdelay $0x1  }
0x11d: {  	v18 =	vld [tilespmem:s13+$0x3490]  }
0x11e: {  	v19 =	vld [tilespmem:s13+$0x34A0]  }
0x11f: {  	v20 =	vld [tilespmem:s13+$0x34B0];
	v22 =	vperm.xlane v16, v0  }
0x120: {  	v21 =	vld [tilespmem:s13+$0x34C0];
	v25 =	vperm.xlane v16, v1  }
0x121: {  	v23 =	vld [tilespmem:s13+$0x34D0];
	v27 =	vperm.xlane v16, v2;
	v17 =	vmul.f32 v17, v22  }
0x122: {  	v24 =	vld [tilespmem:s13+$0x34E0];
	v46 =	vperm.xlane v16, v3;
	v18 =	vmul.f32 v18, v25  }
0x123: {  	v45 =	vld [tilespmem:s13+$0x34F0];
	v48 =	vperm.xlane v16, v4;
	v19 =	vmul.f32 v19, v27;
	[tilespmem:s13+$0x4780] =	vst v17  }
0x124: {  	v51 =	vld [tilespmem:s13+$0x3540];
	v50 =	vperm.xlane v16, v5;
	v20 =	vmul.f32 v20, v46;
	[tilespmem:s13+$0x4790] =	vst v18  }
0x125: {  	v53 =	vld [tilespmem:s13+$0x3550];
	v52 =	vperm.xlane v16, v6;
	v21 =	vmul.f32 v21, v48;
	[tilespmem:s13+$0x47A0] =	vst v19  }
0x126: {  	v54 =	vperm.xlane v16, v7;
	v23 =	vmul.f32 v23, v50;
	v17 =	vld [tilespmem:s13+$0x3510];
	[tilespmem:s13+$0x47B0] =	vst v20  }
0x127: {  	v26 =	vld [tilespmem:s13+$0x3500];
	v60 =	vperm.xlane v16, v12;
	v24 =	vmul.f32 v24, v52;
	[tilespmem:s13+$0x47C0] =	vst v21  }
0x128: {  	v47 =	vld [tilespmem:s13+$0x3520];
	v61 =	vperm.xlane v16, v13;
	v22 =	vmul.f32 v45, v54;
	[tilespmem:s13+$0x47D0] =	vst v23  }
0x129: {  	v49 =	vld [tilespmem:s13+$0x3530];
	v57 =	vperm.xlane v16, v9;
	v62 =	vmul.f32 v51, v60;
	[tilespmem:s13+$0x47E0] =	vst v24  }
0x12a: {  	v56 =	vld [tilespmem:s13+$0x3560];
	v55 =	vperm.xlane v16, v8;
	v63 =	vmul.f32 v53, v61;
	[tilespmem:s13+$0x47F0] =	vst v22  }
0x12b: {  	v59 =	vld [tilespmem:s13+$0x3570];
	v58 =	vperm.xlane v16, v10;
	[tilespmem:s13+$0x4840] =	vst v62;
	v17 =	vmul.f32 v17, v57  }
0x12c: {  	v28 =	vperm.xlane v16, v11;
	v23 =	vmul.f32 v26, v55;
	[tilespmem:s13+$0x4850] =	vst v63  }
0x12d: {  	v18 =	vmul.f32 v47, v58;
	[tilespmem:s13+$0x4810] =	vst v17;
	v17 =	vperm.xlane v16, v14  }
0x12e: {  	v19 =	vmul.f32 v49, v28;
	[tilespmem:s13+$0x4800] =	vst v23;
	v16 =	vperm.xlane v16, v15  }
0x12f: {  	[tilespmem:s13+$0x4820] =	vst v18;
	v17 =	vmul.f32 v56, v17  }
0x130: {  	[tilespmem:s13+$0x4830] =	vst v19;
	v16 =	vmul.f32 v59, v16  }
0x131: {  	[tilespmem:s13+$0x4860] =	vst v17  }
0x132: {  	[tilespmem:s13+$0x4870] =	vst v16  }
0x133: {  	[spmem:s1] =	stream.indirect.scatter.add.f32 [tilespmem:s28], [sflag:$0xB], $0x10, s0, s30, $0xb8;
	[tilespmem:$0x4F80] =	vst v63  }
0x134: {  	_ =	swait.ge [sflag:s24], $0x800  }
0x135: {  	[sflag:s24] =	ssyncset.done $0x0  }
.Ltmp4:
0x136: {  	[sflag:s24] =	ssyncadd.s32 $0xFFFFF800;
	(pc) =	sbr.rel @p0 .LBB2_8-.Ltmp4, $4  }
0x137: {  	[spmem:s2] =	stream.indirect.scatter.add.f32 [tilespmem:s29], [sflag:$0xB], $0x1, s0, s30, $0xb8;
	[tilespmem:$0x4F80] =	vst v63  }
0x138: {  	_ =	swait.ge [sflag:s24], $0x80  }
0x139: {  	[sflag:s24] =	ssyncset.done $0x0  }
0x13a: {  	[sflag:s24] =	ssyncadd.s32 $0xFFFFFF80  }
0x13b: {  	s11 =	sadd.s32 s20, s11  }
0x13c: {  	s13 =	sadd.s32 s8, s11  }
0x13d: {  	[tilespmem:s31], [sflag:$0x8] =	stream.linear.gather [hbm4b:s13+s4], $0x80, $0x38;
	[tilespmem:$0x4F80] =	vst v63  }
0x13e: {  	s11 =	sadd.s32 s9, s11  }
0x13f: {  	[tilespmem:s0], [sflag:$0xA] =	stream.linear.gather [hbm4b:s11+s4], $0x80, $0x38;
	[tilespmem:$0x4F80] =	vst v63  }
0x140: {  	_ =	swait.ge [sflag:s3], $0x80  }
0x141: {  	[sflag:s3] =	ssyncset.done $0x0  }
0x142: {  	[sflag:s3] =	ssyncadd.s32 $0xFFFFFF80  }
0x143: {  	_ =	swait.ge [sflag:s10], $0x80  }
0x144: {  	[sflag:s10] =	ssyncset.done $0x0  }
0x145: {  	s14 =	simm.s32 $0x3480;
	[sflag:s10] =	ssyncadd.s32 $0xFFFFFF80  }
0x146: {  	[tilespmem:s14], [sflag:$0x2] =	stream.indirect.gather [hbm4b:s5+s30], $0x10, s31, s30, $0xb8;
	[tilespmem:$0x4F80] =	vst v63  }
.Ltmp5:
0x147: {  	_ = 	snop;
	(pc) =	sbr.rel .LBB2_2-.Ltmp5, $4  }
0x148: {  	s18 =	simm.s32 $0x3D00  }
0x149: {  	[tilespmem:s18], [sflag:$0x4] =	stream.indirect.gather [hbm4b:s6+s30], $0x1, s31, s30, $0xb8;
	[tilespmem:$0x4F80] =	vst v63  }
0x14a: {  	s21 =	simm.s32 $0x3E00;
	s12 =	sadd.s32 $0x1, s12  }
0x14b: {  	[tilespmem:s21], [sflag:$0x6] =	stream.indirect.gather [hbm4b:s7+s30], $0x1, s0, s30, $0xb8;
	[tilespmem:$0x4F80] =	vst v63  }
.LBB2_9:
0x14c: {  	_ =	sfence.sel $0x180000  }
0x14d: {  	[bflag:$0x0] =	sbarrier.arrive $0xFFFF  }
0x14e: {  	_ =	strace $0x9000004A  }
0x14f: {  	s0 =	stileid.u32;
	[bflag:$0x2] =	sbarrier.arrive $0xFFFF  }
0x150: {  	p0 =	sne.s32 s0, $0x0;
	s0 =	rddreg [dreg:$0x4]  }
0x151: {  	s0 =	sadd.s32 @!p0 $0x100000, s0  }
0x152: {  	[sflag:s0] =	ssyncadd.tile.s32 @!p0 $0x1;
	_ =	shalt  }
.Lfunc_end2:
_tile_overlayer_lowered:
.L_overlay_start_2:
0x153: {  	(tag) =	ssettag $0x2  }
0x154: {  	s0 =	rddreg [dreg:$0x0];
	s2 =	stileid.u32  }
0x155: {  	s1 =	rddreg [dreg:$0x1];
	p0 =	sne.s32 s2, $0x0  }
0x156: {  	s3 =	rddreg [dreg:$0x2];
	[bflag:$0x3] =	sbarrier.arrive $0xFFFF;
	s2 =	simm.s32 @!p0 $0x1C0B  }
0x157: {  	[timem:s3], [sflag:s2] =	dma.local @!p0 [hbm:s0], s1  }
0x158: {  	s0 =	simm.s32 @!p0 $0xB  }
0x159: {  	_ =	swait.ge @!p0 [sflag:s0], s1  }
0x15a: {  	s1 =	ssub.s32 @!p0 $0x0, s1;
	[sflag:s0] =	ssyncset.done @!p0 $0x0  }
0x15b: {  	[sflag:s0] =	ssyncadd.s32 @!p0 s1  }
0x15c: {  	[bflag:$0x3] =	sbarrier.arrive $0xFFFF  }
0x15d: {  	_ =	shalt  }

// kernel: kernel.7.cloned.1.call-start
scs
__scs_entry_jumppad:
0x0: {  	(pc) =	sbr.rel $0x88, $3  }
0x1: {  	(tag) =	ssettag $0x0;
	lr =	simm.s32 $0x1  }
0x2: {  	[smem:$0x3F9B] =	sst lr;
	_ =	strace $0xD0000000  }
0x3: {  	_ = 	snop  }
0x4: {  	_ = 	snop  }
0x5: {  	_ = 	snop  }
0x6: {  	_ = 	snop  }
0x7: {  	_ = 	snop  }
__scs_overlays_trampoline_lowered:
0x8: {  	[smem:$0x3FAA] =	sst s0  }
0x9: {  	[smem:$0x3FAB] =	sst s1  }
0xa: {  	[smem:$0x3FAC] =	sst s2  }
0xb: {  	[smem:$0x3FAD] =	sst s3  }
0xc: {  	[smem:$0x3FAE] =	sst s4  }
0xd: {  	[smem:$0x3FAF] =	sst s5  }
0xe: {  	[smem:$0x3FB0] =	sst s6  }
0xf: {  	[smem:$0x3FB1] =	sst s7  }
0x10: {  	[smem:$0x3FB2] =	sst s8  }
0x11: {  	[smem:$0x3FB3] =	sst s9;
	s0 =	simm.s32 @!p0 $0x0  }
0x12: {  	s1 =	sld [smem:$0x3F99];
	s0 =	simm.s32 @p0 $0x1  }
0x13: {  	[smem:$0x3FB4] =	sst s0;
	s0 =	simm.s32 @!p1 $0x0  }
0x14: {  	s2 =	sld [smem:$0x3F98];
	s0 =	simm.s32 @p1 $0x1  }
0x15: {  	[smem:$0x3FB5] =	sst s0;
	s0 =	simm.s32 @!p2 $0x0  }
0x16: {  	s3 =	sld [smem:$0x3FDB];
	s0 =	simm.s32 @p2 $0x1  }
0x17: {  	s4 =	simm.s32 $0x1BF5;
	[smem:$0x3FB7] =	sst s0  }
0x18: {  	s0 =	sld [smem:$0x3F9A];
	_ =	swait.ge [sflag:s4], $0x0  }
0x19: {  	s7 =	sld [smem:$0x3F9B]  }
0x1a: {  	s8 =	sadd.s32 $0xFFFFE003, lr  }
0x1b: {  	s9 =	sadd.s32 $0xFFFFFEF7, lr;
	s5 =	simm.s32 $0xFFFFFFFF;
	p2 =	slt.u32 s8, $0xFFFFF086  }
0x1c: {  	p1 =	slt.u32 s9, $0xF7A;
	s5 =	simm.s32 @!p2 $0x0  }
0x1d: {  	s5 =	simm.s32 @p1 $0x1;
	p0 =	seq.s32 s7, s2  }
0x1e: {  	s7 =	smul.u32 @!p0 $0xF7A, s2;
	p2 =	seq.s32 @!p0 s5, $0x0  }
0x1f: {  	s9 =	smul.u32 $0xF7A, s1;
	s8 =	simm.s32 @!p0 $0x1BF5;
	p2 =	por !p2, p0  }
0x20: {  	[sflag:s8] =	ssyncset.s32 @!p0 $0xFFFFF086;
	s6 =	sadd.s32 @!p0 s3, s7;
	s7 =	simm.s32 @!p0 $0x108  }
0x21: {  	s3 =	sadd.s32 s3, s9;
	s6 =	sadd.s32 @!p0 $0x88, s6;
	s7 =	simm.s32 @p2 $0x1082  }
0x22: {  	[simem:s7], [sflag:s8] =	dma.local @!p0 [hbm:s6], $0xF7A  }
0x23: {  	s9 =	sor.u32 $0xD0000000, s2;
	s6 =	simm.s32 $0x108;
	_ =	swait.ge @!p0 [sflag:s8], $0x0  }
0x24: {  	s3 =	sadd.s32 $0x88, s3;
	s6 =	simm.s32 @!p1 $0x1082;
	[sflag:s4] =	ssyncset.s32 $0xFFFFF086  }
0x25: {  	[simem:s6], [sflag:s4] =	dma.local [hbm:s3], $0xF7A  }
0x26: {  	[smem:$0x3F9B] =	sst s1;
	(tag) =	ssettag s2;
	_ =	strace s9  }
0x27: {  	s1 =	sld [smem:$0x3FAB]  }
0x28: {  	s2 =	sld [smem:$0x3FAC]  }
0x29: {  	s4 =	sld [smem:$0x3FAE]  }
0x2a: {  	p0 =	seq.s32 s5, $0x0;
	s5 =	sld [smem:$0x3FAF]  }
0x2b: {  	s6 =	sld [smem:$0x3FB0]  }
0x2c: {  	s7 =	sld [smem:$0x3FB1]  }
0x2d: {  	s3 =	simm.s32 $0x108;
	s8 =	sld [smem:$0x3FB2]  }
0x2e: {  	s3 =	simm.s32 @!p0 $0x1082;
	s9 =	sld [smem:$0x3FB3]  }
0x2f: {  	lr =	sadd.s32 s0, s3;
	s0 =	sld [smem:$0x3FAA]  }
0x30: {  	s3 =	sld [smem:$0x3FAD]  }
0x31: {  	[smem:$0x3FB6] =	sst s10  }
0x32: {  	s10 =	sld [smem:$0x3FB4];
	_ =	sdelay $0x3  }
0x33: {  	p0 =	seq.s32 s10, $0x1;
	s10 =	sld [smem:$0x3FB6];
	_ =	sdelay $0x3  }
0x34: {  	[smem:$0x3FB6] =	sst s10  }
0x35: {  	s10 =	sld [smem:$0x3FB5];
	_ =	sdelay $0x3  }
0x36: {  	p1 =	seq.s32 s10, $0x1;
	s10 =	sld [smem:$0x3FB6];
	_ =	sdelay $0x3  }
0x37: {  	[smem:$0x3FB6] =	sst s10  }
0x38: {  	s10 =	sld [smem:$0x3FB7]  }
0x39: {  	_ = 	snop;
	(pc) =	sbr.ind lr, $3  }
0x3a: {  	_ = 	snop  }
0x3b: {  	_ = 	snop  }
0x3c: {  	p2 =	seq.s32 s10, $0x1;
	s10 =	sld [smem:$0x3FB6]  }
0x3d: {  	_ =	shalt  }
0x3e: {  	_ =	shalt  }
0x3f: {  	_ =	shalt  }
0x40: {  	_ =	shalt  }
0x41: {  	_ =	shalt  }
0x42: {  	_ =	shalt  }
0x43: {  	_ =	shalt  }
0x44: {  	_ =	shalt  }
0x45: {  	_ =	shalt  }
0x46: {  	_ =	shalt  }
0x47: {  	_ =	shalt  }
0x48: {  	_ =	shalt  }
0x49: {  	_ =	shalt  }
0x4a: {  	_ =	shalt  }
0x4b: {  	_ =	shalt  }
0x4c: {  	_ =	shalt  }
0x4d: {  	_ =	shalt  }
0x4e: {  	_ =	shalt  }
0x4f: {  	_ =	shalt  }
0x50: {  	_ =	shalt  }
0x51: {  	_ =	shalt  }
0x52: {  	_ =	shalt  }
0x53: {  	_ =	shalt  }
0x54: {  	_ =	shalt  }
0x55: {  	_ =	shalt  }
0x56: {  	_ =	shalt  }
0x57: {  	_ =	shalt  }
0x58: {  	_ =	shalt  }
0x59: {  	_ =	shalt  }
0x5a: {  	_ =	shalt  }
0x5b: {  	_ =	shalt  }
0x5c: {  	_ =	shalt  }
0x5d: {  	_ =	shalt  }
0x5e: {  	_ =	shalt  }
0x5f: {  	_ =	shalt  }
0x60: {  	_ =	shalt  }
0x61: {  	_ =	shalt  }
0x62: {  	_ =	shalt  }
0x63: {  	_ =	shalt  }
0x64: {  	_ =	shalt  }
0x65: {  	_ =	shalt  }
0x66: {  	_ =	shalt  }
0x67: {  	_ =	shalt  }
0x68: {  	_ =	shalt  }
0x69: {  	_ =	shalt  }
0x6a: {  	_ =	shalt  }
0x6b: {  	_ =	shalt  }
0x6c: {  	_ =	shalt  }
0x6d: {  	_ =	shalt  }
0x6e: {  	_ =	shalt  }
0x6f: {  	_ =	shalt  }
0x70: {  	_ =	shalt  }
0x71: {  	_ =	shalt  }
0x72: {  	_ =	shalt  }
0x73: {  	_ =	shalt  }
0x74: {  	_ =	shalt  }
0x75: {  	_ =	shalt  }
0x76: {  	_ =	shalt  }
0x77: {  	_ =	shalt  }
0x78: {  	_ =	shalt  }
0x79: {  	_ =	shalt  }
0x7a: {  	_ =	shalt  }
0x7b: {  	_ =	shalt  }
0x7c: {  	_ =	shalt  }
0x7d: {  	_ =	shalt  }
0x7e: {  	_ =	shalt  }
0x7f: {  	_ =	shalt  }
0x80: {  	_ =	shalt  }
0x81: {  	_ =	shalt  }
0x82: {  	_ =	shalt  }
0x83: {  	_ =	shalt  }
0x84: {  	_ =	shalt  }
0x85: {  	_ =	shalt  }
0x86: {  	_ =	shalt  }
0x87: {  	_ =	shalt  }
.Lfunc_end0:
.L_simem_size_0:
called_computation_lowered:
.L_overlay_start_0:
0x88: {  	s2 =	sld [smem:$0x3FD9]  }
0x89: {  	s3 =	sld [smem:$0x3FFE];
	_ =	sdelay $0x1  }
0x8a: {  	s1 =	srdreg.scid  }
0x8b: {  	s0 =	sand.u32 $0x1, s1  }
0x8c: {  	s17 =	sshll.u32 s0, $0xA;
	s2 =	sadd.s32 s3, s2  }
0x8d: {  	s2 =	sadd.s32 s2, s17  }
0x8e: {  	[smem:$0x3FC2] =	sst s2  }
0x8f: {  	_ = 	snop  }
0x90: {  	s2 =	sld [smem:$0x3FD0];
	(tm) =	ssettm $0x1  }
0x91: {  	s18 =	sld [smem:$0x3FFB];
	_ =	sdelay $0x3  }
0x92: {  	_ =	strace s18  }
0x93: {  	s3 =	sld [smem:$0x3FFC];
	_ =	sdelay $0x3  }
0x94: {  	_ =	strace s3  }
0x95: {  	s3 =	sld [smem:$0x3FFD];
	_ =	sdelay $0x3  }
0x96: {  	_ =	strace s3  }
0x97: {  	_ =	strace $0x8FFFFFFF  }
0x98: {  	s19 =	sld [smem:$0x3FDB];
	_ =	sdelay $0x1  }
0x99: {  	s4 =	simm.s32 $_scs_section_size  }
0x9a: {  	s5 =	simm.s32 $_size__tile_overlayer_lowered;
	s6 =	simm.s32 $_tile_overlayer_lowered  }
0x9b: {  	s22 =	simm.s32 $0x1BFF;
	s21 =	sshll.u32 s6, $0x1;
	s3 =	sadd.s32 s4, s19  }
0x9c: {  	s7 =	simm.s32 $0x0;
	s20 =	sshll.u32 s5, $0x1;
	s5 =	sadd.s32 s21, s3  }
0x9d: {  	[timem:s7], [sflag:s22] =	dma.local [hbm:s5], s20  }
0x9e: {  	_ =	swait.ge [sflag:s22], s20  }
0x9f: {  	s4 =	ssub.s32 $0x0, s20;
	[sflag:s22] =	ssyncset.done $0x0  }
0xa0: {  	[sflag:s22] =	ssyncadd.s32 s4;
	_ =	sdelay $0x1  }
0xa1: {  	s23 =	simm.s32 $0x1B8B  }
0xa2: {  	_ =	swait.ge [sflag:s23], $0x1  }
0xa3: {  	[sflag:s23] =	ssyncset.done $0x0  }
0xa4: {  	s25 =	simm.s32 $0x1B8E;
	s24 =	sld [smem:$0x3FFE];
	[sflag:s23] =	ssyncadd.s32 $0xFFFFFFFF  }
0xa5: {  	s26 =	simm.s32 $execute0_lowered;
	[smem:$0x3FD2] =	sst s25  }
0xa6: {  	s5 =	sshll.u32 s26, $0x1;
	_ =	strace $0x80000046;
	[dreg:$0x1] =	wrdreg $0xFFFFFFFF  }
0xa7: {  	s28 =	simm.s32 $_size_execute0_lowered;
	s3 =	sadd.s32 s3, s5;
	[dreg:$0x0] =	wrdreg $0x0  }
0xa8: {  	s5 =	sshll.u32 s28, $0x1;
	[dreg:$0x2] =	wrdreg s3  }
0xa9: {  	[dreg:$0x3] =	wrdreg s5  }
0xaa: {  	[dreg:$0x4] =	wrdreg $0xC0  }
0xab: {  	_ =	task [dreg:s7], $0x5FFFF  }
0xac: {  	[dreg:$0x1] =	wrdreg $0xFFFFFFFF  }
0xad: {  	[dreg:$0x0] =	wrdreg $0x60  }
0xae: {  	[dreg:$0x2] =	wrdreg s24  }
0xaf: {  	[dreg:$0x3] =	wrdreg s2  }
0xb0: {  	[dreg:$0x4] =	wrdreg $0x0  }
0xb1: {  	[dreg:$0x5] =	wrdreg $0xB4000  }
0xb2: {  	[dreg:$0x6] =	wrdreg $0x9  }
0xb3: {  	_ =	task.clear_ibuf [dreg:s7], $0x7FFFF;
	_ =	strace $0x90000046  }
0xb4: {  	s29 =	simm.s32 $0x9;
	_ =	strace $0x80000048  }
0xb5: {  	_ =	swait.ge [sflag:s29], $0x1  }
0xb6: {  	[sflag:s29] =	ssyncadd.s32 $0xFFFFFFFF  }
0xb7: {  	_ =	strace $0x90000048  }
0xb8: {  	_ =	sfence  }
0xb9: {  	s30 =	sld [smem:$0x0];
	_ =	sdelay $0x2  }
0xba: {  	s31 =	sshll.u32 s1, $0xD;
	s1 =	sshrl.u32 s1, $0x2  }
0xbb: {  	s3 =	sand.u32 $0x4000, s31;
	s1 =	sadd.s32 s1, s30  }
0xbc: {  	s0 =	sor.u32 s3, s0;
	s1 =	sshll.u32 s1, $0x11  }
0xbd: {  	s0 =	sor.u32 s1, s0  }
0xbe: {  	s0 =	sadd.s32 $0x8F2B, s0  }
0xbf: {  	[sflag:s0] =	ssyncadd.remote.s32 $0x1  }
0xc0: {  	_ =	sfence.sel $0xFFFF  }
0xc1: {  	[dreg:$0x0] =	wrdreg $0xFFFFFFFF;
	(pc) =	sbr.abs _section_cstart, $3  }
0xc2: {  	[dreg:$0x1] =	wrdreg $0xFFFFFFFF  }
0xc3: {  	_ =	task.clear_ibuf [dreg:s7], $0x2FFFF;
	_ =	strace $0x9FFFFFFF  }
0xc4: {  	(tm) =	ssettm $0x7FFFFFFF  }
0xc5: {  	_ =	shalt  }
tec
execute0_lowered:
.L_overlay_start_1:
0x0: {  	(tag) =	ssettag $0x1  }
0x1: {  	s0 =	rddreg [dreg:$0x0]  }
0x2: {  	s2 =	rddreg [dreg:$0x1]  }
0x3: {  	s1 =	rddreg [dreg:$0x2]  }
0x4: {  	s9 =	rddreg [dreg:$0x3];
	s3 =	simm.s32 $0x0  }
0x5: {  	s18 =	stileid.u32;
	s6 =	srdreg.scid;
	s29 =	simm.s32 $0x80  }
0x6: {  	s30 =	simm.s32 $0xB800;
	s31 =	simm.s32 $0x8;
	[smem:$0x7FF] =	sst s3  }
0x7: {  	s4 =	sadd.s32 $0xE00, s0;
	s5 =	sadd.s32 $0x19E00, s0;
	s10 =	smul.u32 $0xB400, s18  }
0x8: {  	s11 =	sand.u32 $0x1, s6;
	s6 =	sadd.s32 $0x14E00, s0;
	s7 =	sadd.s32 $0x28E00, s0  }
0x9: {  	s8 =	sadd.s32 $0x1EE00, s0;
	s14 =	smul.u32 $0x280, s18;
	_ =	strace $0x80000047  }
0xa: {  	s12 =	smul.u32 $0xB4000, s11;
	s15 =	ssub.s32 $0x2, s11;
	s19 =	sshll.u32 s11, $0x4  }
0xb: {  	s11 =	smul.u32 $0x2800, s11;
	s13 =	sshrl.u32 s10, $0x3;
	s16 =	sshrl.u32 s14, $0x3  }
0xc: {  	s17 =	sshrl.u32 s15, $0x1;
	s9 =	sadd.s32 s14, s9;
	s13 =	sadd.s32 s13, s0  }
0xd: {  	s12 =	sadd.s32 s10, s12;
	s16 =	sadd.s32 s16, s0;
	s28 =	ssub.s32 s15, s17  }
0xe: {  	s10 =	sadd.s32 s10, s1;
	s17 =	sshll.u32 s18, $0x6;
	s18 =	sshll.u32 s18, $0x5  }
0xf: {  	[dreg:$0x7] =	wrdreg s9;
	s11 =	sadd.s32 s14, s11;
	s14 =	simm.s32 $0x3  }
0x10: {  	s12 =	sshrl.u32 s12, $0x3;
	s13 =	sadd.s32 $0x33400, s13;
	s22 =	sor.u32 $0x1C0B, s17  }
0x11: {  	s20 =	sor.u32 s19, s18;
	s21 =	sadd.s32 $0x32E00, s16;
	s11 =	sshrl.u32 s11, $0x3  }
0x12: {  	s28 =	smax.u32 s28, $0x1;
	s10 =	sshrl.u32 s10, $0x3;
	[dreg:$0x5] =	wrdreg s13  }
0x13: {  	s16 =	simm.s32 $0x11880;
	s19 =	simm.s32 $0x2;
	[dreg:$0x8] =	wrdreg s21  }
0x14: {  	s0 =	sadd.s32 s12, s0;
	s23 =	sadd.s32 s7, s20;
	[dreg:$0xf] =	wrdreg s28  }
0x15: {  	s24 =	sor.u32 $0x200, s20;
	s15 =	sadd.s32 s8, s20;
	[dreg:$0x6] =	wrdreg s22  }
0x16: {  	s17 =	sor.u32 $0x400, s20;
	s18 =	sor.u32 $0x600, s20;
	[dreg:$0x10] =	wrdreg s10  }
0x17: {  	s26 =	sadd.s32 s2, s11;
	s2 =	simm.s32 $0xB700;
	[dreg:$0x9] =	wrdreg s23  }
0x18: {  	s20 =	simm.s32 $0x4;
	s21 =	simm.s32 $0x6;
	[dreg:$0xa] =	wrdreg s15  }
.Ltmp0:
0x19: {  	s25 =	sadd.s32 s7, s24;
	[dreg:$0xe] =	wrdreg s26;
	(pc) =	sbr.rel .LBB2_1-.Ltmp0, $4  }
0x1a: {  	s11 =	simm.s32 $0x0;
	s13 =	sadd.s32 s8, s24;
	[dreg:$0xb] =	wrdreg s25  }
0x1b: {  	v0 =	vlaneseq.u32;
	s0 =	sadd.s32 $0x49C00, s0;
	s23 =	simm.s32 $0xB;
	[dreg:$0xc] =	wrdreg s13  }
0x1c: {  	v0 =	vshrl.u32 v0, $0x3;
	s15 =	simm.s32 $0x5;
	s24 =	simm.s32 $0x13C80;
	[dreg:$0xd] =	wrdreg s0  }
0x1d: {  	v1 =	vor.u32 $0x2, v0;
	v2 =	vor.u32 $0x4, v0;
	v3 =	vor.u32 $0x6, v0;
	s25 =	simm.s32 $0xB780;
	s0 =	simm.s32 $0xA;
	s13 =	simm.s32 $0x1  }
.LBB2_8:
0x1e: {  	[bflag:$0x0] =	sbarrier.arrive $0xFFFF  }
0x1f: {  	s22 =	rddreg [dreg:$0x6]  }
0x20: {  	s9 =	rddreg [dreg:$0xd]  }
0x21: {  	s10 =	rddreg [dreg:$0x10]  }
0x22: {  	[hbm:s9], [sflag:s22] =	dma.local [spmem:s10], $0x1680  }
0x23: {  	_ =	swait.ge [sflag:s23], $0x1680  }
0x24: {  	[sflag:s23] =	ssyncset.done $0x0;
	s12 =	rddreg [dreg:$0xe]  }
0x25: {  	s11 =	rddreg [dreg:$0x12];
	[sflag:s23] =	ssyncadd.s32 $0xFFFFE980  }
0x26: {  	[hbm:s12], [sflag:s22] =	dma.local [spmem:s11], $0x50  }
0x27: {  	_ =	swait.ge [sflag:s23], $0x50  }
0x28: {  	s26 =	rddreg [dreg:$0x11]  }
0x29: {  	s28 =	rddreg [dreg:$0xf];
	s11 =	sadd.s32 $0x1, s26  }
0x2a: {  	p0 =	sne.s32 s11, s28  }
.Ltmp1:
0x2b: {  	_ = 	snop;
	(pc) =	sbr.rel @!p0 .LBB2_9-.Ltmp1, $3  }
0x2c: {  	_ =	sdelay $0x1  }
0x2d: {  	[sflag:s23] =	ssyncset.done $0x0  }
0x2e: {  	[sflag:s23] =	ssyncadd.s32 $0xFFFFFFB0  }
.LBB2_1:
0x2f: {  	[dreg:$0x11] =	wrdreg s11  }
0x30: {  	s9 =	rddreg [dreg:$0x5]  }
0x31: {  	[spmem:s10], [sflag:s22] =	dma.local [hbm:s9], $0x1680  }
0x32: {  	_ =	swait.ge [sflag:s23], $0x1680  }
0x33: {  	s11 =	rddreg [dreg:$0x7]  }
0x34: {  	[sflag:s23] =	ssyncset.done $0x0;
	s26 =	rddreg [dreg:$0x8];
	s12 =	sshrl.u32 s11, $0x3  }
0x35: {  	[sflag:s23] =	ssyncadd.s32 $0xFFFFE980;
	[dreg:$0x12] =	wrdreg s12  }
0x36: {  	[spmem:s12], [sflag:s22] =	dma.local [hbm:s26], $0x50  }
0x37: {  	_ =	swait.ge [sflag:s23], $0x50  }
0x38: {  	[sflag:s23] =	ssyncset.done $0x0  }
0x39: {  	[sflag:s23] =	ssyncadd.s32 $0xFFFFFFB0  }
0x3a: {  	[bflag:$0x0] =	sbarrier.arrive $0xFFFF  }
0x3b: {  	s10 =	simm.s32 $0xB680;
	s28 =	rddreg [dreg:$0x9]  }
0x3c: {  	[tilespmem:s10], [sflag:$0x7] =	stream.linear.gather [hbm4b:s28+s3], $0x80, $0x38;
	[tilespmem:$0x16080] =	vst v63  }
0x3d: {  	s12 =	simm.s32 $0x7;
	s11 =	rddreg [dreg:$0xa]  }
0x3e: {  	[tilespmem:s25], [sflag:$0x9] =	stream.linear.gather [hbm4b:s11+s3], $0x80, $0x38;
	[tilespmem:$0x16080] =	vst v63  }
0x3f: {  	_ =	swait.ge [sflag:s12], $0x80  }
0x40: {  	[sflag:s12] =	ssyncset.done $0x0  }
0x41: {  	s22 =	simm.s32 $0x9;
	[sflag:s12] =	ssyncadd.s32 $0xFFFFFF80  }
0x42: {  	_ =	swait.ge [sflag:s22], $0x80  }
0x43: {  	[sflag:s22] =	ssyncset.done $0x0  }
0x44: {  	s26 =	simm.s32 $0xB880;
	[sflag:s22] =	ssyncadd.s32 $0xFFFFFF80  }
0x45: {  	[tilespmem:s26], [sflag:$0x1] =	stream.indirect.gather [hbm4b:s4+s29], $0x40, s10, s29, $0xb8;
	[tilespmem:$0x16080] =	vst v63  }
0x46: {  	s28 =	simm.s32 $0xF880  }
0x47: {  	[tilespmem:s28], [sflag:$0x3] =	stream.indirect.gather [hbm4b:s5+s29], $0x10, s10, s29, $0xb8;
	[tilespmem:$0x16080] =	vst v63  }
0x48: {  	s10 =	simm.s32 $0x10880  }
0x49: {  	[tilespmem:s10], [sflag:$0x5] =	stream.indirect.gather [hbm4b:s6+s29], $0x10, s25, s29, $0xb8;
	[tilespmem:$0x16080] =	vst v63  }
0x4a: {  	s11 =	rddreg [dreg:$0xb]  }
0x4b: {  	[tilespmem:s2], [sflag:$0x8] =	stream.linear.gather [hbm4b:s11+s3], $0x80, $0x38;
	[tilespmem:$0x16080] =	vst v63  }
0x4c: {  	s12 =	rddreg [dreg:$0xc]  }
0x4d: {  	[tilespmem:s30], [sflag:$0xA] =	stream.linear.gather [hbm4b:s12+s3], $0x80, $0x38;
	[tilespmem:$0x16080] =	vst v63  }
0x4e: {  	_ =	swait.ge [sflag:s31], $0x80  }
0x4f: {  	[sflag:s31] =	ssyncset.done $0x0  }
0x50: {  	[sflag:s31] =	ssyncadd.s32 $0xFFFFFF80  }
0x51: {  	_ =	swait.ge [sflag:s0], $0x80  }
0x52: {  	[sflag:s0] =	ssyncset.done $0x0  }
0x53: {  	s22 =	simm.s32 $0xD880;
	[sflag:s0] =	ssyncadd.s32 $0xFFFFFF80  }
0x54: {  	[tilespmem:s22], [sflag:$0x2] =	stream.indirect.gather [hbm4b:s4+s29], $0x40, s2, s29, $0xb8;
	[tilespmem:$0x16080] =	vst v63  }
0x55: {  	s26 =	simm.s32 $0x10080  }
0x56: {  	[tilespmem:s26], [sflag:$0x4] =	stream.indirect.gather [hbm4b:s5+s29], $0x10, s2, s29, $0xb8;
	[tilespmem:$0x16080] =	vst v63  }
0x57: {  	s28 =	simm.s32 $0x11080;
	s22 =	simm.s32 $0x0  }
0x58: {  	[tilespmem:s28], [sflag:$0x6] =	stream.indirect.gather [hbm4b:s6+s29], $0x10, s30, s29, $0xb8;
	[tilespmem:$0x16080] =	vst v63  }
.LBB2_2:
0x59: {  	_ =	swait.ge [sflag:s13], $0x2000  }
0x5a: {  	[sflag:s13] =	ssyncset.done $0x0  }
0x5b: {  	[sflag:s13] =	ssyncadd.s32 $0xFFFFE000  }
0x5c: {  	_ =	swait.ge [sflag:s14], $0x800  }
0x5d: {  	[sflag:s14] =	ssyncset.done $0x0  }
0x5e: {  	[sflag:s14] =	ssyncadd.s32 $0xFFFFF800  }
0x5f: {  	_ =	swait.ge [sflag:s15], $0x800  }
0x60: {  	[sflag:s15] =	ssyncset.done $0x0  }
0x61: {  	s9 =	simm.s32 $0x0;
	[sflag:s15] =	ssyncadd.s32 $0xFFFFF800  }
0x62: {  	v4 =	vld [tilespmem:s9+$0xF880]  }
0x63: {  	v5 =	vld [tilespmem:s9+$0x10880];
	_ =	sdelay $0x4  }
0x64: {  	v4 =	vadd.f32 v5, v4;
	_ =	sdelay $0x1  }
0x65: {  	v5 =	vmul.f32 $2.000000030e-01, v4;
	_ =	sdelay $0x1  }
0x66: {  	v4 =	vmax.f32 v4, v5  }
0x67: {  	v4 =	vmul.f32 $1.442695020e+00, v4;
	_ =	sdelay $0x1  }
0x68: {  	(erf) = vpow2.f32 v4;
	_ =	sdelay $0x8  }
0x69: {  	s28 =	simm.s32 $0x11910;
	v4 =	vpop (erf)  }
0x6a: {  	s10 =	simm.s32 $0xB900;
	[tilespmem:s28+$0xFFFFFF70] =	vst v4  }
0x6b: {  	v5 =	vld [tilespmem:s10+$0xFFFFFF80];
	_ =	sdelay $0x2  }
0x6c: {  	v6 =	vperm.xlane v4, v0;
	_ =	sdelay $0x1  }
0x6d: {  	v5 =	vmul.f32 v5, v6;
	_ =	sdelay $0x1  }
0x6e: {  	[tilespmem:s28+$0xFFFFFF78] =	vst v5  }
0x6f: {  	v5 =	vld [tilespmem:s10+$0xFFFFFF90];
	_ =	sdelay $0x2  }
0x70: {  	v6 =	vperm.xlane v4, v1;
	_ =	sdelay $0x1  }
0x71: {  	v5 =	vmul.f32 v5, v6;
	_ =	sdelay $0x1  }
0x72: {  	[tilespmem:s28+$0xFFFFFF88] =	vst v5  }
0x73: {  	v5 =	vld [tilespmem:s10+$0xFFFFFFA0];
	_ =	sdelay $0x2  }
0x74: {  	v6 =	vperm.xlane v4, v2;
	_ =	sdelay $0x1  }
0x75: {  	v5 =	vmul.f32 v5, v6;
	_ =	sdelay $0x1  }
0x76: {  	[tilespmem:s28+$0xFFFFFF98] =	vst v5  }
0x77: {  	v5 =	vld [tilespmem:s10+$0xFFFFFFB0];
	_ =	sdelay $0x2  }
0x78: {  	v4 =	vperm.xlane v4, v3;
	_ =	sdelay $0x1  }
0x79: {  	v4 =	vmul.f32 v5, v4;
	_ =	sdelay $0x1  }
0x7a: {  	[tilespmem:s28+$0xFFFFFFA8] =	vst v4  }
0x7b: {  	v4 =	vld [tilespmem:s9+$0xF890]  }
0x7c: {  	v5 =	vld [tilespmem:s9+$0x10890];
	_ =	sdelay $0x4  }
0x7d: {  	v4 =	vadd.f32 v5, v4;
	_ =	sdelay $0x1  }
0x7e: {  	v5 =	vmul.f32 $2.000000030e-01, v4;
	_ =	sdelay $0x1  }
0x7f: {  	v4 =	vmax.f32 v4, v5  }
0x80: {  	v4 =	vmul.f32 $1.442695020e+00, v4;
	_ =	sdelay $0x1  }
0x81: {  	(erf) = vpow2.f32 v4;
	_ =	sdelay $0x8  }
0x82: {  	v4 =	vpop (erf)  }
0x83: {  	[tilespmem:s28+$0xFFFFFFB8] =	vst v4  }
0x84: {  	v5 =	vld [tilespmem:s10+$0xFFFFFFC0];
	_ =	sdelay $0x2  }
0x85: {  	v6 =	vperm.xlane v4, v0;
	_ =	sdelay $0x1  }
0x86: {  	v5 =	vmul.f32 v5, v6;
	_ =	sdelay $0x1  }
0x87: {  	[tilespmem:s28+$0xFFFFFFC0] =	vst v5  }
0x88: {  	v5 =	vld [tilespmem:s10+$0xFFFFFFD0];
	_ =	sdelay $0x2  }
0x89: {  	v6 =	vperm.xlane v4, v1;
	_ =	sdelay $0x1  }
0x8a: {  	v5 =	vmul.f32 v5, v6;
	_ =	sdelay $0x1  }
0x8b: {  	[tilespmem:s28+$0xFFFFFFD0] =	vst v5  }
0x8c: {  	v5 =	vld [tilespmem:s10+$0xFFFFFFE0];
	_ =	sdelay $0x2  }
0x8d: {  	v6 =	vperm.xlane v4, v2;
	_ =	sdelay $0x1  }
0x8e: {  	v5 =	vmul.f32 v5, v6;
	_ =	sdelay $0x1  }
0x8f: {  	[tilespmem:s28+$0xFFFFFFE0] =	vst v5  }
0x90: {  	v5 =	vld [tilespmem:s10+$0xFFFFFFF0];
	_ =	sdelay $0x2  }
0x91: {  	v4 =	vperm.xlane v4, v3;
	_ =	sdelay $0x1  }
0x92: {  	v4 =	vmul.f32 v5, v4;
	_ =	sdelay $0x1  }
0x93: {  	[tilespmem:s28+$0xFFFFFFF0] =	vst v4  }
0x94: {  	v4 =	vld [tilespmem:s9+$0xF8A0]  }
0x95: {  	v5 =	vld [tilespmem:s9+$0x108A0];
	_ =	sdelay $0x4  }
0x96: {  	v4 =	vadd.f32 v5, v4;
	_ =	sdelay $0x1  }
0x97: {  	v5 =	vmul.f32 $2.000000030e-01, v4;
	_ =	sdelay $0x1  }
0x98: {  	v4 =	vmax.f32 v4, v5  }
0x99: {  	v4 =	vmul.f32 $1.442695020e+00, v4;
	_ =	sdelay $0x1  }
0x9a: {  	(erf) = vpow2.f32 v4;
	_ =	sdelay $0x8  }
0x9b: {  	v4 =	vpop (erf)  }
0x9c: {  	[tilespmem:s28+$0x0] =	vst v4  }
0x9d: {  	v5 =	vld [tilespmem:s10+$0x0];
	_ =	sdelay $0x2  }
0x9e: {  	v6 =	vperm.xlane v4, v0;
	_ =	sdelay $0x1  }
0x9f: {  	v5 =	vmul.f32 v5, v6;
	_ =	sdelay $0x1  }
0xa0: {  	[tilespmem:s28+$0x8] =	vst v5  }
0xa1: {  	v5 =	vld [tilespmem:s10+$0x10];
	_ =	sdelay $0x2  }
0xa2: {  	v6 =	vperm.xlane v4, v1;
	_ =	sdelay $0x1  }
0xa3: {  	v5 =	vmul.f32 v5, v6;
	_ =	sdelay $0x1  }
0xa4: {  	[tilespmem:s28+$0x18] =	vst v5  }
0xa5: {  	v5 =	vld [tilespmem:s10+$0x20];
	_ =	sdelay $0x2  }
0xa6: {  	v6 =	vperm.xlane v4, v2;
	_ =	sdelay $0x1  }
0xa7: {  	v5 =	vmul.f32 v5, v6;
	_ =	sdelay $0x1  }
0xa8: {  	[tilespmem:s28+$0x28] =	vst v5  }
0xa9: {  	v5 =	vld [tilespmem:s10+$0x30];
	_ =	sdelay $0x2  }
0xaa: {  	v4 =	vperm.xlane v4, v3;
	_ =	sdelay $0x1  }
0xab: {  	v4 =	vmul.f32 v5, v4;
	_ =	sdelay $0x1  }
0xac: {  	[tilespmem:s28+$0x38] =	vst v4  }
0xad: {  	v4 =	vld [tilespmem:s9+$0xF8B0]  }
0xae: {  	v5 =	vld [tilespmem:s9+$0x108B0];
	_ =	sdelay $0x4  }
0xaf: {  	v4 =	vadd.f32 v5, v4;
	_ =	sdelay $0x1  }
0xb0: {  	v5 =	vmul.f32 $2.000000030e-01, v4;
	_ =	sdelay $0x1  }
0xb1: {  	v4 =	vmax.f32 v4, v5  }
0xb2: {  	v4 =	vmul.f32 $1.442695020e+00, v4;
	_ =	sdelay $0x1  }
0xb3: {  	(erf) = vpow2.f32 v4;
	_ =	sdelay $0x8  }
0xb4: {  	v4 =	vpop (erf)  }
0xb5: {  	[tilespmem:s28+$0x48] =	vst v4  }
0xb6: {  	v5 =	vld [tilespmem:s10+$0x40];
	_ =	sdelay $0x2  }
0xb7: {  	v6 =	vperm.xlane v4, v0;
	_ =	sdelay $0x1  }
0xb8: {  	v5 =	vmul.f32 v5, v6;
	_ =	sdelay $0x1  }
0xb9: {  	[tilespmem:s28+$0x50] =	vst v5  }
0xba: {  	v5 =	vld [tilespmem:s10+$0x50];
	_ =	sdelay $0x2  }
0xbb: {  	v6 =	vperm.xlane v4, v1;
	_ =	sdelay $0x1  }
0xbc: {  	v5 =	vmul.f32 v5, v6;
	_ =	sdelay $0x1  }
0xbd: {  	[tilespmem:s28+$0x60] =	vst v5  }
0xbe: {  	v5 =	vld [tilespmem:s10+$0x60];
	_ =	sdelay $0x2  }
0xbf: {  	v6 =	vperm.xlane v4, v2;
	_ =	sdelay $0x1  }
0xc0: {  	v5 =	vmul.f32 v5, v6;
	_ =	sdelay $0x1  }
0xc1: {  	[tilespmem:s28+$0x70] =	vst v5  }
0xc2: {  	s26 =	simm.s32 $0x100;
	s9 =	simm.s32 $0x11910;
	v4 =	vperm.xlane v4, v3;
	v5 =	vld [tilespmem:s10+$0x70]  }
.LBB2_3:
0xc3: {  	_ =	sdelay $0x1  }
0xc4: {  	p0 =	sne.s32 s26, $0x1F00;
	s28 =	sadd.s32 $0x120, s28;
	s10 =	sadd.s32 $0x100, s10  }
0xc5: {  	s11 =	smov.u32 s26;
	s26 =	sadd.s32 $0x100, s26  }
0xc6: {  	v4 =	vmul.f32 v5, v4;
	_ =	sdelay $0x1  }
0xc7: {  	s11 =	sshra.s32 s11, $0x2;
	[tilespmem:s9+$0x80] =	vst v4;
	s9 =	smov.u32 s28  }
0xc8: {  	v4 =	vld [tilespmem:s11+$0xF880]  }
0xc9: {  	v5 =	vld [tilespmem:s11+$0x10880];
	_ =	sdelay $0x4  }
0xca: {  	v4 =	vadd.f32 v5, v4;
	_ =	sdelay $0x1  }
0xcb: {  	v5 =	vmul.f32 $2.000000030e-01, v4;
	_ =	sdelay $0x1  }
0xcc: {  	v4 =	vmax.f32 v4, v5  }
0xcd: {  	v4 =	vmul.f32 $1.442695020e+00, v4;
	_ =	sdelay $0x1  }
0xce: {  	(erf) = vpow2.f32 v4;
	_ =	sdelay $0x8  }
0xcf: {  	v4 =	vpop (erf)  }
0xd0: {  	[tilespmem:s28+$0xFFFFFF70] =	vst v4  }
0xd1: {  	v5 =	vld [tilespmem:s10+$0xFFFFFF80];
	_ =	sdelay $0x1  }
0xd2: {  	v6 =	vperm.xlane v4, v0;
	_ =	sdelay $0x2  }
0xd3: {  	v5 =	vmul.f32 v5, v6;
	_ =	sdelay $0x1  }
0xd4: {  	[tilespmem:s28+$0xFFFFFF78] =	vst v5  }
0xd5: {  	v5 =	vld [tilespmem:s10+$0xFFFFFF90];
	_ =	sdelay $0x1  }
0xd6: {  	v6 =	vperm.xlane v4, v1;
	_ =	sdelay $0x2  }
0xd7: {  	v5 =	vmul.f32 v5, v6;
	_ =	sdelay $0x1  }
0xd8: {  	[tilespmem:s28+$0xFFFFFF88] =	vst v5  }
0xd9: {  	v5 =	vld [tilespmem:s10+$0xFFFFFFA0];
	_ =	sdelay $0x1  }
0xda: {  	v6 =	vperm.xlane v4, v2;
	_ =	sdelay $0x2  }
0xdb: {  	v5 =	vmul.f32 v5, v6;
	_ =	sdelay $0x1  }
0xdc: {  	[tilespmem:s28+$0xFFFFFF98] =	vst v5  }
0xdd: {  	v5 =	vld [tilespmem:s10+$0xFFFFFFB0];
	_ =	sdelay $0x1  }
0xde: {  	v4 =	vperm.xlane v4, v3;
	_ =	sdelay $0x2  }
0xdf: {  	v4 =	vmul.f32 v5, v4;
	_ =	sdelay $0x1  }
0xe0: {  	[tilespmem:s28+$0xFFFFFFA8] =	vst v4  }
0xe1: {  	v4 =	vld [tilespmem:s11+$0xF890]  }
0xe2: {  	v5 =	vld [tilespmem:s11+$0x10890];
	_ =	sdelay $0x4  }
0xe3: {  	v4 =	vadd.f32 v5, v4;
	_ =	sdelay $0x1  }
0xe4: {  	v5 =	vmul.f32 $2.000000030e-01, v4;
	_ =	sdelay $0x1  }
0xe5: {  	v4 =	vmax.f32 v4, v5  }
0xe6: {  	v4 =	vmul.f32 $1.442695020e+00, v4;
	_ =	sdelay $0x1  }
0xe7: {  	(erf) = vpow2.f32 v4;
	_ =	sdelay $0x8  }
0xe8: {  	v4 =	vpop (erf)  }
0xe9: {  	[tilespmem:s28+$0xFFFFFFB8] =	vst v4  }
0xea: {  	v5 =	vld [tilespmem:s10+$0xFFFFFFC0]  }
0xeb: {  	v6 =	vperm.xlane v4, v0;
	_ =	sdelay $0x3  }
0xec: {  	v5 =	vmul.f32 v5, v6;
	_ =	sdelay $0x1  }
0xed: {  	[tilespmem:s28+$0xFFFFFFC0] =	vst v5  }
0xee: {  	v5 =	vld [tilespmem:s10+$0xFFFFFFD0]  }
0xef: {  	v6 =	vperm.xlane v4, v1;
	_ =	sdelay $0x3  }
0xf0: {  	v5 =	vmul.f32 v5, v6;
	_ =	sdelay $0x1  }
0xf1: {  	[tilespmem:s28+$0xFFFFFFD0] =	vst v5  }
0xf2: {  	v5 =	vld [tilespmem:s10+$0xFFFFFFE0]  }
0xf3: {  	v6 =	vperm.xlane v4, v2;
	_ =	sdelay $0x3  }
0xf4: {  	v5 =	vmul.f32 v5, v6;
	_ =	sdelay $0x1  }
0xf5: {  	[tilespmem:s28+$0xFFFFFFE0] =	vst v5  }
0xf6: {  	v5 =	vld [tilespmem:s10+$0xFFFFFFF0]  }
0xf7: {  	v4 =	vperm.xlane v4, v3;
	_ =	sdelay $0x3  }
0xf8: {  	v4 =	vmul.f32 v5, v4;
	_ =	sdelay $0x1  }
0xf9: {  	[tilespmem:s28+$0xFFFFFFF0] =	vst v4  }
0xfa: {  	v4 =	vld [tilespmem:s11+$0xF8A0]  }
0xfb: {  	v5 =	vld [tilespmem:s11+$0x108A0];
	_ =	sdelay $0x4  }
0xfc: {  	v4 =	vadd.f32 v5, v4;
	_ =	sdelay $0x1  }
0xfd: {  	v5 =	vmul.f32 $2.000000030e-01, v4;
	_ =	sdelay $0x1  }
0xfe: {  	v4 =	vmax.f32 v4, v5  }
0xff: {  	v4 =	vmul.f32 $1.442695020e+00, v4;
	_ =	sdelay $0x1  }
0x100: {  	(erf) = vpow2.f32 v4;
	_ =	sdelay $0x8  }
0x101: {  	v4 =	vpop (erf)  }
0x102: {  	[tilespmem:s28+$0x0] =	vst v4  }
0x103: {  	v5 =	vperm.xlane v4, v0;
	v6 =	vld [tilespmem:s10+$0x0];
	_ =	sdelay $0x4  }
0x104: {  	v5 =	vmul.f32 v6, v5;
	_ =	sdelay $0x1  }
0x105: {  	[tilespmem:s28+$0x8] =	vst v5  }
0x106: {  	v5 =	vperm.xlane v4, v1;
	v6 =	vld [tilespmem:s10+$0x10];
	_ =	sdelay $0x4  }
0x107: {  	v5 =	vmul.f32 v6, v5;
	_ =	sdelay $0x1  }
0x108: {  	[tilespmem:s28+$0x18] =	vst v5  }
0x109: {  	v5 =	vperm.xlane v4, v2;
	v6 =	vld [tilespmem:s10+$0x20];
	_ =	sdelay $0x4  }
0x10a: {  	v5 =	vmul.f32 v6, v5;
	_ =	sdelay $0x1  }
0x10b: {  	[tilespmem:s28+$0x28] =	vst v5  }
0x10c: {  	v4 =	vperm.xlane v4, v3;
	v5 =	vld [tilespmem:s10+$0x30];
	_ =	sdelay $0x4  }
0x10d: {  	v4 =	vmul.f32 v5, v4;
	_ =	sdelay $0x1  }
0x10e: {  	[tilespmem:s28+$0x38] =	vst v4  }
0x10f: {  	v4 =	vld [tilespmem:s11+$0xF8B0]  }
0x110: {  	v5 =	vld [tilespmem:s11+$0x108B0];
	_ =	sdelay $0x4  }
0x111: {  	v4 =	vadd.f32 v5, v4;
	_ =	sdelay $0x1  }
0x112: {  	v5 =	vmul.f32 $2.000000030e-01, v4;
	_ =	sdelay $0x1  }
0x113: {  	v4 =	vmax.f32 v4, v5  }
0x114: {  	v4 =	vmul.f32 $1.442695020e+00, v4;
	_ =	sdelay $0x1  }
0x115: {  	(erf) = vpow2.f32 v4;
	_ =	sdelay $0x8  }
0x116: {  	v4 =	vpop (erf)  }
0x117: {  	[tilespmem:s28+$0x48] =	vst v4;
	v5 =	vperm.xlane v4, v0  }
0x118: {  	v6 =	vld [tilespmem:s10+$0x40];
	_ =	sdelay $0x4  }
0x119: {  	v5 =	vmul.f32 v6, v5;
	_ =	sdelay $0x1  }
0x11a: {  	[tilespmem:s28+$0x50] =	vst v5;
	v5 =	vperm.xlane v4, v1  }
0x11b: {  	v6 =	vld [tilespmem:s10+$0x50];
	_ =	sdelay $0x4  }
0x11c: {  	v5 =	vmul.f32 v6, v5;
	_ =	sdelay $0x1  }
0x11d: {  	[tilespmem:s28+$0x60] =	vst v5;
	v5 =	vperm.xlane v4, v2  }
0x11e: {  	v6 =	vld [tilespmem:s10+$0x60];
	_ =	sdelay $0x3  }
.Ltmp2:
0x11f: {  	(pc) =	sbr.rel @p0 .LBB2_3-.Ltmp2, $3  }
0x120: {  	v5 =	vmul.f32 v6, v5;
	_ =	sdelay $0x1  }
0x121: {  	v4 =	vperm.xlane v4, v3;
	[tilespmem:s28+$0x70] =	vst v5  }
0x122: {  	v5 =	vld [tilespmem:s10+$0x70]  }
0x123: {  	_ =	sdelay $0x3  }
0x124: {  	v4 =	vmul.f32 v5, v4;
	_ =	sdelay $0x1  }
0x125: {  	[tilespmem:s9+$0x80] =	vst v4  }
0x126: {  	[spmem:s1] =	stream.indirect.scatter.add.f32 [tilespmem:s16], [sflag:$0xB], $0x48, s25, s29, $0xb8;
	[tilespmem:$0x16080] =	vst v63  }
0x127: {  	s28 =	sshll.u32 s22, $0xA;
	p0 =	seq.s32 s22, $0x27;
	_ =	swait.ge [sflag:s23], $0x2400  }
0x128: {  	s11 =	simm.s32 @!p0 $0x0;
	s9 =	sadd.s32 @!p0 s17, s28;
	[sflag:s23] =	ssyncset.done $0x0  }
0x129: {  	s12 =	simm.s32 @!p0 $0xB680;
	s10 =	sadd.s32 @!p0 s7, s9;
	[sflag:s23] =	ssyncadd.s32 $0xFFFFDC00  }
0x12a: {  	[tilespmem:s12], [sflag:$0x7] =	stream.linear.gather @!p0 [hbm4b:s10+s11], $0x80, $0x38;
	[tilespmem:$0x16080] =	vst v63  }
0x12b: {  	s9 =	sadd.s32 @!p0 s8, s9;
	s10 =	simm.s32 @!p0 $0xB780  }
0x12c: {  	[tilespmem:s10], [sflag:$0x9] =	stream.linear.gather @!p0 [hbm4b:s9+s11], $0x80, $0x38;
	[tilespmem:$0x16080] =	vst v63  }
0x12d: {  	s9 =	simm.s32 @!p0 $0x7  }
0x12e: {  	_ =	swait.ge @!p0 [sflag:s9], $0x80  }
0x12f: {  	[sflag:s9] =	ssyncset.done @!p0 $0x0  }
0x130: {  	[sflag:s9] =	ssyncadd.s32 @!p0 $0xFFFFFF80;
	s9 =	simm.s32 @!p0 $0x9  }
0x131: {  	_ =	swait.ge @!p0 [sflag:s9], $0x80  }
0x132: {  	[sflag:s9] =	ssyncset.done @!p0 $0x0  }
0x133: {  	s11 =	simm.s32 @!p0 $0xB880;
	[sflag:s9] =	ssyncadd.s32 @!p0 $0xFFFFFF80;
	s9 =	simm.s32 @!p0 $0x80  }
0x134: {  	[tilespmem:s11], [sflag:$0x1] =	stream.indirect.gather @!p0 [hbm4b:s4+s9], $0x40, s12, s9, $0xb8;
	[tilespmem:$0x16080] =	vst v63  }
0x135: {  	s11 =	simm.s32 @!p0 $0xF880  }
0x136: {  	[tilespmem:s11], [sflag:$0x3] =	stream.indirect.gather @!p0 [hbm4b:s5+s9], $0x10, s12, s9, $0xb8;
	[tilespmem:$0x16080] =	vst v63  }
0x137: {  	s11 =	simm.s32 @!p0 $0x10880  }
0x138: {  	[tilespmem:s11], [sflag:$0x5] =	stream.indirect.gather @!p0 [hbm4b:s6+s9], $0x10, s10, s9, $0xb8;
	[tilespmem:$0x16080] =	vst v63  }
0x139: {  	_ =	swait.ge [sflag:s19], $0x2000  }
0x13a: {  	[sflag:s19] =	ssyncset.done $0x0  }
0x13b: {  	[sflag:s19] =	ssyncadd.s32 $0xFFFFE000  }
0x13c: {  	_ =	swait.ge [sflag:s20], $0x800  }
0x13d: {  	[sflag:s20] =	ssyncset.done $0x0  }
0x13e: {  	[sflag:s20] =	ssyncadd.s32 $0xFFFFF800  }
0x13f: {  	_ =	swait.ge [sflag:s21], $0x800  }
0x140: {  	[sflag:s21] =	ssyncset.done $0x0  }
0x141: {  	s12 =	simm.s32 $0x0;
	[sflag:s21] =	ssyncadd.s32 $0xFFFFF800  }
0x142: {  	v4 =	vld [tilespmem:s12+$0x10080]  }
0x143: {  	v5 =	vld [tilespmem:s12+$0x11080];
	_ =	sdelay $0x4  }
0x144: {  	v4 =	vadd.f32 v5, v4;
	_ =	sdelay $0x1  }
0x145: {  	v5 =	vmul.f32 $2.000000030e-01, v4;
	_ =	sdelay $0x1  }
0x146: {  	v4 =	vmax.f32 v4, v5  }
0x147: {  	v4 =	vmul.f32 $1.442695020e+00, v4;
	_ =	sdelay $0x1  }
0x148: {  	(erf) = vpow2.f32 v4;
	_ =	sdelay $0x8  }
0x149: {  	s10 =	simm.s32 $0x13D10;
	v4 =	vpop (erf)  }
0x14a: {  	s26 =	simm.s32 $0xD900;
	[tilespmem:s10+$0xFFFFFF70] =	vst v4  }
0x14b: {  	v5 =	vld [tilespmem:s26+$0xFFFFFF80];
	_ =	sdelay $0x2  }
0x14c: {  	v6 =	vperm.xlane v4, v0;
	_ =	sdelay $0x1  }
0x14d: {  	v5 =	vmul.f32 v5, v6;
	_ =	sdelay $0x1  }
0x14e: {  	[tilespmem:s10+$0xFFFFFF78] =	vst v5  }
0x14f: {  	v5 =	vld [tilespmem:s26+$0xFFFFFF90];
	_ =	sdelay $0x2  }
0x150: {  	v6 =	vperm.xlane v4, v1;
	_ =	sdelay $0x1  }
0x151: {  	v5 =	vmul.f32 v5, v6;
	_ =	sdelay $0x1  }
0x152: {  	[tilespmem:s10+$0xFFFFFF88] =	vst v5  }
0x153: {  	v5 =	vld [tilespmem:s26+$0xFFFFFFA0];
	_ =	sdelay $0x2  }
0x154: {  	v6 =	vperm.xlane v4, v2;
	_ =	sdelay $0x1  }
0x155: {  	v5 =	vmul.f32 v5, v6;
	_ =	sdelay $0x1  }
0x156: {  	[tilespmem:s10+$0xFFFFFF98] =	vst v5  }
0x157: {  	v5 =	vld [tilespmem:s26+$0xFFFFFFB0];
	_ =	sdelay $0x2  }
0x158: {  	v4 =	vperm.xlane v4, v3;
	_ =	sdelay $0x1  }
0x159: {  	v4 =	vmul.f32 v5, v4;
	_ =	sdelay $0x1  }
0x15a: {  	[tilespmem:s10+$0xFFFFFFA8] =	vst v4  }
0x15b: {  	v4 =	vld [tilespmem:s12+$0x10090]  }
0x15c: {  	v5 =	vld [tilespmem:s12+$0x11090];
	_ =	sdelay $0x4  }
0x15d: {  	v4 =	vadd.f32 v5, v4;
	_ =	sdelay $0x1  }
0x15e: {  	v5 =	vmul.f32 $2.000000030e-01, v4;
	_ =	sdelay $0x1  }
0x15f: {  	v4 =	vmax.f32 v4, v5  }
0x160: {  	v4 =	vmul.f32 $1.442695020e+00, v4;
	_ =	sdelay $0x1  }
0x161: {  	(erf) = vpow2.f32 v4;
	_ =	sdelay $0x8  }
0x162: {  	v4 =	vpop (erf)  }
0x163: {  	[tilespmem:s10+$0xFFFFFFB8] =	vst v4  }
0x164: {  	v5 =	vld [tilespmem:s26+$0xFFFFFFC0];
	_ =	sdelay $0x2  }
0x165: {  	v6 =	vperm.xlane v4, v0;
	_ =	sdelay $0x1  }
0x166: {  	v5 =	vmul.f32 v5, v6;
	_ =	sdelay $0x1  }
0x167: {  	[tilespmem:s10+$0xFFFFFFC0] =	vst v5  }
0x168: {  	v5 =	vld [tilespmem:s26+$0xFFFFFFD0];
	_ =	sdelay $0x2  }
0x169: {  	v6 =	vperm.xlane v4, v1;
	_ =	sdelay $0x1  }
0x16a: {  	v5 =	vmul.f32 v5, v6;
	_ =	sdelay $0x1  }
0x16b: {  	[tilespmem:s10+$0xFFFFFFD0] =	vst v5  }
0x16c: {  	v5 =	vld [tilespmem:s26+$0xFFFFFFE0];
	_ =	sdelay $0x2  }
0x16d: {  	v6 =	vperm.xlane v4, v2;
	_ =	sdelay $0x1  }
0x16e: {  	v5 =	vmul.f32 v5, v6;
	_ =	sdelay $0x1  }
0x16f: {  	[tilespmem:s10+$0xFFFFFFE0] =	vst v5  }
0x170: {  	v5 =	vld [tilespmem:s26+$0xFFFFFFF0];
	_ =	sdelay $0x2  }
0x171: {  	v4 =	vperm.xlane v4, v3;
	_ =	sdelay $0x1  }
0x172: {  	v4 =	vmul.f32 v5, v4;
	_ =	sdelay $0x1  }
0x173: {  	[tilespmem:s10+$0xFFFFFFF0] =	vst v4  }
0x174: {  	v4 =	vld [tilespmem:s12+$0x100A0]  }
0x175: {  	v5 =	vld [tilespmem:s12+$0x110A0];
	_ =	sdelay $0x4  }
0x176: {  	v4 =	vadd.f32 v5, v4;
	_ =	sdelay $0x1  }
0x177: {  	v5 =	vmul.f32 $2.000000030e-01, v4;
	_ =	sdelay $0x1  }
0x178: {  	v4 =	vmax.f32 v4, v5  }
0x179: {  	v4 =	vmul.f32 $1.442695020e+00, v4;
	_ =	sdelay $0x1  }
0x17a: {  	(erf) = vpow2.f32 v4;
	_ =	sdelay $0x8  }
0x17b: {  	v4 =	vpop (erf)  }
0x17c: {  	[tilespmem:s10+$0x0] =	vst v4  }
0x17d: {  	v5 =	vld [tilespmem:s26+$0x0];
	_ =	sdelay $0x2  }
0x17e: {  	v6 =	vperm.xlane v4, v0;
	_ =	sdelay $0x1  }
0x17f: {  	v5 =	vmul.f32 v5, v6;
	_ =	sdelay $0x1  }
0x180: {  	[tilespmem:s10+$0x8] =	vst v5  }
0x181: {  	v5 =	vld [tilespmem:s26+$0x10];
	_ =	sdelay $0x2  }
0x182: {  	v6 =	vperm.xlane v4, v1;
	_ =	sdelay $0x1  }
0x183: {  	v5 =	vmul.f32 v5, v6;
	_ =	sdelay $0x1  }
0x184: {  	[tilespmem:s10+$0x18] =	vst v5  }
0x185: {  	v5 =	vld [tilespmem:s26+$0x20];
	_ =	sdelay $0x2  }
0x186: {  	v6 =	vperm.xlane v4, v2;
	_ =	sdelay $0x1  }
0x187: {  	v5 =	vmul.f32 v5, v6;
	_ =	sdelay $0x1  }
0x188: {  	[tilespmem:s10+$0x28] =	vst v5  }
0x189: {  	v5 =	vld [tilespmem:s26+$0x30];
	_ =	sdelay $0x2  }
0x18a: {  	v4 =	vperm.xlane v4, v3;
	_ =	sdelay $0x1  }
0x18b: {  	v4 =	vmul.f32 v5, v4;
	_ =	sdelay $0x1  }
0x18c: {  	[tilespmem:s10+$0x38] =	vst v4  }
0x18d: {  	v4 =	vld [tilespmem:s12+$0x100B0]  }
0x18e: {  	v5 =	vld [tilespmem:s12+$0x110B0];
	_ =	sdelay $0x4  }
0x18f: {  	v4 =	vadd.f32 v5, v4;
	_ =	sdelay $0x1  }
0x190: {  	v5 =	vmul.f32 $2.000000030e-01, v4;
	_ =	sdelay $0x1  }
0x191: {  	v4 =	vmax.f32 v4, v5  }
0x192: {  	v4 =	vmul.f32 $1.442695020e+00, v4;
	_ =	sdelay $0x1  }
0x193: {  	(erf) = vpow2.f32 v4;
	_ =	sdelay $0x8  }
0x194: {  	v4 =	vpop (erf)  }
0x195: {  	[tilespmem:s10+$0x48] =	vst v4  }
0x196: {  	v5 =	vld [tilespmem:s26+$0x40];
	_ =	sdelay $0x2  }
0x197: {  	v6 =	vperm.xlane v4, v0;
	_ =	sdelay $0x1  }
0x198: {  	v5 =	vmul.f32 v5, v6;
	_ =	sdelay $0x1  }
0x199: {  	[tilespmem:s10+$0x50] =	vst v5  }
0x19a: {  	v5 =	vld [tilespmem:s26+$0x50];
	_ =	sdelay $0x2  }
0x19b: {  	v6 =	vperm.xlane v4, v1;
	_ =	sdelay $0x1  }
0x19c: {  	v5 =	vmul.f32 v5, v6;
	_ =	sdelay $0x1  }
0x19d: {  	[tilespmem:s10+$0x60] =	vst v5  }
0x19e: {  	v5 =	vld [tilespmem:s26+$0x60];
	_ =	sdelay $0x2  }
0x19f: {  	v6 =	vperm.xlane v4, v2;
	_ =	sdelay $0x1  }
0x1a0: {  	v5 =	vmul.f32 v5, v6;
	_ =	sdelay $0x1  }
0x1a1: {  	[tilespmem:s10+$0x70] =	vst v5  }
0x1a2: {  	s9 =	simm.s32 $0x100;
	s11 =	simm.s32 $0x13D10;
	v4 =	vperm.xlane v4, v3;
	v5 =	vld [tilespmem:s26+$0x70]  }
.LBB2_5:
0x1a3: {  	_ =	sdelay $0x1  }
0x1a4: {  	p1 =	sne.s32 s9, $0x1F00;
	s10 =	sadd.s32 $0x120, s10;
	s26 =	sadd.s32 $0x100, s26  }
0x1a5: {  	s12 =	smov.u32 s9;
	s9 =	sadd.s32 $0x100, s9  }
0x1a6: {  	v4 =	vmul.f32 v5, v4;
	_ =	sdelay $0x1  }
0x1a7: {  	s12 =	sshra.s32 s12, $0x2;
	[tilespmem:s11+$0x80] =	vst v4;
	s11 =	smov.u32 s10  }
0x1a8: {  	v4 =	vld [tilespmem:s12+$0x10080]  }
0x1a9: {  	v5 =	vld [tilespmem:s12+$0x11080];
	_ =	sdelay $0x4  }
0x1aa: {  	v4 =	vadd.f32 v5, v4;
	_ =	sdelay $0x1  }
0x1ab: {  	v5 =	vmul.f32 $2.000000030e-01, v4;
	_ =	sdelay $0x1  }
0x1ac: {  	v4 =	vmax.f32 v4, v5  }
0x1ad: {  	v4 =	vmul.f32 $1.442695020e+00, v4;
	_ =	sdelay $0x1  }
0x1ae: {  	(erf) = vpow2.f32 v4;
	_ =	sdelay $0x8  }
0x1af: {  	v4 =	vpop (erf)  }
0x1b0: {  	[tilespmem:s10+$0xFFFFFF70] =	vst v4  }
0x1b1: {  	v5 =	vld [tilespmem:s26+$0xFFFFFF80];
	_ =	sdelay $0x1  }
0x1b2: {  	v6 =	vperm.xlane v4, v0;
	_ =	sdelay $0x2  }
0x1b3: {  	v5 =	vmul.f32 v5, v6;
	_ =	sdelay $0x1  }
0x1b4: {  	[tilespmem:s10+$0xFFFFFF78] =	vst v5  }
0x1b5: {  	v5 =	vld [tilespmem:s26+$0xFFFFFF90];
	_ =	sdelay $0x1  }
0x1b6: {  	v6 =	vperm.xlane v4, v1;
	_ =	sdelay $0x2  }
0x1b7: {  	v5 =	vmul.f32 v5, v6;
	_ =	sdelay $0x1  }
0x1b8: {  	[tilespmem:s10+$0xFFFFFF88] =	vst v5  }
0x1b9: {  	v5 =	vld [tilespmem:s26+$0xFFFFFFA0];
	_ =	sdelay $0x1  }
0x1ba: {  	v6 =	vperm.xlane v4, v2;
	_ =	sdelay $0x2  }
0x1bb: {  	v5 =	vmul.f32 v5, v6;
	_ =	sdelay $0x1  }
0x1bc: {  	[tilespmem:s10+$0xFFFFFF98] =	vst v5  }
0x1bd: {  	v5 =	vld [tilespmem:s26+$0xFFFFFFB0];
	_ =	sdelay $0x1  }
0x1be: {  	v4 =	vperm.xlane v4, v3;
	_ =	sdelay $0x2  }
0x1bf: {  	v4 =	vmul.f32 v5, v4;
	_ =	sdelay $0x1  }
0x1c0: {  	[tilespmem:s10+$0xFFFFFFA8] =	vst v4  }
0x1c1: {  	v4 =	vld [tilespmem:s12+$0x10090]  }
0x1c2: {  	v5 =	vld [tilespmem:s12+$0x11090];
	_ =	sdelay $0x4  }
0x1c3: {  	v4 =	vadd.f32 v5, v4;
	_ =	sdelay $0x1  }
0x1c4: {  	v5 =	vmul.f32 $2.000000030e-01, v4;
	_ =	sdelay $0x1  }
0x1c5: {  	v4 =	vmax.f32 v4, v5  }
0x1c6: {  	v4 =	vmul.f32 $1.442695020e+00, v4;
	_ =	sdelay $0x1  }
0x1c7: {  	(erf) = vpow2.f32 v4;
	_ =	sdelay $0x8  }
0x1c8: {  	v4 =	vpop (erf)  }
0x1c9: {  	[tilespmem:s10+$0xFFFFFFB8] =	vst v4  }
0x1ca: {  	v5 =	vld [tilespmem:s26+$0xFFFFFFC0]  }
0x1cb: {  	v6 =	vperm.xlane v4, v0;
	_ =	sdelay $0x3  }
0x1cc: {  	v5 =	vmul.f32 v5, v6;
	_ =	sdelay $0x1  }
0x1cd: {  	[tilespmem:s10+$0xFFFFFFC0] =	vst v5  }
0x1ce: {  	v5 =	vld [tilespmem:s26+$0xFFFFFFD0]  }
0x1cf: {  	v6 =	vperm.xlane v4, v1;
	_ =	sdelay $0x3  }
0x1d0: {  	v5 =	vmul.f32 v5, v6;
	_ =	sdelay $0x1  }
0x1d1: {  	[tilespmem:s10+$0xFFFFFFD0] =	vst v5  }
0x1d2: {  	v5 =	vld [tilespmem:s26+$0xFFFFFFE0]  }
0x1d3: {  	v6 =	vperm.xlane v4, v2;
	_ =	sdelay $0x3  }
0x1d4: {  	v5 =	vmul.f32 v5, v6;
	_ =	sdelay $0x1  }
0x1d5: {  	[tilespmem:s10+$0xFFFFFFE0] =	vst v5  }
0x1d6: {  	v5 =	vld [tilespmem:s26+$0xFFFFFFF0]  }
0x1d7: {  	v4 =	vperm.xlane v4, v3;
	_ =	sdelay $0x3  }
0x1d8: {  	v4 =	vmul.f32 v5, v4;
	_ =	sdelay $0x1  }
0x1d9: {  	[tilespmem:s10+$0xFFFFFFF0] =	vst v4  }
0x1da: {  	v4 =	vld [tilespmem:s12+$0x100A0]  }
0x1db: {  	v5 =	vld [tilespmem:s12+$0x110A0];
	_ =	sdelay $0x4  }
0x1dc: {  	v4 =	vadd.f32 v5, v4;
	_ =	sdelay $0x1  }
0x1dd: {  	v5 =	vmul.f32 $2.000000030e-01, v4;
	_ =	sdelay $0x1  }
0x1de: {  	v4 =	vmax.f32 v4, v5  }
0x1df: {  	v4 =	vmul.f32 $1.442695020e+00, v4;
	_ =	sdelay $0x1  }
0x1e0: {  	(erf) = vpow2.f32 v4;
	_ =	sdelay $0x8  }
0x1e1: {  	v4 =	vpop (erf)  }
0x1e2: {  	[tilespmem:s10+$0x0] =	vst v4  }
0x1e3: {  	v5 =	vperm.xlane v4, v0;
	v6 =	vld [tilespmem:s26+$0x0];
	_ =	sdelay $0x4  }
0x1e4: {  	v5 =	vmul.f32 v6, v5;
	_ =	sdelay $0x1  }
0x1e5: {  	[tilespmem:s10+$0x8] =	vst v5  }
0x1e6: {  	v5 =	vperm.xlane v4, v1;
	v6 =	vld [tilespmem:s26+$0x10];
	_ =	sdelay $0x4  }
0x1e7: {  	v5 =	vmul.f32 v6, v5;
	_ =	sdelay $0x1  }
0x1e8: {  	[tilespmem:s10+$0x18] =	vst v5  }
0x1e9: {  	v5 =	vperm.xlane v4, v2;
	v6 =	vld [tilespmem:s26+$0x20];
	_ =	sdelay $0x4  }
0x1ea: {  	v5 =	vmul.f32 v6, v5;
	_ =	sdelay $0x1  }
0x1eb: {  	[tilespmem:s10+$0x28] =	vst v5  }
0x1ec: {  	v4 =	vperm.xlane v4, v3;
	v5 =	vld [tilespmem:s26+$0x30];
	_ =	sdelay $0x4  }
0x1ed: {  	v4 =	vmul.f32 v5, v4;
	_ =	sdelay $0x1  }
0x1ee: {  	[tilespmem:s10+$0x38] =	vst v4  }
0x1ef: {  	v4 =	vld [tilespmem:s12+$0x100B0]  }
0x1f0: {  	v5 =	vld [tilespmem:s12+$0x110B0];
	_ =	sdelay $0x4  }
0x1f1: {  	v4 =	vadd.f32 v5, v4;
	_ =	sdelay $0x1  }
0x1f2: {  	v5 =	vmul.f32 $2.000000030e-01, v4;
	_ =	sdelay $0x1  }
0x1f3: {  	v4 =	vmax.f32 v4, v5  }
0x1f4: {  	v4 =	vmul.f32 $1.442695020e+00, v4;
	_ =	sdelay $0x1  }
0x1f5: {  	(erf) = vpow2.f32 v4;
	_ =	sdelay $0x8  }
0x1f6: {  	v4 =	vpop (erf)  }
0x1f7: {  	[tilespmem:s10+$0x48] =	vst v4;
	v5 =	vperm.xlane v4, v0  }
0x1f8: {  	v6 =	vld [tilespmem:s26+$0x40];
	_ =	sdelay $0x4  }
0x1f9: {  	v5 =	vmul.f32 v6, v5;
	_ =	sdelay $0x1  }
0x1fa: {  	[tilespmem:s10+$0x50] =	vst v5;
	v5 =	vperm.xlane v4, v1  }
0x1fb: {  	v6 =	vld [tilespmem:s26+$0x50];
	_ =	sdelay $0x4  }
0x1fc: {  	v5 =	vmul.f32 v6, v5;
	_ =	sdelay $0x1  }
0x1fd: {  	[tilespmem:s10+$0x60] =	vst v5;
	v5 =	vperm.xlane v4, v2  }
0x1fe: {  	v6 =	vld [tilespmem:s26+$0x60];
	_ =	sdelay $0x3  }
.Ltmp3:
0x1ff: {  	(pc) =	sbr.rel @p1 .LBB2_5-.Ltmp3, $3  }
0x200: {  	v5 =	vmul.f32 v6, v5;
	_ =	sdelay $0x1  }
0x201: {  	v4 =	vperm.xlane v4, v3;
	[tilespmem:s10+$0x70] =	vst v5  }
0x202: {  	v5 =	vld [tilespmem:s26+$0x70]  }
0x203: {  	_ =	sdelay $0x3  }
0x204: {  	v4 =	vmul.f32 v5, v4;
	_ =	sdelay $0x1  }
.Ltmp4:
0x205: {  	[tilespmem:s11+$0x80] =	vst v4;
	(pc) =	sbr.rel @p0 .LBB2_8-.Ltmp4, $4  }
0x206: {  	[spmem:s1] =	stream.indirect.scatter.add.f32 [tilespmem:s24], [sflag:$0xB], $0x48, s30, s29, $0xb8;
	[tilespmem:$0x16080] =	vst v63  }
0x207: {  	_ =	swait.ge [sflag:s23], $0x2400  }
0x208: {  	[sflag:s23] =	ssyncset.done $0x0  }
0x209: {  	[sflag:s23] =	ssyncadd.s32 $0xFFFFDC00  }
0x20a: {  	s9 =	sadd.s32 s18, s28  }
0x20b: {  	s10 =	sadd.s32 s7, s9  }
0x20c: {  	[tilespmem:s2], [sflag:$0x8] =	stream.linear.gather [hbm4b:s10+s3], $0x80, $0x38;
	[tilespmem:$0x16080] =	vst v63  }
0x20d: {  	s9 =	sadd.s32 s8, s9  }
0x20e: {  	[tilespmem:s30], [sflag:$0xA] =	stream.linear.gather [hbm4b:s9+s3], $0x80, $0x38;
	[tilespmem:$0x16080] =	vst v63  }
0x20f: {  	_ =	swait.ge [sflag:s31], $0x80  }
0x210: {  	[sflag:s31] =	ssyncset.done $0x0  }
0x211: {  	[sflag:s31] =	ssyncadd.s32 $0xFFFFFF80  }
0x212: {  	_ =	swait.ge [sflag:s0], $0x80  }
0x213: {  	[sflag:s0] =	ssyncset.done $0x0  }
0x214: {  	s12 =	simm.s32 $0xD880;
	[sflag:s0] =	ssyncadd.s32 $0xFFFFFF80  }
0x215: {  	[tilespmem:s12], [sflag:$0x2] =	stream.indirect.gather [hbm4b:s4+s29], $0x40, s2, s29, $0xb8;
	[tilespmem:$0x16080] =	vst v63  }
.Ltmp5:
0x216: {  	_ = 	snop;
	(pc) =	sbr.rel .LBB2_2-.Ltmp5, $4  }
0x217: {  	s26 =	simm.s32 $0x10080  }
0x218: {  	[tilespmem:s26], [sflag:$0x4] =	stream.indirect.gather [hbm4b:s5+s29], $0x10, s2, s29, $0xb8;
	[tilespmem:$0x16080] =	vst v63  }
0x219: {  	s28 =	simm.s32 $0x11080;
	s22 =	sadd.s32 $0x1, s22  }
0x21a: {  	[tilespmem:s28], [sflag:$0x6] =	stream.indirect.gather [hbm4b:s6+s29], $0x10, s30, s29, $0xb8;
	[tilespmem:$0x16080] =	vst v63  }
.LBB2_9:
0x21b: {  	_ =	sfence.sel $0x180000  }
0x21c: {  	[bflag:$0x0] =	sbarrier.arrive $0xFFFF  }
0x21d: {  	_ =	strace $0x90000047  }
0x21e: {  	s0 =	stileid.u32;
	[bflag:$0x2] =	sbarrier.arrive $0xFFFF  }
0x21f: {  	p0 =	sne.s32 s0, $0x0;
	s0 =	rddreg [dreg:$0x4]  }
0x220: {  	s0 =	sadd.s32 @!p0 $0x100000, s0  }
0x221: {  	[sflag:s0] =	ssyncadd.tile.s32 @!p0 $0x1;
	_ =	shalt  }
.Lfunc_end2:
_tile_overlayer_lowered:
.L_overlay_start_2:
0x222: {  	(tag) =	ssettag $0x2  }
0x223: {  	s0 =	rddreg [dreg:$0x0];
	s2 =	stileid.u32  }
0x224: {  	s1 =	rddreg [dreg:$0x1];
	p0 =	sne.s32 s2, $0x0  }
0x225: {  	s3 =	rddreg [dreg:$0x2];
	[bflag:$0x3] =	sbarrier.arrive $0xFFFF;
	s2 =	simm.s32 @!p0 $0x1C0B  }
0x226: {  	[timem:s3], [sflag:s2] =	dma.local @!p0 [hbm:s0], s1  }
0x227: {  	s0 =	simm.s32 @!p0 $0xB  }
0x228: {  	_ =	swait.ge @!p0 [sflag:s0], s1  }
0x229: {  	s1 =	ssub.s32 @!p0 $0x0, s1;
	[sflag:s0] =	ssyncset.done @!p0 $0x0  }
0x22a: {  	[sflag:s0] =	ssyncadd.s32 @!p0 s1  }
0x22b: {  	[bflag:$0x3] =	sbarrier.arrive $0xFFFF  }
0x22c: {  	_ =	shalt  }

</sc_bundles>
